<compile_context>
chip_gen: v7x
topology: tpu7x:2x2x1
jax: 0.10.2.dev20260603
libtpu: 0.0.44.dev20260713+nightly
codegen_flags: <defaults>
</compile_context>

<pallas_src>
import functools

import jax
import jax.numpy as jnp
from jax import lax
from jax.experimental import pallas as pl
from jax.experimental.pallas import tpu as pltpu
from jax.experimental.pallas import tpu_sc as plsc

_N = 4096
_EXT_E = 131072 + _N
_ROWS128 = _EXT_E // 128
_RPT_DEG = _ROWS128 // 32
_RPT_A = _ROWS128 // 16
_BLK_ROWS = 256
_BLK_WORDS = _BLK_ROWS * _N
_SHARE = _BLK_WORDS // 16


@functools.cache
def _deg_kernel():
    return functools.partial(
        pl.kernel,
        out_type=jax.ShapeDtypeStruct((2 * _N,), jnp.float32),
        mesh=plsc.VectorSubcoreMesh(core_axis_name="c", subcore_axis_name="s"),
        compiler_params=pltpu.CompilerParams(needs_layout_passes=False),
        scratch_types=[
            pltpu.VMEM((_RPT_DEG * 128,), jnp.int32),
            pltpu.VMEM((_RPT_DEG, 128), jnp.int32),
            pltpu.VMEM((128,), jnp.float32),
            pltpu.VMEM((_N,), jnp.float32),
            pltpu.VMEM_SHARED((_N,), jnp.float32),
        ],
    )(_deg_body)


def _deg_body(dst_hbm, out_hbm, dstf, dstb, ones_v, zv, acc_sh):
    c = lax.axis_index("c")
    s = lax.axis_index("s")
    shard = c * 16 + s
    nwords = _RPT_DEG * 128

    def _fill(i, carry):
        ones_v[pl.ds(i * 16, 16)] = jnp.full((16,), 1.0, jnp.float32)
        return carry

    lax.fori_loop(0, 8, _fill, 0)

    def _zero(i, carry):
        zv[pl.ds(i * 16, 16)] = jnp.zeros((16,), jnp.float32)
        return carry

    lax.fori_loop(0, _N // 16, _zero, 0)

    @pl.when(s == 0)
    def _():
        pltpu.sync_copy(zv, acc_sh)

    plsc.subcore_barrier()
    pltpu.sync_copy(dst_hbm.at[pl.ds(shard * nwords, nwords)], dstf)

    def _pack(j, carry):
        for t in range(8):
            dstb[j, pl.ds(t * 16, 16)] = dstf[pl.ds(j * 128 + t * 16, 16)]
        return carry

    lax.fori_loop(0, _RPT_DEG, _pack, 0)

    def _scat(j, carry):
        pltpu.sync_copy(ones_v, acc_sh.at[dstb.at[j]], add=True)
        return carry

    lax.fori_loop(0, _RPT_DEG, _scat, 0)
    plsc.subcore_barrier()

    @pl.when(s == 0)
    def _():
        pltpu.sync_copy(acc_sh, out_hbm.at[pl.ds(c * _N, _N)])


@functools.cache
def _abuild_kernel():
    return functools.partial(
        pl.kernel,
        out_type=jax.ShapeDtypeStruct((_N * _N,), jnp.float32),
        mesh=plsc.VectorSubcoreMesh(core_axis_name="c", subcore_axis_name="s"),
        compiler_params=pltpu.CompilerParams(needs_layout_passes=False),
        scratch_types=[
            pltpu.VMEM((_N,), jnp.float32),
            pltpu.VMEM((_RPT_A * 128,), jnp.int32),
            pltpu.VMEM((_RPT_A * 128,), jnp.int32),
            pltpu.VMEM((_RPT_A * 128,), jnp.int32),
            pltpu.VMEM((_RPT_A * 128,), jnp.float32),
            pltpu.VMEM((_RPT_A, 128), jnp.int32),
            pltpu.VMEM((_RPT_A * 128,), jnp.float32),
            pltpu.VMEM((8192,), jnp.float32),
            pltpu.VMEM_SHARED((_BLK_WORDS,), jnp.float32),
            pltpu.SemaphoreType.DMA,
        ],
    )(_abuild_body)


def _abuild_body(src_hbm, dst_hbm, dis_hbm, a_hbm,
                 dis_v, srcb, dstb, gab, nrmb, idxb, valb, zv, acc_sh, sem):
    c = lax.axis_index("c")
    s = lax.axis_index("s")
    pltpu.sync_copy(dis_hbm, dis_v)

    def _zfill(i, carry):
        zv[pl.ds(i * 16, 16)] = jnp.zeros((16,), jnp.float32)
        return carry

    lax.fori_loop(0, 8192 // 16, _zfill, 0)

    nwords = _RPT_A * 128
    pltpu.sync_copy(src_hbm.at[pl.ds(s * nwords, nwords)], srcb)
    pltpu.sync_copy(dst_hbm.at[pl.ds(s * nwords, nwords)], dstb)

    def _pre(v, carry):
        off = v * 16
        sv = srcb[pl.ds(off, 16)]
        dv = dstb[pl.ds(off, 16)]
        nrm = plsc.load_gather(dis_v, [sv]) * plsc.load_gather(dis_v, [dv])
        ga = (dv << 12) + sv
        nrmb[pl.ds(off, 16)] = nrm
        gab[pl.ds(off, 16)] = ga
        return carry

    lax.fori_loop(0, nwords // 16, _pre, 0)

    def _pass(p, carry):
        boff = (c * 8 + p) * _BLK_WORDS

        zero_handles = [
            pltpu.async_copy(
                zv, acc_sh.at[pl.ds(s * _SHARE + q * 8192, 8192)], sem)
            for q in range(_SHARE // 8192)]

        def _cmp(j, c2):
            for t in range(8):
                off = j * 128 + t * 16
                ga = gab[pl.ds(off, 16)]
                idx = ga - boff
                inb = (idx >= 0) & (idx < _BLK_WORDS)
                idxs = jnp.where(inb, idx, ga & 1023)
                val = jnp.where(inb, nrmb[pl.ds(off, 16)],
                                jnp.zeros((16,), jnp.float32))
                idxb[j, pl.ds(t * 16, 16)] = idxs
                valb[pl.ds(off, 16)] = val
            return c2

        lax.fori_loop(0, _RPT_A, _cmp, 0)
        for h in zero_handles:
            h.wait()
        plsc.subcore_barrier()

        handles = []
        for j in range(_RPT_A):
            handles.append(pltpu.async_copy(
                valb.at[pl.ds(j * 128, 128)],
                acc_sh.at[idxb.at[j]], sem, add=True))
            if j >= 4:
                handles[j - 4].wait()
        for h in handles[-4:]:
            h.wait()
        plsc.subcore_barrier()
        pltpu.sync_copy(acc_sh.at[pl.ds(s * _SHARE, _SHARE)],
                        a_hbm.at[pl.ds(boff + s * _SHARE, _SHARE)])
        plsc.subcore_barrier()
        return carry

    lax.fori_loop(0, 8, _pass, 0)


def _dis_call(deg_parts):
    def body(deg_ref, o_ref):
        o_ref[...] = lax.rsqrt(jnp.sum(deg_ref[...], axis=0, keepdims=True))

    return pl.pallas_call(
        body, out_shape=jax.ShapeDtypeStruct((1, _N), jnp.float32)
    )(deg_parts)


def _matmul(a, b, *, bias=None, add_a=None, add_b=None, trans_b=False,
            relu=False, bm=1024, bn=512, bk=512, a_flat=False):
    if a_flat:
        K = b.shape[1] if trans_b else b.shape[0]
        M = a.size // K
    else:
        M, K = a.shape
    Nn = b.shape[0] if trans_b else b.shape[1]
    bm, bn, bk = min(bm, M), min(bn, Nn), min(bk, K)
    assert not a_flat or bk == K
    nk = K // bk
    grid = (M // bm, Nn // bn, nk)
    dims = (((1,), (1,)), ((), ())) if trans_b else (((1,), (0,)), ((), ()))

    if a_flat:
        a_spec = pl.BlockSpec((bm * K // 128, 128), lambda i, j, k: (i, 0))
    else:
        a_spec = pl.BlockSpec((bm, bk), lambda i, j, k: (i, k))
    b_spec = (pl.BlockSpec((bn, bk), lambda i, j, k: (j, k)) if trans_b
              else pl.BlockSpec((bk, bn), lambda i, j, k: (k, j)))
    in_specs = [a_spec, b_spec]
    args = [a, b]
    if add_a is not None:
        in_specs.append(a_spec)
        args.append(add_a)
    if add_b is not None:
        in_specs.append(b_spec)
        args.append(add_b)
    if bias is not None:
        in_specs.append(pl.BlockSpec((1, bn), lambda i, j, k: (0, j)))
        args.append(bias.reshape(1, Nn))

    has_add_a, has_add_b, has_bias = (add_a is not None, add_b is not None,
                                      bias is not None)

    def body(*refs):
        if nk > 1:
            *ins, o_ref, acc_ref = refs
        else:
            *ins, o_ref = refs
            acc_ref = None
        it = iter(ins)
        a_ref, b_ref = next(it), next(it)
        a2_ref = next(it) if has_add_a else None
        b2_ref = next(it) if has_add_b else None
        bias_ref = next(it) if has_bias else None

        av = a_ref.reshape(bm, bk)[...] if a_flat else a_ref[...]
        if has_add_a:
            av = av + a2_ref[...]
        bv = b_ref[...]
        if has_add_b:
            bv = bv + b2_ref[...]
        part = lax.dot_general(av, bv, dims,
                               preferred_element_type=jnp.float32)

        def _epilogue(r):
            if has_bias:
                r = r + bias_ref[...]
            if relu:
                r = jnp.maximum(r, 0.0)
            o_ref[...] = r

        if nk > 1:
            k = pl.program_id(2)

            @pl.when(k == 0)
            def _():
                acc_ref[...] = part

            @pl.when(k > 0)
            def _():
                acc_ref[...] += part

            @pl.when(k == nk - 1)
            def _():
                _epilogue(acc_ref[...])
        else:
            _epilogue(part)

    scratch = [pltpu.VMEM((bm, bn), jnp.float32)] if nk > 1 else []
    return pl.pallas_call(
        body, grid=grid,
        in_specs=in_specs,
        out_specs=pl.BlockSpec((bm, bn), lambda i, j, k: (i, j)),
        out_shape=jax.ShapeDtypeStruct((M, Nn), jnp.float32),
        scratch_shapes=scratch,
        compiler_params=pltpu.CompilerParams(
            dimension_semantics=("parallel", "parallel", "arbitrary"),
            vmem_limit_bytes=100 * 1024 * 1024),
    )(*args)


def _mlp_chain(B, ws, bs, bm=512):
    grid = (_N // bm,)
    in_specs = [pl.BlockSpec((bm, _N), lambda i: (i, 0))]
    args = [B]
    for w, b in zip(ws, bs):
        in_specs.append(pl.BlockSpec(w.shape, lambda i: (0, 0)))
        args.append(w)
        in_specs.append(pl.BlockSpec((1, b.shape[0]), lambda i: (0, 0)))
        args.append(b.reshape(1, -1))

    out_shapes = [jax.ShapeDtypeStruct((_N, ws[0].shape[1]), jnp.float32),
                  jax.ShapeDtypeStruct((_N, ws[1].shape[1]), jnp.float32),
                  jax.ShapeDtypeStruct((_N, ws[2].shape[1]), jnp.float32),
                  jax.ShapeDtypeStruct((_N, ws[5].shape[1]), jnp.float32)]
    out_specs = [pl.BlockSpec((bm, s.shape[1]), lambda i: (i, 0))
                 for s in out_shapes]

    def body(*refs):
        b_ref = refs[0]
        wrefs = refs[1:13]
        h1_ref, h2_ref, h3_ref, bhat_ref = refs[13:]
        h = b_ref[...]
        outs = []
        for li in range(6):
            h = jnp.maximum(
                jnp.dot(h, wrefs[2 * li][...],
                        preferred_element_type=jnp.float32)
                + wrefs[2 * li + 1][...], 0.0)
            outs.append(h)
        h1_ref[...] = outs[0]
        h2_ref[...] = outs[1]
        h3_ref[...] = outs[2]
        bhat_ref[...] = outs[5]

    return pl.pallas_call(
        body, grid=grid,
        in_specs=in_specs,
        out_specs=out_specs,
        out_shape=out_shapes,
        compiler_params=pltpu.CompilerParams(
            dimension_semantics=("parallel",),
            vmem_limit_bytes=100 * 1024 * 1024),
    )(*args)


def _a_stage(A, rhs, *, w1=None, bias=None, relu=False, add=None, w2=None,
             extra_w=None, bm=512):
    Kr = rhs.shape[1]
    M = _N
    n_mid = w1.shape[1] if w1 is not None else Kr
    n_out = w2.shape[1] if w2 is not None else n_mid
    grid = (M // bm,)

    in_specs = [pl.BlockSpec((bm * _N // 128, 128), lambda i: (i, 0)),
                pl.BlockSpec((_N, Kr), lambda i: (0, 0))]
    args = [A, rhs]
    if w1 is not None:
        in_specs.append(pl.BlockSpec(w1.shape, lambda i: (0, 0)))
        args.append(w1)
    if bias is not None:
        in_specs.append(pl.BlockSpec((1, n_mid), lambda i: (0, 0)))
        args.append(bias.reshape(1, n_mid))
    if add is not None:
        in_specs.append(pl.BlockSpec((bm, n_mid), lambda i: (i, 0)))
        args.append(add)
    if w2 is not None:
        in_specs.append(pl.BlockSpec(w2.shape, lambda i: (0, 0)))
        args.append(w2)
    if extra_w is not None:
        in_specs.append(pl.BlockSpec(extra_w.shape, lambda i: (0, 0)))
        args.append(extra_w)

    out_shapes = [jax.ShapeDtypeStruct((M, n_out), jnp.float32)]
    out_specs = [pl.BlockSpec((bm, n_out), lambda i: (i, 0))]
    if extra_w is not None:
        out_shapes.append(
            jax.ShapeDtypeStruct((M, extra_w.shape[1]), jnp.float32))
        out_specs.append(
            pl.BlockSpec((bm, extra_w.shape[1]), lambda i: (i, 0)))

    has = (w1 is not None, bias is not None, add is not None,
           w2 is not None, extra_w is not None)

    def body(*refs):
        nouts = 2 if extra_w is not None else 1
        ins, outs = refs[:-nouts], refs[-nouts:]
        it = iter(ins)
        a_ref, rhs_ref = next(it), next(it)
        w1_ref = next(it) if has[0] else None
        b_ref = next(it) if has[1] else None
        add_ref = next(it) if has[2] else None
        w2_ref = next(it) if has[3] else None
        ew_ref = next(it) if has[4] else None

        acc = lax.dot_general(a_ref.reshape(bm, _N)[...], rhs_ref[...],
                              (((1,), (0,)), ((), ())),
                              preferred_element_type=jnp.float32)
        if has[0]:
            acc = jnp.dot(acc, w1_ref[...],
                          preferred_element_type=jnp.float32)
        if has[1]:
            acc = acc + b_ref[...]
        if relu:
            acc = jnp.maximum(acc, 0.0)
        if has[4]:
            outs[1][...] = jnp.dot(acc, ew_ref[...],
                                   preferred_element_type=jnp.float32)
        if has[2]:
            acc = acc + add_ref[...]
        if has[3]:
            acc = jnp.dot(acc, w2_ref[...],
                          preferred_element_type=jnp.float32)
        outs[0][...] = acc

    res = pl.pallas_call(
        body, grid=grid,
        in_specs=in_specs,
        out_specs=out_specs if extra_w is not None else out_specs[0],
        out_shape=out_shapes if extra_w is not None else out_shapes[0],
        compiler_params=pltpu.CompilerParams(
            dimension_semantics=("parallel",),
            vmem_limit_bytes=100 * 1024 * 1024),
    )(*args)
    return res


def kernel(x, edge_index, B, W_enc0, b_enc0, W_enc1, b_enc1, W_enc2, b_enc2,
           W_dec0, b_dec0, W_dec1, b_dec1, W_dec2, b_dec2,
           W_gcn0, b_gcn0, W_gcn1, b_gcn1, W_gcn2, b_gcn2, W_gcn3, b_gcn3,
           W_attr, b_attr):
    loop = jnp.arange(_N, dtype=edge_index.dtype)
    src_e = jnp.concatenate([edge_index[0], loop])
    dst_e = jnp.concatenate([edge_index[1], loop])

    deg_parts = _deg_kernel()(dst_e).reshape(2, _N)
    dis = _dis_call(deg_parts).reshape(_N)
    A = _abuild_kernel()(src_e, dst_e, dis).reshape(_N * 32, 128)

    h1, h2, h3, B_hat = _mlp_chain(
        B,
        (W_enc0, W_enc1, W_enc2, W_dec0, W_dec1, W_dec2),
        (b_enc0, b_enc1, b_enc2, b_dec0, b_dec1, b_dec2))

    t1 = _a_stage(A, x, w1=W_gcn0, bias=b_gcn0, relu=True, add=h1)
    u2 = _a_stage(A, t1, w1=W_gcn1, bias=b_gcn1, relu=True, add=h2, w2=W_gcn2)
    u3 = _a_stage(A, u2, bias=b_gcn2, relu=True, add=h3, w2=W_gcn3)
    z, ua = _a_stage(A, u3, bias=b_gcn3, relu=True, extra_w=W_attr)
    X_hat = _a_stage(A, ua, bias=b_attr)

    A_hat = _matmul(z, z, trans_b=True, bm=1024, bn=1024)

    return (A_hat, B_hat, X_hat, h3, z)

# --- scband reference (transcript-rebuilt; emitter-appended) ---
"""Pipeline reference for scband-com-ga-model-20255065768613 (READ-ONLY COPY).

The authoritative reference and input builder live on the scoring server;
editing this copy changes nothing except your own understanding.
"""

import jax, jax.numpy as jnp
import numpy as np

N = 4096
F = 128
H = 512
D = 128
E = 131072

def _glorot(key, shape):
    return (jax.random.normal(key, shape, dtype=jnp.float32) / np.sqrt(shape[0])).astype(jnp.float32)

def setup_inputs(seed: int = 0):
    key = jax.random.key(seed)
    ks = jax.random.split(key, 16)
    inp = {}
    inp["x"] = jax.random.normal(ks[0], (N, F), dtype=jnp.float32)
    inp["edge_index"] = jax.random.randint(ks[1], (2, E), 0, N, dtype=jnp.int32)
    inp["B"] = jax.random.normal(ks[2], (N, N), dtype=jnp.float32)
    enc_dims = [(N, H), (H, H), (H, D)]
    dec_dims = [(D, H), (H, H), (H, N)]
    gcn_dims = [(F, H), (H, H), (H, D), (D, D)]
    k = jax.random.fold_in(key, 1)
    for i, (a, b) in enumerate(enc_dims):
        k = jax.random.fold_in(k, i)
        inp["W_enc%d" % i] = _glorot(k, (a, b))
        inp["b_enc%d" % i] = jnp.zeros((b,), jnp.float32)
    for i, (a, b) in enumerate(dec_dims):
        k = jax.random.fold_in(k, 100 + i)
        inp["W_dec%d" % i] = _glorot(k, (a, b))
        inp["b_dec%d" % i] = jnp.zeros((b,), jnp.float32)
    for i, (a, b) in enumerate(gcn_dims):
        k = jax.random.fold_in(k, 200 + i)
        inp["W_gcn%d" % i] = _glorot(k, (a, b))
        inp["b_gcn%d" % i] = jnp.zeros((b,), jnp.float32)
    k = jax.random.fold_in(k, 300)
    inp["W_attr"] = _glorot(k, (D, F))
    inp["b_attr"] = jnp.zeros((F,), jnp.float32)
    return inp

def _gcn_norm(edge_index, n):
    loop = jnp.arange(n, dtype=edge_index.dtype)
    src = jnp.concatenate([edge_index[0], loop])
    dst = jnp.concatenate([edge_index[1], loop])
    deg = jnp.zeros((n,), jnp.float32).at[dst].add(1.0)
    dis = jnp.where(deg > 0, 1.0 / jnp.sqrt(jnp.maximum(deg, 1e-12)), 0.0)
    norm = dis[src] * dis[dst]
    return src, dst, norm

def _gcn_conv(h, src, dst, norm, W, b, n):
    hw = h @ W
    msg = hw[src] * norm[:, None]
    return jax.ops.segment_sum(msg, dst, num_segments=n) + b

def _forward(x, B, ws, edge_index):
    (W_enc0, b_enc0, W_enc1, b_enc1, W_enc2, b_enc2,
     W_dec0, b_dec0, W_dec1, b_dec1, W_dec2, b_dec2,
     W_gcn0, b_gcn0, W_gcn1, b_gcn1, W_gcn2, b_gcn2, W_gcn3, b_gcn3,
     W_attr, b_attr) = ws
    n = x.shape[0]
    src, dst, norm = _gcn_norm(edge_index, n)
    h = B
    h_list = []
    for (W, b) in ((W_enc0, b_enc0), (W_enc1, b_enc1), (W_enc2, b_enc2)):
        h = jax.nn.relu(h @ W + b)
        h_list.append(h)
    hb = h
    for (W, b) in ((W_dec0, b_dec0), (W_dec1, b_dec1), (W_dec2, b_dec2)):
        hb = jax.nn.relu(hb @ W + b)
    B_hat = hb
    z = jax.nn.relu(_gcn_conv(x, src, dst, norm, W_gcn0, b_gcn0, n))
    for i, (W, b) in enumerate(((W_gcn1, b_gcn1), (W_gcn2, b_gcn2), (W_gcn3, b_gcn3))):
        z = jax.nn.relu(_gcn_conv(z + h_list[i], src, dst, norm, W, b, n))
    A_hat = z @ z.T
    X_hat = _gcn_conv(z, src, dst, norm, W_attr, b_attr, n)
    return (A_hat, B_hat, X_hat, h_list[-1], z)

def reference(x, edge_index, B, W_enc0, b_enc0, W_enc1, b_enc1, W_enc2, b_enc2, W_dec0, b_dec0, W_dec1, b_dec1, W_dec2, b_dec2, W_gcn0, b_gcn0, W_gcn1, b_gcn1, W_gcn2, b_gcn2, W_gcn3, b_gcn3, W_attr, b_attr):
    ws = (W_enc0, b_enc0, W_enc1, b_enc1, W_enc2, b_enc2, W_dec0, b_dec0, W_dec1, b_dec1, W_dec2, b_dec2, W_gcn0, b_gcn0, W_gcn1, b_gcn1, W_gcn2, b_gcn2, W_gcn3, b_gcn3, W_attr, b_attr)
    return _forward(x, B, ws, edge_index)

if __name__ == "__main__":
    import jax
    _d = setup_inputs()
    print(jax.jit(kernel)(*tuple(_d.values())))

</pallas_src>

<mosaic_0001>
#map = affine_map<(d0, d1) -> (0)>
module attributes {stable_mosaic.version = 14 : i64} {
  func.func @_abuild_body(%arg0: i32, %arg1: i32, %arg2: memref<135168xi32, #tpu.memory_space<hbm>>, %arg3: memref<135168xi32, #tpu.memory_space<hbm>>, %arg4: memref<4096xf32, #tpu.memory_space<hbm>>, %arg5: memref<16777216xf32, #tpu.memory_space<hbm>>, %arg6: memref<4096xf32, #tpu.memory_space<vmem>>, %arg7: memref<8448xi32, #tpu.memory_space<vmem>>, %arg8: memref<8448xi32, #tpu.memory_space<vmem>>, %arg9: memref<8448xi32, #tpu.memory_space<vmem>>, %arg10: memref<8448xf32, #tpu.memory_space<vmem>>, %arg11: memref<66x128xi32, #tpu.memory_space<vmem>>, %arg12: memref<8448xf32, #tpu.memory_space<vmem>>, %arg13: memref<8192xf32, #tpu.memory_space<vmem>>, %arg14: memref<1048576xf32, #tpu.memory_space<vmem_shared>>, %arg15: memref<!tpu.dma_semaphore, #tpu.memory_space<semaphore_mem>>) attributes {dimension_semantics = [#tpu.dimension_semantics<core_parallel>, #tpu.dimension_semantics<subcore_parallel>], iteration_bounds = array<i64: 2, 16>, scalar_prefetch = 0 : i64, scratch_operands = 10 : i64, tpu.core_type = #tpu.core_type<sc_vector_subcore>, window_params = [{transform_indices = #map}, {transform_indices = #map}, {transform_indices = #map}, {transform_indices = #map}]} {
    "tpu.region"() ({
      %run_scoped3A = tpu.sem_alloc : memref<!tpu.dma_semaphore, #tpu.memory_space<semaphore_mem>>
      tpu.enqueue_dma source(%arg4 : memref<4096xf32, #tpu.memory_space<hbm>>) target(%arg6 : memref<4096xf32, #tpu.memory_space<vmem>>) target_semaphore(%run_scoped3A : memref<!tpu.dma_semaphore, #tpu.memory_space<semaphore_mem>>)
      tpu.wait_dma2 semaphore(%run_scoped3A : memref<!tpu.dma_semaphore, #tpu.memory_space<semaphore_mem>>) src(%arg4 : memref<4096xf32, #tpu.memory_space<hbm>>) dst(%arg6 : memref<4096xf32, #tpu.memory_space<vmem>>)
      tpu.yield
    }) : () -> ()
    %scan3A = arith.constant 0 : i32
    %scan3A_0 = arith.constant 0 : i32
    %scan3A_1 = arith.constant 512 : i32
    %scan3A_2 = arith.addi %scan3A_0, %scan3A_1 : i32
    %scan3A_3 = arith.constant 1 : i32
    scf.for %scan3A_20 = %scan3A_0 to %scan3A_2 step %scan3A_3  : i32 {
      %broadcast_in_dim3A = arith.constant 0.000000e+00 : f32
      %broadcast_in_dim3A_21 = vector.broadcast %broadcast_in_dim3A : f32 to vector<16xf32>
      %mul3A_22 = arith.constant 16 : i32
      %mul3A_23 = arith.muli %scan3A_20, %mul3A_22 : i32
      %swap3A = arith.index_cast %mul3A_23 : i32 to index
      %swap3A_24 = tpu.vector_load %arg13[%swap3A] {strides = array<i32>} : memref<8192xf32, #tpu.memory_space<vmem>>, vector<16xf32>,
      tpu.vector_store %arg13[%swap3A], %broadcast_in_dim3A_21 {strides = array<i32>} : memref<8192xf32, #tpu.memory_space<vmem>>, vector<16xf32>,
    }
    %scan3A_4 = arith.constant 512 : i32
    %mul3A = arith.constant 8448 : i32
    %mul3A_5 = arith.muli %arg1, %mul3A : i32
    "tpu.region"() ({
      %run_scoped3A = tpu.sem_alloc : memref<!tpu.dma_semaphore, #tpu.memory_space<semaphore_mem>>
      %dma_start3A = tpu.memref_slice %arg2[%mul3A_5] : memref<135168xi32, #tpu.memory_space<hbm>> -> memref<8448xi32, #tpu.memory_space<hbm>>
      %dma_start3A_20 = tpu.memref_slice %arg2[%mul3A_5] : memref<135168xi32, #tpu.memory_space<hbm>> -> memref<8448xi32, #tpu.memory_space<hbm>>
      tpu.enqueue_dma source(%dma_start3A_20 : memref<8448xi32, #tpu.memory_space<hbm>>) target(%arg7 : memref<8448xi32, #tpu.memory_space<vmem>>) target_semaphore(%run_scoped3A : memref<!tpu.dma_semaphore, #tpu.memory_space<semaphore_mem>>)
      %dma_wait3A = tpu.memref_slice %arg2[%mul3A_5] : memref<135168xi32, #tpu.memory_space<hbm>> -> memref<8448xi32, #tpu.memory_space<hbm>>
      %dma_wait3A_21 = tpu.memref_slice %arg2[%mul3A_5] : memref<135168xi32, #tpu.memory_space<hbm>> -> memref<8448xi32, #tpu.memory_space<hbm>>
      tpu.wait_dma2 semaphore(%run_scoped3A : memref<!tpu.dma_semaphore, #tpu.memory_space<semaphore_mem>>) src(%dma_wait3A_21 : memref<8448xi32, #tpu.memory_space<hbm>>) dst(%arg7 : memref<8448xi32, #tpu.memory_space<vmem>>)
      tpu.yield
    }) : () -> ()
    %mul3A_6 = arith.constant 8448 : i32
    %mul3A_7 = arith.muli %arg1, %mul3A_6 : i32
    "tpu.region"() ({
      %run_scoped3A = tpu.sem_alloc : memref<!tpu.dma_semaphore, #tpu.memory_space<semaphore_mem>>
      %dma_start3A = tpu.memref_slice %arg3[%mul3A_7] : memref<135168xi32, #tpu.memory_space<hbm>> -> memref<8448xi32, #tpu.memory_space<hbm>>
      %dma_start3A_20 = tpu.memref_slice %arg3[%mul3A_7] : memref<135168xi32, #tpu.memory_space<hbm>> -> memref<8448xi32, #tpu.memory_space<hbm>>
      tpu.enqueue_dma source(%dma_start3A_20 : memref<8448xi32, #tpu.memory_space<hbm>>) target(%arg8 : memref<8448xi32, #tpu.memory_space<vmem>>) target_semaphore(%run_scoped3A : memref<!tpu.dma_semaphore, #tpu.memory_space<semaphore_mem>>)
      %dma_wait3A = tpu.memref_slice %arg3[%mul3A_7] : memref<135168xi32, #tpu.memory_space<hbm>> -> memref<8448xi32, #tpu.memory_space<hbm>>
      %dma_wait3A_21 = tpu.memref_slice %arg3[%mul3A_7] : memref<135168xi32, #tpu.memory_space<hbm>> -> memref<8448xi32, #tpu.memory_space<hbm>>
      tpu.wait_dma2 semaphore(%run_scoped3A : memref<!tpu.dma_semaphore, #tpu.memory_space<semaphore_mem>>) src(%dma_wait3A_21 : memref<8448xi32, #tpu.memory_space<hbm>>) dst(%arg8 : memref<8448xi32, #tpu.memory_space<vmem>>)
      tpu.yield
    }) : () -> ()
    %scan3A_8 = arith.constant 0 : i32
    %scan3A_9 = arith.constant 0 : i32
    %scan3A_10 = arith.constant 528 : i32
    %scan3A_11 = arith.addi %scan3A_9, %scan3A_10 : i32
    %scan3A_12 = arith.constant 1 : i32
    scf.for %scan3A_20 = %scan3A_9 to %scan3A_11 step %scan3A_12  : i32 {
      %mul3A_21 = arith.constant 16 : i32
      %mul3A_22 = arith.muli %scan3A_20, %mul3A_21 : i32
      %get3A = arith.index_cast %mul3A_22 : i32 to index
      %get3A_23 = tpu.vector_load %arg7[%get3A] {strides = array<i32>} : memref<8448xi32, #tpu.memory_space<vmem>>, vector<16xi32>,
      %get3A_24 = arith.index_cast %mul3A_22 : i32 to index
      %get3A_25 = tpu.vector_load %arg8[%get3A_24] {strides = array<i32>} : memref<8448xi32, #tpu.memory_space<vmem>>, vector<16xi32>,
      %gather3A = tpu.vector_load_idx %arg6[%get3A_23] : memref<4096xf32, #tpu.memory_space<vmem>>[vector<16xi32>], vector<16xf32>,
      %gather3A_26 = tpu.vector_load_idx %arg6[%get3A_25] : memref<4096xf32, #tpu.memory_space<vmem>>[vector<16xi32>], vector<16xf32>,
      %mul3A_27 = arith.mulf %gather3A, %gather3A_26 : vector<16xf32>
      %shift_left3A = arith.constant 12 : i32
      %shift_left3A_28 = vector.broadcast %shift_left3A : i32 to vector<16xi32>
      %shift_left3A_29 = arith.shli %get3A_25, %shift_left3A_28 : vector<16xi32>
      %add3A = arith.addi %shift_left3A_29, %get3A_23 : vector<16xi32>
      %swap3A = arith.index_cast %mul3A_22 : i32 to index
      %swap3A_30 = tpu.vector_load %arg10[%swap3A] {strides = array<i32>} : memref<8448xf32, #tpu.memory_space<vmem>>, vector<16xf32>,
      tpu.vector_store %arg10[%swap3A], %mul3A_27 {strides = array<i32>} : memref<8448xf32, #tpu.memory_space<vmem>>, vector<16xf32>,
      %swap3A_31 = arith.index_cast %mul3A_22 : i32 to index
      %swap3A_32 = tpu.vector_load %arg9[%swap3A_31] {strides = array<i32>} : memref<8448xi32, #tpu.memory_space<vmem>>, vector<16xi32>,
      tpu.vector_store %arg9[%swap3A_31], %add3A {strides = array<i32>} : memref<8448xi32, #tpu.memory_space<vmem>>, vector<16xi32>,
    }
    %scan3A_13 = arith.constant 528 : i32
    %scan3A_14 = arith.constant 0 : i32
    %scan3A_15 = arith.constant 0 : i32
    %scan3A_16 = arith.constant 8 : i32
    %scan3A_17 = arith.addi %scan3A_15, %scan3A_16 : i32
    %scan3A_18 = arith.constant 1 : i32
    scf.for %scan3A_20 = %scan3A_15 to %scan3A_17 step %scan3A_18  : i32 {
      %mul3A_21 = arith.constant 8 : i32
      %mul3A_22 = arith.muli %arg0, %mul3A_21 : i32
      %add3A = arith.addi %mul3A_22, %scan3A_20 : i32
      %mul3A_23 = arith.constant 1048576 : i32
      %mul3A_24 = arith.muli %add3A, %mul3A_23 : i32
      %mul3A_25 = arith.constant 65536 : i32
      %mul3A_26 = arith.muli %arg1, %mul3A_25 : i32
      %add3A_27 = arith.constant 0 : i32
      %add3A_28 = arith.addi %mul3A_26, %add3A_27 : i32
      %dma_start3A = tpu.memref_slice %arg14[%add3A_28] : memref<1048576xf32, #tpu.memory_space<vmem_shared>> -> memref<8192xf32, #tpu.memory_space<vmem_shared>>
      %dma_start3A_29 = tpu.memref_slice %arg14[%add3A_28] : memref<1048576xf32, #tpu.memory_space<vmem_shared>> -> memref<8192xf32, #tpu.memory_space<vmem_shared>>
      tpu.enqueue_dma source(%arg13 : memref<8192xf32, #tpu.memory_space<vmem>>) target(%dma_start3A_29 : memref<8192xf32, #tpu.memory_space<vmem_shared>>) target_semaphore(%arg15 : memref<!tpu.dma_semaphore, #tpu.memory_space<semaphore_mem>>)
      %mul3A_30 = arith.constant 65536 : i32
      %mul3A_31 = arith.muli %arg1, %mul3A_30 : i32
      %add3A_32 = arith.constant 8192 : i32
      %add3A_33 = arith.addi %mul3A_31, %add3A_32 : i32
      %dma_start3A_34 = tpu.memref_slice %arg14[%add3A_33] : memref<1048576xf32, #tpu.memory_space<vmem_shared>> -> memref<8192xf32, #tpu.memory_space<vmem_shared>>
      %dma_start3A_35 = tpu.memref_slice %arg14[%add3A_33] : memref<1048576xf32, #tpu.memory_space<vmem_shared>> -> memref<8192xf32, #tpu.memory_space<vmem_shared>>
      tpu.enqueue_dma source(%arg13 : memref<8192xf32, #tpu.memory_space<vmem>>) target(%dma_start3A_35 : memref<8192xf32, #tpu.memory_space<vmem_shared>>) target_semaphore(%arg15 : memref<!tpu.dma_semaphore, #tpu.memory_space<semaphore_mem>>)
      %mul3A_36 = arith.constant 65536 : i32
      %mul3A_37 = arith.muli %arg1, %mul3A_36 : i32
      %add3A_38 = arith.constant 16384 : i32
      %add3A_39 = arith.addi %mul3A_37, %add3A_38 : i32
      %dma_start3A_40 = tpu.memref_slice %arg14[%add3A_39] : memref<1048576xf32, #tpu.memory_space<vmem_shared>> -> memref<8192xf32, #tpu.memory_space<vmem_shared>>
      %dma_start3A_41 = tpu.memref_slice %arg14[%add3A_39] : memref<1048576xf32, #tpu.memory_space<vmem_shared>> -> memref<8192xf32, #tpu.memory_space<vmem_shared>>
      tpu.enqueue_dma source(%arg13 : memref<8192xf32, #tpu.memory_space<vmem>>) target(%dma_start3A_41 : memref<8192xf32, #tpu.memory_space<vmem_shared>>) target_semaphore(%arg15 : memref<!tpu.dma_semaphore, #tpu.memory_space<semaphore_mem>>)
      %mul3A_42 = arith.constant 65536 : i32
      %mul3A_43 = arith.muli %arg1, %mul3A_42 : i32
      %add3A_44 = arith.constant 24576 : i32
      %add3A_45 = arith.addi %mul3A_43, %add3A_44 : i32
      %dma_start3A_46 = tpu.memref_slice %arg14[%add3A_45] : memref<1048576xf32, #tpu.memory_space<vmem_shared>> -> memref<8192xf32, #tpu.memory_space<vmem_shared>>
      %dma_start3A_47 = tpu.memref_slice %arg14[%add3A_45] : memref<1048576xf32, #tpu.memory_space<vmem_shared>> -> memref<8192xf32, #tpu.memory_space<vmem_shared>>
      tpu.enqueue_dma source(%arg13 : memref<8192xf32, #tpu.memory_space<vmem>>) target(%dma_start3A_47 : memref<8192xf32, #tpu.memory_space<vmem_shared>>) target_semaphore(%arg15 : memref<!tpu.dma_semaphore, #tpu.memory_space<semaphore_mem>>)
      %mul3A_48 = arith.constant 65536 : i32
      %mul3A_49 = arith.muli %arg1, %mul3A_48 : i32
      %add3A_50 = arith.constant 32768 : i32
      %add3A_51 = arith.addi %mul3A_49, %add3A_50 : i32
      %dma_start3A_52 = tpu.memref_slice %arg14[%add3A_51] : memref<1048576xf32, #tpu.memory_space<vmem_shared>> -> memref<8192xf32, #tpu.memory_space<vmem_shared>>
      %dma_start3A_53 = tpu.memref_slice %arg14[%add3A_51] : memref<1048576xf32, #tpu.memory_space<vmem_shared>> -> memref<8192xf32, #tpu.memory_space<vmem_shared>>
      tpu.enqueue_dma source(%arg13 : memref<8192xf32, #tpu.memory_space<vmem>>) target(%dma_start3A_53 : memref<8192xf32, #tpu.memory_space<vmem_shared>>) target_semaphore(%arg15 : memref<!tpu.dma_semaphore, #tpu.memory_space<semaphore_mem>>)
      %mul3A_54 = arith.constant 65536 : i32
      %mul3A_55 = arith.muli %arg1, %mul3A_54 : i32
      %add3A_56 = arith.constant 40960 : i32
      %add3A_57 = arith.addi %mul3A_55, %add3A_56 : i32
      %dma_start3A_58 = tpu.memref_slice %arg14[%add3A_57] : memref<1048576xf32, #tpu.memory_space<vmem_shared>> -> memref<8192xf32, #tpu.memory_space<vmem_shared>>
      %dma_start3A_59 = tpu.memref_slice %arg14[%add3A_57] : memref<1048576xf32, #tpu.memory_space<vmem_shared>> -> memref<8192xf32, #tpu.memory_space<vmem_shared>>
      tpu.enqueue_dma source(%arg13 : memref<8192xf32, #tpu.memory_space<vmem>>) target(%dma_start3A_59 : memref<8192xf32, #tpu.memory_space<vmem_shared>>) target_semaphore(%arg15 : memref<!tpu.dma_semaphore, #tpu.memory_space<semaphore_mem>>)
      %mul3A_60 = arith.constant 65536 : i32
      %mul3A_61 = arith.muli %arg1, %mul3A_60 : i32
      %add3A_62 = arith.constant 49152 : i32
      %add3A_63 = arith.addi %mul3A_61, %add3A_62 : i32
      %dma_start3A_64 = tpu.memref_slice %arg14[%add3A_63] : memref<1048576xf32, #tpu.memory_space<vmem_shared>> -> memref<8192xf32, #tpu.memory_space<vmem_shared>>
      %dma_start3A_65 = tpu.memref_slice %arg14[%add3A_63] : memref<1048576xf32, #tpu.memory_space<vmem_shared>> -> memref<8192xf32, #tpu.memory_space<vmem_shared>>
      tpu.enqueue_dma source(%arg13 : memref<8192xf32, #tpu.memory_space<vmem>>) target(%dma_start3A_65 : memref<8192xf32, #tpu.memory_space<vmem_shared>>) target_semaphore(%arg15 : memref<!tpu.dma_semaphore, #tpu.memory_space<semaphore_mem>>)
      %mul3A_66 = arith.constant 65536 : i32
      %mul3A_67 = arith.muli %arg1, %mul3A_66 : i32
      %add3A_68 = arith.constant 57344 : i32
      %add3A_69 = arith.addi %mul3A_67, %add3A_68 : i32
      %dma_start3A_70 = tpu.memref_slice %arg14[%add3A_69] : memref<1048576xf32, #tpu.memory_space<vmem_shared>> -> memref<8192xf32, #tpu.memory_space<vmem_shared>>
      %dma_start3A_71 = tpu.memref_slice %arg14[%add3A_69] : memref<1048576xf32, #tpu.memory_space<vmem_shared>> -> memref<8192xf32, #tpu.memory_space<vmem_shared>>
      tpu.enqueue_dma source(%arg13 : memref<8192xf32, #tpu.memory_space<vmem>>) target(%dma_start3A_71 : memref<8192xf32, #tpu.memory_space<vmem_shared>>) target_semaphore(%arg15 : memref<!tpu.dma_semaphore, #tpu.memory_space<semaphore_mem>>)
      %scan3A_72 = arith.constant 0 : i32
      %scan3A_73 = arith.constant 0 : i32
      %scan3A_74 = arith.constant 66 : i32
      %scan3A_75 = arith.addi %scan3A_73, %scan3A_74 : i32
      %scan3A_76 = arith.constant 1 : i32
      scf.for %scan3A_1156 = %scan3A_73 to %scan3A_75 step %scan3A_76  : i32 {
        %mul3A_1157 = arith.constant 128 : i32
        %mul3A_1158 = arith.muli %scan3A_1156, %mul3A_1157 : i32
        %add3A_1159 = arith.constant 0 : i32
        %add3A_1160 = arith.addi %mul3A_1158, %add3A_1159 : i32
        %get3A = arith.index_cast %add3A_1160 : i32 to index
        %get3A_1161 = tpu.vector_load %arg9[%get3A] {strides = array<i32>} : memref<8448xi32, #tpu.memory_space<vmem>>, vector<16xi32>,
        %sub3A = vector.broadcast %mul3A_24 : i32 to vector<16xi32>
        %sub3A_1162 = arith.subi %get3A_1161, %sub3A : vector<16xi32>
        %ge3A = arith.constant 0 : i32
        %ge3A_1163 = vector.broadcast %ge3A : i32 to vector<16xi32>
        %ge3A_1164 = arith.cmpi sge, %sub3A_1162, %ge3A_1163 : vector<16xi32>
        %lt3A = arith.constant 1048576 : i32
        %lt3A_1165 = vector.broadcast %lt3A : i32 to vector<16xi32>
        %lt3A_1166 = arith.cmpi slt, %sub3A_1162, %lt3A_1165 : vector<16xi32>
        %and3A = arith.andi %ge3A_1164, %lt3A_1166 : vector<16xi1>
        %and3A_1167 = arith.constant 1023 : i32
        %and3A_1168 = vector.broadcast %and3A_1167 : i32 to vector<16xi32>
        %and3A_1169 = arith.andi %get3A_1161, %and3A_1168 : vector<16xi32>
        %select_n3A = arith.select %and3A, %sub3A_1162, %and3A_1169 : vector<16xi1>, vector<16xi32>
        %get3A_1170 = arith.index_cast %add3A_1160 : i32 to index
        %get3A_1171 = tpu.vector_load %arg10[%get3A_1170] {strides = array<i32>} : memref<8448xf32, #tpu.memory_space<vmem>>, vector<16xf32>,
        %broadcast_in_dim3A = arith.constant 0.000000e+00 : f32
        %broadcast_in_dim3A_1172 = vector.broadcast %broadcast_in_dim3A : f32 to vector<16xf32>
        %select_n3A_1173 = arith.select %and3A, %get3A_1171, %broadcast_in_dim3A_1172 : vector<16xi1>, vector<16xf32>
        %swap3A = arith.index_cast %scan3A_1156 : i32 to index
        %swap3A_1174 = arith.constant 0 : index
        %swap3A_1175 = tpu.vector_load %arg11[%swap3A, %swap3A_1174] {strides = array<i32>} : memref<66x128xi32, #tpu.memory_space<vmem>>, vector<16xi32>,
        tpu.vector_store %arg11[%swap3A, %swap3A_1174], %select_n3A {strides = array<i32>} : memref<66x128xi32, #tpu.memory_space<vmem>>, vector<16xi32>,
        %swap3A_1176 = arith.index_cast %add3A_1160 : i32 to index
        %swap3A_1177 = tpu.vector_load %arg12[%swap3A_1176] {strides = array<i32>} : memref<8448xf32, #tpu.memory_space<vmem>>, vector<16xf32>,
        tpu.vector_store %arg12[%swap3A_1176], %select_n3A_1173 {strides = array<i32>} : memref<8448xf32, #tpu.memory_space<vmem>>, vector<16xf32>,
        %mul3A_1178 = arith.constant 128 : i32
        %mul3A_1179 = arith.muli %scan3A_1156, %mul3A_1178 : i32
        %add3A_1180 = arith.constant 16 : i32
        %add3A_1181 = arith.addi %mul3A_1179, %add3A_1180 : i32
        %get3A_1182 = arith.index_cast %add3A_1181 : i32 to index
        %get3A_1183 = tpu.vector_load %arg9[%get3A_1182] {strides = array<i32>} : memref<8448xi32, #tpu.memory_space<vmem>>, vector<16xi32>,
        %sub3A_1184 = vector.broadcast %mul3A_24 : i32 to vector<16xi32>
        %sub3A_1185 = arith.subi %get3A_1183, %sub3A_1184 : vector<16xi32>
        %ge3A_1186 = arith.constant 0 : i32
        %ge3A_1187 = vector.broadcast %ge3A_1186 : i32 to vector<16xi32>
        %ge3A_1188 = arith.cmpi sge, %sub3A_1185, %ge3A_1187 : vector<16xi32>
        %lt3A_1189 = arith.constant 1048576 : i32
        %lt3A_1190 = vector.broadcast %lt3A_1189 : i32 to vector<16xi32>
        %lt3A_1191 = arith.cmpi slt, %sub3A_1185, %lt3A_1190 : vector<16xi32>
        %and3A_1192 = arith.andi %ge3A_1188, %lt3A_1191 : vector<16xi1>
        %and3A_1193 = arith.constant 1023 : i32
        %and3A_1194 = vector.broadcast %and3A_1193 : i32 to vector<16xi32>
        %and3A_1195 = arith.andi %get3A_1183, %and3A_1194 : vector<16xi32>
        %select_n3A_1196 = arith.select %and3A_1192, %sub3A_1185, %and3A_1195 : vector<16xi1>, vector<16xi32>
        %get3A_1197 = arith.index_cast %add3A_1181 : i32 to index
        %get3A_1198 = tpu.vector_load %arg10[%get3A_1197] {strides = array<i32>} : memref<8448xf32, #tpu.memory_space<vmem>>, vector<16xf32>,
        %broadcast_in_dim3A_1199 = arith.constant 0.000000e+00 : f32
        %broadcast_in_dim3A_1200 = vector.broadcast %broadcast_in_dim3A_1199 : f32 to vector<16xf32>
        %select_n3A_1201 = arith.select %and3A_1192, %get3A_1198, %broadcast_in_dim3A_1200 : vector<16xi1>, vector<16xf32>
        %swap3A_1202 = arith.index_cast %scan3A_1156 : i32 to index
        %swap3A_1203 = arith.constant 16 : index
        %swap3A_1204 = tpu.vector_load %arg11[%swap3A_1202, %swap3A_1203] {strides = array<i32>} : memref<66x128xi32, #tpu.memory_space<vmem>>, vector<16xi32>,
        tpu.vector_store %arg11[%swap3A_1202, %swap3A_1203], %select_n3A_1196 {strides = array<i32>} : memref<66x128xi32, #tpu.memory_space<vmem>>, vector<16xi32>,
        %swap3A_1205 = arith.index_cast %add3A_1181 : i32 to index
        %swap3A_1206 = tpu.vector_load %arg12[%swap3A_1205] {strides = array<i32>} : memref<8448xf32, #tpu.memory_space<vmem>>, vector<16xf32>,
        tpu.vector_store %arg12[%swap3A_1205], %select_n3A_1201 {strides = array<i32>} : memref<8448xf32, #tpu.memory_space<vmem>>, vector<16xf32>,
        %mul3A_1207 = arith.constant 128 : i32
        %mul3A_1208 = arith.muli %scan3A_1156, %mul3A_1207 : i32
        %add3A_1209 = arith.constant 32 : i32
        %add3A_1210 = arith.addi %mul3A_1208, %add3A_1209 : i32
        %get3A_1211 = arith.index_cast %add3A_1210 : i32 to index
        %get3A_1212 = tpu.vector_load %arg9[%get3A_1211] {strides = array<i32>} : memref<8448xi32, #tpu.memory_space<vmem>>, vector<16xi32>,
        %sub3A_1213 = vector.broadcast %mul3A_24 : i32 to vector<16xi32>
        %sub3A_1214 = arith.subi %get3A_1212, %sub3A_1213 : vector<16xi32>
        %ge3A_1215 = arith.constant 0 : i32
        %ge3A_1216 = vector.broadcast %ge3A_1215 : i32 to vector<16xi32>
        %ge3A_1217 = arith.cmpi sge, %sub3A_1214, %ge3A_1216 : vector<16xi32>
        %lt3A_1218 = arith.constant 1048576 : i32
        %lt3A_1219 = vector.broadcast %lt3A_1218 : i32 to vector<16xi32>
        %lt3A_1220 = arith.cmpi slt, %sub3A_1214, %lt3A_1219 : vector<16xi32>
        %and3A_1221 = arith.andi %ge3A_1217, %lt3A_1220 : vector<16xi1>
        %and3A_1222 = arith.constant 1023 : i32
        %and3A_1223 = vector.broadcast %and3A_1222 : i32 to vector<16xi32>
        %and3A_1224 = arith.andi %get3A_1212, %and3A_1223 : vector<16xi32>
        %select_n3A_1225 = arith.select %and3A_1221, %sub3A_1214, %and3A_1224 : vector<16xi1>, vector<16xi32>
        %get3A_1226 = arith.index_cast %add3A_1210 : i32 to index
        %get3A_1227 = tpu.vector_load %arg10[%get3A_1226] {strides = array<i32>} : memref<8448xf32, #tpu.memory_space<vmem>>, vector<16xf32>,
        %broadcast_in_dim3A_1228 = arith.constant 0.000000e+00 : f32
        %broadcast_in_dim3A_1229 = vector.broadcast %broadcast_in_dim3A_1228 : f32 to vector<16xf32>
        %select_n3A_1230 = arith.select %and3A_1221, %get3A_1227, %broadcast_in_dim3A_1229 : vector<16xi1>, vector<16xf32>
        %swap3A_1231 = arith.index_cast %scan3A_1156 : i32 to index
        %swap3A_1232 = arith.constant 32 : index
        %swap3A_1233 = tpu.vector_load %arg11[%swap3A_1231, %swap3A_1232] {strides = array<i32>} : memref<66x128xi32, #tpu.memory_space<vmem>>, vector<16xi32>,
        tpu.vector_store %arg11[%swap3A_1231, %swap3A_1232], %select_n3A_1225 {strides = array<i32>} : memref<66x128xi32, #tpu.memory_space<vmem>>, vector<16xi32>,
        %swap3A_1234 = arith.index_cast %add3A_1210 : i32 to index
        %swap3A_1235 = tpu.vector_load %arg12[%swap3A_1234] {strides = array<i32>} : memref<8448xf32, #tpu.memory_space<vmem>>, vector<16xf32>,
        tpu.vector_store %arg12[%swap3A_1234], %select_n3A_1230 {strides = array<i32>} : memref<8448xf32, #tpu.memory_space<vmem>>, vector<16xf32>,
        %mul3A_1236 = arith.constant 128 : i32
        %mul3A_1237 = arith.muli %scan3A_1156, %mul3A_1236 : i32
        %add3A_1238 = arith.constant 48 : i32
        %add3A_1239 = arith.addi %mul3A_1237, %add3A_1238 : i32
        %get3A_1240 = arith.index_cast %add3A_1239 : i32 to index
        %get3A_1241 = tpu.vector_load %arg9[%get3A_1240] {strides = array<i32>} : memref<8448xi32, #tpu.memory_space<vmem>>, vector<16xi32>,
        %sub3A_1242 = vector.broadcast %mul3A_24 : i32 to vector<16xi32>
        %sub3A_1243 = arith.subi %get3A_1241, %sub3A_1242 : vector<16xi32>
        %ge3A_1244 = arith.constant 0 : i32
        %ge3A_1245 = vector.broadcast %ge3A_1244 : i32 to vector<16xi32>
        %ge3A_1246 = arith.cmpi sge, %sub3A_1243, %ge3A_1245 : vector<16xi32>
        %lt3A_1247 = arith.constant 1048576 : i32
        %lt3A_1248 = vector.broadcast %lt3A_1247 : i32 to vector<16xi32>
        %lt3A_1249 = arith.cmpi slt, %sub3A_1243, %lt3A_1248 : vector<16xi32>
        %and3A_1250 = arith.andi %ge3A_1246, %lt3A_1249 : vector<16xi1>
        %and3A_1251 = arith.constant 1023 : i32
        %and3A_1252 = vector.broadcast %and3A_1251 : i32 to vector<16xi32>
        %and3A_1253 = arith.andi %get3A_1241, %and3A_1252 : vector<16xi32>
        %select_n3A_1254 = arith.select %and3A_1250, %sub3A_1243, %and3A_1253 : vector<16xi1>, vector<16xi32>
        %get3A_1255 = arith.index_cast %add3A_1239 : i32 to index
        %get3A_1256 = tpu.vector_load %arg10[%get3A_1255] {strides = array<i32>} : memref<8448xf32, #tpu.memory_space<vmem>>, vector<16xf32>,
        %broadcast_in_dim3A_1257 = arith.constant 0.000000e+00 : f32
        %broadcast_in_dim3A_1258 = vector.broadcast %broadcast_in_dim3A_1257 : f32 to vector<16xf32>
        %select_n3A_1259 = arith.select %and3A_1250, %get3A_1256, %broadcast_in_dim3A_1258 : vector<16xi1>, vector<16xf32>
        %swap3A_1260 = arith.index_cast %scan3A_1156 : i32 to index
        %swap3A_1261 = arith.constant 48 : index
        %swap3A_1262 = tpu.vector_load %arg11[%swap3A_1260, %swap3A_1261] {strides = array<i32>} : memref<66x128xi32, #tpu.memory_space<vmem>>, vector<16xi32>,
        tpu.vector_store %arg11[%swap3A_1260, %swap3A_1261], %select_n3A_1254 {strides = array<i32>} : memref<66x128xi32, #tpu.memory_space<vmem>>, vector<16xi32>,
        %swap3A_1263 = arith.index_cast %add3A_1239 : i32 to index
        %swap3A_1264 = tpu.vector_load %arg12[%swap3A_1263] {strides = array<i32>} : memref<8448xf32, #tpu.memory_space<vmem>>, vector<16xf32>,
        tpu.vector_store %arg12[%swap3A_1263], %select_n3A_1259 {strides = array<i32>} : memref<8448xf32, #tpu.memory_space<vmem>>, vector<16xf32>,
        %mul3A_1265 = arith.constant 128 : i32
        %mul3A_1266 = arith.muli %scan3A_1156, %mul3A_1265 : i32
        %add3A_1267 = arith.constant 64 : i32
        %add3A_1268 = arith.addi %mul3A_1266, %add3A_1267 : i32
        %get3A_1269 = arith.index_cast %add3A_1268 : i32 to index
        %get3A_1270 = tpu.vector_load %arg9[%get3A_1269] {strides = array<i32>} : memref<8448xi32, #tpu.memory_space<vmem>>, vector<16xi32>,
        %sub3A_1271 = vector.broadcast %mul3A_24 : i32 to vector<16xi32>
        %sub3A_1272 = arith.subi %get3A_1270, %sub3A_1271 : vector<16xi32>
        %ge3A_1273 = arith.constant 0 : i32
        %ge3A_1274 = vector.broadcast %ge3A_1273 : i32 to vector<16xi32>
        %ge3A_1275 = arith.cmpi sge, %sub3A_1272, %ge3A_1274 : vector<16xi32>
        %lt3A_1276 = arith.constant 1048576 : i32
        %lt3A_1277 = vector.broadcast %lt3A_1276 : i32 to vector<16xi32>
        %lt3A_1278 = arith.cmpi slt, %sub3A_1272, %lt3A_1277 : vector<16xi32>
        %and3A_1279 = arith.andi %ge3A_1275, %lt3A_1278 : vector<16xi1>
        %and3A_1280 = arith.constant 1023 : i32
        %and3A_1281 = vector.broadcast %and3A_1280 : i32 to vector<16xi32>
        %and3A_1282 = arith.andi %get3A_1270, %and3A_1281 : vector<16xi32>
        %select_n3A_1283 = arith.select %and3A_1279, %sub3A_1272, %and3A_1282 : vector<16xi1>, vector<16xi32>
        %get3A_1284 = arith.index_cast %add3A_1268 : i32 to index
        %get3A_1285 = tpu.vector_load %arg10[%get3A_1284] {strides = array<i32>} : memref<8448xf32, #tpu.memory_space<vmem>>, vector<16xf32>,
        %broadcast_in_dim3A_1286 = arith.constant 0.000000e+00 : f32
        %broadcast_in_dim3A_1287 = vector.broadcast %broadcast_in_dim3A_1286 : f32 to vector<16xf32>
        %select_n3A_1288 = arith.select %and3A_1279, %get3A_1285, %broadcast_in_dim3A_1287 : vector<16xi1>, vector<16xf32>
        %swap3A_1289 = arith.index_cast %scan3A_1156 : i32 to index
        %swap3A_1290 = arith.constant 64 : index
        %swap3A_1291 = tpu.vector_load %arg11[%swap3A_1289, %swap3A_1290] {strides = array<i32>} : memref<66x128xi32, #tpu.memory_space<vmem>>, vector<16xi32>,
        tpu.vector_store %arg11[%swap3A_1289, %swap3A_1290], %select_n3A_1283 {strides = array<i32>} : memref<66x128xi32, #tpu.memory_space<vmem>>, vector<16xi32>,
        %swap3A_1292 = arith.index_cast %add3A_1268 : i32 to index
        %swap3A_1293 = tpu.vector_load %arg12[%swap3A_1292] {strides = array<i32>} : memref<8448xf32, #tpu.memory_space<vmem>>, vector<16xf32>,
        tpu.vector_store %arg12[%swap3A_1292], %select_n3A_1288 {strides = array<i32>} : memref<8448xf32, #tpu.memory_space<vmem>>, vector<16xf32>,
        %mul3A_1294 = arith.constant 128 : i32
        %mul3A_1295 = arith.muli %scan3A_1156, %mul3A_1294 : i32
        %add3A_1296 = arith.constant 80 : i32
        %add3A_1297 = arith.addi %mul3A_1295, %add3A_1296 : i32
        %get3A_1298 = arith.index_cast %add3A_1297 : i32 to index
        %get3A_1299 = tpu.vector_load %arg9[%get3A_1298] {strides = array<i32>} : memref<8448xi32, #tpu.memory_space<vmem>>, vector<16xi32>,
        %sub3A_1300 = vector.broadcast %mul3A_24 : i32 to vector<16xi32>
        %sub3A_1301 = arith.subi %get3A_1299, %sub3A_1300 : vector<16xi32>
        %ge3A_1302 = arith.constant 0 : i32
        %ge3A_1303 = vector.broadcast %ge3A_1302 : i32 to vector<16xi32>
        %ge3A_1304 = arith.cmpi sge, %sub3A_1301, %ge3A_1303 : vector<16xi32>
        %lt3A_1305 = arith.constant 1048576 : i32
        %lt3A_1306 = vector.broadcast %lt3A_1305 : i32 to vector<16xi32>
        %lt3A_1307 = arith.cmpi slt, %sub3A_1301, %lt3A_1306 : vector<16xi32>
        %and3A_1308 = arith.andi %ge3A_1304, %lt3A_1307 : vector<16xi1>
        %and3A_1309 = arith.constant 1023 : i32
        %and3A_1310 = vector.broadcast %and3A_1309 : i32 to vector<16xi32>
        %and3A_1311 = arith.andi %get3A_1299, %and3A_1310 : vector<16xi32>
        %select_n3A_1312 = arith.select %and3A_1308, %sub3A_1301, %and3A_1311 : vector<16xi1>, vector<16xi32>
        %get3A_1313 = arith.index_cast %add3A_1297 : i32 to index
        %get3A_1314 = tpu.vector_load %arg10[%get3A_1313] {strides = array<i32>} : memref<8448xf32, #tpu.memory_space<vmem>>, vector<16xf32>,
        %broadcast_in_dim3A_1315 = arith.constant 0.000000e+00 : f32
        %broadcast_in_dim3A_1316 = vector.broadcast %broadcast_in_dim3A_1315 : f32 to vector<16xf32>
        %select_n3A_1317 = arith.select %and3A_1308, %get3A_1314, %broadcast_in_dim3A_1316 : vector<16xi1>, vector<16xf32>
        %swap3A_1318 = arith.index_cast %scan3A_1156 : i32 to index
        %swap3A_1319 = arith.constant 80 : index
        %swap3A_1320 = tpu.vector_load %arg11[%swap3A_1318, %swap3A_1319] {strides = array<i32>} : memref<66x128xi32, #tpu.memory_space<vmem>>, vector<16xi32>,
        tpu.vector_store %arg11[%swap3A_1318, %swap3A_1319], %select_n3A_1312 {strides = array<i32>} : memref<66x128xi32, #tpu.memory_space<vmem>>, vector<16xi32>,
        %swap3A_1321 = arith.index_cast %add3A_1297 : i32 to index
        %swap3A_1322 = tpu.vector_load %arg12[%swap3A_1321] {strides = array<i32>} : memref<8448xf32, #tpu.memory_space<vmem>>, vector<16xf32>,
        tpu.vector_store %arg12[%swap3A_1321], %select_n3A_1317 {strides = array<i32>} : memref<8448xf32, #tpu.memory_space<vmem>>, vector<16xf32>,
        %mul3A_1323 = arith.constant 128 : i32
        %mul3A_1324 = arith.muli %scan3A_1156, %mul3A_1323 : i32
        %add3A_1325 = arith.constant 96 : i32
        %add3A_1326 = arith.addi %mul3A_1324, %add3A_1325 : i32
        %get3A_1327 = arith.index_cast %add3A_1326 : i32 to index
        %get3A_1328 = tpu.vector_load %arg9[%get3A_1327] {strides = array<i32>} : memref<8448xi32, #tpu.memory_space<vmem>>, vector<16xi32>,
        %sub3A_1329 = vector.broadcast %mul3A_24 : i32 to vector<16xi32>
        %sub3A_1330 = arith.subi %get3A_1328, %sub3A_1329 : vector<16xi32>
        %ge3A_1331 = arith.constant 0 : i32
        %ge3A_1332 = vector.broadcast %ge3A_1331 : i32 to vector<16xi32>
        %ge3A_1333 = arith.cmpi sge, %sub3A_1330, %ge3A_1332 : vector<16xi32>
        %lt3A_1334 = arith.constant 1048576 : i32
        %lt3A_1335 = vector.broadcast %lt3A_1334 : i32 to vector<16xi32>
        %lt3A_1336 = arith.cmpi slt, %sub3A_1330, %lt3A_1335 : vector<16xi32>
        %and3A_1337 = arith.andi %ge3A_1333, %lt3A_1336 : vector<16xi1>
        %and3A_1338 = arith.constant 1023 : i32
        %and3A_1339 = vector.broadcast %and3A_1338 : i32 to vector<16xi32>
        %and3A_1340 = arith.andi %get3A_1328, %and3A_1339 : vector<16xi32>
        %select_n3A_1341 = arith.select %and3A_1337, %sub3A_1330, %and3A_1340 : vector<16xi1>, vector<16xi32>
        %get3A_1342 = arith.index_cast %add3A_1326 : i32 to index
        %get3A_1343 = tpu.vector_load %arg10[%get3A_1342] {strides = array<i32>} : memref<8448xf32, #tpu.memory_space<vmem>>, vector<16xf32>,
        %broadcast_in_dim3A_1344 = arith.constant 0.000000e+00 : f32
        %broadcast_in_dim3A_1345 = vector.broadcast %broadcast_in_dim3A_1344 : f32 to vector<16xf32>
        %select_n3A_1346 = arith.select %and3A_1337, %get3A_1343, %broadcast_in_dim3A_1345 : vector<16xi1>, vector<16xf32>
        %swap3A_1347 = arith.index_cast %scan3A_1156 : i32 to index
        %swap3A_1348 = arith.constant 96 : index
        %swap3A_1349 = tpu.vector_load %arg11[%swap3A_1347, %swap3A_1348] {strides = array<i32>} : memref<66x128xi32, #tpu.memory_space<vmem>>, vector<16xi32>,
        tpu.vector_store %arg11[%swap3A_1347, %swap3A_1348], %select_n3A_1341 {strides = array<i32>} : memref<66x128xi32, #tpu.memory_space<vmem>>, vector<16xi32>,
        %swap3A_1350 = arith.index_cast %add3A_1326 : i32 to index
        %swap3A_1351 = tpu.vector_load %arg12[%swap3A_1350] {strides = array<i32>} : memref<8448xf32, #tpu.memory_space<vmem>>, vector<16xf32>,
        tpu.vector_store %arg12[%swap3A_1350], %select_n3A_1346 {strides = array<i32>} : memref<8448xf32, #tpu.memory_space<vmem>>, vector<16xf32>,
        %mul3A_1352 = arith.constant 128 : i32
        %mul3A_1353 = arith.muli %scan3A_1156, %mul3A_1352 : i32
        %add3A_1354 = arith.constant 112 : i32
        %add3A_1355 = arith.addi %mul3A_1353, %add3A_1354 : i32
        %get3A_1356 = arith.index_cast %add3A_1355 : i32 to index
        %get3A_1357 = tpu.vector_load %arg9[%get3A_1356] {strides = array<i32>} : memref<8448xi32, #tpu.memory_space<vmem>>, vector<16xi32>,
        %sub3A_1358 = vector.broadcast %mul3A_24 : i32 to vector<16xi32>
        %sub3A_1359 = arith.subi %get3A_1357, %sub3A_1358 : vector<16xi32>
        %ge3A_1360 = arith.constant 0 : i32
        %ge3A_1361 = vector.broadcast %ge3A_1360 : i32 to vector<16xi32>
        %ge3A_1362 = arith.cmpi sge, %sub3A_1359, %ge3A_1361 : vector<16xi32>
        %lt3A_1363 = arith.constant 1048576 : i32
        %lt3A_1364 = vector.broadcast %lt3A_1363 : i32 to vector<16xi32>
        %lt3A_1365 = arith.cmpi slt, %sub3A_1359, %lt3A_1364 : vector<16xi32>
        %and3A_1366 = arith.andi %ge3A_1362, %lt3A_1365 : vector<16xi1>
        %and3A_1367 = arith.constant 1023 : i32
        %and3A_1368 = vector.broadcast %and3A_1367 : i32 to vector<16xi32>
        %and3A_1369 = arith.andi %get3A_1357, %and3A_1368 : vector<16xi32>
        %select_n3A_1370 = arith.select %and3A_1366, %sub3A_1359, %and3A_1369 : vector<16xi1>, vector<16xi32>
        %get3A_1371 = arith.index_cast %add3A_1355 : i32 to index
        %get3A_1372 = tpu.vector_load %arg10[%get3A_1371] {strides = array<i32>} : memref<8448xf32, #tpu.memory_space<vmem>>, vector<16xf32>,
        %broadcast_in_dim3A_1373 = arith.constant 0.000000e+00 : f32
        %broadcast_in_dim3A_1374 = vector.broadcast %broadcast_in_dim3A_1373 : f32 to vector<16xf32>
        %select_n3A_1375 = arith.select %and3A_1366, %get3A_1372, %broadcast_in_dim3A_1374 : vector<16xi1>, vector<16xf32>
        %swap3A_1376 = arith.index_cast %scan3A_1156 : i32 to index
        %swap3A_1377 = arith.constant 112 : index
        %swap3A_1378 = tpu.vector_load %arg11[%swap3A_1376, %swap3A_1377] {strides = array<i32>} : memref<66x128xi32, #tpu.memory_space<vmem>>, vector<16xi32>,
        tpu.vector_store %arg11[%swap3A_1376, %swap3A_1377], %select_n3A_1370 {strides = array<i32>} : memref<66x128xi32, #tpu.memory_space<vmem>>, vector<16xi32>,
        %swap3A_1379 = arith.index_cast %add3A_1355 : i32 to index
        %swap3A_1380 = tpu.vector_load %arg12[%swap3A_1379] {strides = array<i32>} : memref<8448xf32, #tpu.memory_space<vmem>>, vector<16xf32>,
        tpu.vector_store %arg12[%swap3A_1379], %select_n3A_1375 {strides = array<i32>} : memref<8448xf32, #tpu.memory_space<vmem>>, vector<16xf32>,
      }
      %scan3A_77 = arith.constant 66 : i32
      %dma_wait3A = tpu.memref_slice %arg14[%add3A_28] : memref<1048576xf32, #tpu.memory_space<vmem_shared>> -> memref<8192xf32, #tpu.memory_space<vmem_shared>>
      %dma_wait3A_78 = tpu.memref_slice %arg14[%add3A_28] : memref<1048576xf32, #tpu.memory_space<vmem_shared>> -> memref<8192xf32, #tpu.memory_space<vmem_shared>>
      tpu.wait_dma2 semaphore(%arg15 : memref<!tpu.dma_semaphore, #tpu.memory_space<semaphore_mem>>) src(%arg13 : memref<8192xf32, #tpu.memory_space<vmem>>) dst(%dma_wait3A_78 : memref<8192xf32, #tpu.memory_space<vmem_shared>>)
      %dma_wait3A_79 = tpu.memref_slice %arg14[%add3A_33] : memref<1048576xf32, #tpu.memory_space<vmem_shared>> -> memref<8192xf32, #tpu.memory_space<vmem_shared>>
      %dma_wait3A_80 = tpu.memref_slice %arg14[%add3A_33] : memref<1048576xf32, #tpu.memory_space<vmem_shared>> -> memref<8192xf32, #tpu.memory_space<vmem_shared>>
      tpu.wait_dma2 semaphore(%arg15 : memref<!tpu.dma_semaphore, #tpu.memory_space<semaphore_mem>>) src(%arg13 : memref<8192xf32, #tpu.memory_space<vmem>>) dst(%dma_wait3A_80 : memref<8192xf32, #tpu.memory_space<vmem_shared>>)
      %dma_wait3A_81 = tpu.memref_slice %arg14[%add3A_39] : memref<1048576xf32, #tpu.memory_space<vmem_shared>> -> memref<8192xf32, #tpu.memory_space<vmem_shared>>
      %dma_wait3A_82 = tpu.memref_slice %arg14[%add3A_39] : memref<1048576xf32, #tpu.memory_space<vmem_shared>> -> memref<8192xf32, #tpu.memory_space<vmem_shared>>
      tpu.wait_dma2 semaphore(%arg15 : memref<!tpu.dma_semaphore, #tpu.memory_space<semaphore_mem>>) src(%arg13 : memref<8192xf32, #tpu.memory_space<vmem>>) dst(%dma_wait3A_82 : memref<8192xf32, #tpu.memory_space<vmem_shared>>)
      %dma_wait3A_83 = tpu.memref_slice %arg14[%add3A_45] : memref<1048576xf32, #tpu.memory_space<vmem_shared>> -> memref<8192xf32, #tpu.memory_space<vmem_shared>>
      %dma_wait3A_84 = tpu.memref_slice %arg14[%add3A_45] : memref<1048576xf32, #tpu.memory_space<vmem_shared>> -> memref<8192xf32, #tpu.memory_space<vmem_shared>>
      tpu.wait_dma2 semaphore(%arg15 : memref<!tpu.dma_semaphore, #tpu.memory_space<semaphore_mem>>) src(%arg13 : memref<8192xf32, #tpu.memory_space<vmem>>) dst(%dma_wait3A_84 : memref<8192xf32, #tpu.memory_space<vmem_shared>>)
      %dma_wait3A_85 = tpu.memref_slice %arg14[%add3A_51] : memref<1048576xf32, #tpu.memory_space<vmem_shared>> -> memref<8192xf32, #tpu.memory_space<vmem_shared>>
      %dma_wait3A_86 = tpu.memref_slice %arg14[%add3A_51] : memref<1048576xf32, #tpu.memory_space<vmem_shared>> -> memref<8192xf32, #tpu.memory_space<vmem_shared>>
      tpu.wait_dma2 semaphore(%arg15 : memref<!tpu.dma_semaphore, #tpu.memory_space<semaphore_mem>>) src(%arg13 : memref<8192xf32, #tpu.memory_space<vmem>>) dst(%dma_wait3A_86 : memref<8192xf32, #tpu.memory_space<vmem_shared>>)
      %dma_wait3A_87 = tpu.memref_slice %arg14[%add3A_57] : memref<1048576xf32, #tpu.memory_space<vmem_shared>> -> memref<8192xf32, #tpu.memory_space<vmem_shared>>
      %dma_wait3A_88 = tpu.memref_slice %arg14[%add3A_57] : memref<1048576xf32, #tpu.memory_space<vmem_shared>> -> memref<8192xf32, #tpu.memory_space<vmem_shared>>
      tpu.wait_dma2 semaphore(%arg15 : memref<!tpu.dma_semaphore, #tpu.memory_space<semaphore_mem>>) src(%arg13 : memref<8192xf32, #tpu.memory_space<vmem>>) dst(%dma_wait3A_88 : memref<8192xf32, #tpu.memory_space<vmem_shared>>)
      %dma_wait3A_89 = tpu.memref_slice %arg14[%add3A_63] : memref<1048576xf32, #tpu.memory_space<vmem_shared>> -> memref<8192xf32, #tpu.memory_space<vmem_shared>>
      %dma_wait3A_90 = tpu.memref_slice %arg14[%add3A_63] : memref<1048576xf32, #tpu.memory_space<vmem_shared>> -> memref<8192xf32, #tpu.memory_space<vmem_shared>>
      tpu.wait_dma2 semaphore(%arg15 : memref<!tpu.dma_semaphore, #tpu.memory_space<semaphore_mem>>) src(%arg13 : memref<8192xf32, #tpu.memory_space<vmem>>) dst(%dma_wait3A_90 : memref<8192xf32, #tpu.memory_space<vmem_shared>>)
      %dma_wait3A_91 = tpu.memref_slice %arg14[%add3A_69] : memref<1048576xf32, #tpu.memory_space<vmem_shared>> -> memref<8192xf32, #tpu.memory_space<vmem_shared>>
      %dma_wait3A_92 = tpu.memref_slice %arg14[%add3A_69] : memref<1048576xf32, #tpu.memory_space<vmem_shared>> -> memref<8192xf32, #tpu.memory_space<vmem_shared>>
      tpu.wait_dma2 semaphore(%arg15 : memref<!tpu.dma_semaphore, #tpu.memory_space<semaphore_mem>>) src(%arg13 : memref<8192xf32, #tpu.memory_space<vmem>>) dst(%dma_wait3A_92 : memref<8192xf32, #tpu.memory_space<vmem_shared>>)
      %barrier3A = arith.constant 0 : index
      tpu.barrier barrier_id(%barrier3A)
      %dma_start3A_93 = arith.constant 0 : i32
      %dma_start3A_94 = arith.constant 0 : i32
      %dma_start3A_95 = tpu.memref_slice %arg12[%dma_start3A_94] : memref<8448xf32, #tpu.memory_space<vmem>> -> memref<128xf32, #tpu.memory_space<vmem>>
      %dma_start3A_96 = arith.constant 0 : i32
      %dma_start3A_97 = tpu.memref_slice %arg11[%dma_start3A_93, %dma_start3A_96] : memref<66x128xi32, #tpu.memory_space<vmem>> -> memref<1x128xi32, #tpu.memory_space<vmem>>
      %dma_start3A_98 = tpu.memref_squeeze %dma_start3A_97 : memref<1x128xi32, #tpu.memory_space<vmem>> -> memref<128xi32, #tpu.memory_space<vmem>>
      %dma_start3A_99 = arith.constant 0 : i32
      %dma_start3A_100 = tpu.memref_slice %arg14[%dma_start3A_99] : memref<1048576xf32, #tpu.memory_space<vmem_shared>> -> memref<1048576xf32, #tpu.memory_space<vmem_shared>>
      tpu.enqueue_indirect_dma source(%dma_start3A_95 : memref<128xf32, #tpu.memory_space<vmem>>) target(%dma_start3A_100 : memref<1048576xf32, #tpu.memory_space<vmem_shared>>) offsets(%dma_start3A_98 : memref<128xi32, #tpu.memory_space<vmem>>) semaphore(%arg15 : memref<!tpu.dma_semaphore, #tpu.memory_space<semaphore_mem>>) {add = true}
      %dma_start3A_101 = arith.constant 1 : i32
      %dma_start3A_102 = arith.constant 128 : i32
      %dma_start3A_103 = tpu.memref_slice %arg12[%dma_start3A_102] : memref<8448xf32, #tpu.memory_space<vmem>> -> memref<128xf32, #tpu.memory_space<vmem>>
      %dma_start3A_104 = arith.constant 0 : i32
      %dma_start3A_105 = tpu.memref_slice %arg11[%dma_start3A_101, %dma_start3A_104] : memref<66x128xi32, #tpu.memory_space<vmem>> -> memref<1x128xi32, #tpu.memory_space<vmem>>
      %dma_start3A_106 = tpu.memref_squeeze %dma_start3A_105 : memref<1x128xi32, #tpu.memory_space<vmem>> -> memref<128xi32, #tpu.memory_space<vmem>>
      %dma_start3A_107 = arith.constant 0 : i32
      %dma_start3A_108 = tpu.memref_slice %arg14[%dma_start3A_107] : memref<1048576xf32, #tpu.memory_space<vmem_shared>> -> memref<1048576xf32, #tpu.memory_space<vmem_shared>>
      tpu.enqueue_indirect_dma source(%dma_start3A_103 : memref<128xf32, #tpu.memory_space<vmem>>) target(%dma_start3A_108 : memref<1048576xf32, #tpu.memory_space<vmem_shared>>) offsets(%dma_start3A_106 : memref<128xi32, #tpu.memory_space<vmem>>) semaphore(%arg15 : memref<!tpu.dma_semaphore, #tpu.memory_space<semaphore_mem>>) {add = true}
      %dma_start3A_109 = arith.constant 2 : i32
      %dma_start3A_110 = arith.constant 256 : i32
      %dma_start3A_111 = tpu.memref_slice %arg12[%dma_start3A_110] : memref<8448xf32, #tpu.memory_space<vmem>> -> memref<128xf32, #tpu.memory_space<vmem>>
      %dma_start3A_112 = arith.constant 0 : i32
      %dma_start3A_113 = tpu.memref_slice %arg11[%dma_start3A_109, %dma_start3A_112] : memref<66x128xi32, #tpu.memory_space<vmem>> -> memref<1x128xi32, #tpu.memory_space<vmem>>
      %dma_start3A_114 = tpu.memref_squeeze %dma_start3A_113 : memref<1x128xi32, #tpu.memory_space<vmem>> -> memref<128xi32, #tpu.memory_space<vmem>>
      %dma_start3A_115 = arith.constant 0 : i32
      %dma_start3A_116 = tpu.memref_slice %arg14[%dma_start3A_115] : memref<1048576xf32, #tpu.memory_space<vmem_shared>> -> memref<1048576xf32, #tpu.memory_space<vmem_shared>>
      tpu.enqueue_indirect_dma source(%dma_start3A_111 : memref<128xf32, #tpu.memory_space<vmem>>) target(%dma_start3A_116 : memref<1048576xf32, #tpu.memory_space<vmem_shared>>) offsets(%dma_start3A_114 : memref<128xi32, #tpu.memory_space<vmem>>) semaphore(%arg15 : memref<!tpu.dma_semaphore, #tpu.memory_space<semaphore_mem>>) {add = true}
      %dma_start3A_117 = arith.constant 3 : i32
      %dma_start3A_118 = arith.constant 384 : i32
      %dma_start3A_119 = tpu.memref_slice %arg12[%dma_start3A_118] : memref<8448xf32, #tpu.memory_space<vmem>> -> memref<128xf32, #tpu.memory_space<vmem>>
      %dma_start3A_120 = arith.constant 0 : i32
      %dma_start3A_121 = tpu.memref_slice %arg11[%dma_start3A_117, %dma_start3A_120] : memref<66x128xi32, #tpu.memory_space<vmem>> -> memref<1x128xi32, #tpu.memory_space<vmem>>
      %dma_start3A_122 = tpu.memref_squeeze %dma_start3A_121 : memref<1x128xi32, #tpu.memory_space<vmem>> -> memref<128xi32, #tpu.memory_space<vmem>>
      %dma_start3A_123 = arith.constant 0 : i32
      %dma_start3A_124 = tpu.memref_slice %arg14[%dma_start3A_123] : memref<1048576xf32, #tpu.memory_space<vmem_shared>> -> memref<1048576xf32, #tpu.memory_space<vmem_shared>>
      tpu.enqueue_indirect_dma source(%dma_start3A_119 : memref<128xf32, #tpu.memory_space<vmem>>) target(%dma_start3A_124 : memref<1048576xf32, #tpu.memory_space<vmem_shared>>) offsets(%dma_start3A_122 : memref<128xi32, #tpu.memory_space<vmem>>) semaphore(%arg15 : memref<!tpu.dma_semaphore, #tpu.memory_space<semaphore_mem>>) {add = true}
      %dma_start3A_125 = arith.constant 4 : i32
      %dma_start3A_126 = arith.constant 512 : i32
      %dma_start3A_127 = tpu.memref_slice %arg12[%dma_start3A_126] : memref<8448xf32, #tpu.memory_space<vmem>> -> memref<128xf32, #tpu.memory_space<vmem>>
      %dma_start3A_128 = arith.constant 0 : i32
      %dma_start3A_129 = tpu.memref_slice %arg11[%dma_start3A_125, %dma_start3A_128] : memref<66x128xi32, #tpu.memory_space<vmem>> -> memref<1x128xi32, #tpu.memory_space<vmem>>
      %dma_start3A_130 = tpu.memref_squeeze %dma_start3A_129 : memref<1x128xi32, #tpu.memory_space<vmem>> -> memref<128xi32, #tpu.memory_space<vmem>>
      %dma_start3A_131 = arith.constant 0 : i32
      %dma_start3A_132 = tpu.memref_slice %arg14[%dma_start3A_131] : memref<1048576xf32, #tpu.memory_space<vmem_shared>> -> memref<1048576xf32, #tpu.memory_space<vmem_shared>>
      tpu.enqueue_indirect_dma source(%dma_start3A_127 : memref<128xf32, #tpu.memory_space<vmem>>) target(%dma_start3A_132 : memref<1048576xf32, #tpu.memory_space<vmem_shared>>) offsets(%dma_start3A_130 : memref<128xi32, #tpu.memory_space<vmem>>) semaphore(%arg15 : memref<!tpu.dma_semaphore, #tpu.memory_space<semaphore_mem>>) {add = true}
      %dma_wait3A_133 = arith.constant 0 : i32
      %dma_wait3A_134 = arith.constant 0 : i32
      %dma_wait3A_135 = tpu.memref_slice %arg12[%dma_wait3A_134] : memref<8448xf32, #tpu.memory_space<vmem>> -> memref<128xf32, #tpu.memory_space<vmem>>
      %dma_wait3A_136 = arith.constant 0 : i32
      %dma_wait3A_137 = tpu.memref_slice %arg11[%dma_wait3A_133, %dma_wait3A_136] : memref<66x128xi32, #tpu.memory_space<vmem>> -> memref<1x128xi32, #tpu.memory_space<vmem>>
      %dma_wait3A_138 = tpu.memref_squeeze %dma_wait3A_137 : memref<1x128xi32, #tpu.memory_space<vmem>> -> memref<128xi32, #tpu.memory_space<vmem>>
      %dma_wait3A_139 = arith.constant 0 : i32
      %dma_wait3A_140 = tpu.memref_slice %arg14[%dma_wait3A_139] : memref<1048576xf32, #tpu.memory_space<vmem_shared>> -> memref<1048576xf32, #tpu.memory_space<vmem_shared>>
      tpu.wait_indirect_dma semaphore(%arg15 : memref<!tpu.dma_semaphore, #tpu.memory_space<semaphore_mem>>) src(%dma_wait3A_135 : memref<128xf32, #tpu.memory_space<vmem>>) dst(%dma_wait3A_140 : memref<1048576xf32, #tpu.memory_space<vmem_shared>>)
      %dma_start3A_141 = arith.constant 5 : i32
      %dma_start3A_142 = arith.constant 640 : i32
      %dma_start3A_143 = tpu.memref_slice %arg12[%dma_start3A_142] : memref<8448xf32, #tpu.memory_space<vmem>> -> memref<128xf32, #tpu.memory_space<vmem>>
      %dma_start3A_144 = arith.constant 0 : i32
      %dma_start3A_145 = tpu.memref_slice %arg11[%dma_start3A_141, %dma_start3A_144] : memref<66x128xi32, #tpu.memory_space<vmem>> -> memref<1x128xi32, #tpu.memory_space<vmem>>
      %dma_start3A_146 = tpu.memref_squeeze %dma_start3A_145 : memref<1x128xi32, #tpu.memory_space<vmem>> -> memref<128xi32, #tpu.memory_space<vmem>>
      %dma_start3A_147 = arith.constant 0 : i32
      %dma_start3A_148 = tpu.memref_slice %arg14[%dma_start3A_147] : memref<1048576xf32, #tpu.memory_space<vmem_shared>> -> memref<1048576xf32, #tpu.memory_space<vmem_shared>>
      tpu.enqueue_indirect_dma source(%dma_start3A_143 : memref<128xf32, #tpu.memory_space<vmem>>) target(%dma_start3A_148 : memref<1048576xf32, #tpu.memory_space<vmem_shared>>) offsets(%dma_start3A_146 : memref<128xi32, #tpu.memory_space<vmem>>) semaphore(%arg15 : memref<!tpu.dma_semaphore, #tpu.memory_space<semaphore_mem>>) {add = true}
      %dma_wait3A_149 = arith.constant 1 : i32
      %dma_wait3A_150 = arith.constant 128 : i32
      %dma_wait3A_151 = tpu.memref_slice %arg12[%dma_wait3A_150] : memref<8448xf32, #tpu.memory_space<vmem>> -> memref<128xf32, #tpu.memory_space<vmem>>
      %dma_wait3A_152 = arith.constant 0 : i32
      %dma_wait3A_153 = tpu.memref_slice %arg11[%dma_wait3A_149, %dma_wait3A_152] : memref<66x128xi32, #tpu.memory_space<vmem>> -> memref<1x128xi32, #tpu.memory_space<vmem>>
      %dma_wait3A_154 = tpu.memref_squeeze %dma_wait3A_153 : memref<1x128xi32, #tpu.memory_space<vmem>> -> memref<128xi32, #tpu.memory_space<vmem>>
      %dma_wait3A_155 = arith.constant 0 : i32
      %dma_wait3A_156 = tpu.memref_slice %arg14[%dma_wait3A_155] : memref<1048576xf32, #tpu.memory_space<vmem_shared>> -> memref<1048576xf32, #tpu.memory_space<vmem_shared>>
      tpu.wait_indirect_dma semaphore(%arg15 : memref<!tpu.dma_semaphore, #tpu.memory_space<semaphore_mem>>) src(%dma_wait3A_151 : memref<128xf32, #tpu.memory_space<vmem>>) dst(%dma_wait3A_156 : memref<1048576xf32, #tpu.memory_space<vmem_shared>>)
      %dma_start3A_157 = arith.constant 6 : i32
      %dma_start3A_158 = arith.constant 768 : i32
      %dma_start3A_159 = tpu.memref_slice %arg12[%dma_start3A_158] : memref<8448xf32, #tpu.memory_space<vmem>> -> memref<128xf32, #tpu.memory_space<vmem>>
      %dma_start3A_160 = arith.constant 0 : i32
      %dma_start3A_161 = tpu.memref_slice %arg11[%dma_start3A_157, %dma_start3A_160] : memref<66x128xi32, #tpu.memory_space<vmem>> -> memref<1x128xi32, #tpu.memory_space<vmem>>
      %dma_start3A_162 = tpu.memref_squeeze %dma_start3A_161 : memref<1x128xi32, #tpu.memory_space<vmem>> -> memref<128xi32, #tpu.memory_space<vmem>>
      %dma_start3A_163 = arith.constant 0 : i32
      %dma_start3A_164 = tpu.memref_slice %arg14[%dma_start3A_163] : memref<1048576xf32, #tpu.memory_space<vmem_shared>> -> memref<1048576xf32, #tpu.memory_space<vmem_shared>>
      tpu.enqueue_indirect_dma source(%dma_start3A_159 : memref<128xf32, #tpu.memory_space<vmem>>) target(%dma_start3A_164 : memref<1048576xf32, #tpu.memory_space<vmem_shared>>) offsets(%dma_start3A_162 : memref<128xi32, #tpu.memory_space<vmem>>) semaphore(%arg15 : memref<!tpu.dma_semaphore, #tpu.memory_space<semaphore_mem>>) {add = true}
      %dma_wait3A_165 = arith.constant 2 : i32
      %dma_wait3A_166 = arith.constant 256 : i32
      %dma_wait3A_167 = tpu.memref_slice %arg12[%dma_wait3A_166] : memref<8448xf32, #tpu.memory_space<vmem>> -> memref<128xf32, #tpu.memory_space<vmem>>
      %dma_wait3A_168 = arith.constant 0 : i32
      %dma_wait3A_169 = tpu.memref_slice %arg11[%dma_wait3A_165, %dma_wait3A_168] : memref<66x128xi32, #tpu.memory_space<vmem>> -> memref<1x128xi32, #tpu.memory_space<vmem>>
      %dma_wait3A_170 = tpu.memref_squeeze %dma_wait3A_169 : memref<1x128xi32, #tpu.memory_space<vmem>> -> memref<128xi32, #tpu.memory_space<vmem>>
      %dma_wait3A_171 = arith.constant 0 : i32
      %dma_wait3A_172 = tpu.memref_slice %arg14[%dma_wait3A_171] : memref<1048576xf32, #tpu.memory_space<vmem_shared>> -> memref<1048576xf32, #tpu.memory_space<vmem_shared>>
      tpu.wait_indirect_dma semaphore(%arg15 : memref<!tpu.dma_semaphore, #tpu.memory_space<semaphore_mem>>) src(%dma_wait3A_167 : memref<128xf32, #tpu.memory_space<vmem>>) dst(%dma_wait3A_172 : memref<1048576xf32, #tpu.memory_space<vmem_shared>>)
      %dma_start3A_173 = arith.constant 7 : i32
      %dma_start3A_174 = arith.constant 896 : i32
      %dma_start3A_175 = tpu.memref_slice %arg12[%dma_start3A_174] : memref<8448xf32, #tpu.memory_space<vmem>> -> memref<128xf32, #tpu.memory_space<vmem>>
      %dma_start3A_176 = arith.constant 0 : i32
      %dma_start3A_177 = tpu.memref_slice %arg11[%dma_start3A_173, %dma_start3A_176] : memref<66x128xi32, #tpu.memory_space<vmem>> -> memref<1x128xi32, #tpu.memory_space<vmem>>
      %dma_start3A_178 = tpu.memref_squeeze %dma_start3A_177 : memref<1x128xi32, #tpu.memory_space<vmem>> -> memref<128xi32, #tpu.memory_space<vmem>>
      %dma_start3A_179 = arith.constant 0 : i32
      %dma_start3A_180 = tpu.memref_slice %arg14[%dma_start3A_179] : memref<1048576xf32, #tpu.memory_space<vmem_shared>> -> memref<1048576xf32, #tpu.memory_space<vmem_shared>>
      tpu.enqueue_indirect_dma source(%dma_start3A_175 : memref<128xf32, #tpu.memory_space<vmem>>) target(%dma_start3A_180 : memref<1048576xf32, #tpu.memory_space<vmem_shared>>) offsets(%dma_start3A_178 : memref<128xi32, #tpu.memory_space<vmem>>) semaphore(%arg15 : memref<!tpu.dma_semaphore, #tpu.memory_space<semaphore_mem>>) {add = true}
      %dma_wait3A_181 = arith.constant 3 : i32
      %dma_wait3A_182 = arith.constant 384 : i32
      %dma_wait3A_183 = tpu.memref_slice %arg12[%dma_wait3A_182] : memref<8448xf32, #tpu.memory_space<vmem>> -> memref<128xf32, #tpu.memory_space<vmem>>
      %dma_wait3A_184 = arith.constant 0 : i32
      %dma_wait3A_185 = tpu.memref_slice %arg11[%dma_wait3A_181, %dma_wait3A_184] : memref<66x128xi32, #tpu.memory_space<vmem>> -> memref<1x128xi32, #tpu.memory_space<vmem>>
      %dma_wait3A_186 = tpu.memref_squeeze %dma_wait3A_185 : memref<1x128xi32, #tpu.memory_space<vmem>> -> memref<128xi32, #tpu.memory_space<vmem>>
      %dma_wait3A_187 = arith.constant 0 : i32
      %dma_wait3A_188 = tpu.memref_slice %arg14[%dma_wait3A_187] : memref<1048576xf32, #tpu.memory_space<vmem_shared>> -> memref<1048576xf32, #tpu.memory_space<vmem_shared>>
      tpu.wait_indirect_dma semaphore(%arg15 : memref<!tpu.dma_semaphore, #tpu.memory_space<semaphore_mem>>) src(%dma_wait3A_183 : memref<128xf32, #tpu.memory_space<vmem>>) dst(%dma_wait3A_188 : memref<1048576xf32, #tpu.memory_space<vmem_shared>>)
      %dma_start3A_189 = arith.constant 8 : i32
      %dma_start3A_190 = arith.constant 1024 : i32
      %dma_start3A_191 = tpu.memref_slice %arg12[%dma_start3A_190] : memref<8448xf32, #tpu.memory_space<vmem>> -> memref<128xf32, #tpu.memory_space<vmem>>
      %dma_start3A_192 = arith.constant 0 : i32
      %dma_start3A_193 = tpu.memref_slice %arg11[%dma_start3A_189, %dma_start3A_192] : memref<66x128xi32, #tpu.memory_space<vmem>> -> memref<1x128xi32, #tpu.memory_space<vmem>>
      %dma_start3A_194 = tpu.memref_squeeze %dma_start3A_193 : memref<1x128xi32, #tpu.memory_space<vmem>> -> memref<128xi32, #tpu.memory_space<vmem>>
      %dma_start3A_195 = arith.constant 0 : i32
      %dma_start3A_196 = tpu.memref_slice %arg14[%dma_start3A_195] : memref<1048576xf32, #tpu.memory_space<vmem_shared>> -> memref<1048576xf32, #tpu.memory_space<vmem_shared>>
      tpu.enqueue_indirect_dma source(%dma_start3A_191 : memref<128xf32, #tpu.memory_space<vmem>>) target(%dma_start3A_196 : memref<1048576xf32, #tpu.memory_space<vmem_shared>>) offsets(%dma_start3A_194 : memref<128xi32, #tpu.memory_space<vmem>>) semaphore(%arg15 : memref<!tpu.dma_semaphore, #tpu.memory_space<semaphore_mem>>) {add = true}
      %dma_wait3A_197 = arith.constant 4 : i32
      %dma_wait3A_198 = arith.constant 512 : i32
      %dma_wait3A_199 = tpu.memref_slice %arg12[%dma_wait3A_198] : memref<8448xf32, #tpu.memory_space<vmem>> -> memref<128xf32, #tpu.memory_space<vmem>>
      %dma_wait3A_200 = arith.constant 0 : i32
      %dma_wait3A_201 = tpu.memref_slice %arg11[%dma_wait3A_197, %dma_wait3A_200] : memref<66x128xi32, #tpu.memory_space<vmem>> -> memref<1x128xi32, #tpu.memory_space<vmem>>
      %dma_wait3A_202 = tpu.memref_squeeze %dma_wait3A_201 : memref<1x128xi32, #tpu.memory_space<vmem>> -> memref<128xi32, #tpu.memory_space<vmem>>
      %dma_wait3A_203 = arith.constant 0 : i32
      %dma_wait3A_204 = tpu.memref_slice %arg14[%dma_wait3A_203] : memref<1048576xf32, #tpu.memory_space<vmem_shared>> -> memref<1048576xf32, #tpu.memory_space<vmem_shared>>
      tpu.wait_indirect_dma semaphore(%arg15 : memref<!tpu.dma_semaphore, #tpu.memory_space<semaphore_mem>>) src(%dma_wait3A_199 : memref<128xf32, #tpu.memory_space<vmem>>) dst(%dma_wait3A_204 : memref<1048576xf32, #tpu.memory_space<vmem_shared>>)
      %dma_start3A_205 = arith.constant 9 : i32
      %dma_start3A_206 = arith.constant 1152 : i32
      %dma_start3A_207 = tpu.memref_slice %arg12[%dma_start3A_206] : memref<8448xf32, #tpu.memory_space<vmem>> -> memref<128xf32, #tpu.memory_space<vmem>>
      %dma_start3A_208 = arith.constant 0 : i32
      %dma_start3A_209 = tpu.memref_slice %arg11[%dma_start3A_205, %dma_start3A_208] : memref<66x128xi32, #tpu.memory_space<vmem>> -> memref<1x128xi32, #tpu.memory_space<vmem>>
      %dma_start3A_210 = tpu.memref_squeeze %dma_start3A_209 : memref<1x128xi32, #tpu.memory_space<vmem>> -> memref<128xi32, #tpu.memory_space<vmem>>
      %dma_start3A_211 = arith.constant 0 : i32
      %dma_start3A_212 = tpu.memref_slice %arg14[%dma_start3A_211] : memref<1048576xf32, #tpu.memory_space<vmem_shared>> -> memref<1048576xf32, #tpu.memory_space<vmem_shared>>
      tpu.enqueue_indirect_dma source(%dma_start3A_207 : memref<128xf32, #tpu.memory_space<vmem>>) target(%dma_start3A_212 : memref<1048576xf32, #tpu.memory_space<vmem_shared>>) offsets(%dma_start3A_210 : memref<128xi32, #tpu.memory_space<vmem>>) semaphore(%arg15 : memref<!tpu.dma_semaphore, #tpu.memory_space<semaphore_mem>>) {add = true}
      %dma_wait3A_213 = arith.constant 5 : i32
      %dma_wait3A_214 = arith.constant 640 : i32
      %dma_wait3A_215 = tpu.memref_slice %arg12[%dma_wait3A_214] : memref<8448xf32, #tpu.memory_space<vmem>> -> memref<128xf32, #tpu.memory_space<vmem>>
      %dma_wait3A_216 = arith.constant 0 : i32
      %dma_wait3A_217 = tpu.memref_slice %arg11[%dma_wait3A_213, %dma_wait3A_216] : memref<66x128xi32, #tpu.memory_space<vmem>> -> memref<1x128xi32, #tpu.memory_space<vmem>>
      %dma_wait3A_218 = tpu.memref_squeeze %dma_wait3A_217 : memref<1x128xi32, #tpu.memory_space<vmem>> -> memref<128xi32, #tpu.memory_space<vmem>>
      %dma_wait3A_219 = arith.constant 0 : i32
      %dma_wait3A_220 = tpu.memref_slice %arg14[%dma_wait3A_219] : memref<1048576xf32, #tpu.memory_space<vmem_shared>> -> memref<1048576xf32, #tpu.memory_space<vmem_shared>>
      tpu.wait_indirect_dma semaphore(%arg15 : memref<!tpu.dma_semaphore, #tpu.memory_space<semaphore_mem>>) src(%dma_wait3A_215 : memref<128xf32, #tpu.memory_space<vmem>>) dst(%dma_wait3A_220 : memref<1048576xf32, #tpu.memory_space<vmem_shared>>)
      %dma_start3A_221 = arith.constant 10 : i32
      %dma_start3A_222 = arith.constant 1280 : i32
      %dma_start3A_223 = tpu.memref_slice %arg12[%dma_start3A_222] : memref<8448xf32, #tpu.memory_space<vmem>> -> memref<128xf32, #tpu.memory_space<vmem>>
      %dma_start3A_224 = arith.constant 0 : i32
      %dma_start3A_225 = tpu.memref_slice %arg11[%dma_start3A_221, %dma_start3A_224] : memref<66x128xi32, #tpu.memory_space<vmem>> -> memref<1x128xi32, #tpu.memory_space<vmem>>
      %dma_start3A_226 = tpu.memref_squeeze %dma_start3A_225 : memref<1x128xi32, #tpu.memory_space<vmem>> -> memref<128xi32, #tpu.memory_space<vmem>>
      %dma_start3A_227 = arith.constant 0 : i32
      %dma_start3A_228 = tpu.memref_slice %arg14[%dma_start3A_227] : memref<1048576xf32, #tpu.memory_space<vmem_shared>> -> memref<1048576xf32, #tpu.memory_space<vmem_shared>>
      tpu.enqueue_indirect_dma source(%dma_start3A_223 : memref<128xf32, #tpu.memory_space<vmem>>) target(%dma_start3A_228 : memref<1048576xf32, #tpu.memory_space<vmem_shared>>) offsets(%dma_start3A_226 : memref<128xi32, #tpu.memory_space<vmem>>) semaphore(%arg15 : memref<!tpu.dma_semaphore, #tpu.memory_space<semaphore_mem>>) {add = true}
      %dma_wait3A_229 = arith.constant 6 : i32
      %dma_wait3A_230 = arith.constant 768 : i32
      %dma_wait3A_231 = tpu.memref_slice %arg12[%dma_wait3A_230] : memref<8448xf32, #tpu.memory_space<vmem>> -> memref<128xf32, #tpu.memory_space<vmem>>
      %dma_wait3A_232 = arith.constant 0 : i32
      %dma_wait3A_233 = tpu.memref_slice %arg11[%dma_wait3A_229, %dma_wait3A_232] : memref<66x128xi32, #tpu.memory_space<vmem>> -> memref<1x128xi32, #tpu.memory_space<vmem>>
      %dma_wait3A_234 = tpu.memref_squeeze %dma_wait3A_233 : memref<1x128xi32, #tpu.memory_space<vmem>> -> memref<128xi32, #tpu.memory_space<vmem>>
      %dma_wait3A_235 = arith.constant 0 : i32
      %dma_wait3A_236 = tpu.memref_slice %arg14[%dma_wait3A_235] : memref<1048576xf32, #tpu.memory_space<vmem_shared>> -> memref<1048576xf32, #tpu.memory_space<vmem_shared>>
      tpu.wait_indirect_dma semaphore(%arg15 : memref<!tpu.dma_semaphore, #tpu.memory_space<semaphore_mem>>) src(%dma_wait3A_231 : memref<128xf32, #tpu.memory_space<vmem>>) dst(%dma_wait3A_236 : memref<1048576xf32, #tpu.memory_space<vmem_shared>>)
      %dma_start3A_237 = arith.constant 11 : i32
      %dma_start3A_238 = arith.constant 1408 : i32
      %dma_start3A_239 = tpu.memref_slice %arg12[%dma_start3A_238] : memref<8448xf32, #tpu.memory_space<vmem>> -> memref<128xf32, #tpu.memory_space<vmem>>
      %dma_start3A_240 = arith.constant 0 : i32
      %dma_start3A_241 = tpu.memref_slice %arg11[%dma_start3A_237, %dma_start3A_240] : memref<66x128xi32, #tpu.memory_space<vmem>> -> memref<1x128xi32, #tpu.memory_space<vmem>>
      %dma_start3A_242 = tpu.memref_squeeze %dma_start3A_241 : memref<1x128xi32, #tpu.memory_space<vmem>> -> memref<128xi32, #tpu.memory_space<vmem>>
      %dma_start3A_243 = arith.constant 0 : i32
      %dma_start3A_244 = tpu.memref_slice %arg14[%dma_start3A_243] : memref<1048576xf32, #tpu.memory_space<vmem_shared>> -> memref<1048576xf32, #tpu.memory_space<vmem_shared>>
      tpu.enqueue_indirect_dma source(%dma_start3A_239 : memref<128xf32, #tpu.memory_space<vmem>>) target(%dma_start3A_244 : memref<1048576xf32, #tpu.memory_space<vmem_shared>>) offsets(%dma_start3A_242 : memref<128xi32, #tpu.memory_space<vmem>>) semaphore(%arg15 : memref<!tpu.dma_semaphore, #tpu.memory_space<semaphore_mem>>) {add = true}
      %dma_wait3A_245 = arith.constant 7 : i32
      %dma_wait3A_246 = arith.constant 896 : i32
      %dma_wait3A_247 = tpu.memref_slice %arg12[%dma_wait3A_246] : memref<8448xf32, #tpu.memory_space<vmem>> -> memref<128xf32, #tpu.memory_space<vmem>>
      %dma_wait3A_248 = arith.constant 0 : i32
      %dma_wait3A_249 = tpu.memref_slice %arg11[%dma_wait3A_245, %dma_wait3A_248] : memref<66x128xi32, #tpu.memory_space<vmem>> -> memref<1x128xi32, #tpu.memory_space<vmem>>
      %dma_wait3A_250 = tpu.memref_squeeze %dma_wait3A_249 : memref<1x128xi32, #tpu.memory_space<vmem>> -> memref<128xi32, #tpu.memory_space<vmem>>
      %dma_wait3A_251 = arith.constant 0 : i32
      %dma_wait3A_252 = tpu.memref_slice %arg14[%dma_wait3A_251] : memref<1048576xf32, #tpu.memory_space<vmem_shared>> -> memref<1048576xf32, #tpu.memory_space<vmem_shared>>
      tpu.wait_indirect_dma semaphore(%arg15 : memref<!tpu.dma_semaphore, #tpu.memory_space<semaphore_mem>>) src(%dma_wait3A_247 : memref<128xf32, #tpu.memory_space<vmem>>) dst(%dma_wait3A_252 : memref<1048576xf32, #tpu.memory_space<vmem_shared>>)
      %dma_start3A_253 = arith.constant 12 : i32
      %dma_start3A_254 = arith.constant 1536 : i32
      %dma_start3A_255 = tpu.memref_slice %arg12[%dma_start3A_254] : memref<8448xf32, #tpu.memory_space<vmem>> -> memref<128xf32, #tpu.memory_space<vmem>>
      %dma_start3A_256 = arith.constant 0 : i32
      %dma_start3A_257 = tpu.memref_slice %arg11[%dma_start3A_253, %dma_start3A_256] : memref<66x128xi32, #tpu.memory_space<vmem>> -> memref<1x128xi32, #tpu.memory_space<vmem>>
      %dma_start3A_258 = tpu.memref_squeeze %dma_start3A_257 : memref<1x128xi32, #tpu.memory_space<vmem>> -> memref<128xi32, #tpu.memory_space<vmem>>
      %dma_start3A_259 = arith.constant 0 : i32
      %dma_start3A_260 = tpu.memref_slice %arg14[%dma_start3A_259] : memref<1048576xf32, #tpu.memory_space<vmem_shared>> -> memref<1048576xf32, #tpu.memory_space<vmem_shared>>
      tpu.enqueue_indirect_dma source(%dma_start3A_255 : memref<128xf32, #tpu.memory_space<vmem>>) target(%dma_start3A_260 : memref<1048576xf32, #tpu.memory_space<vmem_shared>>) offsets(%dma_start3A_258 : memref<128xi32, #tpu.memory_space<vmem>>) semaphore(%arg15 : memref<!tpu.dma_semaphore, #tpu.memory_space<semaphore_mem>>) {add = true}
      %dma_wait3A_261 = arith.constant 8 : i32
      %dma_wait3A_262 = arith.constant 1024 : i32
      %dma_wait3A_263 = tpu.memref_slice %arg12[%dma_wait3A_262] : memref<8448xf32, #tpu.memory_space<vmem>> -> memref<128xf32, #tpu.memory_space<vmem>>
      %dma_wait3A_264 = arith.constant 0 : i32
      %dma_wait3A_265 = tpu.memref_slice %arg11[%dma_wait3A_261, %dma_wait3A_264] : memref<66x128xi32, #tpu.memory_space<vmem>> -> memref<1x128xi32, #tpu.memory_space<vmem>>
      %dma_wait3A_266 = tpu.memref_squeeze %dma_wait3A_265 : memref<1x128xi32, #tpu.memory_space<vmem>> -> memref<128xi32, #tpu.memory_space<vmem>>
      %dma_wait3A_267 = arith.constant 0 : i32
      %dma_wait3A_268 = tpu.memref_slice %arg14[%dma_wait3A_267] : memref<1048576xf32, #tpu.memory_space<vmem_shared>> -> memref<1048576xf32, #tpu.memory_space<vmem_shared>>
      tpu.wait_indirect_dma semaphore(%arg15 : memref<!tpu.dma_semaphore, #tpu.memory_space<semaphore_mem>>) src(%dma_wait3A_263 : memref<128xf32, #tpu.memory_space<vmem>>) dst(%dma_wait3A_268 : memref<1048576xf32, #tpu.memory_space<vmem_shared>>)
      %dma_start3A_269 = arith.constant 13 : i32
      %dma_start3A_270 = arith.constant 1664 : i32
      %dma_start3A_271 = tpu.memref_slice %arg12[%dma_start3A_270] : memref<8448xf32, #tpu.memory_space<vmem>> -> memref<128xf32, #tpu.memory_space<vmem>>
      %dma_start3A_272 = arith.constant 0 : i32
      %dma_start3A_273 = tpu.memref_slice %arg11[%dma_start3A_269, %dma_start3A_272] : memref<66x128xi32, #tpu.memory_space<vmem>> -> memref<1x128xi32, #tpu.memory_space<vmem>>
      %dma_start3A_274 = tpu.memref_squeeze %dma_start3A_273 : memref<1x128xi32, #tpu.memory_space<vmem>> -> memref<128xi32, #tpu.memory_space<vmem>>
      %dma_start3A_275 = arith.constant 0 : i32
      %dma_start3A_276 = tpu.memref_slice %arg14[%dma_start3A_275] : memref<1048576xf32, #tpu.memory_space<vmem_shared>> -> memref<1048576xf32, #tpu.memory_space<vmem_shared>>
      tpu.enqueue_indirect_dma source(%dma_start3A_271 : memref<128xf32, #tpu.memory_space<vmem>>) target(%dma_start3A_276 : memref<1048576xf32, #tpu.memory_space<vmem_shared>>) offsets(%dma_start3A_274 : memref<128xi32, #tpu.memory_space<vmem>>) semaphore(%arg15 : memref<!tpu.dma_semaphore, #tpu.memory_space<semaphore_mem>>) {add = true}
      %dma_wait3A_277 = arith.constant 9 : i32
      %dma_wait3A_278 = arith.constant 1152 : i32
      %dma_wait3A_279 = tpu.memref_slice %arg12[%dma_wait3A_278] : memref<8448xf32, #tpu.memory_space<vmem>> -> memref<128xf32, #tpu.memory_space<vmem>>
      %dma_wait3A_280 = arith.constant 0 : i32
      %dma_wait3A_281 = tpu.memref_slice %arg11[%dma_wait3A_277, %dma_wait3A_280] : memref<66x128xi32, #tpu.memory_space<vmem>> -> memref<1x128xi32, #tpu.memory_space<vmem>>
      %dma_wait3A_282 = tpu.memref_squeeze %dma_wait3A_281 : memref<1x128xi32, #tpu.memory_space<vmem>> -> memref<128xi32, #tpu.memory_space<vmem>>
      %dma_wait3A_283 = arith.constant 0 : i32
      %dma_wait3A_284 = tpu.memref_slice %arg14[%dma_wait3A_283] : memref<1048576xf32, #tpu.memory_space<vmem_shared>> -> memref<1048576xf32, #tpu.memory_space<vmem_shared>>
      tpu.wait_indirect_dma semaphore(%arg15 : memref<!tpu.dma_semaphore, #tpu.memory_space<semaphore_mem>>) src(%dma_wait3A_279 : memref<128xf32, #tpu.memory_space<vmem>>) dst(%dma_wait3A_284 : memref<1048576xf32, #tpu.memory_space<vmem_shared>>)
      %dma_start3A_285 = arith.constant 14 : i32
      %dma_start3A_286 = arith.constant 1792 : i32
      %dma_start3A_287 = tpu.memref_slice %arg12[%dma_start3A_286] : memref<8448xf32, #tpu.memory_space<vmem>> -> memref<128xf32, #tpu.memory_space<vmem>>
      %dma_start3A_288 = arith.constant 0 : i32
      %dma_start3A_289 = tpu.memref_slice %arg11[%dma_start3A_285, %dma_start3A_288] : memref<66x128xi32, #tpu.memory_space<vmem>> -> memref<1x128xi32, #tpu.memory_space<vmem>>
      %dma_start3A_290 = tpu.memref_squeeze %dma_start3A_289 : memref<1x128xi32, #tpu.memory_space<vmem>> -> memref<128xi32, #tpu.memory_space<vmem>>
      %dma_start3A_291 = arith.constant 0 : i32
      %dma_start3A_292 = tpu.memref_slice %arg14[%dma_start3A_291] : memref<1048576xf32, #tpu.memory_space<vmem_shared>> -> memref<1048576xf32, #tpu.memory_space<vmem_shared>>
      tpu.enqueue_indirect_dma source(%dma_start3A_287 : memref<128xf32, #tpu.memory_space<vmem>>) target(%dma_start3A_292 : memref<1048576xf32, #tpu.memory_space<vmem_shared>>) offsets(%dma_start3A_290 : memref<128xi32, #tpu.memory_space<vmem>>) semaphore(%arg15 : memref<!tpu.dma_semaphore, #tpu.memory_space<semaphore_mem>>) {add = true}
      %dma_wait3A_293 = arith.constant 10 : i32
      %dma_wait3A_294 = arith.constant 1280 : i32
      %dma_wait3A_295 = tpu.memref_slice %arg12[%dma_wait3A_294] : memref<8448xf32, #tpu.memory_space<vmem>> -> memref<128xf32, #tpu.memory_space<vmem>>
      %dma_wait3A_296 = arith.constant 0 : i32
      %dma_wait3A_297 = tpu.memref_slice %arg11[%dma_wait3A_293, %dma_wait3A_296] : memref<66x128xi32, #tpu.memory_space<vmem>> -> memref<1x128xi32, #tpu.memory_space<vmem>>
      %dma_wait3A_298 = tpu.memref_squeeze %dma_wait3A_297 : memref<1x128xi32, #tpu.memory_space<vmem>> -> memref<128xi32, #tpu.memory_space<vmem>>
      %dma_wait3A_299 = arith.constant 0 : i32
      %dma_wait3A_300 = tpu.memref_slice %arg14[%dma_wait3A_299] : memref<1048576xf32, #tpu.memory_space<vmem_shared>> -> memref<1048576xf32, #tpu.memory_space<vmem_shared>>
      tpu.wait_indirect_dma semaphore(%arg15 : memref<!tpu.dma_semaphore, #tpu.memory_space<semaphore_mem>>) src(%dma_wait3A_295 : memref<128xf32, #tpu.memory_space<vmem>>) dst(%dma_wait3A_300 : memref<1048576xf32, #tpu.memory_space<vmem_shared>>)
      %dma_start3A_301 = arith.constant 15 : i32
      %dma_start3A_302 = arith.constant 1920 : i32
      %dma_start3A_303 = tpu.memref_slice %arg12[%dma_start3A_302] : memref<8448xf32, #tpu.memory_space<vmem>> -> memref<128xf32, #tpu.memory_space<vmem>>
      %dma_start3A_304 = arith.constant 0 : i32
      %dma_start3A_305 = tpu.memref_slice %arg11[%dma_start3A_301, %dma_start3A_304] : memref<66x128xi32, #tpu.memory_space<vmem>> -> memref<1x128xi32, #tpu.memory_space<vmem>>
      %dma_start3A_306 = tpu.memref_squeeze %dma_start3A_305 : memref<1x128xi32, #tpu.memory_space<vmem>> -> memref<128xi32, #tpu.memory_space<vmem>>
      %dma_start3A_307 = arith.constant 0 : i32
      %dma_start3A_308 = tpu.memref_slice %arg14[%dma_start3A_307] : memref<1048576xf32, #tpu.memory_space<vmem_shared>> -> memref<1048576xf32, #tpu.memory_space<vmem_shared>>
      tpu.enqueue_indirect_dma source(%dma_start3A_303 : memref<128xf32, #tpu.memory_space<vmem>>) target(%dma_start3A_308 : memref<1048576xf32, #tpu.memory_space<vmem_shared>>) offsets(%dma_start3A_306 : memref<128xi32, #tpu.memory_space<vmem>>) semaphore(%arg15 : memref<!tpu.dma_semaphore, #tpu.memory_space<semaphore_mem>>) {add = true}
      %dma_wait3A_309 = arith.constant 11 : i32
      %dma_wait3A_310 = arith.constant 1408 : i32
      %dma_wait3A_311 = tpu.memref_slice %arg12[%dma_wait3A_310] : memref<8448xf32, #tpu.memory_space<vmem>> -> memref<128xf32, #tpu.memory_space<vmem>>
      %dma_wait3A_312 = arith.constant 0 : i32
      %dma_wait3A_313 = tpu.memref_slice %arg11[%dma_wait3A_309, %dma_wait3A_312] : memref<66x128xi32, #tpu.memory_space<vmem>> -> memref<1x128xi32, #tpu.memory_space<vmem>>
      %dma_wait3A_314 = tpu.memref_squeeze %dma_wait3A_313 : memref<1x128xi32, #tpu.memory_space<vmem>> -> memref<128xi32, #tpu.memory_space<vmem>>
      %dma_wait3A_315 = arith.constant 0 : i32
      %dma_wait3A_316 = tpu.memref_slice %arg14[%dma_wait3A_315] : memref<1048576xf32, #tpu.memory_space<vmem_shared>> -> memref<1048576xf32, #tpu.memory_space<vmem_shared>>
      tpu.wait_indirect_dma semaphore(%arg15 : memref<!tpu.dma_semaphore, #tpu.memory_space<semaphore_mem>>) src(%dma_wait3A_311 : memref<128xf32, #tpu.memory_space<vmem>>) dst(%dma_wait3A_316 : memref<1048576xf32, #tpu.memory_space<vmem_shared>>)
      %dma_start3A_317 = arith.constant 16 : i32
      %dma_start3A_318 = arith.constant 2048 : i32
      %dma_start3A_319 = tpu.memref_slice %arg12[%dma_start3A_318] : memref<8448xf32, #tpu.memory_space<vmem>> -> memref<128xf32, #tpu.memory_space<vmem>>
      %dma_start3A_320 = arith.constant 0 : i32
      %dma_start3A_321 = tpu.memref_slice %arg11[%dma_start3A_317, %dma_start3A_320] : memref<66x128xi32, #tpu.memory_space<vmem>> -> memref<1x128xi32, #tpu.memory_space<vmem>>
      %dma_start3A_322 = tpu.memref_squeeze %dma_start3A_321 : memref<1x128xi32, #tpu.memory_space<vmem>> -> memref<128xi32, #tpu.memory_space<vmem>>
      %dma_start3A_323 = arith.constant 0 : i32
      %dma_start3A_324 = tpu.memref_slice %arg14[%dma_start3A_323] : memref<1048576xf32, #tpu.memory_space<vmem_shared>> -> memref<1048576xf32, #tpu.memory_space<vmem_shared>>
      tpu.enqueue_indirect_dma source(%dma_start3A_319 : memref<128xf32, #tpu.memory_space<vmem>>) target(%dma_start3A_324 : memref<1048576xf32, #tpu.memory_space<vmem_shared>>) offsets(%dma_start3A_322 : memref<128xi32, #tpu.memory_space<vmem>>) semaphore(%arg15 : memref<!tpu.dma_semaphore, #tpu.memory_space<semaphore_mem>>) {add = true}
      %dma_wait3A_325 = arith.constant 12 : i32
      %dma_wait3A_326 = arith.constant 1536 : i32
      %dma_wait3A_327 = tpu.memref_slice %arg12[%dma_wait3A_326] : memref<8448xf32, #tpu.memory_space<vmem>> -> memref<128xf32, #tpu.memory_space<vmem>>
      %dma_wait3A_328 = arith.constant 0 : i32
      %dma_wait3A_329 = tpu.memref_slice %arg11[%dma_wait3A_325, %dma_wait3A_328] : memref<66x128xi32, #tpu.memory_space<vmem>> -> memref<1x128xi32, #tpu.memory_space<vmem>>
      %dma_wait3A_330 = tpu.memref_squeeze %dma_wait3A_329 : memref<1x128xi32, #tpu.memory_space<vmem>> -> memref<128xi32, #tpu.memory_space<vmem>>
      %dma_wait3A_331 = arith.constant 0 : i32
      %dma_wait3A_332 = tpu.memref_slice %arg14[%dma_wait3A_331] : memref<1048576xf32, #tpu.memory_space<vmem_shared>> -> memref<1048576xf32, #tpu.memory_space<vmem_shared>>
      tpu.wait_indirect_dma semaphore(%arg15 : memref<!tpu.dma_semaphore, #tpu.memory_space<semaphore_mem>>) src(%dma_wait3A_327 : memref<128xf32, #tpu.memory_space<vmem>>) dst(%dma_wait3A_332 : memref<1048576xf32, #tpu.memory_space<vmem_shared>>)
      %dma_start3A_333 = arith.constant 17 : i32
      %dma_start3A_334 = arith.constant 2176 : i32
      %dma_start3A_335 = tpu.memref_slice %arg12[%dma_start3A_334] : memref<8448xf32, #tpu.memory_space<vmem>> -> memref<128xf32, #tpu.memory_space<vmem>>
      %dma_start3A_336 = arith.constant 0 : i32
      %dma_start3A_337 = tpu.memref_slice %arg11[%dma_start3A_333, %dma_start3A_336] : memref<66x128xi32, #tpu.memory_space<vmem>> -> memref<1x128xi32, #tpu.memory_space<vmem>>
      %dma_start3A_338 = tpu.memref_squeeze %dma_start3A_337 : memref<1x128xi32, #tpu.memory_space<vmem>> -> memref<128xi32, #tpu.memory_space<vmem>>
      %dma_start3A_339 = arith.constant 0 : i32
      %dma_start3A_340 = tpu.memref_slice %arg14[%dma_start3A_339] : memref<1048576xf32, #tpu.memory_space<vmem_shared>> -> memref<1048576xf32, #tpu.memory_space<vmem_shared>>
      tpu.enqueue_indirect_dma source(%dma_start3A_335 : memref<128xf32, #tpu.memory_space<vmem>>) target(%dma_start3A_340 : memref<1048576xf32, #tpu.memory_space<vmem_shared>>) offsets(%dma_start3A_338 : memref<128xi32, #tpu.memory_space<vmem>>) semaphore(%arg15 : memref<!tpu.dma_semaphore, #tpu.memory_space<semaphore_mem>>) {add = true}
      %dma_wait3A_341 = arith.constant 13 : i32
      %dma_wait3A_342 = arith.constant 1664 : i32
      %dma_wait3A_343 = tpu.memref_slice %arg12[%dma_wait3A_342] : memref<8448xf32, #tpu.memory_space<vmem>> -> memref<128xf32, #tpu.memory_space<vmem>>
      %dma_wait3A_344 = arith.constant 0 : i32
      %dma_wait3A_345 = tpu.memref_slice %arg11[%dma_wait3A_341, %dma_wait3A_344] : memref<66x128xi32, #tpu.memory_space<vmem>> -> memref<1x128xi32, #tpu.memory_space<vmem>>
      %dma_wait3A_346 = tpu.memref_squeeze %dma_wait3A_345 : memref<1x128xi32, #tpu.memory_space<vmem>> -> memref<128xi32, #tpu.memory_space<vmem>>
      %dma_wait3A_347 = arith.constant 0 : i32
      %dma_wait3A_348 = tpu.memref_slice %arg14[%dma_wait3A_347] : memref<1048576xf32, #tpu.memory_space<vmem_shared>> -> memref<1048576xf32, #tpu.memory_space<vmem_shared>>
      tpu.wait_indirect_dma semaphore(%arg15 : memref<!tpu.dma_semaphore, #tpu.memory_space<semaphore_mem>>) src(%dma_wait3A_343 : memref<128xf32, #tpu.memory_space<vmem>>) dst(%dma_wait3A_348 : memref<1048576xf32, #tpu.memory_space<vmem_shared>>)
      %dma_start3A_349 = arith.constant 18 : i32
      %dma_start3A_350 = arith.constant 2304 : i32
      %dma_start3A_351 = tpu.memref_slice %arg12[%dma_start3A_350] : memref<8448xf32, #tpu.memory_space<vmem>> -> memref<128xf32, #tpu.memory_space<vmem>>
      %dma_start3A_352 = arith.constant 0 : i32
      %dma_start3A_353 = tpu.memref_slice %arg11[%dma_start3A_349, %dma_start3A_352] : memref<66x128xi32, #tpu.memory_space<vmem>> -> memref<1x128xi32, #tpu.memory_space<vmem>>
      %dma_start3A_354 = tpu.memref_squeeze %dma_start3A_353 : memref<1x128xi32, #tpu.memory_space<vmem>> -> memref<128xi32, #tpu.memory_space<vmem>>
      %dma_start3A_355 = arith.constant 0 : i32
      %dma_start3A_356 = tpu.memref_slice %arg14[%dma_start3A_355] : memref<1048576xf32, #tpu.memory_space<vmem_shared>> -> memref<1048576xf32, #tpu.memory_space<vmem_shared>>
      tpu.enqueue_indirect_dma source(%dma_start3A_351 : memref<128xf32, #tpu.memory_space<vmem>>) target(%dma_start3A_356 : memref<1048576xf32, #tpu.memory_space<vmem_shared>>) offsets(%dma_start3A_354 : memref<128xi32, #tpu.memory_space<vmem>>) semaphore(%arg15 : memref<!tpu.dma_semaphore, #tpu.memory_space<semaphore_mem>>) {add = true}
      %dma_wait3A_357 = arith.constant 14 : i32
      %dma_wait3A_358 = arith.constant 1792 : i32
      %dma_wait3A_359 = tpu.memref_slice %arg12[%dma_wait3A_358] : memref<8448xf32, #tpu.memory_space<vmem>> -> memref<128xf32, #tpu.memory_space<vmem>>
      %dma_wait3A_360 = arith.constant 0 : i32
      %dma_wait3A_361 = tpu.memref_slice %arg11[%dma_wait3A_357, %dma_wait3A_360] : memref<66x128xi32, #tpu.memory_space<vmem>> -> memref<1x128xi32, #tpu.memory_space<vmem>>
      %dma_wait3A_362 = tpu.memref_squeeze %dma_wait3A_361 : memref<1x128xi32, #tpu.memory_space<vmem>> -> memref<128xi32, #tpu.memory_space<vmem>>
      %dma_wait3A_363 = arith.constant 0 : i32
      %dma_wait3A_364 = tpu.memref_slice %arg14[%dma_wait3A_363] : memref<1048576xf32, #tpu.memory_space<vmem_shared>> -> memref<1048576xf32, #tpu.memory_space<vmem_shared>>
      tpu.wait_indirect_dma semaphore(%arg15 : memref<!tpu.dma_semaphore, #tpu.memory_space<semaphore_mem>>) src(%dma_wait3A_359 : memref<128xf32, #tpu.memory_space<vmem>>) dst(%dma_wait3A_364 : memref<1048576xf32, #tpu.memory_space<vmem_shared>>)
      %dma_start3A_365 = arith.constant 19 : i32
      %dma_start3A_366 = arith.constant 2432 : i32
      %dma_start3A_367 = tpu.memref_slice %arg12[%dma_start3A_366] : memref<8448xf32, #tpu.memory_space<vmem>> -> memref<128xf32, #tpu.memory_space<vmem>>
      %dma_start3A_368 = arith.constant 0 : i32
      %dma_start3A_369 = tpu.memref_slice %arg11[%dma_start3A_365, %dma_start3A_368] : memref<66x128xi32, #tpu.memory_space<vmem>> -> memref<1x128xi32, #tpu.memory_space<vmem>>
      %dma_start3A_370 = tpu.memref_squeeze %dma_start3A_369 : memref<1x128xi32, #tpu.memory_space<vmem>> -> memref<128xi32, #tpu.memory_space<vmem>>
      %dma_start3A_371 = arith.constant 0 : i32
      %dma_start3A_372 = tpu.memref_slice %arg14[%dma_start3A_371] : memref<1048576xf32, #tpu.memory_space<vmem_shared>> -> memref<1048576xf32, #tpu.memory_space<vmem_shared>>
      tpu.enqueue_indirect_dma source(%dma_start3A_367 : memref<128xf32, #tpu.memory_space<vmem>>) target(%dma_start3A_372 : memref<1048576xf32, #tpu.memory_space<vmem_shared>>) offsets(%dma_start3A_370 : memref<128xi32, #tpu.memory_space<vmem>>) semaphore(%arg15 : memref<!tpu.dma_semaphore, #tpu.memory_space<semaphore_mem>>) {add = true}
      %dma_wait3A_373 = arith.constant 15 : i32
      %dma_wait3A_374 = arith.constant 1920 : i32
      %dma_wait3A_375 = tpu.memref_slice %arg12[%dma_wait3A_374] : memref<8448xf32, #tpu.memory_space<vmem>> -> memref<128xf32, #tpu.memory_space<vmem>>
      %dma_wait3A_376 = arith.constant 0 : i32
      %dma_wait3A_377 = tpu.memref_slice %arg11[%dma_wait3A_373, %dma_wait3A_376] : memref<66x128xi32, #tpu.memory_space<vmem>> -> memref<1x128xi32, #tpu.memory_space<vmem>>
      %dma_wait3A_378 = tpu.memref_squeeze %dma_wait3A_377 : memref<1x128xi32, #tpu.memory_space<vmem>> -> memref<128xi32, #tpu.memory_space<vmem>>
      %dma_wait3A_379 = arith.constant 0 : i32
      %dma_wait3A_380 = tpu.memref_slice %arg14[%dma_wait3A_379] : memref<1048576xf32, #tpu.memory_space<vmem_shared>> -> memref<1048576xf32, #tpu.memory_space<vmem_shared>>
      tpu.wait_indirect_dma semaphore(%arg15 : memref<!tpu.dma_semaphore, #tpu.memory_space<semaphore_mem>>) src(%dma_wait3A_375 : memref<128xf32, #tpu.memory_space<vmem>>) dst(%dma_wait3A_380 : memref<1048576xf32, #tpu.memory_space<vmem_shared>>)
      %dma_start3A_381 = arith.constant 20 : i32
      %dma_start3A_382 = arith.constant 2560 : i32
      %dma_start3A_383 = tpu.memref_slice %arg12[%dma_start3A_382] : memref<8448xf32, #tpu.memory_space<vmem>> -> memref<128xf32, #tpu.memory_space<vmem>>
      %dma_start3A_384 = arith.constant 0 : i32
      %dma_start3A_385 = tpu.memref_slice %arg11[%dma_start3A_381, %dma_start3A_384] : memref<66x128xi32, #tpu.memory_space<vmem>> -> memref<1x128xi32, #tpu.memory_space<vmem>>
      %dma_start3A_386 = tpu.memref_squeeze %dma_start3A_385 : memref<1x128xi32, #tpu.memory_space<vmem>> -> memref<128xi32, #tpu.memory_space<vmem>>
      %dma_start3A_387 = arith.constant 0 : i32
      %dma_start3A_388 = tpu.memref_slice %arg14[%dma_start3A_387] : memref<1048576xf32, #tpu.memory_space<vmem_shared>> -> memref<1048576xf32, #tpu.memory_space<vmem_shared>>
      tpu.enqueue_indirect_dma source(%dma_start3A_383 : memref<128xf32, #tpu.memory_space<vmem>>) target(%dma_start3A_388 : memref<1048576xf32, #tpu.memory_space<vmem_shared>>) offsets(%dma_start3A_386 : memref<128xi32, #tpu.memory_space<vmem>>) semaphore(%arg15 : memref<!tpu.dma_semaphore, #tpu.memory_space<semaphore_mem>>) {add = true}
      %dma_wait3A_389 = arith.constant 16 : i32
      %dma_wait3A_390 = arith.constant 2048 : i32
      %dma_wait3A_391 = tpu.memref_slice %arg12[%dma_wait3A_390] : memref<8448xf32, #tpu.memory_space<vmem>> -> memref<128xf32, #tpu.memory_space<vmem>>
      %dma_wait3A_392 = arith.constant 0 : i32
      %dma_wait3A_393 = tpu.memref_slice %arg11[%dma_wait3A_389, %dma_wait3A_392] : memref<66x128xi32, #tpu.memory_space<vmem>> -> memref<1x128xi32, #tpu.memory_space<vmem>>
      %dma_wait3A_394 = tpu.memref_squeeze %dma_wait3A_393 : memref<1x128xi32, #tpu.memory_space<vmem>> -> memref<128xi32, #tpu.memory_space<vmem>>
      %dma_wait3A_395 = arith.constant 0 : i32
      %dma_wait3A_396 = tpu.memref_slice %arg14[%dma_wait3A_395] : memref<1048576xf32, #tpu.memory_space<vmem_shared>> -> memref<1048576xf32, #tpu.memory_space<vmem_shared>>
      tpu.wait_indirect_dma semaphore(%arg15 : memref<!tpu.dma_semaphore, #tpu.memory_space<semaphore_mem>>) src(%dma_wait3A_391 : memref<128xf32, #tpu.memory_space<vmem>>) dst(%dma_wait3A_396 : memref<1048576xf32, #tpu.memory_space<vmem_shared>>)
      %dma_start3A_397 = arith.constant 21 : i32
      %dma_start3A_398 = arith.constant 2688 : i32
      %dma_start3A_399 = tpu.memref_slice %arg12[%dma_start3A_398] : memref<8448xf32, #tpu.memory_space<vmem>> -> memref<128xf32, #tpu.memory_space<vmem>>
      %dma_start3A_400 = arith.constant 0 : i32
      %dma_start3A_401 = tpu.memref_slice %arg11[%dma_start3A_397, %dma_start3A_400] : memref<66x128xi32, #tpu.memory_space<vmem>> -> memref<1x128xi32, #tpu.memory_space<vmem>>
      %dma_start3A_402 = tpu.memref_squeeze %dma_start3A_401 : memref<1x128xi32, #tpu.memory_space<vmem>> -> memref<128xi32, #tpu.memory_space<vmem>>
      %dma_start3A_403 = arith.constant 0 : i32
      %dma_start3A_404 = tpu.memref_slice %arg14[%dma_start3A_403] : memref<1048576xf32, #tpu.memory_space<vmem_shared>> -> memref<1048576xf32, #tpu.memory_space<vmem_shared>>
      tpu.enqueue_indirect_dma source(%dma_start3A_399 : memref<128xf32, #tpu.memory_space<vmem>>) target(%dma_start3A_404 : memref<1048576xf32, #tpu.memory_space<vmem_shared>>) offsets(%dma_start3A_402 : memref<128xi32, #tpu.memory_space<vmem>>) semaphore(%arg15 : memref<!tpu.dma_semaphore, #tpu.memory_space<semaphore_mem>>) {add = true}
      %dma_wait3A_405 = arith.constant 17 : i32
      %dma_wait3A_406 = arith.constant 2176 : i32
      %dma_wait3A_407 = tpu.memref_slice %arg12[%dma_wait3A_406] : memref<8448xf32, #tpu.memory_space<vmem>> -> memref<128xf32, #tpu.memory_space<vmem>>
      %dma_wait3A_408 = arith.constant 0 : i32
      %dma_wait3A_409 = tpu.memref_slice %arg11[%dma_wait3A_405, %dma_wait3A_408] : memref<66x128xi32, #tpu.memory_space<vmem>> -> memref<1x128xi32, #tpu.memory_space<vmem>>
      %dma_wait3A_410 = tpu.memref_squeeze %dma_wait3A_409 : memref<1x128xi32, #tpu.memory_space<vmem>> -> memref<128xi32, #tpu.memory_space<vmem>>
      %dma_wait3A_411 = arith.constant 0 : i32
      %dma_wait3A_412 = tpu.memref_slice %arg14[%dma_wait3A_411] : memref<1048576xf32, #tpu.memory_space<vmem_shared>> -> memref<1048576xf32, #tpu.memory_space<vmem_shared>>
      tpu.wait_indirect_dma semaphore(%arg15 : memref<!tpu.dma_semaphore, #tpu.memory_space<semaphore_mem>>) src(%dma_wait3A_407 : memref<128xf32, #tpu.memory_space<vmem>>) dst(%dma_wait3A_412 : memref<1048576xf32, #tpu.memory_space<vmem_shared>>)
      %dma_start3A_413 = arith.constant 22 : i32
      %dma_start3A_414 = arith.constant 2816 : i32
      %dma_start3A_415 = tpu.memref_slice %arg12[%dma_start3A_414] : memref<8448xf32, #tpu.memory_space<vmem>> -> memref<128xf32, #tpu.memory_space<vmem>>
      %dma_start3A_416 = arith.constant 0 : i32
      %dma_start3A_417 = tpu.memref_slice %arg11[%dma_start3A_413, %dma_start3A_416] : memref<66x128xi32, #tpu.memory_space<vmem>> -> memref<1x128xi32, #tpu.memory_space<vmem>>
      %dma_start3A_418 = tpu.memref_squeeze %dma_start3A_417 : memref<1x128xi32, #tpu.memory_space<vmem>> -> memref<128xi32, #tpu.memory_space<vmem>>
      %dma_start3A_419 = arith.constant 0 : i32
      %dma_start3A_420 = tpu.memref_slice %arg14[%dma_start3A_419] : memref<1048576xf32, #tpu.memory_space<vmem_shared>> -> memref<1048576xf32, #tpu.memory_space<vmem_shared>>
      tpu.enqueue_indirect_dma source(%dma_start3A_415 : memref<128xf32, #tpu.memory_space<vmem>>) target(%dma_start3A_420 : memref<1048576xf32, #tpu.memory_space<vmem_shared>>) offsets(%dma_start3A_418 : memref<128xi32, #tpu.memory_space<vmem>>) semaphore(%arg15 : memref<!tpu.dma_semaphore, #tpu.memory_space<semaphore_mem>>) {add = true}
      %dma_wait3A_421 = arith.constant 18 : i32
      %dma_wait3A_422 = arith.constant 2304 : i32
      %dma_wait3A_423 = tpu.memref_slice %arg12[%dma_wait3A_422] : memref<8448xf32, #tpu.memory_space<vmem>> -> memref<128xf32, #tpu.memory_space<vmem>>
      %dma_wait3A_424 = arith.constant 0 : i32
      %dma_wait3A_425 = tpu.memref_slice %arg11[%dma_wait3A_421, %dma_wait3A_424] : memref<66x128xi32, #tpu.memory_space<vmem>> -> memref<1x128xi32, #tpu.memory_space<vmem>>
      %dma_wait3A_426 = tpu.memref_squeeze %dma_wait3A_425 : memref<1x128xi32, #tpu.memory_space<vmem>> -> memref<128xi32, #tpu.memory_space<vmem>>
      %dma_wait3A_427 = arith.constant 0 : i32
      %dma_wait3A_428 = tpu.memref_slice %arg14[%dma_wait3A_427] : memref<1048576xf32, #tpu.memory_space<vmem_shared>> -> memref<1048576xf32, #tpu.memory_space<vmem_shared>>
      tpu.wait_indirect_dma semaphore(%arg15 : memref<!tpu.dma_semaphore, #tpu.memory_space<semaphore_mem>>) src(%dma_wait3A_423 : memref<128xf32, #tpu.memory_space<vmem>>) dst(%dma_wait3A_428 : memref<1048576xf32, #tpu.memory_space<vmem_shared>>)
      %dma_start3A_429 = arith.constant 23 : i32
      %dma_start3A_430 = arith.constant 2944 : i32
      %dma_start3A_431 = tpu.memref_slice %arg12[%dma_start3A_430] : memref<8448xf32, #tpu.memory_space<vmem>> -> memref<128xf32, #tpu.memory_space<vmem>>
      %dma_start3A_432 = arith.constant 0 : i32
      %dma_start3A_433 = tpu.memref_slice %arg11[%dma_start3A_429, %dma_start3A_432] : memref<66x128xi32, #tpu.memory_space<vmem>> -> memref<1x128xi32, #tpu.memory_space<vmem>>
      %dma_start3A_434 = tpu.memref_squeeze %dma_start3A_433 : memref<1x128xi32, #tpu.memory_space<vmem>> -> memref<128xi32, #tpu.memory_space<vmem>>
      %dma_start3A_435 = arith.constant 0 : i32
      %dma_start3A_436 = tpu.memref_slice %arg14[%dma_start3A_435] : memref<1048576xf32, #tpu.memory_space<vmem_shared>> -> memref<1048576xf32, #tpu.memory_space<vmem_shared>>
      tpu.enqueue_indirect_dma source(%dma_start3A_431 : memref<128xf32, #tpu.memory_space<vmem>>) target(%dma_start3A_436 : memref<1048576xf32, #tpu.memory_space<vmem_shared>>) offsets(%dma_start3A_434 : memref<128xi32, #tpu.memory_space<vmem>>) semaphore(%arg15 : memref<!tpu.dma_semaphore, #tpu.memory_space<semaphore_mem>>) {add = true}
      %dma_wait3A_437 = arith.constant 19 : i32
      %dma_wait3A_438 = arith.constant 2432 : i32
      %dma_wait3A_439 = tpu.memref_slice %arg12[%dma_wait3A_438] : memref<8448xf32, #tpu.memory_space<vmem>> -> memref<128xf32, #tpu.memory_space<vmem>>
      %dma_wait3A_440 = arith.constant 0 : i32
      %dma_wait3A_441 = tpu.memref_slice %arg11[%dma_wait3A_437, %dma_wait3A_440] : memref<66x128xi32, #tpu.memory_space<vmem>> -> memref<1x128xi32, #tpu.memory_space<vmem>>
      %dma_wait3A_442 = tpu.memref_squeeze %dma_wait3A_441 : memref<1x128xi32, #tpu.memory_space<vmem>> -> memref<128xi32, #tpu.memory_space<vmem>>
      %dma_wait3A_443 = arith.constant 0 : i32
      %dma_wait3A_444 = tpu.memref_slice %arg14[%dma_wait3A_443] : memref<1048576xf32, #tpu.memory_space<vmem_shared>> -> memref<1048576xf32, #tpu.memory_space<vmem_shared>>
      tpu.wait_indirect_dma semaphore(%arg15 : memref<!tpu.dma_semaphore, #tpu.memory_space<semaphore_mem>>) src(%dma_wait3A_439 : memref<128xf32, #tpu.memory_space<vmem>>) dst(%dma_wait3A_444 : memref<1048576xf32, #tpu.memory_space<vmem_shared>>)
      %dma_start3A_445 = arith.constant 24 : i32
      %dma_start3A_446 = arith.constant 3072 : i32
      %dma_start3A_447 = tpu.memref_slice %arg12[%dma_start3A_446] : memref<8448xf32, #tpu.memory_space<vmem>> -> memref<128xf32, #tpu.memory_space<vmem>>
      %dma_start3A_448 = arith.constant 0 : i32
      %dma_start3A_449 = tpu.memref_slice %arg11[%dma_start3A_445, %dma_start3A_448] : memref<66x128xi32, #tpu.memory_space<vmem>> -> memref<1x128xi32, #tpu.memory_space<vmem>>
      %dma_start3A_450 = tpu.memref_squeeze %dma_start3A_449 : memref<1x128xi32, #tpu.memory_space<vmem>> -> memref<128xi32, #tpu.memory_space<vmem>>
      %dma_start3A_451 = arith.constant 0 : i32
      %dma_start3A_452 = tpu.memref_slice %arg14[%dma_start3A_451] : memref<1048576xf32, #tpu.memory_space<vmem_shared>> -> memref<1048576xf32, #tpu.memory_space<vmem_shared>>
      tpu.enqueue_indirect_dma source(%dma_start3A_447 : memref<128xf32, #tpu.memory_space<vmem>>) target(%dma_start3A_452 : memref<1048576xf32, #tpu.memory_space<vmem_shared>>) offsets(%dma_start3A_450 : memref<128xi32, #tpu.memory_space<vmem>>) semaphore(%arg15 : memref<!tpu.dma_semaphore, #tpu.memory_space<semaphore_mem>>) {add = true}
      %dma_wait3A_453 = arith.constant 20 : i32
      %dma_wait3A_454 = arith.constant 2560 : i32
      %dma_wait3A_455 = tpu.memref_slice %arg12[%dma_wait3A_454] : memref<8448xf32, #tpu.memory_space<vmem>> -> memref<128xf32, #tpu.memory_space<vmem>>
      %dma_wait3A_456 = arith.constant 0 : i32
      %dma_wait3A_457 = tpu.memref_slice %arg11[%dma_wait3A_453, %dma_wait3A_456] : memref<66x128xi32, #tpu.memory_space<vmem>> -> memref<1x128xi32, #tpu.memory_space<vmem>>
      %dma_wait3A_458 = tpu.memref_squeeze %dma_wait3A_457 : memref<1x128xi32, #tpu.memory_space<vmem>> -> memref<128xi32, #tpu.memory_space<vmem>>
      %dma_wait3A_459 = arith.constant 0 : i32
      %dma_wait3A_460 = tpu.memref_slice %arg14[%dma_wait3A_459] : memref<1048576xf32, #tpu.memory_space<vmem_shared>> -> memref<1048576xf32, #tpu.memory_space<vmem_shared>>
      tpu.wait_indirect_dma semaphore(%arg15 : memref<!tpu.dma_semaphore, #tpu.memory_space<semaphore_mem>>) src(%dma_wait3A_455 : memref<128xf32, #tpu.memory_space<vmem>>) dst(%dma_wait3A_460 : memref<1048576xf32, #tpu.memory_space<vmem_shared>>)
      %dma_start3A_461 = arith.constant 25 : i32
      %dma_start3A_462 = arith.constant 3200 : i32
      %dma_start3A_463 = tpu.memref_slice %arg12[%dma_start3A_462] : memref<8448xf32, #tpu.memory_space<vmem>> -> memref<128xf32, #tpu.memory_space<vmem>>
      %dma_start3A_464 = arith.constant 0 : i32
      %dma_start3A_465 = tpu.memref_slice %arg11[%dma_start3A_461, %dma_start3A_464] : memref<66x128xi32, #tpu.memory_space<vmem>> -> memref<1x128xi32, #tpu.memory_space<vmem>>
      %dma_start3A_466 = tpu.memref_squeeze %dma_start3A_465 : memref<1x128xi32, #tpu.memory_space<vmem>> -> memref<128xi32, #tpu.memory_space<vmem>>
      %dma_start3A_467 = arith.constant 0 : i32
      %dma_start3A_468 = tpu.memref_slice %arg14[%dma_start3A_467] : memref<1048576xf32, #tpu.memory_space<vmem_shared>> -> memref<1048576xf32, #tpu.memory_space<vmem_shared>>
      tpu.enqueue_indirect_dma source(%dma_start3A_463 : memref<128xf32, #tpu.memory_space<vmem>>) target(%dma_start3A_468 : memref<1048576xf32, #tpu.memory_space<vmem_shared>>) offsets(%dma_start3A_466 : memref<128xi32, #tpu.memory_space<vmem>>) semaphore(%arg15 : memref<!tpu.dma_semaphore, #tpu.memory_space<semaphore_mem>>) {add = true}
      %dma_wait3A_469 = arith.constant 21 : i32
      %dma_wait3A_470 = arith.constant 2688 : i32
      %dma_wait3A_471 = tpu.memref_slice %arg12[%dma_wait3A_470] : memref<8448xf32, #tpu.memory_space<vmem>> -> memref<128xf32, #tpu.memory_space<vmem>>
      %dma_wait3A_472 = arith.constant 0 : i32
      %dma_wait3A_473 = tpu.memref_slice %arg11[%dma_wait3A_469, %dma_wait3A_472] : memref<66x128xi32, #tpu.memory_space<vmem>> -> memref<1x128xi32, #tpu.memory_space<vmem>>
      %dma_wait3A_474 = tpu.memref_squeeze %dma_wait3A_473 : memref<1x128xi32, #tpu.memory_space<vmem>> -> memref<128xi32, #tpu.memory_space<vmem>>
      %dma_wait3A_475 = arith.constant 0 : i32
      %dma_wait3A_476 = tpu.memref_slice %arg14[%dma_wait3A_475] : memref<1048576xf32, #tpu.memory_space<vmem_shared>> -> memref<1048576xf32, #tpu.memory_space<vmem_shared>>
      tpu.wait_indirect_dma semaphore(%arg15 : memref<!tpu.dma_semaphore, #tpu.memory_space<semaphore_mem>>) src(%dma_wait3A_471 : memref<128xf32, #tpu.memory_space<vmem>>) dst(%dma_wait3A_476 : memref<1048576xf32, #tpu.memory_space<vmem_shared>>)
      %dma_start3A_477 = arith.constant 26 : i32
      %dma_start3A_478 = arith.constant 3328 : i32
      %dma_start3A_479 = tpu.memref_slice %arg12[%dma_start3A_478] : memref<8448xf32, #tpu.memory_space<vmem>> -> memref<128xf32, #tpu.memory_space<vmem>>
      %dma_start3A_480 = arith.constant 0 : i32
      %dma_start3A_481 = tpu.memref_slice %arg11[%dma_start3A_477, %dma_start3A_480] : memref<66x128xi32, #tpu.memory_space<vmem>> -> memref<1x128xi32, #tpu.memory_space<vmem>>
      %dma_start3A_482 = tpu.memref_squeeze %dma_start3A_481 : memref<1x128xi32, #tpu.memory_space<vmem>> -> memref<128xi32, #tpu.memory_space<vmem>>
      %dma_start3A_483 = arith.constant 0 : i32
      %dma_start3A_484 = tpu.memref_slice %arg14[%dma_start3A_483] : memref<1048576xf32, #tpu.memory_space<vmem_shared>> -> memref<1048576xf32, #tpu.memory_space<vmem_shared>>
      tpu.enqueue_indirect_dma source(%dma_start3A_479 : memref<128xf32, #tpu.memory_space<vmem>>) target(%dma_start3A_484 : memref<1048576xf32, #tpu.memory_space<vmem_shared>>) offsets(%dma_start3A_482 : memref<128xi32, #tpu.memory_space<vmem>>) semaphore(%arg15 : memref<!tpu.dma_semaphore, #tpu.memory_space<semaphore_mem>>) {add = true}
      %dma_wait3A_485 = arith.constant 22 : i32
      %dma_wait3A_486 = arith.constant 2816 : i32
      %dma_wait3A_487 = tpu.memref_slice %arg12[%dma_wait3A_486] : memref<8448xf32, #tpu.memory_space<vmem>> -> memref<128xf32, #tpu.memory_space<vmem>>
      %dma_wait3A_488 = arith.constant 0 : i32
      %dma_wait3A_489 = tpu.memref_slice %arg11[%dma_wait3A_485, %dma_wait3A_488] : memref<66x128xi32, #tpu.memory_space<vmem>> -> memref<1x128xi32, #tpu.memory_space<vmem>>
      %dma_wait3A_490 = tpu.memref_squeeze %dma_wait3A_489 : memref<1x128xi32, #tpu.memory_space<vmem>> -> memref<128xi32, #tpu.memory_space<vmem>>
      %dma_wait3A_491 = arith.constant 0 : i32
      %dma_wait3A_492 = tpu.memref_slice %arg14[%dma_wait3A_491] : memref<1048576xf32, #tpu.memory_space<vmem_shared>> -> memref<1048576xf32, #tpu.memory_space<vmem_shared>>
      tpu.wait_indirect_dma semaphore(%arg15 : memref<!tpu.dma_semaphore, #tpu.memory_space<semaphore_mem>>) src(%dma_wait3A_487 : memref<128xf32, #tpu.memory_space<vmem>>) dst(%dma_wait3A_492 : memref<1048576xf32, #tpu.memory_space<vmem_shared>>)
      %dma_start3A_493 = arith.constant 27 : i32
      %dma_start3A_494 = arith.constant 3456 : i32
      %dma_start3A_495 = tpu.memref_slice %arg12[%dma_start3A_494] : memref<8448xf32, #tpu.memory_space<vmem>> -> memref<128xf32, #tpu.memory_space<vmem>>
      %dma_start3A_496 = arith.constant 0 : i32
      %dma_start3A_497 = tpu.memref_slice %arg11[%dma_start3A_493, %dma_start3A_496] : memref<66x128xi32, #tpu.memory_space<vmem>> -> memref<1x128xi32, #tpu.memory_space<vmem>>
      %dma_start3A_498 = tpu.memref_squeeze %dma_start3A_497 : memref<1x128xi32, #tpu.memory_space<vmem>> -> memref<128xi32, #tpu.memory_space<vmem>>
      %dma_start3A_499 = arith.constant 0 : i32
      %dma_start3A_500 = tpu.memref_slice %arg14[%dma_start3A_499] : memref<1048576xf32, #tpu.memory_space<vmem_shared>> -> memref<1048576xf32, #tpu.memory_space<vmem_shared>>
      tpu.enqueue_indirect_dma source(%dma_start3A_495 : memref<128xf32, #tpu.memory_space<vmem>>) target(%dma_start3A_500 : memref<1048576xf32, #tpu.memory_space<vmem_shared>>) offsets(%dma_start3A_498 : memref<128xi32, #tpu.memory_space<vmem>>) semaphore(%arg15 : memref<!tpu.dma_semaphore, #tpu.memory_space<semaphore_mem>>) {add = true}
      %dma_wait3A_501 = arith.constant 23 : i32
      %dma_wait3A_502 = arith.constant 2944 : i32
      %dma_wait3A_503 = tpu.memref_slice %arg12[%dma_wait3A_502] : memref<8448xf32, #tpu.memory_space<vmem>> -> memref<128xf32, #tpu.memory_space<vmem>>
      %dma_wait3A_504 = arith.constant 0 : i32
      %dma_wait3A_505 = tpu.memref_slice %arg11[%dma_wait3A_501, %dma_wait3A_504] : memref<66x128xi32, #tpu.memory_space<vmem>> -> memref<1x128xi32, #tpu.memory_space<vmem>>
      %dma_wait3A_506 = tpu.memref_squeeze %dma_wait3A_505 : memref<1x128xi32, #tpu.memory_space<vmem>> -> memref<128xi32, #tpu.memory_space<vmem>>
      %dma_wait3A_507 = arith.constant 0 : i32
      %dma_wait3A_508 = tpu.memref_slice %arg14[%dma_wait3A_507] : memref<1048576xf32, #tpu.memory_space<vmem_shared>> -> memref<1048576xf32, #tpu.memory_space<vmem_shared>>
      tpu.wait_indirect_dma semaphore(%arg15 : memref<!tpu.dma_semaphore, #tpu.memory_space<semaphore_mem>>) src(%dma_wait3A_503 : memref<128xf32, #tpu.memory_space<vmem>>) dst(%dma_wait3A_508 : memref<1048576xf32, #tpu.memory_space<vmem_shared>>)
      %dma_start3A_509 = arith.constant 28 : i32
      %dma_start3A_510 = arith.constant 3584 : i32
      %dma_start3A_511 = tpu.memref_slice %arg12[%dma_start3A_510] : memref<8448xf32, #tpu.memory_space<vmem>> -> memref<128xf32, #tpu.memory_space<vmem>>
      %dma_start3A_512 = arith.constant 0 : i32
      %dma_start3A_513 = tpu.memref_slice %arg11[%dma_start3A_509, %dma_start3A_512] : memref<66x128xi32, #tpu.memory_space<vmem>> -> memref<1x128xi32, #tpu.memory_space<vmem>>
      %dma_start3A_514 = tpu.memref_squeeze %dma_start3A_513 : memref<1x128xi32, #tpu.memory_space<vmem>> -> memref<128xi32, #tpu.memory_space<vmem>>
      %dma_start3A_515 = arith.constant 0 : i32
      %dma_start3A_516 = tpu.memref_slice %arg14[%dma_start3A_515] : memref<1048576xf32, #tpu.memory_space<vmem_shared>> -> memref<1048576xf32, #tpu.memory_space<vmem_shared>>
      tpu.enqueue_indirect_dma source(%dma_start3A_511 : memref<128xf32, #tpu.memory_space<vmem>>) target(%dma_start3A_516 : memref<1048576xf32, #tpu.memory_space<vmem_shared>>) offsets(%dma_start3A_514 : memref<128xi32, #tpu.memory_space<vmem>>) semaphore(%arg15 : memref<!tpu.dma_semaphore, #tpu.memory_space<semaphore_mem>>) {add = true}
      %dma_wait3A_517 = arith.constant 24 : i32
      %dma_wait3A_518 = arith.constant 3072 : i32
      %dma_wait3A_519 = tpu.memref_slice %arg12[%dma_wait3A_518] : memref<8448xf32, #tpu.memory_space<vmem>> -> memref<128xf32, #tpu.memory_space<vmem>>
      %dma_wait3A_520 = arith.constant 0 : i32
      %dma_wait3A_521 = tpu.memref_slice %arg11[%dma_wait3A_517, %dma_wait3A_520] : memref<66x128xi32, #tpu.memory_space<vmem>> -> memref<1x128xi32, #tpu.memory_space<vmem>>
      %dma_wait3A_522 = tpu.memref_squeeze %dma_wait3A_521 : memref<1x128xi32, #tpu.memory_space<vmem>> -> memref<128xi32, #tpu.memory_space<vmem>>
      %dma_wait3A_523 = arith.constant 0 : i32
      %dma_wait3A_524 = tpu.memref_slice %arg14[%dma_wait3A_523] : memref<1048576xf32, #tpu.memory_space<vmem_shared>> -> memref<1048576xf32, #tpu.memory_space<vmem_shared>>
      tpu.wait_indirect_dma semaphore(%arg15 : memref<!tpu.dma_semaphore, #tpu.memory_space<semaphore_mem>>) src(%dma_wait3A_519 : memref<128xf32, #tpu.memory_space<vmem>>) dst(%dma_wait3A_524 : memref<1048576xf32, #tpu.memory_space<vmem_shared>>)
      %dma_start3A_525 = arith.constant 29 : i32
      %dma_start3A_526 = arith.constant 3712 : i32
      %dma_start3A_527 = tpu.memref_slice %arg12[%dma_start3A_526] : memref<8448xf32, #tpu.memory_space<vmem>> -> memref<128xf32, #tpu.memory_space<vmem>>
      %dma_start3A_528 = arith.constant 0 : i32
      %dma_start3A_529 = tpu.memref_slice %arg11[%dma_start3A_525, %dma_start3A_528] : memref<66x128xi32, #tpu.memory_space<vmem>> -> memref<1x128xi32, #tpu.memory_space<vmem>>
      %dma_start3A_530 = tpu.memref_squeeze %dma_start3A_529 : memref<1x128xi32, #tpu.memory_space<vmem>> -> memref<128xi32, #tpu.memory_space<vmem>>
      %dma_start3A_531 = arith.constant 0 : i32
      %dma_start3A_532 = tpu.memref_slice %arg14[%dma_start3A_531] : memref<1048576xf32, #tpu.memory_space<vmem_shared>> -> memref<1048576xf32, #tpu.memory_space<vmem_shared>>
      tpu.enqueue_indirect_dma source(%dma_start3A_527 : memref<128xf32, #tpu.memory_space<vmem>>) target(%dma_start3A_532 : memref<1048576xf32, #tpu.memory_space<vmem_shared>>) offsets(%dma_start3A_530 : memref<128xi32, #tpu.memory_space<vmem>>) semaphore(%arg15 : memref<!tpu.dma_semaphore, #tpu.memory_space<semaphore_mem>>) {add = true}
      %dma_wait3A_533 = arith.constant 25 : i32
      %dma_wait3A_534 = arith.constant 3200 : i32
      %dma_wait3A_535 = tpu.memref_slice %arg12[%dma_wait3A_534] : memref<8448xf32, #tpu.memory_space<vmem>> -> memref<128xf32, #tpu.memory_space<vmem>>
      %dma_wait3A_536 = arith.constant 0 : i32
      %dma_wait3A_537 = tpu.memref_slice %arg11[%dma_wait3A_533, %dma_wait3A_536] : memref<66x128xi32, #tpu.memory_space<vmem>> -> memref<1x128xi32, #tpu.memory_space<vmem>>
      %dma_wait3A_538 = tpu.memref_squeeze %dma_wait3A_537 : memref<1x128xi32, #tpu.memory_space<vmem>> -> memref<128xi32, #tpu.memory_space<vmem>>
      %dma_wait3A_539 = arith.constant 0 : i32
      %dma_wait3A_540 = tpu.memref_slice %arg14[%dma_wait3A_539] : memref<1048576xf32, #tpu.memory_space<vmem_shared>> -> memref<1048576xf32, #tpu.memory_space<vmem_shared>>
      tpu.wait_indirect_dma semaphore(%arg15 : memref<!tpu.dma_semaphore, #tpu.memory_space<semaphore_mem>>) src(%dma_wait3A_535 : memref<128xf32, #tpu.memory_space<vmem>>) dst(%dma_wait3A_540 : memref<1048576xf32, #tpu.memory_space<vmem_shared>>)
      %dma_start3A_541 = arith.constant 30 : i32
      %dma_start3A_542 = arith.constant 3840 : i32
      %dma_start3A_543 = tpu.memref_slice %arg12[%dma_start3A_542] : memref<8448xf32, #tpu.memory_space<vmem>> -> memref<128xf32, #tpu.memory_space<vmem>>
      %dma_start3A_544 = arith.constant 0 : i32
      %dma_start3A_545 = tpu.memref_slice %arg11[%dma_start3A_541, %dma_start3A_544] : memref<66x128xi32, #tpu.memory_space<vmem>> -> memref<1x128xi32, #tpu.memory_space<vmem>>
      %dma_start3A_546 = tpu.memref_squeeze %dma_start3A_545 : memref<1x128xi32, #tpu.memory_space<vmem>> -> memref<128xi32, #tpu.memory_space<vmem>>
      %dma_start3A_547 = arith.constant 0 : i32
      %dma_start3A_548 = tpu.memref_slice %arg14[%dma_start3A_547] : memref<1048576xf32, #tpu.memory_space<vmem_shared>> -> memref<1048576xf32, #tpu.memory_space<vmem_shared>>
      tpu.enqueue_indirect_dma source(%dma_start3A_543 : memref<128xf32, #tpu.memory_space<vmem>>) target(%dma_start3A_548 : memref<1048576xf32, #tpu.memory_space<vmem_shared>>) offsets(%dma_start3A_546 : memref<128xi32, #tpu.memory_space<vmem>>) semaphore(%arg15 : memref<!tpu.dma_semaphore, #tpu.memory_space<semaphore_mem>>) {add = true}
      %dma_wait3A_549 = arith.constant 26 : i32
      %dma_wait3A_550 = arith.constant 3328 : i32
      %dma_wait3A_551 = tpu.memref_slice %arg12[%dma_wait3A_550] : memref<8448xf32, #tpu.memory_space<vmem>> -> memref<128xf32, #tpu.memory_space<vmem>>
      %dma_wait3A_552 = arith.constant 0 : i32
      %dma_wait3A_553 = tpu.memref_slice %arg11[%dma_wait3A_549, %dma_wait3A_552] : memref<66x128xi32, #tpu.memory_space<vmem>> -> memref<1x128xi32, #tpu.memory_space<vmem>>
      %dma_wait3A_554 = tpu.memref_squeeze %dma_wait3A_553 : memref<1x128xi32, #tpu.memory_space<vmem>> -> memref<128xi32, #tpu.memory_space<vmem>>
      %dma_wait3A_555 = arith.constant 0 : i32
      %dma_wait3A_556 = tpu.memref_slice %arg14[%dma_wait3A_555] : memref<1048576xf32, #tpu.memory_space<vmem_shared>> -> memref<1048576xf32, #tpu.memory_space<vmem_shared>>
      tpu.wait_indirect_dma semaphore(%arg15 : memref<!tpu.dma_semaphore, #tpu.memory_space<semaphore_mem>>) src(%dma_wait3A_551 : memref<128xf32, #tpu.memory_space<vmem>>) dst(%dma_wait3A_556 : memref<1048576xf32, #tpu.memory_space<vmem_shared>>)
      %dma_start3A_557 = arith.constant 31 : i32
      %dma_start3A_558 = arith.constant 3968 : i32
      %dma_start3A_559 = tpu.memref_slice %arg12[%dma_start3A_558] : memref<8448xf32, #tpu.memory_space<vmem>> -> memref<128xf32, #tpu.memory_space<vmem>>
      %dma_start3A_560 = arith.constant 0 : i32
      %dma_start3A_561 = tpu.memref_slice %arg11[%dma_start3A_557, %dma_start3A_560] : memref<66x128xi32, #tpu.memory_space<vmem>> -> memref<1x128xi32, #tpu.memory_space<vmem>>
      %dma_start3A_562 = tpu.memref_squeeze %dma_start3A_561 : memref<1x128xi32, #tpu.memory_space<vmem>> -> memref<128xi32, #tpu.memory_space<vmem>>
      %dma_start3A_563 = arith.constant 0 : i32
      %dma_start3A_564 = tpu.memref_slice %arg14[%dma_start3A_563] : memref<1048576xf32, #tpu.memory_space<vmem_shared>> -> memref<1048576xf32, #tpu.memory_space<vmem_shared>>
      tpu.enqueue_indirect_dma source(%dma_start3A_559 : memref<128xf32, #tpu.memory_space<vmem>>) target(%dma_start3A_564 : memref<1048576xf32, #tpu.memory_space<vmem_shared>>) offsets(%dma_start3A_562 : memref<128xi32, #tpu.memory_space<vmem>>) semaphore(%arg15 : memref<!tpu.dma_semaphore, #tpu.memory_space<semaphore_mem>>) {add = true}
      %dma_wait3A_565 = arith.constant 27 : i32
      %dma_wait3A_566 = arith.constant 3456 : i32
      %dma_wait3A_567 = tpu.memref_slice %arg12[%dma_wait3A_566] : memref<8448xf32, #tpu.memory_space<vmem>> -> memref<128xf32, #tpu.memory_space<vmem>>
      %dma_wait3A_568 = arith.constant 0 : i32
      %dma_wait3A_569 = tpu.memref_slice %arg11[%dma_wait3A_565, %dma_wait3A_568] : memref<66x128xi32, #tpu.memory_space<vmem>> -> memref<1x128xi32, #tpu.memory_space<vmem>>
      %dma_wait3A_570 = tpu.memref_squeeze %dma_wait3A_569 : memref<1x128xi32, #tpu.memory_space<vmem>> -> memref<128xi32, #tpu.memory_space<vmem>>
      %dma_wait3A_571 = arith.constant 0 : i32
      %dma_wait3A_572 = tpu.memref_slice %arg14[%dma_wait3A_571] : memref<1048576xf32, #tpu.memory_space<vmem_shared>> -> memref<1048576xf32, #tpu.memory_space<vmem_shared>>
      tpu.wait_indirect_dma semaphore(%arg15 : memref<!tpu.dma_semaphore, #tpu.memory_space<semaphore_mem>>) src(%dma_wait3A_567 : memref<128xf32, #tpu.memory_space<vmem>>) dst(%dma_wait3A_572 : memref<1048576xf32, #tpu.memory_space<vmem_shared>>)
      %dma_start3A_573 = arith.constant 32 : i32
      %dma_start3A_574 = arith.constant 4096 : i32
      %dma_start3A_575 = tpu.memref_slice %arg12[%dma_start3A_574] : memref<8448xf32, #tpu.memory_space<vmem>> -> memref<128xf32, #tpu.memory_space<vmem>>
      %dma_start3A_576 = arith.constant 0 : i32
      %dma_start3A_577 = tpu.memref_slice %arg11[%dma_start3A_573, %dma_start3A_576] : memref<66x128xi32, #tpu.memory_space<vmem>> -> memref<1x128xi32, #tpu.memory_space<vmem>>
      %dma_start3A_578 = tpu.memref_squeeze %dma_start3A_577 : memref<1x128xi32, #tpu.memory_space<vmem>> -> memref<128xi32, #tpu.memory_space<vmem>>
      %dma_start3A_579 = arith.constant 0 : i32
      %dma_start3A_580 = tpu.memref_slice %arg14[%dma_start3A_579] : memref<1048576xf32, #tpu.memory_space<vmem_shared>> -> memref<1048576xf32, #tpu.memory_space<vmem_shared>>
      tpu.enqueue_indirect_dma source(%dma_start3A_575 : memref<128xf32, #tpu.memory_space<vmem>>) target(%dma_start3A_580 : memref<1048576xf32, #tpu.memory_space<vmem_shared>>) offsets(%dma_start3A_578 : memref<128xi32, #tpu.memory_space<vmem>>) semaphore(%arg15 : memref<!tpu.dma_semaphore, #tpu.memory_space<semaphore_mem>>) {add = true}
      %dma_wait3A_581 = arith.constant 28 : i32
      %dma_wait3A_582 = arith.constant 3584 : i32
      %dma_wait3A_583 = tpu.memref_slice %arg12[%dma_wait3A_582] : memref<8448xf32, #tpu.memory_space<vmem>> -> memref<128xf32, #tpu.memory_space<vmem>>
      %dma_wait3A_584 = arith.constant 0 : i32
      %dma_wait3A_585 = tpu.memref_slice %arg11[%dma_wait3A_581, %dma_wait3A_584] : memref<66x128xi32, #tpu.memory_space<vmem>> -> memref<1x128xi32, #tpu.memory_space<vmem>>
      %dma_wait3A_586 = tpu.memref_squeeze %dma_wait3A_585 : memref<1x128xi32, #tpu.memory_space<vmem>> -> memref<128xi32, #tpu.memory_space<vmem>>
      %dma_wait3A_587 = arith.constant 0 : i32
      %dma_wait3A_588 = tpu.memref_slice %arg14[%dma_wait3A_587] : memref<1048576xf32, #tpu.memory_space<vmem_shared>> -> memref<1048576xf32, #tpu.memory_space<vmem_shared>>
      tpu.wait_indirect_dma semaphore(%arg15 : memref<!tpu.dma_semaphore, #tpu.memory_space<semaphore_mem>>) src(%dma_wait3A_583 : memref<128xf32, #tpu.memory_space<vmem>>) dst(%dma_wait3A_588 : memref<1048576xf32, #tpu.memory_space<vmem_shared>>)
      %dma_start3A_589 = arith.constant 33 : i32
      %dma_start3A_590 = arith.constant 4224 : i32
      %dma_start3A_591 = tpu.memref_slice %arg12[%dma_start3A_590] : memref<8448xf32, #tpu.memory_space<vmem>> -> memref<128xf32, #tpu.memory_space<vmem>>
      %dma_start3A_592 = arith.constant 0 : i32
      %dma_start3A_593 = tpu.memref_slice %arg11[%dma_start3A_589, %dma_start3A_592] : memref<66x128xi32, #tpu.memory_space<vmem>> -> memref<1x128xi32, #tpu.memory_space<vmem>>
      %dma_start3A_594 = tpu.memref_squeeze %dma_start3A_593 : memref<1x128xi32, #tpu.memory_space<vmem>> -> memref<128xi32, #tpu.memory_space<vmem>>
      %dma_start3A_595 = arith.constant 0 : i32
      %dma_start3A_596 = tpu.memref_slice %arg14[%dma_start3A_595] : memref<1048576xf32, #tpu.memory_space<vmem_shared>> -> memref<1048576xf32, #tpu.memory_space<vmem_shared>>
      tpu.enqueue_indirect_dma source(%dma_start3A_591 : memref<128xf32, #tpu.memory_space<vmem>>) target(%dma_start3A_596 : memref<1048576xf32, #tpu.memory_space<vmem_shared>>) offsets(%dma_start3A_594 : memref<128xi32, #tpu.memory_space<vmem>>) semaphore(%arg15 : memref<!tpu.dma_semaphore, #tpu.memory_space<semaphore_mem>>) {add = true}
      %dma_wait3A_597 = arith.constant 29 : i32
      %dma_wait3A_598 = arith.constant 3712 : i32
      %dma_wait3A_599 = tpu.memref_slice %arg12[%dma_wait3A_598] : memref<8448xf32, #tpu.memory_space<vmem>> -> memref<128xf32, #tpu.memory_space<vmem>>
      %dma_wait3A_600 = arith.constant 0 : i32
      %dma_wait3A_601 = tpu.memref_slice %arg11[%dma_wait3A_597, %dma_wait3A_600] : memref<66x128xi32, #tpu.memory_space<vmem>> -> memref<1x128xi32, #tpu.memory_space<vmem>>
      %dma_wait3A_602 = tpu.memref_squeeze %dma_wait3A_601 : memref<1x128xi32, #tpu.memory_space<vmem>> -> memref<128xi32, #tpu.memory_space<vmem>>
      %dma_wait3A_603 = arith.constant 0 : i32
      %dma_wait3A_604 = tpu.memref_slice %arg14[%dma_wait3A_603] : memref<1048576xf32, #tpu.memory_space<vmem_shared>> -> memref<1048576xf32, #tpu.memory_space<vmem_shared>>
      tpu.wait_indirect_dma semaphore(%arg15 : memref<!tpu.dma_semaphore, #tpu.memory_space<semaphore_mem>>) src(%dma_wait3A_599 : memref<128xf32, #tpu.memory_space<vmem>>) dst(%dma_wait3A_604 : memref<1048576xf32, #tpu.memory_space<vmem_shared>>)
      %dma_start3A_605 = arith.constant 34 : i32
      %dma_start3A_606 = arith.constant 4352 : i32
      %dma_start3A_607 = tpu.memref_slice %arg12[%dma_start3A_606] : memref<8448xf32, #tpu.memory_space<vmem>> -> memref<128xf32, #tpu.memory_space<vmem>>
      %dma_start3A_608 = arith.constant 0 : i32
      %dma_start3A_609 = tpu.memref_slice %arg11[%dma_start3A_605, %dma_start3A_608] : memref<66x128xi32, #tpu.memory_space<vmem>> -> memref<1x128xi32, #tpu.memory_space<vmem>>
      %dma_start3A_610 = tpu.memref_squeeze %dma_start3A_609 : memref<1x128xi32, #tpu.memory_space<vmem>> -> memref<128xi32, #tpu.memory_space<vmem>>
      %dma_start3A_611 = arith.constant 0 : i32
      %dma_start3A_612 = tpu.memref_slice %arg14[%dma_start3A_611] : memref<1048576xf32, #tpu.memory_space<vmem_shared>> -> memref<1048576xf32, #tpu.memory_space<vmem_shared>>
      tpu.enqueue_indirect_dma source(%dma_start3A_607 : memref<128xf32, #tpu.memory_space<vmem>>) target(%dma_start3A_612 : memref<1048576xf32, #tpu.memory_space<vmem_shared>>) offsets(%dma_start3A_610 : memref<128xi32, #tpu.memory_space<vmem>>) semaphore(%arg15 : memref<!tpu.dma_semaphore, #tpu.memory_space<semaphore_mem>>) {add = true}
      %dma_wait3A_613 = arith.constant 30 : i32
      %dma_wait3A_614 = arith.constant 3840 : i32
      %dma_wait3A_615 = tpu.memref_slice %arg12[%dma_wait3A_614] : memref<8448xf32, #tpu.memory_space<vmem>> -> memref<128xf32, #tpu.memory_space<vmem>>
      %dma_wait3A_616 = arith.constant 0 : i32
      %dma_wait3A_617 = tpu.memref_slice %arg11[%dma_wait3A_613, %dma_wait3A_616] : memref<66x128xi32, #tpu.memory_space<vmem>> -> memref<1x128xi32, #tpu.memory_space<vmem>>
      %dma_wait3A_618 = tpu.memref_squeeze %dma_wait3A_617 : memref<1x128xi32, #tpu.memory_space<vmem>> -> memref<128xi32, #tpu.memory_space<vmem>>
      %dma_wait3A_619 = arith.constant 0 : i32
      %dma_wait3A_620 = tpu.memref_slice %arg14[%dma_wait3A_619] : memref<1048576xf32, #tpu.memory_space<vmem_shared>> -> memref<1048576xf32, #tpu.memory_space<vmem_shared>>
      tpu.wait_indirect_dma semaphore(%arg15 : memref<!tpu.dma_semaphore, #tpu.memory_space<semaphore_mem>>) src(%dma_wait3A_615 : memref<128xf32, #tpu.memory_space<vmem>>) dst(%dma_wait3A_620 : memref<1048576xf32, #tpu.memory_space<vmem_shared>>)
      %dma_start3A_621 = arith.constant 35 : i32
      %dma_start3A_622 = arith.constant 4480 : i32
      %dma_start3A_623 = tpu.memref_slice %arg12[%dma_start3A_622] : memref<8448xf32, #tpu.memory_space<vmem>> -> memref<128xf32, #tpu.memory_space<vmem>>
      %dma_start3A_624 = arith.constant 0 : i32
      %dma_start3A_625 = tpu.memref_slice %arg11[%dma_start3A_621, %dma_start3A_624] : memref<66x128xi32, #tpu.memory_space<vmem>> -> memref<1x128xi32, #tpu.memory_space<vmem>>
      %dma_start3A_626 = tpu.memref_squeeze %dma_start3A_625 : memref<1x128xi32, #tpu.memory_space<vmem>> -> memref<128xi32, #tpu.memory_space<vmem>>
      %dma_start3A_627 = arith.constant 0 : i32
      %dma_start3A_628 = tpu.memref_slice %arg14[%dma_start3A_627] : memref<1048576xf32, #tpu.memory_space<vmem_shared>> -> memref<1048576xf32, #tpu.memory_space<vmem_shared>>
      tpu.enqueue_indirect_dma source(%dma_start3A_623 : memref<128xf32, #tpu.memory_space<vmem>>) target(%dma_start3A_628 : memref<1048576xf32, #tpu.memory_space<vmem_shared>>) offsets(%dma_start3A_626 : memref<128xi32, #tpu.memory_space<vmem>>) semaphore(%arg15 : memref<!tpu.dma_semaphore, #tpu.memory_space<semaphore_mem>>) {add = true}
      %dma_wait3A_629 = arith.constant 31 : i32
      %dma_wait3A_630 = arith.constant 3968 : i32
      %dma_wait3A_631 = tpu.memref_slice %arg12[%dma_wait3A_630] : memref<8448xf32, #tpu.memory_space<vmem>> -> memref<128xf32, #tpu.memory_space<vmem>>
      %dma_wait3A_632 = arith.constant 0 : i32
      %dma_wait3A_633 = tpu.memref_slice %arg11[%dma_wait3A_629, %dma_wait3A_632] : memref<66x128xi32, #tpu.memory_space<vmem>> -> memref<1x128xi32, #tpu.memory_space<vmem>>
      %dma_wait3A_634 = tpu.memref_squeeze %dma_wait3A_633 : memref<1x128xi32, #tpu.memory_space<vmem>> -> memref<128xi32, #tpu.memory_space<vmem>>
      %dma_wait3A_635 = arith.constant 0 : i32
      %dma_wait3A_636 = tpu.memref_slice %arg14[%dma_wait3A_635] : memref<1048576xf32, #tpu.memory_space<vmem_shared>> -> memref<1048576xf32, #tpu.memory_space<vmem_shared>>
      tpu.wait_indirect_dma semaphore(%arg15 : memref<!tpu.dma_semaphore, #tpu.memory_space<semaphore_mem>>) src(%dma_wait3A_631 : memref<128xf32, #tpu.memory_space<vmem>>) dst(%dma_wait3A_636 : memref<1048576xf32, #tpu.memory_space<vmem_shared>>)
      %dma_start3A_637 = arith.constant 36 : i32
      %dma_start3A_638 = arith.constant 4608 : i32
      %dma_start3A_639 = tpu.memref_slice %arg12[%dma_start3A_638] : memref<8448xf32, #tpu.memory_space<vmem>> -> memref<128xf32, #tpu.memory_space<vmem>>
      %dma_start3A_640 = arith.constant 0 : i32
      %dma_start3A_641 = tpu.memref_slice %arg11[%dma_start3A_637, %dma_start3A_640] : memref<66x128xi32, #tpu.memory_space<vmem>> -> memref<1x128xi32, #tpu.memory_space<vmem>>
      %dma_start3A_642 = tpu.memref_squeeze %dma_start3A_641 : memref<1x128xi32, #tpu.memory_space<vmem>> -> memref<128xi32, #tpu.memory_space<vmem>>
      %dma_start3A_643 = arith.constant 0 : i32
      %dma_start3A_644 = tpu.memref_slice %arg14[%dma_start3A_643] : memref<1048576xf32, #tpu.memory_space<vmem_shared>> -> memref<1048576xf32, #tpu.memory_space<vmem_shared>>
      tpu.enqueue_indirect_dma source(%dma_start3A_639 : memref<128xf32, #tpu.memory_space<vmem>>) target(%dma_start3A_644 : memref<1048576xf32, #tpu.memory_space<vmem_shared>>) offsets(%dma_start3A_642 : memref<128xi32, #tpu.memory_space<vmem>>) semaphore(%arg15 : memref<!tpu.dma_semaphore, #tpu.memory_space<semaphore_mem>>) {add = true}
      %dma_wait3A_645 = arith.constant 32 : i32
      %dma_wait3A_646 = arith.constant 4096 : i32
      %dma_wait3A_647 = tpu.memref_slice %arg12[%dma_wait3A_646] : memref<8448xf32, #tpu.memory_space<vmem>> -> memref<128xf32, #tpu.memory_space<vmem>>
      %dma_wait3A_648 = arith.constant 0 : i32
      %dma_wait3A_649 = tpu.memref_slice %arg11[%dma_wait3A_645, %dma_wait3A_648] : memref<66x128xi32, #tpu.memory_space<vmem>> -> memref<1x128xi32, #tpu.memory_space<vmem>>
      %dma_wait3A_650 = tpu.memref_squeeze %dma_wait3A_649 : memref<1x128xi32, #tpu.memory_space<vmem>> -> memref<128xi32, #tpu.memory_space<vmem>>
      %dma_wait3A_651 = arith.constant 0 : i32
      %dma_wait3A_652 = tpu.memref_slice %arg14[%dma_wait3A_651] : memref<1048576xf32, #tpu.memory_space<vmem_shared>> -> memref<1048576xf32, #tpu.memory_space<vmem_shared>>
      tpu.wait_indirect_dma semaphore(%arg15 : memref<!tpu.dma_semaphore, #tpu.memory_space<semaphore_mem>>) src(%dma_wait3A_647 : memref<128xf32, #tpu.memory_space<vmem>>) dst(%dma_wait3A_652 : memref<1048576xf32, #tpu.memory_space<vmem_shared>>)
      %dma_start3A_653 = arith.constant 37 : i32
      %dma_start3A_654 = arith.constant 4736 : i32
      %dma_start3A_655 = tpu.memref_slice %arg12[%dma_start3A_654] : memref<8448xf32, #tpu.memory_space<vmem>> -> memref<128xf32, #tpu.memory_space<vmem>>
      %dma_start3A_656 = arith.constant 0 : i32
      %dma_start3A_657 = tpu.memref_slice %arg11[%dma_start3A_653, %dma_start3A_656] : memref<66x128xi32, #tpu.memory_space<vmem>> -> memref<1x128xi32, #tpu.memory_space<vmem>>
      %dma_start3A_658 = tpu.memref_squeeze %dma_start3A_657 : memref<1x128xi32, #tpu.memory_space<vmem>> -> memref<128xi32, #tpu.memory_space<vmem>>
      %dma_start3A_659 = arith.constant 0 : i32
      %dma_start3A_660 = tpu.memref_slice %arg14[%dma_start3A_659] : memref<1048576xf32, #tpu.memory_space<vmem_shared>> -> memref<1048576xf32, #tpu.memory_space<vmem_shared>>
      tpu.enqueue_indirect_dma source(%dma_start3A_655 : memref<128xf32, #tpu.memory_space<vmem>>) target(%dma_start3A_660 : memref<1048576xf32, #tpu.memory_space<vmem_shared>>) offsets(%dma_start3A_658 : memref<128xi32, #tpu.memory_space<vmem>>) semaphore(%arg15 : memref<!tpu.dma_semaphore, #tpu.memory_space<semaphore_mem>>) {add = true}
      %dma_wait3A_661 = arith.constant 33 : i32
      %dma_wait3A_662 = arith.constant 4224 : i32
      %dma_wait3A_663 = tpu.memref_slice %arg12[%dma_wait3A_662] : memref<8448xf32, #tpu.memory_space<vmem>> -> memref<128xf32, #tpu.memory_space<vmem>>
      %dma_wait3A_664 = arith.constant 0 : i32
      %dma_wait3A_665 = tpu.memref_slice %arg11[%dma_wait3A_661, %dma_wait3A_664] : memref<66x128xi32, #tpu.memory_space<vmem>> -> memref<1x128xi32, #tpu.memory_space<vmem>>
      %dma_wait3A_666 = tpu.memref_squeeze %dma_wait3A_665 : memref<1x128xi32, #tpu.memory_space<vmem>> -> memref<128xi32, #tpu.memory_space<vmem>>
      %dma_wait3A_667 = arith.constant 0 : i32
      %dma_wait3A_668 = tpu.memref_slice %arg14[%dma_wait3A_667] : memref<1048576xf32, #tpu.memory_space<vmem_shared>> -> memref<1048576xf32, #tpu.memory_space<vmem_shared>>
      tpu.wait_indirect_dma semaphore(%arg15 : memref<!tpu.dma_semaphore, #tpu.memory_space<semaphore_mem>>) src(%dma_wait3A_663 : memref<128xf32, #tpu.memory_space<vmem>>) dst(%dma_wait3A_668 : memref<1048576xf32, #tpu.memory_space<vmem_shared>>)
      %dma_start3A_669 = arith.constant 38 : i32
      %dma_start3A_670 = arith.constant 4864 : i32
      %dma_start3A_671 = tpu.memref_slice %arg12[%dma_start3A_670] : memref<8448xf32, #tpu.memory_space<vmem>> -> memref<128xf32, #tpu.memory_space<vmem>>
      %dma_start3A_672 = arith.constant 0 : i32
      %dma_start3A_673 = tpu.memref_slice %arg11[%dma_start3A_669, %dma_start3A_672] : memref<66x128xi32, #tpu.memory_space<vmem>> -> memref<1x128xi32, #tpu.memory_space<vmem>>
      %dma_start3A_674 = tpu.memref_squeeze %dma_start3A_673 : memref<1x128xi32, #tpu.memory_space<vmem>> -> memref<128xi32, #tpu.memory_space<vmem>>
      %dma_start3A_675 = arith.constant 0 : i32
      %dma_start3A_676 = tpu.memref_slice %arg14[%dma_start3A_675] : memref<1048576xf32, #tpu.memory_space<vmem_shared>> -> memref<1048576xf32, #tpu.memory_space<vmem_shared>>
      tpu.enqueue_indirect_dma source(%dma_start3A_671 : memref<128xf32, #tpu.memory_space<vmem>>) target(%dma_start3A_676 : memref<1048576xf32, #tpu.memory_space<vmem_shared>>) offsets(%dma_start3A_674 : memref<128xi32, #tpu.memory_space<vmem>>) semaphore(%arg15 : memref<!tpu.dma_semaphore, #tpu.memory_space<semaphore_mem>>) {add = true}
      %dma_wait3A_677 = arith.constant 34 : i32
      %dma_wait3A_678 = arith.constant 4352 : i32
      %dma_wait3A_679 = tpu.memref_slice %arg12[%dma_wait3A_678] : memref<8448xf32, #tpu.memory_space<vmem>> -> memref<128xf32, #tpu.memory_space<vmem>>
      %dma_wait3A_680 = arith.constant 0 : i32
      %dma_wait3A_681 = tpu.memref_slice %arg11[%dma_wait3A_677, %dma_wait3A_680] : memref<66x128xi32, #tpu.memory_space<vmem>> -> memref<1x128xi32, #tpu.memory_space<vmem>>
      %dma_wait3A_682 = tpu.memref_squeeze %dma_wait3A_681 : memref<1x128xi32, #tpu.memory_space<vmem>> -> memref<128xi32, #tpu.memory_space<vmem>>
      %dma_wait3A_683 = arith.constant 0 : i32
      %dma_wait3A_684 = tpu.memref_slice %arg14[%dma_wait3A_683] : memref<1048576xf32, #tpu.memory_space<vmem_shared>> -> memref<1048576xf32, #tpu.memory_space<vmem_shared>>
      tpu.wait_indirect_dma semaphore(%arg15 : memref<!tpu.dma_semaphore, #tpu.memory_space<semaphore_mem>>) src(%dma_wait3A_679 : memref<128xf32, #tpu.memory_space<vmem>>) dst(%dma_wait3A_684 : memref<1048576xf32, #tpu.memory_space<vmem_shared>>)
      %dma_start3A_685 = arith.constant 39 : i32
      %dma_start3A_686 = arith.constant 4992 : i32
      %dma_start3A_687 = tpu.memref_slice %arg12[%dma_start3A_686] : memref<8448xf32, #tpu.memory_space<vmem>> -> memref<128xf32, #tpu.memory_space<vmem>>
      %dma_start3A_688 = arith.constant 0 : i32
      %dma_start3A_689 = tpu.memref_slice %arg11[%dma_start3A_685, %dma_start3A_688] : memref<66x128xi32, #tpu.memory_space<vmem>> -> memref<1x128xi32, #tpu.memory_space<vmem>>
      %dma_start3A_690 = tpu.memref_squeeze %dma_start3A_689 : memref<1x128xi32, #tpu.memory_space<vmem>> -> memref<128xi32, #tpu.memory_space<vmem>>
      %dma_start3A_691 = arith.constant 0 : i32
      %dma_start3A_692 = tpu.memref_slice %arg14[%dma_start3A_691] : memref<1048576xf32, #tpu.memory_space<vmem_shared>> -> memref<1048576xf32, #tpu.memory_space<vmem_shared>>
      tpu.enqueue_indirect_dma source(%dma_start3A_687 : memref<128xf32, #tpu.memory_space<vmem>>) target(%dma_start3A_692 : memref<1048576xf32, #tpu.memory_space<vmem_shared>>) offsets(%dma_start3A_690 : memref<128xi32, #tpu.memory_space<vmem>>) semaphore(%arg15 : memref<!tpu.dma_semaphore, #tpu.memory_space<semaphore_mem>>) {add = true}
      %dma_wait3A_693 = arith.constant 35 : i32
      %dma_wait3A_694 = arith.constant 4480 : i32
      %dma_wait3A_695 = tpu.memref_slice %arg12[%dma_wait3A_694] : memref<8448xf32, #tpu.memory_space<vmem>> -> memref<128xf32, #tpu.memory_space<vmem>>
      %dma_wait3A_696 = arith.constant 0 : i32
      %dma_wait3A_697 = tpu.memref_slice %arg11[%dma_wait3A_693, %dma_wait3A_696] : memref<66x128xi32, #tpu.memory_space<vmem>> -> memref<1x128xi32, #tpu.memory_space<vmem>>
      %dma_wait3A_698 = tpu.memref_squeeze %dma_wait3A_697 : memref<1x128xi32, #tpu.memory_space<vmem>> -> memref<128xi32, #tpu.memory_space<vmem>>
      %dma_wait3A_699 = arith.constant 0 : i32
      %dma_wait3A_700 = tpu.memref_slice %arg14[%dma_wait3A_699] : memref<1048576xf32, #tpu.memory_space<vmem_shared>> -> memref<1048576xf32, #tpu.memory_space<vmem_shared>>
      tpu.wait_indirect_dma semaphore(%arg15 : memref<!tpu.dma_semaphore, #tpu.memory_space<semaphore_mem>>) src(%dma_wait3A_695 : memref<128xf32, #tpu.memory_space<vmem>>) dst(%dma_wait3A_700 : memref<1048576xf32, #tpu.memory_space<vmem_shared>>)
      %dma_start3A_701 = arith.constant 40 : i32
      %dma_start3A_702 = arith.constant 5120 : i32
      %dma_start3A_703 = tpu.memref_slice %arg12[%dma_start3A_702] : memref<8448xf32, #tpu.memory_space<vmem>> -> memref<128xf32, #tpu.memory_space<vmem>>
      %dma_start3A_704 = arith.constant 0 : i32
      %dma_start3A_705 = tpu.memref_slice %arg11[%dma_start3A_701, %dma_start3A_704] : memref<66x128xi32, #tpu.memory_space<vmem>> -> memref<1x128xi32, #tpu.memory_space<vmem>>
      %dma_start3A_706 = tpu.memref_squeeze %dma_start3A_705 : memref<1x128xi32, #tpu.memory_space<vmem>> -> memref<128xi32, #tpu.memory_space<vmem>>
      %dma_start3A_707 = arith.constant 0 : i32
      %dma_start3A_708 = tpu.memref_slice %arg14[%dma_start3A_707] : memref<1048576xf32, #tpu.memory_space<vmem_shared>> -> memref<1048576xf32, #tpu.memory_space<vmem_shared>>
      tpu.enqueue_indirect_dma source(%dma_start3A_703 : memref<128xf32, #tpu.memory_space<vmem>>) target(%dma_start3A_708 : memref<1048576xf32, #tpu.memory_space<vmem_shared>>) offsets(%dma_start3A_706 : memref<128xi32, #tpu.memory_space<vmem>>) semaphore(%arg15 : memref<!tpu.dma_semaphore, #tpu.memory_space<semaphore_mem>>) {add = true}
      %dma_wait3A_709 = arith.constant 36 : i32
      %dma_wait3A_710 = arith.constant 4608 : i32
      %dma_wait3A_711 = tpu.memref_slice %arg12[%dma_wait3A_710] : memref<8448xf32, #tpu.memory_space<vmem>> -> memref<128xf32, #tpu.memory_space<vmem>>
      %dma_wait3A_712 = arith.constant 0 : i32
      %dma_wait3A_713 = tpu.memref_slice %arg11[%dma_wait3A_709, %dma_wait3A_712] : memref<66x128xi32, #tpu.memory_space<vmem>> -> memref<1x128xi32, #tpu.memory_space<vmem>>
      %dma_wait3A_714 = tpu.memref_squeeze %dma_wait3A_713 : memref<1x128xi32, #tpu.memory_space<vmem>> -> memref<128xi32, #tpu.memory_space<vmem>>
      %dma_wait3A_715 = arith.constant 0 : i32
      %dma_wait3A_716 = tpu.memref_slice %arg14[%dma_wait3A_715] : memref<1048576xf32, #tpu.memory_space<vmem_shared>> -> memref<1048576xf32, #tpu.memory_space<vmem_shared>>
      tpu.wait_indirect_dma semaphore(%arg15 : memref<!tpu.dma_semaphore, #tpu.memory_space<semaphore_mem>>) src(%dma_wait3A_711 : memref<128xf32, #tpu.memory_space<vmem>>) dst(%dma_wait3A_716 : memref<1048576xf32, #tpu.memory_space<vmem_shared>>)
      %dma_start3A_717 = arith.constant 41 : i32
      %dma_start3A_718 = arith.constant 5248 : i32
      %dma_start3A_719 = tpu.memref_slice %arg12[%dma_start3A_718] : memref<8448xf32, #tpu.memory_space<vmem>> -> memref<128xf32, #tpu.memory_space<vmem>>
      %dma_start3A_720 = arith.constant 0 : i32
      %dma_start3A_721 = tpu.memref_slice %arg11[%dma_start3A_717, %dma_start3A_720] : memref<66x128xi32, #tpu.memory_space<vmem>> -> memref<1x128xi32, #tpu.memory_space<vmem>>
      %dma_start3A_722 = tpu.memref_squeeze %dma_start3A_721 : memref<1x128xi32, #tpu.memory_space<vmem>> -> memref<128xi32, #tpu.memory_space<vmem>>
      %dma_start3A_723 = arith.constant 0 : i32
      %dma_start3A_724 = tpu.memref_slice %arg14[%dma_start3A_723] : memref<1048576xf32, #tpu.memory_space<vmem_shared>> -> memref<1048576xf32, #tpu.memory_space<vmem_shared>>
      tpu.enqueue_indirect_dma source(%dma_start3A_719 : memref<128xf32, #tpu.memory_space<vmem>>) target(%dma_start3A_724 : memref<1048576xf32, #tpu.memory_space<vmem_shared>>) offsets(%dma_start3A_722 : memref<128xi32, #tpu.memory_space<vmem>>) semaphore(%arg15 : memref<!tpu.dma_semaphore, #tpu.memory_space<semaphore_mem>>) {add = true}
      %dma_wait3A_725 = arith.constant 37 : i32
      %dma_wait3A_726 = arith.constant 4736 : i32
      %dma_wait3A_727 = tpu.memref_slice %arg12[%dma_wait3A_726] : memref<8448xf32, #tpu.memory_space<vmem>> -> memref<128xf32, #tpu.memory_space<vmem>>
      %dma_wait3A_728 = arith.constant 0 : i32
      %dma_wait3A_729 = tpu.memref_slice %arg11[%dma_wait3A_725, %dma_wait3A_728] : memref<66x128xi32, #tpu.memory_space<vmem>> -> memref<1x128xi32, #tpu.memory_space<vmem>>
      %dma_wait3A_730 = tpu.memref_squeeze %dma_wait3A_729 : memref<1x128xi32, #tpu.memory_space<vmem>> -> memref<128xi32, #tpu.memory_space<vmem>>
      %dma_wait3A_731 = arith.constant 0 : i32
      %dma_wait3A_732 = tpu.memref_slice %arg14[%dma_wait3A_731] : memref<1048576xf32, #tpu.memory_space<vmem_shared>> -> memref<1048576xf32, #tpu.memory_space<vmem_shared>>
      tpu.wait_indirect_dma semaphore(%arg15 : memref<!tpu.dma_semaphore, #tpu.memory_space<semaphore_mem>>) src(%dma_wait3A_727 : memref<128xf32, #tpu.memory_space<vmem>>) dst(%dma_wait3A_732 : memref<1048576xf32, #tpu.memory_space<vmem_shared>>)
      %dma_start3A_733 = arith.constant 42 : i32
      %dma_start3A_734 = arith.constant 5376 : i32
      %dma_start3A_735 = tpu.memref_slice %arg12[%dma_start3A_734] : memref<8448xf32, #tpu.memory_space<vmem>> -> memref<128xf32, #tpu.memory_space<vmem>>
      %dma_start3A_736 = arith.constant 0 : i32
      %dma_start3A_737 = tpu.memref_slice %arg11[%dma_start3A_733, %dma_start3A_736] : memref<66x128xi32, #tpu.memory_space<vmem>> -> memref<1x128xi32, #tpu.memory_space<vmem>>
      %dma_start3A_738 = tpu.memref_squeeze %dma_start3A_737 : memref<1x128xi32, #tpu.memory_space<vmem>> -> memref<128xi32, #tpu.memory_space<vmem>>
      %dma_start3A_739 = arith.constant 0 : i32
      %dma_start3A_740 = tpu.memref_slice %arg14[%dma_start3A_739] : memref<1048576xf32, #tpu.memory_space<vmem_shared>> -> memref<1048576xf32, #tpu.memory_space<vmem_shared>>
      tpu.enqueue_indirect_dma source(%dma_start3A_735 : memref<128xf32, #tpu.memory_space<vmem>>) target(%dma_start3A_740 : memref<1048576xf32, #tpu.memory_space<vmem_shared>>) offsets(%dma_start3A_738 : memref<128xi32, #tpu.memory_space<vmem>>) semaphore(%arg15 : memref<!tpu.dma_semaphore, #tpu.memory_space<semaphore_mem>>) {add = true}
      %dma_wait3A_741 = arith.constant 38 : i32
      %dma_wait3A_742 = arith.constant 4864 : i32
      %dma_wait3A_743 = tpu.memref_slice %arg12[%dma_wait3A_742] : memref<8448xf32, #tpu.memory_space<vmem>> -> memref<128xf32, #tpu.memory_space<vmem>>
      %dma_wait3A_744 = arith.constant 0 : i32
      %dma_wait3A_745 = tpu.memref_slice %arg11[%dma_wait3A_741, %dma_wait3A_744] : memref<66x128xi32, #tpu.memory_space<vmem>> -> memref<1x128xi32, #tpu.memory_space<vmem>>
      %dma_wait3A_746 = tpu.memref_squeeze %dma_wait3A_745 : memref<1x128xi32, #tpu.memory_space<vmem>> -> memref<128xi32, #tpu.memory_space<vmem>>
      %dma_wait3A_747 = arith.constant 0 : i32
      %dma_wait3A_748 = tpu.memref_slice %arg14[%dma_wait3A_747] : memref<1048576xf32, #tpu.memory_space<vmem_shared>> -> memref<1048576xf32, #tpu.memory_space<vmem_shared>>
      tpu.wait_indirect_dma semaphore(%arg15 : memref<!tpu.dma_semaphore, #tpu.memory_space<semaphore_mem>>) src(%dma_wait3A_743 : memref<128xf32, #tpu.memory_space<vmem>>) dst(%dma_wait3A_748 : memref<1048576xf32, #tpu.memory_space<vmem_shared>>)
      %dma_start3A_749 = arith.constant 43 : i32
      %dma_start3A_750 = arith.constant 5504 : i32
      %dma_start3A_751 = tpu.memref_slice %arg12[%dma_start3A_750] : memref<8448xf32, #tpu.memory_space<vmem>> -> memref<128xf32, #tpu.memory_space<vmem>>
      %dma_start3A_752 = arith.constant 0 : i32
      %dma_start3A_753 = tpu.memref_slice %arg11[%dma_start3A_749, %dma_start3A_752] : memref<66x128xi32, #tpu.memory_space<vmem>> -> memref<1x128xi32, #tpu.memory_space<vmem>>
      %dma_start3A_754 = tpu.memref_squeeze %dma_start3A_753 : memref<1x128xi32, #tpu.memory_space<vmem>> -> memref<128xi32, #tpu.memory_space<vmem>>
      %dma_start3A_755 = arith.constant 0 : i32
      %dma_start3A_756 = tpu.memref_slice %arg14[%dma_start3A_755] : memref<1048576xf32, #tpu.memory_space<vmem_shared>> -> memref<1048576xf32, #tpu.memory_space<vmem_shared>>
      tpu.enqueue_indirect_dma source(%dma_start3A_751 : memref<128xf32, #tpu.memory_space<vmem>>) target(%dma_start3A_756 : memref<1048576xf32, #tpu.memory_space<vmem_shared>>) offsets(%dma_start3A_754 : memref<128xi32, #tpu.memory_space<vmem>>) semaphore(%arg15 : memref<!tpu.dma_semaphore, #tpu.memory_space<semaphore_mem>>) {add = true}
      %dma_wait3A_757 = arith.constant 39 : i32
      %dma_wait3A_758 = arith.constant 4992 : i32
      %dma_wait3A_759 = tpu.memref_slice %arg12[%dma_wait3A_758] : memref<8448xf32, #tpu.memory_space<vmem>> -> memref<128xf32, #tpu.memory_space<vmem>>
      %dma_wait3A_760 = arith.constant 0 : i32
      %dma_wait3A_761 = tpu.memref_slice %arg11[%dma_wait3A_757, %dma_wait3A_760] : memref<66x128xi32, #tpu.memory_space<vmem>> -> memref<1x128xi32, #tpu.memory_space<vmem>>
      %dma_wait3A_762 = tpu.memref_squeeze %dma_wait3A_761 : memref<1x128xi32, #tpu.memory_space<vmem>> -> memref<128xi32, #tpu.memory_space<vmem>>
      %dma_wait3A_763 = arith.constant 0 : i32
      %dma_wait3A_764 = tpu.memref_slice %arg14[%dma_wait3A_763] : memref<1048576xf32, #tpu.memory_space<vmem_shared>> -> memref<1048576xf32, #tpu.memory_space<vmem_shared>>
      tpu.wait_indirect_dma semaphore(%arg15 : memref<!tpu.dma_semaphore, #tpu.memory_space<semaphore_mem>>) src(%dma_wait3A_759 : memref<128xf32, #tpu.memory_space<vmem>>) dst(%dma_wait3A_764 : memref<1048576xf32, #tpu.memory_space<vmem_shared>>)
      %dma_start3A_765 = arith.constant 44 : i32
      %dma_start3A_766 = arith.constant 5632 : i32
      %dma_start3A_767 = tpu.memref_slice %arg12[%dma_start3A_766] : memref<8448xf32, #tpu.memory_space<vmem>> -> memref<128xf32, #tpu.memory_space<vmem>>
      %dma_start3A_768 = arith.constant 0 : i32
      %dma_start3A_769 = tpu.memref_slice %arg11[%dma_start3A_765, %dma_start3A_768] : memref<66x128xi32, #tpu.memory_space<vmem>> -> memref<1x128xi32, #tpu.memory_space<vmem>>
      %dma_start3A_770 = tpu.memref_squeeze %dma_start3A_769 : memref<1x128xi32, #tpu.memory_space<vmem>> -> memref<128xi32, #tpu.memory_space<vmem>>
      %dma_start3A_771 = arith.constant 0 : i32
      %dma_start3A_772 = tpu.memref_slice %arg14[%dma_start3A_771] : memref<1048576xf32, #tpu.memory_space<vmem_shared>> -> memref<1048576xf32, #tpu.memory_space<vmem_shared>>
      tpu.enqueue_indirect_dma source(%dma_start3A_767 : memref<128xf32, #tpu.memory_space<vmem>>) target(%dma_start3A_772 : memref<1048576xf32, #tpu.memory_space<vmem_shared>>) offsets(%dma_start3A_770 : memref<128xi32, #tpu.memory_space<vmem>>) semaphore(%arg15 : memref<!tpu.dma_semaphore, #tpu.memory_space<semaphore_mem>>) {add = true}
      %dma_wait3A_773 = arith.constant 40 : i32
      %dma_wait3A_774 = arith.constant 5120 : i32
      %dma_wait3A_775 = tpu.memref_slice %arg12[%dma_wait3A_774] : memref<8448xf32, #tpu.memory_space<vmem>> -> memref<128xf32, #tpu.memory_space<vmem>>
      %dma_wait3A_776 = arith.constant 0 : i32
      %dma_wait3A_777 = tpu.memref_slice %arg11[%dma_wait3A_773, %dma_wait3A_776] : memref<66x128xi32, #tpu.memory_space<vmem>> -> memref<1x128xi32, #tpu.memory_space<vmem>>
      %dma_wait3A_778 = tpu.memref_squeeze %dma_wait3A_777 : memref<1x128xi32, #tpu.memory_space<vmem>> -> memref<128xi32, #tpu.memory_space<vmem>>
      %dma_wait3A_779 = arith.constant 0 : i32
      %dma_wait3A_780 = tpu.memref_slice %arg14[%dma_wait3A_779] : memref<1048576xf32, #tpu.memory_space<vmem_shared>> -> memref<1048576xf32, #tpu.memory_space<vmem_shared>>
      tpu.wait_indirect_dma semaphore(%arg15 : memref<!tpu.dma_semaphore, #tpu.memory_space<semaphore_mem>>) src(%dma_wait3A_775 : memref<128xf32, #tpu.memory_space<vmem>>) dst(%dma_wait3A_780 : memref<1048576xf32, #tpu.memory_space<vmem_shared>>)
      %dma_start3A_781 = arith.constant 45 : i32
      %dma_start3A_782 = arith.constant 5760 : i32
      %dma_start3A_783 = tpu.memref_slice %arg12[%dma_start3A_782] : memref<8448xf32, #tpu.memory_space<vmem>> -> memref<128xf32, #tpu.memory_space<vmem>>
      %dma_start3A_784 = arith.constant 0 : i32
      %dma_start3A_785 = tpu.memref_slice %arg11[%dma_start3A_781, %dma_start3A_784] : memref<66x128xi32, #tpu.memory_space<vmem>> -> memref<1x128xi32, #tpu.memory_space<vmem>>
      %dma_start3A_786 = tpu.memref_squeeze %dma_start3A_785 : memref<1x128xi32, #tpu.memory_space<vmem>> -> memref<128xi32, #tpu.memory_space<vmem>>
      %dma_start3A_787 = arith.constant 0 : i32
      %dma_start3A_788 = tpu.memref_slice %arg14[%dma_start3A_787] : memref<1048576xf32, #tpu.memory_space<vmem_shared>> -> memref<1048576xf32, #tpu.memory_space<vmem_shared>>
      tpu.enqueue_indirect_dma source(%dma_start3A_783 : memref<128xf32, #tpu.memory_space<vmem>>) target(%dma_start3A_788 : memref<1048576xf32, #tpu.memory_space<vmem_shared>>) offsets(%dma_start3A_786 : memref<128xi32, #tpu.memory_space<vmem>>) semaphore(%arg15 : memref<!tpu.dma_semaphore, #tpu.memory_space<semaphore_mem>>) {add = true}
      %dma_wait3A_789 = arith.constant 41 : i32
      %dma_wait3A_790 = arith.constant 5248 : i32
      %dma_wait3A_791 = tpu.memref_slice %arg12[%dma_wait3A_790] : memref<8448xf32, #tpu.memory_space<vmem>> -> memref<128xf32, #tpu.memory_space<vmem>>
      %dma_wait3A_792 = arith.constant 0 : i32
      %dma_wait3A_793 = tpu.memref_slice %arg11[%dma_wait3A_789, %dma_wait3A_792] : memref<66x128xi32, #tpu.memory_space<vmem>> -> memref<1x128xi32, #tpu.memory_space<vmem>>
      %dma_wait3A_794 = tpu.memref_squeeze %dma_wait3A_793 : memref<1x128xi32, #tpu.memory_space<vmem>> -> memref<128xi32, #tpu.memory_space<vmem>>
      %dma_wait3A_795 = arith.constant 0 : i32
      %dma_wait3A_796 = tpu.memref_slice %arg14[%dma_wait3A_795] : memref<1048576xf32, #tpu.memory_space<vmem_shared>> -> memref<1048576xf32, #tpu.memory_space<vmem_shared>>
      tpu.wait_indirect_dma semaphore(%arg15 : memref<!tpu.dma_semaphore, #tpu.memory_space<semaphore_mem>>) src(%dma_wait3A_791 : memref<128xf32, #tpu.memory_space<vmem>>) dst(%dma_wait3A_796 : memref<1048576xf32, #tpu.memory_space<vmem_shared>>)
      %dma_start3A_797 = arith.constant 46 : i32
      %dma_start3A_798 = arith.constant 5888 : i32
      %dma_start3A_799 = tpu.memref_slice %arg12[%dma_start3A_798] : memref<8448xf32, #tpu.memory_space<vmem>> -> memref<128xf32, #tpu.memory_space<vmem>>
      %dma_start3A_800 = arith.constant 0 : i32
      %dma_start3A_801 = tpu.memref_slice %arg11[%dma_start3A_797, %dma_start3A_800] : memref<66x128xi32, #tpu.memory_space<vmem>> -> memref<1x128xi32, #tpu.memory_space<vmem>>
      %dma_start3A_802 = tpu.memref_squeeze %dma_start3A_801 : memref<1x128xi32, #tpu.memory_space<vmem>> -> memref<128xi32, #tpu.memory_space<vmem>>
      %dma_start3A_803 = arith.constant 0 : i32
      %dma_start3A_804 = tpu.memref_slice %arg14[%dma_start3A_803] : memref<1048576xf32, #tpu.memory_space<vmem_shared>> -> memref<1048576xf32, #tpu.memory_space<vmem_shared>>
      tpu.enqueue_indirect_dma source(%dma_start3A_799 : memref<128xf32, #tpu.memory_space<vmem>>) target(%dma_start3A_804 : memref<1048576xf32, #tpu.memory_space<vmem_shared>>) offsets(%dma_start3A_802 : memref<128xi32, #tpu.memory_space<vmem>>) semaphore(%arg15 : memref<!tpu.dma_semaphore, #tpu.memory_space<semaphore_mem>>) {add = true}
      %dma_wait3A_805 = arith.constant 42 : i32
      %dma_wait3A_806 = arith.constant 5376 : i32
      %dma_wait3A_807 = tpu.memref_slice %arg12[%dma_wait3A_806] : memref<8448xf32, #tpu.memory_space<vmem>> -> memref<128xf32, #tpu.memory_space<vmem>>
      %dma_wait3A_808 = arith.constant 0 : i32
      %dma_wait3A_809 = tpu.memref_slice %arg11[%dma_wait3A_805, %dma_wait3A_808] : memref<66x128xi32, #tpu.memory_space<vmem>> -> memref<1x128xi32, #tpu.memory_space<vmem>>
      %dma_wait3A_810 = tpu.memref_squeeze %dma_wait3A_809 : memref<1x128xi32, #tpu.memory_space<vmem>> -> memref<128xi32, #tpu.memory_space<vmem>>
      %dma_wait3A_811 = arith.constant 0 : i32
      %dma_wait3A_812 = tpu.memref_slice %arg14[%dma_wait3A_811] : memref<1048576xf32, #tpu.memory_space<vmem_shared>> -> memref<1048576xf32, #tpu.memory_space<vmem_shared>>
      tpu.wait_indirect_dma semaphore(%arg15 : memref<!tpu.dma_semaphore, #tpu.memory_space<semaphore_mem>>) src(%dma_wait3A_807 : memref<128xf32, #tpu.memory_space<vmem>>) dst(%dma_wait3A_812 : memref<1048576xf32, #tpu.memory_space<vmem_shared>>)
      %dma_start3A_813 = arith.constant 47 : i32
      %dma_start3A_814 = arith.constant 6016 : i32
      %dma_start3A_815 = tpu.memref_slice %arg12[%dma_start3A_814] : memref<8448xf32, #tpu.memory_space<vmem>> -> memref<128xf32, #tpu.memory_space<vmem>>
      %dma_start3A_816 = arith.constant 0 : i32
      %dma_start3A_817 = tpu.memref_slice %arg11[%dma_start3A_813, %dma_start3A_816] : memref<66x128xi32, #tpu.memory_space<vmem>> -> memref<1x128xi32, #tpu.memory_space<vmem>>
      %dma_start3A_818 = tpu.memref_squeeze %dma_start3A_817 : memref<1x128xi32, #tpu.memory_space<vmem>> -> memref<128xi32, #tpu.memory_space<vmem>>
      %dma_start3A_819 = arith.constant 0 : i32
      %dma_start3A_820 = tpu.memref_slice %arg14[%dma_start3A_819] : memref<1048576xf32, #tpu.memory_space<vmem_shared>> -> memref<1048576xf32, #tpu.memory_space<vmem_shared>>
      tpu.enqueue_indirect_dma source(%dma_start3A_815 : memref<128xf32, #tpu.memory_space<vmem>>) target(%dma_start3A_820 : memref<1048576xf32, #tpu.memory_space<vmem_shared>>) offsets(%dma_start3A_818 : memref<128xi32, #tpu.memory_space<vmem>>) semaphore(%arg15 : memref<!tpu.dma_semaphore, #tpu.memory_space<semaphore_mem>>) {add = true}
      %dma_wait3A_821 = arith.constant 43 : i32
      %dma_wait3A_822 = arith.constant 5504 : i32
      %dma_wait3A_823 = tpu.memref_slice %arg12[%dma_wait3A_822] : memref<8448xf32, #tpu.memory_space<vmem>> -> memref<128xf32, #tpu.memory_space<vmem>>
      %dma_wait3A_824 = arith.constant 0 : i32
      %dma_wait3A_825 = tpu.memref_slice %arg11[%dma_wait3A_821, %dma_wait3A_824] : memref<66x128xi32, #tpu.memory_space<vmem>> -> memref<1x128xi32, #tpu.memory_space<vmem>>
      %dma_wait3A_826 = tpu.memref_squeeze %dma_wait3A_825 : memref<1x128xi32, #tpu.memory_space<vmem>> -> memref<128xi32, #tpu.memory_space<vmem>>
      %dma_wait3A_827 = arith.constant 0 : i32
      %dma_wait3A_828 = tpu.memref_slice %arg14[%dma_wait3A_827] : memref<1048576xf32, #tpu.memory_space<vmem_shared>> -> memref<1048576xf32, #tpu.memory_space<vmem_shared>>
      tpu.wait_indirect_dma semaphore(%arg15 : memref<!tpu.dma_semaphore, #tpu.memory_space<semaphore_mem>>) src(%dma_wait3A_823 : memref<128xf32, #tpu.memory_space<vmem>>) dst(%dma_wait3A_828 : memref<1048576xf32, #tpu.memory_space<vmem_shared>>)
      %dma_start3A_829 = arith.constant 48 : i32
      %dma_start3A_830 = arith.constant 6144 : i32
      %dma_start3A_831 = tpu.memref_slice %arg12[%dma_start3A_830] : memref<8448xf32, #tpu.memory_space<vmem>> -> memref<128xf32, #tpu.memory_space<vmem>>
      %dma_start3A_832 = arith.constant 0 : i32
      %dma_start3A_833 = tpu.memref_slice %arg11[%dma_start3A_829, %dma_start3A_832] : memref<66x128xi32, #tpu.memory_space<vmem>> -> memref<1x128xi32, #tpu.memory_space<vmem>>
      %dma_start3A_834 = tpu.memref_squeeze %dma_start3A_833 : memref<1x128xi32, #tpu.memory_space<vmem>> -> memref<128xi32, #tpu.memory_space<vmem>>
      %dma_start3A_835 = arith.constant 0 : i32
      %dma_start3A_836 = tpu.memref_slice %arg14[%dma_start3A_835] : memref<1048576xf32, #tpu.memory_space<vmem_shared>> -> memref<1048576xf32, #tpu.memory_space<vmem_shared>>
      tpu.enqueue_indirect_dma source(%dma_start3A_831 : memref<128xf32, #tpu.memory_space<vmem>>) target(%dma_start3A_836 : memref<1048576xf32, #tpu.memory_space<vmem_shared>>) offsets(%dma_start3A_834 : memref<128xi32, #tpu.memory_space<vmem>>) semaphore(%arg15 : memref<!tpu.dma_semaphore, #tpu.memory_space<semaphore_mem>>) {add = true}
      %dma_wait3A_837 = arith.constant 44 : i32
      %dma_wait3A_838 = arith.constant 5632 : i32
      %dma_wait3A_839 = tpu.memref_slice %arg12[%dma_wait3A_838] : memref<8448xf32, #tpu.memory_space<vmem>> -> memref<128xf32, #tpu.memory_space<vmem>>
      %dma_wait3A_840 = arith.constant 0 : i32
      %dma_wait3A_841 = tpu.memref_slice %arg11[%dma_wait3A_837, %dma_wait3A_840] : memref<66x128xi32, #tpu.memory_space<vmem>> -> memref<1x128xi32, #tpu.memory_space<vmem>>
      %dma_wait3A_842 = tpu.memref_squeeze %dma_wait3A_841 : memref<1x128xi32, #tpu.memory_space<vmem>> -> memref<128xi32, #tpu.memory_space<vmem>>
      %dma_wait3A_843 = arith.constant 0 : i32
      %dma_wait3A_844 = tpu.memref_slice %arg14[%dma_wait3A_843] : memref<1048576xf32, #tpu.memory_space<vmem_shared>> -> memref<1048576xf32, #tpu.memory_space<vmem_shared>>
      tpu.wait_indirect_dma semaphore(%arg15 : memref<!tpu.dma_semaphore, #tpu.memory_space<semaphore_mem>>) src(%dma_wait3A_839 : memref<128xf32, #tpu.memory_space<vmem>>) dst(%dma_wait3A_844 : memref<1048576xf32, #tpu.memory_space<vmem_shared>>)
      %dma_start3A_845 = arith.constant 49 : i32
      %dma_start3A_846 = arith.constant 6272 : i32
      %dma_start3A_847 = tpu.memref_slice %arg12[%dma_start3A_846] : memref<8448xf32, #tpu.memory_space<vmem>> -> memref<128xf32, #tpu.memory_space<vmem>>
      %dma_start3A_848 = arith.constant 0 : i32
      %dma_start3A_849 = tpu.memref_slice %arg11[%dma_start3A_845, %dma_start3A_848] : memref<66x128xi32, #tpu.memory_space<vmem>> -> memref<1x128xi32, #tpu.memory_space<vmem>>
      %dma_start3A_850 = tpu.memref_squeeze %dma_start3A_849 : memref<1x128xi32, #tpu.memory_space<vmem>> -> memref<128xi32, #tpu.memory_space<vmem>>
      %dma_start3A_851 = arith.constant 0 : i32
      %dma_start3A_852 = tpu.memref_slice %arg14[%dma_start3A_851] : memref<1048576xf32, #tpu.memory_space<vmem_shared>> -> memref<1048576xf32, #tpu.memory_space<vmem_shared>>
      tpu.enqueue_indirect_dma source(%dma_start3A_847 : memref<128xf32, #tpu.memory_space<vmem>>) target(%dma_start3A_852 : memref<1048576xf32, #tpu.memory_space<vmem_shared>>) offsets(%dma_start3A_850 : memref<128xi32, #tpu.memory_space<vmem>>) semaphore(%arg15 : memref<!tpu.dma_semaphore, #tpu.memory_space<semaphore_mem>>) {add = true}
      %dma_wait3A_853 = arith.constant 45 : i32
      %dma_wait3A_854 = arith.constant 5760 : i32
      %dma_wait3A_855 = tpu.memref_slice %arg12[%dma_wait3A_854] : memref<8448xf32, #tpu.memory_space<vmem>> -> memref<128xf32, #tpu.memory_space<vmem>>
      %dma_wait3A_856 = arith.constant 0 : i32
      %dma_wait3A_857 = tpu.memref_slice %arg11[%dma_wait3A_853, %dma_wait3A_856] : memref<66x128xi32, #tpu.memory_space<vmem>> -> memref<1x128xi32, #tpu.memory_space<vmem>>
      %dma_wait3A_858 = tpu.memref_squeeze %dma_wait3A_857 : memref<1x128xi32, #tpu.memory_space<vmem>> -> memref<128xi32, #tpu.memory_space<vmem>>
      %dma_wait3A_859 = arith.constant 0 : i32
      %dma_wait3A_860 = tpu.memref_slice %arg14[%dma_wait3A_859] : memref<1048576xf32, #tpu.memory_space<vmem_shared>> -> memref<1048576xf32, #tpu.memory_space<vmem_shared>>
      tpu.wait_indirect_dma semaphore(%arg15 : memref<!tpu.dma_semaphore, #tpu.memory_space<semaphore_mem>>) src(%dma_wait3A_855 : memref<128xf32, #tpu.memory_space<vmem>>) dst(%dma_wait3A_860 : memref<1048576xf32, #tpu.memory_space<vmem_shared>>)
      %dma_start3A_861 = arith.constant 50 : i32
      %dma_start3A_862 = arith.constant 6400 : i32
      %dma_start3A_863 = tpu.memref_slice %arg12[%dma_start3A_862] : memref<8448xf32, #tpu.memory_space<vmem>> -> memref<128xf32, #tpu.memory_space<vmem>>
      %dma_start3A_864 = arith.constant 0 : i32
      %dma_start3A_865 = tpu.memref_slice %arg11[%dma_start3A_861, %dma_start3A_864] : memref<66x128xi32, #tpu.memory_space<vmem>> -> memref<1x128xi32, #tpu.memory_space<vmem>>
      %dma_start3A_866 = tpu.memref_squeeze %dma_start3A_865 : memref<1x128xi32, #tpu.memory_space<vmem>> -> memref<128xi32, #tpu.memory_space<vmem>>
      %dma_start3A_867 = arith.constant 0 : i32
      %dma_start3A_868 = tpu.memref_slice %arg14[%dma_start3A_867] : memref<1048576xf32, #tpu.memory_space<vmem_shared>> -> memref<1048576xf32, #tpu.memory_space<vmem_shared>>
      tpu.enqueue_indirect_dma source(%dma_start3A_863 : memref<128xf32, #tpu.memory_space<vmem>>) target(%dma_start3A_868 : memref<1048576xf32, #tpu.memory_space<vmem_shared>>) offsets(%dma_start3A_866 : memref<128xi32, #tpu.memory_space<vmem>>) semaphore(%arg15 : memref<!tpu.dma_semaphore, #tpu.memory_space<semaphore_mem>>) {add = true}
      %dma_wait3A_869 = arith.constant 46 : i32
      %dma_wait3A_870 = arith.constant 5888 : i32
      %dma_wait3A_871 = tpu.memref_slice %arg12[%dma_wait3A_870] : memref<8448xf32, #tpu.memory_space<vmem>> -> memref<128xf32, #tpu.memory_space<vmem>>
      %dma_wait3A_872 = arith.constant 0 : i32
      %dma_wait3A_873 = tpu.memref_slice %arg11[%dma_wait3A_869, %dma_wait3A_872] : memref<66x128xi32, #tpu.memory_space<vmem>> -> memref<1x128xi32, #tpu.memory_space<vmem>>
      %dma_wait3A_874 = tpu.memref_squeeze %dma_wait3A_873 : memref<1x128xi32, #tpu.memory_space<vmem>> -> memref<128xi32, #tpu.memory_space<vmem>>
      %dma_wait3A_875 = arith.constant 0 : i32
      %dma_wait3A_876 = tpu.memref_slice %arg14[%dma_wait3A_875] : memref<1048576xf32, #tpu.memory_space<vmem_shared>> -> memref<1048576xf32, #tpu.memory_space<vmem_shared>>
      tpu.wait_indirect_dma semaphore(%arg15 : memref<!tpu.dma_semaphore, #tpu.memory_space<semaphore_mem>>) src(%dma_wait3A_871 : memref<128xf32, #tpu.memory_space<vmem>>) dst(%dma_wait3A_876 : memref<1048576xf32, #tpu.memory_space<vmem_shared>>)
      %dma_start3A_877 = arith.constant 51 : i32
      %dma_start3A_878 = arith.constant 6528 : i32
      %dma_start3A_879 = tpu.memref_slice %arg12[%dma_start3A_878] : memref<8448xf32, #tpu.memory_space<vmem>> -> memref<128xf32, #tpu.memory_space<vmem>>
      %dma_start3A_880 = arith.constant 0 : i32
      %dma_start3A_881 = tpu.memref_slice %arg11[%dma_start3A_877, %dma_start3A_880] : memref<66x128xi32, #tpu.memory_space<vmem>> -> memref<1x128xi32, #tpu.memory_space<vmem>>
      %dma_start3A_882 = tpu.memref_squeeze %dma_start3A_881 : memref<1x128xi32, #tpu.memory_space<vmem>> -> memref<128xi32, #tpu.memory_space<vmem>>
      %dma_start3A_883 = arith.constant 0 : i32
      %dma_start3A_884 = tpu.memref_slice %arg14[%dma_start3A_883] : memref<1048576xf32, #tpu.memory_space<vmem_shared>> -> memref<1048576xf32, #tpu.memory_space<vmem_shared>>
      tpu.enqueue_indirect_dma source(%dma_start3A_879 : memref<128xf32, #tpu.memory_space<vmem>>) target(%dma_start3A_884 : memref<1048576xf32, #tpu.memory_space<vmem_shared>>) offsets(%dma_start3A_882 : memref<128xi32, #tpu.memory_space<vmem>>) semaphore(%arg15 : memref<!tpu.dma_semaphore, #tpu.memory_space<semaphore_mem>>) {add = true}
      %dma_wait3A_885 = arith.constant 47 : i32
      %dma_wait3A_886 = arith.constant 6016 : i32
      %dma_wait3A_887 = tpu.memref_slice %arg12[%dma_wait3A_886] : memref<8448xf32, #tpu.memory_space<vmem>> -> memref<128xf32, #tpu.memory_space<vmem>>
      %dma_wait3A_888 = arith.constant 0 : i32
      %dma_wait3A_889 = tpu.memref_slice %arg11[%dma_wait3A_885, %dma_wait3A_888] : memref<66x128xi32, #tpu.memory_space<vmem>> -> memref<1x128xi32, #tpu.memory_space<vmem>>
      %dma_wait3A_890 = tpu.memref_squeeze %dma_wait3A_889 : memref<1x128xi32, #tpu.memory_space<vmem>> -> memref<128xi32, #tpu.memory_space<vmem>>
      %dma_wait3A_891 = arith.constant 0 : i32
      %dma_wait3A_892 = tpu.memref_slice %arg14[%dma_wait3A_891] : memref<1048576xf32, #tpu.memory_space<vmem_shared>> -> memref<1048576xf32, #tpu.memory_space<vmem_shared>>
      tpu.wait_indirect_dma semaphore(%arg15 : memref<!tpu.dma_semaphore, #tpu.memory_space<semaphore_mem>>) src(%dma_wait3A_887 : memref<128xf32, #tpu.memory_space<vmem>>) dst(%dma_wait3A_892 : memref<1048576xf32, #tpu.memory_space<vmem_shared>>)
      %dma_start3A_893 = arith.constant 52 : i32
      %dma_start3A_894 = arith.constant 6656 : i32
      %dma_start3A_895 = tpu.memref_slice %arg12[%dma_start3A_894] : memref<8448xf32, #tpu.memory_space<vmem>> -> memref<128xf32, #tpu.memory_space<vmem>>
      %dma_start3A_896 = arith.constant 0 : i32
      %dma_start3A_897 = tpu.memref_slice %arg11[%dma_start3A_893, %dma_start3A_896] : memref<66x128xi32, #tpu.memory_space<vmem>> -> memref<1x128xi32, #tpu.memory_space<vmem>>
      %dma_start3A_898 = tpu.memref_squeeze %dma_start3A_897 : memref<1x128xi32, #tpu.memory_space<vmem>> -> memref<128xi32, #tpu.memory_space<vmem>>
      %dma_start3A_899 = arith.constant 0 : i32
      %dma_start3A_900 = tpu.memref_slice %arg14[%dma_start3A_899] : memref<1048576xf32, #tpu.memory_space<vmem_shared>> -> memref<1048576xf32, #tpu.memory_space<vmem_shared>>
      tpu.enqueue_indirect_dma source(%dma_start3A_895 : memref<128xf32, #tpu.memory_space<vmem>>) target(%dma_start3A_900 : memref<1048576xf32, #tpu.memory_space<vmem_shared>>) offsets(%dma_start3A_898 : memref<128xi32, #tpu.memory_space<vmem>>) semaphore(%arg15 : memref<!tpu.dma_semaphore, #tpu.memory_space<semaphore_mem>>) {add = true}
      %dma_wait3A_901 = arith.constant 48 : i32
      %dma_wait3A_902 = arith.constant 6144 : i32
      %dma_wait3A_903 = tpu.memref_slice %arg12[%dma_wait3A_902] : memref<8448xf32, #tpu.memory_space<vmem>> -> memref<128xf32, #tpu.memory_space<vmem>>
      %dma_wait3A_904 = arith.constant 0 : i32
      %dma_wait3A_905 = tpu.memref_slice %arg11[%dma_wait3A_901, %dma_wait3A_904] : memref<66x128xi32, #tpu.memory_space<vmem>> -> memref<1x128xi32, #tpu.memory_space<vmem>>
      %dma_wait3A_906 = tpu.memref_squeeze %dma_wait3A_905 : memref<1x128xi32, #tpu.memory_space<vmem>> -> memref<128xi32, #tpu.memory_space<vmem>>
      %dma_wait3A_907 = arith.constant 0 : i32
      %dma_wait3A_908 = tpu.memref_slice %arg14[%dma_wait3A_907] : memref<1048576xf32, #tpu.memory_space<vmem_shared>> -> memref<1048576xf32, #tpu.memory_space<vmem_shared>>
      tpu.wait_indirect_dma semaphore(%arg15 : memref<!tpu.dma_semaphore, #tpu.memory_space<semaphore_mem>>) src(%dma_wait3A_903 : memref<128xf32, #tpu.memory_space<vmem>>) dst(%dma_wait3A_908 : memref<1048576xf32, #tpu.memory_space<vmem_shared>>)
      %dma_start3A_909 = arith.constant 53 : i32
      %dma_start3A_910 = arith.constant 6784 : i32
      %dma_start3A_911 = tpu.memref_slice %arg12[%dma_start3A_910] : memref<8448xf32, #tpu.memory_space<vmem>> -> memref<128xf32, #tpu.memory_space<vmem>>
      %dma_start3A_912 = arith.constant 0 : i32
      %dma_start3A_913 = tpu.memref_slice %arg11[%dma_start3A_909, %dma_start3A_912] : memref<66x128xi32, #tpu.memory_space<vmem>> -> memref<1x128xi32, #tpu.memory_space<vmem>>
      %dma_start3A_914 = tpu.memref_squeeze %dma_start3A_913 : memref<1x128xi32, #tpu.memory_space<vmem>> -> memref<128xi32, #tpu.memory_space<vmem>>
      %dma_start3A_915 = arith.constant 0 : i32
      %dma_start3A_916 = tpu.memref_slice %arg14[%dma_start3A_915] : memref<1048576xf32, #tpu.memory_space<vmem_shared>> -> memref<1048576xf32, #tpu.memory_space<vmem_shared>>
      tpu.enqueue_indirect_dma source(%dma_start3A_911 : memref<128xf32, #tpu.memory_space<vmem>>) target(%dma_start3A_916 : memref<1048576xf32, #tpu.memory_space<vmem_shared>>) offsets(%dma_start3A_914 : memref<128xi32, #tpu.memory_space<vmem>>) semaphore(%arg15 : memref<!tpu.dma_semaphore, #tpu.memory_space<semaphore_mem>>) {add = true}
      %dma_wait3A_917 = arith.constant 49 : i32
      %dma_wait3A_918 = arith.constant 6272 : i32
      %dma_wait3A_919 = tpu.memref_slice %arg12[%dma_wait3A_918] : memref<8448xf32, #tpu.memory_space<vmem>> -> memref<128xf32, #tpu.memory_space<vmem>>
      %dma_wait3A_920 = arith.constant 0 : i32
      %dma_wait3A_921 = tpu.memref_slice %arg11[%dma_wait3A_917, %dma_wait3A_920] : memref<66x128xi32, #tpu.memory_space<vmem>> -> memref<1x128xi32, #tpu.memory_space<vmem>>
      %dma_wait3A_922 = tpu.memref_squeeze %dma_wait3A_921 : memref<1x128xi32, #tpu.memory_space<vmem>> -> memref<128xi32, #tpu.memory_space<vmem>>
      %dma_wait3A_923 = arith.constant 0 : i32
      %dma_wait3A_924 = tpu.memref_slice %arg14[%dma_wait3A_923] : memref<1048576xf32, #tpu.memory_space<vmem_shared>> -> memref<1048576xf32, #tpu.memory_space<vmem_shared>>
      tpu.wait_indirect_dma semaphore(%arg15 : memref<!tpu.dma_semaphore, #tpu.memory_space<semaphore_mem>>) src(%dma_wait3A_919 : memref<128xf32, #tpu.memory_space<vmem>>) dst(%dma_wait3A_924 : memref<1048576xf32, #tpu.memory_space<vmem_shared>>)
      %dma_start3A_925 = arith.constant 54 : i32
      %dma_start3A_926 = arith.constant 6912 : i32
      %dma_start3A_927 = tpu.memref_slice %arg12[%dma_start3A_926] : memref<8448xf32, #tpu.memory_space<vmem>> -> memref<128xf32, #tpu.memory_space<vmem>>
      %dma_start3A_928 = arith.constant 0 : i32
      %dma_start3A_929 = tpu.memref_slice %arg11[%dma_start3A_925, %dma_start3A_928] : memref<66x128xi32, #tpu.memory_space<vmem>> -> memref<1x128xi32, #tpu.memory_space<vmem>>
      %dma_start3A_930 = tpu.memref_squeeze %dma_start3A_929 : memref<1x128xi32, #tpu.memory_space<vmem>> -> memref<128xi32, #tpu.memory_space<vmem>>
      %dma_start3A_931 = arith.constant 0 : i32
      %dma_start3A_932 = tpu.memref_slice %arg14[%dma_start3A_931] : memref<1048576xf32, #tpu.memory_space<vmem_shared>> -> memref<1048576xf32, #tpu.memory_space<vmem_shared>>
      tpu.enqueue_indirect_dma source(%dma_start3A_927 : memref<128xf32, #tpu.memory_space<vmem>>) target(%dma_start3A_932 : memref<1048576xf32, #tpu.memory_space<vmem_shared>>) offsets(%dma_start3A_930 : memref<128xi32, #tpu.memory_space<vmem>>) semaphore(%arg15 : memref<!tpu.dma_semaphore, #tpu.memory_space<semaphore_mem>>) {add = true}
      %dma_wait3A_933 = arith.constant 50 : i32
      %dma_wait3A_934 = arith.constant 6400 : i32
      %dma_wait3A_935 = tpu.memref_slice %arg12[%dma_wait3A_934] : memref<8448xf32, #tpu.memory_space<vmem>> -> memref<128xf32, #tpu.memory_space<vmem>>
      %dma_wait3A_936 = arith.constant 0 : i32
      %dma_wait3A_937 = tpu.memref_slice %arg11[%dma_wait3A_933, %dma_wait3A_936] : memref<66x128xi32, #tpu.memory_space<vmem>> -> memref<1x128xi32, #tpu.memory_space<vmem>>
      %dma_wait3A_938 = tpu.memref_squeeze %dma_wait3A_937 : memref<1x128xi32, #tpu.memory_space<vmem>> -> memref<128xi32, #tpu.memory_space<vmem>>
      %dma_wait3A_939 = arith.constant 0 : i32
      %dma_wait3A_940 = tpu.memref_slice %arg14[%dma_wait3A_939] : memref<1048576xf32, #tpu.memory_space<vmem_shared>> -> memref<1048576xf32, #tpu.memory_space<vmem_shared>>
      tpu.wait_indirect_dma semaphore(%arg15 : memref<!tpu.dma_semaphore, #tpu.memory_space<semaphore_mem>>) src(%dma_wait3A_935 : memref<128xf32, #tpu.memory_space<vmem>>) dst(%dma_wait3A_940 : memref<1048576xf32, #tpu.memory_space<vmem_shared>>)
      %dma_start3A_941 = arith.constant 55 : i32
      %dma_start3A_942 = arith.constant 7040 : i32
      %dma_start3A_943 = tpu.memref_slice %arg12[%dma_start3A_942] : memref<8448xf32, #tpu.memory_space<vmem>> -> memref<128xf32, #tpu.memory_space<vmem>>
      %dma_start3A_944 = arith.constant 0 : i32
      %dma_start3A_945 = tpu.memref_slice %arg11[%dma_start3A_941, %dma_start3A_944] : memref<66x128xi32, #tpu.memory_space<vmem>> -> memref<1x128xi32, #tpu.memory_space<vmem>>
      %dma_start3A_946 = tpu.memref_squeeze %dma_start3A_945 : memref<1x128xi32, #tpu.memory_space<vmem>> -> memref<128xi32, #tpu.memory_space<vmem>>
      %dma_start3A_947 = arith.constant 0 : i32
      %dma_start3A_948 = tpu.memref_slice %arg14[%dma_start3A_947] : memref<1048576xf32, #tpu.memory_space<vmem_shared>> -> memref<1048576xf32, #tpu.memory_space<vmem_shared>>
      tpu.enqueue_indirect_dma source(%dma_start3A_943 : memref<128xf32, #tpu.memory_space<vmem>>) target(%dma_start3A_948 : memref<1048576xf32, #tpu.memory_space<vmem_shared>>) offsets(%dma_start3A_946 : memref<128xi32, #tpu.memory_space<vmem>>) semaphore(%arg15 : memref<!tpu.dma_semaphore, #tpu.memory_space<semaphore_mem>>) {add = true}
      %dma_wait3A_949 = arith.constant 51 : i32
      %dma_wait3A_950 = arith.constant 6528 : i32
      %dma_wait3A_951 = tpu.memref_slice %arg12[%dma_wait3A_950] : memref<8448xf32, #tpu.memory_space<vmem>> -> memref<128xf32, #tpu.memory_space<vmem>>
      %dma_wait3A_952 = arith.constant 0 : i32
      %dma_wait3A_953 = tpu.memref_slice %arg11[%dma_wait3A_949, %dma_wait3A_952] : memref<66x128xi32, #tpu.memory_space<vmem>> -> memref<1x128xi32, #tpu.memory_space<vmem>>
      %dma_wait3A_954 = tpu.memref_squeeze %dma_wait3A_953 : memref<1x128xi32, #tpu.memory_space<vmem>> -> memref<128xi32, #tpu.memory_space<vmem>>
      %dma_wait3A_955 = arith.constant 0 : i32
      %dma_wait3A_956 = tpu.memref_slice %arg14[%dma_wait3A_955] : memref<1048576xf32, #tpu.memory_space<vmem_shared>> -> memref<1048576xf32, #tpu.memory_space<vmem_shared>>
      tpu.wait_indirect_dma semaphore(%arg15 : memref<!tpu.dma_semaphore, #tpu.memory_space<semaphore_mem>>) src(%dma_wait3A_951 : memref<128xf32, #tpu.memory_space<vmem>>) dst(%dma_wait3A_956 : memref<1048576xf32, #tpu.memory_space<vmem_shared>>)
      %dma_start3A_957 = arith.constant 56 : i32
      %dma_start3A_958 = arith.constant 7168 : i32
      %dma_start3A_959 = tpu.memref_slice %arg12[%dma_start3A_958] : memref<8448xf32, #tpu.memory_space<vmem>> -> memref<128xf32, #tpu.memory_space<vmem>>
      %dma_start3A_960 = arith.constant 0 : i32
      %dma_start3A_961 = tpu.memref_slice %arg11[%dma_start3A_957, %dma_start3A_960] : memref<66x128xi32, #tpu.memory_space<vmem>> -> memref<1x128xi32, #tpu.memory_space<vmem>>
      %dma_start3A_962 = tpu.memref_squeeze %dma_start3A_961 : memref<1x128xi32, #tpu.memory_space<vmem>> -> memref<128xi32, #tpu.memory_space<vmem>>
      %dma_start3A_963 = arith.constant 0 : i32
      %dma_start3A_964 = tpu.memref_slice %arg14[%dma_start3A_963] : memref<1048576xf32, #tpu.memory_space<vmem_shared>> -> memref<1048576xf32, #tpu.memory_space<vmem_shared>>
      tpu.enqueue_indirect_dma source(%dma_start3A_959 : memref<128xf32, #tpu.memory_space<vmem>>) target(%dma_start3A_964 : memref<1048576xf32, #tpu.memory_space<vmem_shared>>) offsets(%dma_start3A_962 : memref<128xi32, #tpu.memory_space<vmem>>) semaphore(%arg15 : memref<!tpu.dma_semaphore, #tpu.memory_space<semaphore_mem>>) {add = true}
      %dma_wait3A_965 = arith.constant 52 : i32
      %dma_wait3A_966 = arith.constant 6656 : i32
      %dma_wait3A_967 = tpu.memref_slice %arg12[%dma_wait3A_966] : memref<8448xf32, #tpu.memory_space<vmem>> -> memref<128xf32, #tpu.memory_space<vmem>>
      %dma_wait3A_968 = arith.constant 0 : i32
      %dma_wait3A_969 = tpu.memref_slice %arg11[%dma_wait3A_965, %dma_wait3A_968] : memref<66x128xi32, #tpu.memory_space<vmem>> -> memref<1x128xi32, #tpu.memory_space<vmem>>
      %dma_wait3A_970 = tpu.memref_squeeze %dma_wait3A_969 : memref<1x128xi32, #tpu.memory_space<vmem>> -> memref<128xi32, #tpu.memory_space<vmem>>
      %dma_wait3A_971 = arith.constant 0 : i32
      %dma_wait3A_972 = tpu.memref_slice %arg14[%dma_wait3A_971] : memref<1048576xf32, #tpu.memory_space<vmem_shared>> -> memref<1048576xf32, #tpu.memory_space<vmem_shared>>
      tpu.wait_indirect_dma semaphore(%arg15 : memref<!tpu.dma_semaphore, #tpu.memory_space<semaphore_mem>>) src(%dma_wait3A_967 : memref<128xf32, #tpu.memory_space<vmem>>) dst(%dma_wait3A_972 : memref<1048576xf32, #tpu.memory_space<vmem_shared>>)
      %dma_start3A_973 = arith.constant 57 : i32
      %dma_start3A_974 = arith.constant 7296 : i32
      %dma_start3A_975 = tpu.memref_slice %arg12[%dma_start3A_974] : memref<8448xf32, #tpu.memory_space<vmem>> -> memref<128xf32, #tpu.memory_space<vmem>>
      %dma_start3A_976 = arith.constant 0 : i32
      %dma_start3A_977 = tpu.memref_slice %arg11[%dma_start3A_973, %dma_start3A_976] : memref<66x128xi32, #tpu.memory_space<vmem>> -> memref<1x128xi32, #tpu.memory_space<vmem>>
      %dma_start3A_978 = tpu.memref_squeeze %dma_start3A_977 : memref<1x128xi32, #tpu.memory_space<vmem>> -> memref<128xi32, #tpu.memory_space<vmem>>
      %dma_start3A_979 = arith.constant 0 : i32
      %dma_start3A_980 = tpu.memref_slice %arg14[%dma_start3A_979] : memref<1048576xf32, #tpu.memory_space<vmem_shared>> -> memref<1048576xf32, #tpu.memory_space<vmem_shared>>
      tpu.enqueue_indirect_dma source(%dma_start3A_975 : memref<128xf32, #tpu.memory_space<vmem>>) target(%dma_start3A_980 : memref<1048576xf32, #tpu.memory_space<vmem_shared>>) offsets(%dma_start3A_978 : memref<128xi32, #tpu.memory_space<vmem>>) semaphore(%arg15 : memref<!tpu.dma_semaphore, #tpu.memory_space<semaphore_mem>>) {add = true}
      %dma_wait3A_981 = arith.constant 53 : i32
      %dma_wait3A_982 = arith.constant 6784 : i32
      %dma_wait3A_983 = tpu.memref_slice %arg12[%dma_wait3A_982] : memref<8448xf32, #tpu.memory_space<vmem>> -> memref<128xf32, #tpu.memory_space<vmem>>
      %dma_wait3A_984 = arith.constant 0 : i32
      %dma_wait3A_985 = tpu.memref_slice %arg11[%dma_wait3A_981, %dma_wait3A_984] : memref<66x128xi32, #tpu.memory_space<vmem>> -> memref<1x128xi32, #tpu.memory_space<vmem>>
      %dma_wait3A_986 = tpu.memref_squeeze %dma_wait3A_985 : memref<1x128xi32, #tpu.memory_space<vmem>> -> memref<128xi32, #tpu.memory_space<vmem>>
      %dma_wait3A_987 = arith.constant 0 : i32
      %dma_wait3A_988 = tpu.memref_slice %arg14[%dma_wait3A_987] : memref<1048576xf32, #tpu.memory_space<vmem_shared>> -> memref<1048576xf32, #tpu.memory_space<vmem_shared>>
      tpu.wait_indirect_dma semaphore(%arg15 : memref<!tpu.dma_semaphore, #tpu.memory_space<semaphore_mem>>) src(%dma_wait3A_983 : memref<128xf32, #tpu.memory_space<vmem>>) dst(%dma_wait3A_988 : memref<1048576xf32, #tpu.memory_space<vmem_shared>>)
      %dma_start3A_989 = arith.constant 58 : i32
      %dma_start3A_990 = arith.constant 7424 : i32
      %dma_start3A_991 = tpu.memref_slice %arg12[%dma_start3A_990] : memref<8448xf32, #tpu.memory_space<vmem>> -> memref<128xf32, #tpu.memory_space<vmem>>
      %dma_start3A_992 = arith.constant 0 : i32
      %dma_start3A_993 = tpu.memref_slice %arg11[%dma_start3A_989, %dma_start3A_992] : memref<66x128xi32, #tpu.memory_space<vmem>> -> memref<1x128xi32, #tpu.memory_space<vmem>>
      %dma_start3A_994 = tpu.memref_squeeze %dma_start3A_993 : memref<1x128xi32, #tpu.memory_space<vmem>> -> memref<128xi32, #tpu.memory_space<vmem>>
      %dma_start3A_995 = arith.constant 0 : i32
      %dma_start3A_996 = tpu.memref_slice %arg14[%dma_start3A_995] : memref<1048576xf32, #tpu.memory_space<vmem_shared>> -> memref<1048576xf32, #tpu.memory_space<vmem_shared>>
      tpu.enqueue_indirect_dma source(%dma_start3A_991 : memref<128xf32, #tpu.memory_space<vmem>>) target(%dma_start3A_996 : memref<1048576xf32, #tpu.memory_space<vmem_shared>>) offsets(%dma_start3A_994 : memref<128xi32, #tpu.memory_space<vmem>>) semaphore(%arg15 : memref<!tpu.dma_semaphore, #tpu.memory_space<semaphore_mem>>) {add = true}
      %dma_wait3A_997 = arith.constant 54 : i32
      %dma_wait3A_998 = arith.constant 6912 : i32
      %dma_wait3A_999 = tpu.memref_slice %arg12[%dma_wait3A_998] : memref<8448xf32, #tpu.memory_space<vmem>> -> memref<128xf32, #tpu.memory_space<vmem>>
      %dma_wait3A_1000 = arith.constant 0 : i32
      %dma_wait3A_1001 = tpu.memref_slice %arg11[%dma_wait3A_997, %dma_wait3A_1000] : memref<66x128xi32, #tpu.memory_space<vmem>> -> memref<1x128xi32, #tpu.memory_space<vmem>>
      %dma_wait3A_1002 = tpu.memref_squeeze %dma_wait3A_1001 : memref<1x128xi32, #tpu.memory_space<vmem>> -> memref<128xi32, #tpu.memory_space<vmem>>
      %dma_wait3A_1003 = arith.constant 0 : i32
      %dma_wait3A_1004 = tpu.memref_slice %arg14[%dma_wait3A_1003] : memref<1048576xf32, #tpu.memory_space<vmem_shared>> -> memref<1048576xf32, #tpu.memory_space<vmem_shared>>
      tpu.wait_indirect_dma semaphore(%arg15 : memref<!tpu.dma_semaphore, #tpu.memory_space<semaphore_mem>>) src(%dma_wait3A_999 : memref<128xf32, #tpu.memory_space<vmem>>) dst(%dma_wait3A_1004 : memref<1048576xf32, #tpu.memory_space<vmem_shared>>)
      %dma_start3A_1005 = arith.constant 59 : i32
      %dma_start3A_1006 = arith.constant 7552 : i32
      %dma_start3A_1007 = tpu.memref_slice %arg12[%dma_start3A_1006] : memref<8448xf32, #tpu.memory_space<vmem>> -> memref<128xf32, #tpu.memory_space<vmem>>
      %dma_start3A_1008 = arith.constant 0 : i32
      %dma_start3A_1009 = tpu.memref_slice %arg11[%dma_start3A_1005, %dma_start3A_1008] : memref<66x128xi32, #tpu.memory_space<vmem>> -> memref<1x128xi32, #tpu.memory_space<vmem>>
      %dma_start3A_1010 = tpu.memref_squeeze %dma_start3A_1009 : memref<1x128xi32, #tpu.memory_space<vmem>> -> memref<128xi32, #tpu.memory_space<vmem>>
      %dma_start3A_1011 = arith.constant 0 : i32
      %dma_start3A_1012 = tpu.memref_slice %arg14[%dma_start3A_1011] : memref<1048576xf32, #tpu.memory_space<vmem_shared>> -> memref<1048576xf32, #tpu.memory_space<vmem_shared>>
      tpu.enqueue_indirect_dma source(%dma_start3A_1007 : memref<128xf32, #tpu.memory_space<vmem>>) target(%dma_start3A_1012 : memref<1048576xf32, #tpu.memory_space<vmem_shared>>) offsets(%dma_start3A_1010 : memref<128xi32, #tpu.memory_space<vmem>>) semaphore(%arg15 : memref<!tpu.dma_semaphore, #tpu.memory_space<semaphore_mem>>) {add = true}
      %dma_wait3A_1013 = arith.constant 55 : i32
      %dma_wait3A_1014 = arith.constant 7040 : i32
      %dma_wait3A_1015 = tpu.memref_slice %arg12[%dma_wait3A_1014] : memref<8448xf32, #tpu.memory_space<vmem>> -> memref<128xf32, #tpu.memory_space<vmem>>
      %dma_wait3A_1016 = arith.constant 0 : i32
      %dma_wait3A_1017 = tpu.memref_slice %arg11[%dma_wait3A_1013, %dma_wait3A_1016] : memref<66x128xi32, #tpu.memory_space<vmem>> -> memref<1x128xi32, #tpu.memory_space<vmem>>
      %dma_wait3A_1018 = tpu.memref_squeeze %dma_wait3A_1017 : memref<1x128xi32, #tpu.memory_space<vmem>> -> memref<128xi32, #tpu.memory_space<vmem>>
      %dma_wait3A_1019 = arith.constant 0 : i32
      %dma_wait3A_1020 = tpu.memref_slice %arg14[%dma_wait3A_1019] : memref<1048576xf32, #tpu.memory_space<vmem_shared>> -> memref<1048576xf32, #tpu.memory_space<vmem_shared>>
      tpu.wait_indirect_dma semaphore(%arg15 : memref<!tpu.dma_semaphore, #tpu.memory_space<semaphore_mem>>) src(%dma_wait3A_1015 : memref<128xf32, #tpu.memory_space<vmem>>) dst(%dma_wait3A_1020 : memref<1048576xf32, #tpu.memory_space<vmem_shared>>)
      %dma_start3A_1021 = arith.constant 60 : i32
      %dma_start3A_1022 = arith.constant 7680 : i32
      %dma_start3A_1023 = tpu.memref_slice %arg12[%dma_start3A_1022] : memref<8448xf32, #tpu.memory_space<vmem>> -> memref<128xf32, #tpu.memory_space<vmem>>
      %dma_start3A_1024 = arith.constant 0 : i32
      %dma_start3A_1025 = tpu.memref_slice %arg11[%dma_start3A_1021, %dma_start3A_1024] : memref<66x128xi32, #tpu.memory_space<vmem>> -> memref<1x128xi32, #tpu.memory_space<vmem>>
      %dma_start3A_1026 = tpu.memref_squeeze %dma_start3A_1025 : memref<1x128xi32, #tpu.memory_space<vmem>> -> memref<128xi32, #tpu.memory_space<vmem>>
      %dma_start3A_1027 = arith.constant 0 : i32
      %dma_start3A_1028 = tpu.memref_slice %arg14[%dma_start3A_1027] : memref<1048576xf32, #tpu.memory_space<vmem_shared>> -> memref<1048576xf32, #tpu.memory_space<vmem_shared>>
      tpu.enqueue_indirect_dma source(%dma_start3A_1023 : memref<128xf32, #tpu.memory_space<vmem>>) target(%dma_start3A_1028 : memref<1048576xf32, #tpu.memory_space<vmem_shared>>) offsets(%dma_start3A_1026 : memref<128xi32, #tpu.memory_space<vmem>>) semaphore(%arg15 : memref<!tpu.dma_semaphore, #tpu.memory_space<semaphore_mem>>) {add = true}
      %dma_wait3A_1029 = arith.constant 56 : i32
      %dma_wait3A_1030 = arith.constant 7168 : i32
      %dma_wait3A_1031 = tpu.memref_slice %arg12[%dma_wait3A_1030] : memref<8448xf32, #tpu.memory_space<vmem>> -> memref<128xf32, #tpu.memory_space<vmem>>
      %dma_wait3A_1032 = arith.constant 0 : i32
      %dma_wait3A_1033 = tpu.memref_slice %arg11[%dma_wait3A_1029, %dma_wait3A_1032] : memref<66x128xi32, #tpu.memory_space<vmem>> -> memref<1x128xi32, #tpu.memory_space<vmem>>
      %dma_wait3A_1034 = tpu.memref_squeeze %dma_wait3A_1033 : memref<1x128xi32, #tpu.memory_space<vmem>> -> memref<128xi32, #tpu.memory_space<vmem>>
      %dma_wait3A_1035 = arith.constant 0 : i32
      %dma_wait3A_1036 = tpu.memref_slice %arg14[%dma_wait3A_1035] : memref<1048576xf32, #tpu.memory_space<vmem_shared>> -> memref<1048576xf32, #tpu.memory_space<vmem_shared>>
      tpu.wait_indirect_dma semaphore(%arg15 : memref<!tpu.dma_semaphore, #tpu.memory_space<semaphore_mem>>) src(%dma_wait3A_1031 : memref<128xf32, #tpu.memory_space<vmem>>) dst(%dma_wait3A_1036 : memref<1048576xf32, #tpu.memory_space<vmem_shared>>)
      %dma_start3A_1037 = arith.constant 61 : i32
      %dma_start3A_1038 = arith.constant 7808 : i32
      %dma_start3A_1039 = tpu.memref_slice %arg12[%dma_start3A_1038] : memref<8448xf32, #tpu.memory_space<vmem>> -> memref<128xf32, #tpu.memory_space<vmem>>
      %dma_start3A_1040 = arith.constant 0 : i32
      %dma_start3A_1041 = tpu.memref_slice %arg11[%dma_start3A_1037, %dma_start3A_1040] : memref<66x128xi32, #tpu.memory_space<vmem>> -> memref<1x128xi32, #tpu.memory_space<vmem>>
      %dma_start3A_1042 = tpu.memref_squeeze %dma_start3A_1041 : memref<1x128xi32, #tpu.memory_space<vmem>> -> memref<128xi32, #tpu.memory_space<vmem>>
      %dma_start3A_1043 = arith.constant 0 : i32
      %dma_start3A_1044 = tpu.memref_slice %arg14[%dma_start3A_1043] : memref<1048576xf32, #tpu.memory_space<vmem_shared>> -> memref<1048576xf32, #tpu.memory_space<vmem_shared>>
      tpu.enqueue_indirect_dma source(%dma_start3A_1039 : memref<128xf32, #tpu.memory_space<vmem>>) target(%dma_start3A_1044 : memref<1048576xf32, #tpu.memory_space<vmem_shared>>) offsets(%dma_start3A_1042 : memref<128xi32, #tpu.memory_space<vmem>>) semaphore(%arg15 : memref<!tpu.dma_semaphore, #tpu.memory_space<semaphore_mem>>) {add = true}
      %dma_wait3A_1045 = arith.constant 57 : i32
      %dma_wait3A_1046 = arith.constant 7296 : i32
      %dma_wait3A_1047 = tpu.memref_slice %arg12[%dma_wait3A_1046] : memref<8448xf32, #tpu.memory_space<vmem>> -> memref<128xf32, #tpu.memory_space<vmem>>
      %dma_wait3A_1048 = arith.constant 0 : i32
      %dma_wait3A_1049 = tpu.memref_slice %arg11[%dma_wait3A_1045, %dma_wait3A_1048] : memref<66x128xi32, #tpu.memory_space<vmem>> -> memref<1x128xi32, #tpu.memory_space<vmem>>
      %dma_wait3A_1050 = tpu.memref_squeeze %dma_wait3A_1049 : memref<1x128xi32, #tpu.memory_space<vmem>> -> memref<128xi32, #tpu.memory_space<vmem>>
      %dma_wait3A_1051 = arith.constant 0 : i32
      %dma_wait3A_1052 = tpu.memref_slice %arg14[%dma_wait3A_1051] : memref<1048576xf32, #tpu.memory_space<vmem_shared>> -> memref<1048576xf32, #tpu.memory_space<vmem_shared>>
      tpu.wait_indirect_dma semaphore(%arg15 : memref<!tpu.dma_semaphore, #tpu.memory_space<semaphore_mem>>) src(%dma_wait3A_1047 : memref<128xf32, #tpu.memory_space<vmem>>) dst(%dma_wait3A_1052 : memref<1048576xf32, #tpu.memory_space<vmem_shared>>)
      %dma_start3A_1053 = arith.constant 62 : i32
      %dma_start3A_1054 = arith.constant 7936 : i32
      %dma_start3A_1055 = tpu.memref_slice %arg12[%dma_start3A_1054] : memref<8448xf32, #tpu.memory_space<vmem>> -> memref<128xf32, #tpu.memory_space<vmem>>
      %dma_start3A_1056 = arith.constant 0 : i32
      %dma_start3A_1057 = tpu.memref_slice %arg11[%dma_start3A_1053, %dma_start3A_1056] : memref<66x128xi32, #tpu.memory_space<vmem>> -> memref<1x128xi32, #tpu.memory_space<vmem>>
      %dma_start3A_1058 = tpu.memref_squeeze %dma_start3A_1057 : memref<1x128xi32, #tpu.memory_space<vmem>> -> memref<128xi32, #tpu.memory_space<vmem>>
      %dma_start3A_1059 = arith.constant 0 : i32
      %dma_start3A_1060 = tpu.memref_slice %arg14[%dma_start3A_1059] : memref<1048576xf32, #tpu.memory_space<vmem_shared>> -> memref<1048576xf32, #tpu.memory_space<vmem_shared>>
      tpu.enqueue_indirect_dma source(%dma_start3A_1055 : memref<128xf32, #tpu.memory_space<vmem>>) target(%dma_start3A_1060 : memref<1048576xf32, #tpu.memory_space<vmem_shared>>) offsets(%dma_start3A_1058 : memref<128xi32, #tpu.memory_space<vmem>>) semaphore(%arg15 : memref<!tpu.dma_semaphore, #tpu.memory_space<semaphore_mem>>) {add = true}
      %dma_wait3A_1061 = arith.constant 58 : i32
      %dma_wait3A_1062 = arith.constant 7424 : i32
      %dma_wait3A_1063 = tpu.memref_slice %arg12[%dma_wait3A_1062] : memref<8448xf32, #tpu.memory_space<vmem>> -> memref<128xf32, #tpu.memory_space<vmem>>
      %dma_wait3A_1064 = arith.constant 0 : i32
      %dma_wait3A_1065 = tpu.memref_slice %arg11[%dma_wait3A_1061, %dma_wait3A_1064] : memref<66x128xi32, #tpu.memory_space<vmem>> -> memref<1x128xi32, #tpu.memory_space<vmem>>
      %dma_wait3A_1066 = tpu.memref_squeeze %dma_wait3A_1065 : memref<1x128xi32, #tpu.memory_space<vmem>> -> memref<128xi32, #tpu.memory_space<vmem>>
      %dma_wait3A_1067 = arith.constant 0 : i32
      %dma_wait3A_1068 = tpu.memref_slice %arg14[%dma_wait3A_1067] : memref<1048576xf32, #tpu.memory_space<vmem_shared>> -> memref<1048576xf32, #tpu.memory_space<vmem_shared>>
      tpu.wait_indirect_dma semaphore(%arg15 : memref<!tpu.dma_semaphore, #tpu.memory_space<semaphore_mem>>) src(%dma_wait3A_1063 : memref<128xf32, #tpu.memory_space<vmem>>) dst(%dma_wait3A_1068 : memref<1048576xf32, #tpu.memory_space<vmem_shared>>)
      %dma_start3A_1069 = arith.constant 63 : i32
      %dma_start3A_1070 = arith.constant 8064 : i32
      %dma_start3A_1071 = tpu.memref_slice %arg12[%dma_start3A_1070] : memref<8448xf32, #tpu.memory_space<vmem>> -> memref<128xf32, #tpu.memory_space<vmem>>
      %dma_start3A_1072 = arith.constant 0 : i32
      %dma_start3A_1073 = tpu.memref_slice %arg11[%dma_start3A_1069, %dma_start3A_1072] : memref<66x128xi32, #tpu.memory_space<vmem>> -> memref<1x128xi32, #tpu.memory_space<vmem>>
      %dma_start3A_1074 = tpu.memref_squeeze %dma_start3A_1073 : memref<1x128xi32, #tpu.memory_space<vmem>> -> memref<128xi32, #tpu.memory_space<vmem>>
      %dma_start3A_1075 = arith.constant 0 : i32
      %dma_start3A_1076 = tpu.memref_slice %arg14[%dma_start3A_1075] : memref<1048576xf32, #tpu.memory_space<vmem_shared>> -> memref<1048576xf32, #tpu.memory_space<vmem_shared>>
      tpu.enqueue_indirect_dma source(%dma_start3A_1071 : memref<128xf32, #tpu.memory_space<vmem>>) target(%dma_start3A_1076 : memref<1048576xf32, #tpu.memory_space<vmem_shared>>) offsets(%dma_start3A_1074 : memref<128xi32, #tpu.memory_space<vmem>>) semaphore(%arg15 : memref<!tpu.dma_semaphore, #tpu.memory_space<semaphore_mem>>) {add = true}
      %dma_wait3A_1077 = arith.constant 59 : i32
      %dma_wait3A_1078 = arith.constant 7552 : i32
      %dma_wait3A_1079 = tpu.memref_slice %arg12[%dma_wait3A_1078] : memref<8448xf32, #tpu.memory_space<vmem>> -> memref<128xf32, #tpu.memory_space<vmem>>
      %dma_wait3A_1080 = arith.constant 0 : i32
      %dma_wait3A_1081 = tpu.memref_slice %arg11[%dma_wait3A_1077, %dma_wait3A_1080] : memref<66x128xi32, #tpu.memory_space<vmem>> -> memref<1x128xi32, #tpu.memory_space<vmem>>
      %dma_wait3A_1082 = tpu.memref_squeeze %dma_wait3A_1081 : memref<1x128xi32, #tpu.memory_space<vmem>> -> memref<128xi32, #tpu.memory_space<vmem>>
      %dma_wait3A_1083 = arith.constant 0 : i32
      %dma_wait3A_1084 = tpu.memref_slice %arg14[%dma_wait3A_1083] : memref<1048576xf32, #tpu.memory_space<vmem_shared>> -> memref<1048576xf32, #tpu.memory_space<vmem_shared>>
      tpu.wait_indirect_dma semaphore(%arg15 : memref<!tpu.dma_semaphore, #tpu.memory_space<semaphore_mem>>) src(%dma_wait3A_1079 : memref<128xf32, #tpu.memory_space<vmem>>) dst(%dma_wait3A_1084 : memref<1048576xf32, #tpu.memory_space<vmem_shared>>)
      %dma_start3A_1085 = arith.constant 64 : i32
      %dma_start3A_1086 = arith.constant 8192 : i32
      %dma_start3A_1087 = tpu.memref_slice %arg12[%dma_start3A_1086] : memref<8448xf32, #tpu.memory_space<vmem>> -> memref<128xf32, #tpu.memory_space<vmem>>
      %dma_start3A_1088 = arith.constant 0 : i32
      %dma_start3A_1089 = tpu.memref_slice %arg11[%dma_start3A_1085, %dma_start3A_1088] : memref<66x128xi32, #tpu.memory_space<vmem>> -> memref<1x128xi32, #tpu.memory_space<vmem>>
      %dma_start3A_1090 = tpu.memref_squeeze %dma_start3A_1089 : memref<1x128xi32, #tpu.memory_space<vmem>> -> memref<128xi32, #tpu.memory_space<vmem>>
      %dma_start3A_1091 = arith.constant 0 : i32
      %dma_start3A_1092 = tpu.memref_slice %arg14[%dma_start3A_1091] : memref<1048576xf32, #tpu.memory_space<vmem_shared>> -> memref<1048576xf32, #tpu.memory_space<vmem_shared>>
      tpu.enqueue_indirect_dma source(%dma_start3A_1087 : memref<128xf32, #tpu.memory_space<vmem>>) target(%dma_start3A_1092 : memref<1048576xf32, #tpu.memory_space<vmem_shared>>) offsets(%dma_start3A_1090 : memref<128xi32, #tpu.memory_space<vmem>>) semaphore(%arg15 : memref<!tpu.dma_semaphore, #tpu.memory_space<semaphore_mem>>) {add = true}
      %dma_wait3A_1093 = arith.constant 60 : i32
      %dma_wait3A_1094 = arith.constant 7680 : i32
      %dma_wait3A_1095 = tpu.memref_slice %arg12[%dma_wait3A_1094] : memref<8448xf32, #tpu.memory_space<vmem>> -> memref<128xf32, #tpu.memory_space<vmem>>
      %dma_wait3A_1096 = arith.constant 0 : i32
      %dma_wait3A_1097 = tpu.memref_slice %arg11[%dma_wait3A_1093, %dma_wait3A_1096] : memref<66x128xi32, #tpu.memory_space<vmem>> -> memref<1x128xi32, #tpu.memory_space<vmem>>
      %dma_wait3A_1098 = tpu.memref_squeeze %dma_wait3A_1097 : memref<1x128xi32, #tpu.memory_space<vmem>> -> memref<128xi32, #tpu.memory_space<vmem>>
      %dma_wait3A_1099 = arith.constant 0 : i32
      %dma_wait3A_1100 = tpu.memref_slice %arg14[%dma_wait3A_1099] : memref<1048576xf32, #tpu.memory_space<vmem_shared>> -> memref<1048576xf32, #tpu.memory_space<vmem_shared>>
      tpu.wait_indirect_dma semaphore(%arg15 : memref<!tpu.dma_semaphore, #tpu.memory_space<semaphore_mem>>) src(%dma_wait3A_1095 : memref<128xf32, #tpu.memory_space<vmem>>) dst(%dma_wait3A_1100 : memref<1048576xf32, #tpu.memory_space<vmem_shared>>)
      %dma_start3A_1101 = arith.constant 65 : i32
      %dma_start3A_1102 = arith.constant 8320 : i32
      %dma_start3A_1103 = tpu.memref_slice %arg12[%dma_start3A_1102] : memref<8448xf32, #tpu.memory_space<vmem>> -> memref<128xf32, #tpu.memory_space<vmem>>
      %dma_start3A_1104 = arith.constant 0 : i32
      %dma_start3A_1105 = tpu.memref_slice %arg11[%dma_start3A_1101, %dma_start3A_1104] : memref<66x128xi32, #tpu.memory_space<vmem>> -> memref<1x128xi32, #tpu.memory_space<vmem>>
      %dma_start3A_1106 = tpu.memref_squeeze %dma_start3A_1105 : memref<1x128xi32, #tpu.memory_space<vmem>> -> memref<128xi32, #tpu.memory_space<vmem>>
      %dma_start3A_1107 = arith.constant 0 : i32
      %dma_start3A_1108 = tpu.memref_slice %arg14[%dma_start3A_1107] : memref<1048576xf32, #tpu.memory_space<vmem_shared>> -> memref<1048576xf32, #tpu.memory_space<vmem_shared>>
      tpu.enqueue_indirect_dma source(%dma_start3A_1103 : memref<128xf32, #tpu.memory_space<vmem>>) target(%dma_start3A_1108 : memref<1048576xf32, #tpu.memory_space<vmem_shared>>) offsets(%dma_start3A_1106 : memref<128xi32, #tpu.memory_space<vmem>>) semaphore(%arg15 : memref<!tpu.dma_semaphore, #tpu.memory_space<semaphore_mem>>) {add = true}
      %dma_wait3A_1109 = arith.constant 61 : i32
      %dma_wait3A_1110 = arith.constant 7808 : i32
      %dma_wait3A_1111 = tpu.memref_slice %arg12[%dma_wait3A_1110] : memref<8448xf32, #tpu.memory_space<vmem>> -> memref<128xf32, #tpu.memory_space<vmem>>
      %dma_wait3A_1112 = arith.constant 0 : i32
      %dma_wait3A_1113 = tpu.memref_slice %arg11[%dma_wait3A_1109, %dma_wait3A_1112] : memref<66x128xi32, #tpu.memory_space<vmem>> -> memref<1x128xi32, #tpu.memory_space<vmem>>
      %dma_wait3A_1114 = tpu.memref_squeeze %dma_wait3A_1113 : memref<1x128xi32, #tpu.memory_space<vmem>> -> memref<128xi32, #tpu.memory_space<vmem>>
      %dma_wait3A_1115 = arith.constant 0 : i32
      %dma_wait3A_1116 = tpu.memref_slice %arg14[%dma_wait3A_1115] : memref<1048576xf32, #tpu.memory_space<vmem_shared>> -> memref<1048576xf32, #tpu.memory_space<vmem_shared>>
      tpu.wait_indirect_dma semaphore(%arg15 : memref<!tpu.dma_semaphore, #tpu.memory_space<semaphore_mem>>) src(%dma_wait3A_1111 : memref<128xf32, #tpu.memory_space<vmem>>) dst(%dma_wait3A_1116 : memref<1048576xf32, #tpu.memory_space<vmem_shared>>)
      %dma_wait3A_1117 = arith.constant 62 : i32
      %dma_wait3A_1118 = arith.constant 7936 : i32
      %dma_wait3A_1119 = tpu.memref_slice %arg12[%dma_wait3A_1118] : memref<8448xf32, #tpu.memory_space<vmem>> -> memref<128xf32, #tpu.memory_space<vmem>>
      %dma_wait3A_1120 = arith.constant 0 : i32
      %dma_wait3A_1121 = tpu.memref_slice %arg11[%dma_wait3A_1117, %dma_wait3A_1120] : memref<66x128xi32, #tpu.memory_space<vmem>> -> memref<1x128xi32, #tpu.memory_space<vmem>>
      %dma_wait3A_1122 = tpu.memref_squeeze %dma_wait3A_1121 : memref<1x128xi32, #tpu.memory_space<vmem>> -> memref<128xi32, #tpu.memory_space<vmem>>
      %dma_wait3A_1123 = arith.constant 0 : i32
      %dma_wait3A_1124 = tpu.memref_slice %arg14[%dma_wait3A_1123] : memref<1048576xf32, #tpu.memory_space<vmem_shared>> -> memref<1048576xf32, #tpu.memory_space<vmem_shared>>
      tpu.wait_indirect_dma semaphore(%arg15 : memref<!tpu.dma_semaphore, #tpu.memory_space<semaphore_mem>>) src(%dma_wait3A_1119 : memref<128xf32, #tpu.memory_space<vmem>>) dst(%dma_wait3A_1124 : memref<1048576xf32, #tpu.memory_space<vmem_shared>>)
      %dma_wait3A_1125 = arith.constant 63 : i32
      %dma_wait3A_1126 = arith.constant 8064 : i32
      %dma_wait3A_1127 = tpu.memref_slice %arg12[%dma_wait3A_1126] : memref<8448xf32, #tpu.memory_space<vmem>> -> memref<128xf32, #tpu.memory_space<vmem>>
      %dma_wait3A_1128 = arith.constant 0 : i32
      %dma_wait3A_1129 = tpu.memref_slice %arg11[%dma_wait3A_1125, %dma_wait3A_1128] : memref<66x128xi32, #tpu.memory_space<vmem>> -> memref<1x128xi32, #tpu.memory_space<vmem>>
      %dma_wait3A_1130 = tpu.memref_squeeze %dma_wait3A_1129 : memref<1x128xi32, #tpu.memory_space<vmem>> -> memref<128xi32, #tpu.memory_space<vmem>>
      %dma_wait3A_1131 = arith.constant 0 : i32
      %dma_wait3A_1132 = tpu.memref_slice %arg14[%dma_wait3A_1131] : memref<1048576xf32, #tpu.memory_space<vmem_shared>> -> memref<1048576xf32, #tpu.memory_space<vmem_shared>>
      tpu.wait_indirect_dma semaphore(%arg15 : memref<!tpu.dma_semaphore, #tpu.memory_space<semaphore_mem>>) src(%dma_wait3A_1127 : memref<128xf32, #tpu.memory_space<vmem>>) dst(%dma_wait3A_1132 : memref<1048576xf32, #tpu.memory_space<vmem_shared>>)
      %dma_wait3A_1133 = arith.constant 64 : i32
      %dma_wait3A_1134 = arith.constant 8192 : i32
      %dma_wait3A_1135 = tpu.memref_slice %arg12[%dma_wait3A_1134] : memref<8448xf32, #tpu.memory_space<vmem>> -> memref<128xf32, #tpu.memory_space<vmem>>
      %dma_wait3A_1136 = arith.constant 0 : i32
      %dma_wait3A_1137 = tpu.memref_slice %arg11[%dma_wait3A_1133, %dma_wait3A_1136] : memref<66x128xi32, #tpu.memory_space<vmem>> -> memref<1x128xi32, #tpu.memory_space<vmem>>
      %dma_wait3A_1138 = tpu.memref_squeeze %dma_wait3A_1137 : memref<1x128xi32, #tpu.memory_space<vmem>> -> memref<128xi32, #tpu.memory_space<vmem>>
      %dma_wait3A_1139 = arith.constant 0 : i32
      %dma_wait3A_1140 = tpu.memref_slice %arg14[%dma_wait3A_1139] : memref<1048576xf32, #tpu.memory_space<vmem_shared>> -> memref<1048576xf32, #tpu.memory_space<vmem_shared>>
      tpu.wait_indirect_dma semaphore(%arg15 : memref<!tpu.dma_semaphore, #tpu.memory_space<semaphore_mem>>) src(%dma_wait3A_1135 : memref<128xf32, #tpu.memory_space<vmem>>) dst(%dma_wait3A_1140 : memref<1048576xf32, #tpu.memory_space<vmem_shared>>)
      %dma_wait3A_1141 = arith.constant 65 : i32
      %dma_wait3A_1142 = arith.constant 8320 : i32
      %dma_wait3A_1143 = tpu.memref_slice %arg12[%dma_wait3A_1142] : memref<8448xf32, #tpu.memory_space<vmem>> -> memref<128xf32, #tpu.memory_space<vmem>>
      %dma_wait3A_1144 = arith.constant 0 : i32
      %dma_wait3A_1145 = tpu.memref_slice %arg11[%dma_wait3A_1141, %dma_wait3A_1144] : memref<66x128xi32, #tpu.memory_space<vmem>> -> memref<1x128xi32, #tpu.memory_space<vmem>>
      %dma_wait3A_1146 = tpu.memref_squeeze %dma_wait3A_1145 : memref<1x128xi32, #tpu.memory_space<vmem>> -> memref<128xi32, #tpu.memory_space<vmem>>
      %dma_wait3A_1147 = arith.constant 0 : i32
      %dma_wait3A_1148 = tpu.memref_slice %arg14[%dma_wait3A_1147] : memref<1048576xf32, #tpu.memory_space<vmem_shared>> -> memref<1048576xf32, #tpu.memory_space<vmem_shared>>
      tpu.wait_indirect_dma semaphore(%arg15 : memref<!tpu.dma_semaphore, #tpu.memory_space<semaphore_mem>>) src(%dma_wait3A_1143 : memref<128xf32, #tpu.memory_space<vmem>>) dst(%dma_wait3A_1148 : memref<1048576xf32, #tpu.memory_space<vmem_shared>>)
      %barrier3A_1149 = arith.constant 0 : index
      tpu.barrier barrier_id(%barrier3A_1149)
      %mul3A_1150 = arith.constant 65536 : i32
      %mul3A_1151 = arith.muli %arg1, %mul3A_1150 : i32
      %mul3A_1152 = arith.constant 65536 : i32
      %mul3A_1153 = arith.muli %arg1, %mul3A_1152 : i32
      %add3A_1154 = arith.addi %mul3A_24, %mul3A_1153 : i32
      "tpu.region"() ({
        %run_scoped3A = tpu.sem_alloc : memref<!tpu.dma_semaphore, #tpu.memory_space<semaphore_mem>>
        %dma_start3A_1156 = tpu.memref_slice %arg5[%add3A_1154] : memref<16777216xf32, #tpu.memory_space<hbm>> -> memref<65536xf32, #tpu.memory_space<hbm>>
        %dma_start3A_1157 = tpu.memref_slice %arg14[%mul3A_1151] : memref<1048576xf32, #tpu.memory_space<vmem_shared>> -> memref<65536xf32, #tpu.memory_space<vmem_shared>>
        tpu.enqueue_dma source(%dma_start3A_1157 : memref<65536xf32, #tpu.memory_space<vmem_shared>>) target(%dma_start3A_1156 : memref<65536xf32, #tpu.memory_space<hbm>>) target_semaphore(%run_scoped3A : memref<!tpu.dma_semaphore, #tpu.memory_space<semaphore_mem>>)
        %dma_wait3A_1158 = tpu.memref_slice %arg5[%add3A_1154] : memref<16777216xf32, #tpu.memory_space<hbm>> -> memref<65536xf32, #tpu.memory_space<hbm>>
        %dma_wait3A_1159 = tpu.memref_slice %arg14[%mul3A_1151] : memref<1048576xf32, #tpu.memory_space<vmem_shared>> -> memref<65536xf32, #tpu.memory_space<vmem_shared>>
        tpu.wait_dma2 semaphore(%run_scoped3A : memref<!tpu.dma_semaphore, #tpu.memory_space<semaphore_mem>>) src(%dma_wait3A_1159 : memref<65536xf32, #tpu.memory_space<vmem_shared>>) dst(%dma_wait3A_1158 : memref<65536xf32, #tpu.memory_space<hbm>>)
        tpu.yield
      }) : () -> ()
      %barrier3A_1155 = arith.constant 0 : index
      tpu.barrier barrier_id(%barrier3A_1155)
    }
    %scan3A_19 = arith.constant 8 : i32
    return
  }
}

#map = affine_map<(d0, d1) -> (0)>
module attributes {stable_mosaic.version = 14 : i64} {
  func.func @_deg_body(%arg0: i32, %arg1: i32, %arg2: memref<135168xi32, #tpu.memory_space<hbm>>, %arg3: memref<8192xf32, #tpu.memory_space<hbm>>, %arg4: memref<4224xi32, #tpu.memory_space<vmem>>, %arg5: memref<33x128xi32, #tpu.memory_space<vmem>>, %arg6: memref<128xf32, #tpu.memory_space<vmem>>, %arg7: memref<4096xf32, #tpu.memory_space<vmem>>, %arg8: memref<4096xf32, #tpu.memory_space<vmem_shared>>) attributes {dimension_semantics = [#tpu.dimension_semantics<core_parallel>, #tpu.dimension_semantics<subcore_parallel>], iteration_bounds = array<i64: 2, 16>, scalar_prefetch = 0 : i64, scratch_operands = 5 : i64, tpu.core_type = #tpu.core_type<sc_vector_subcore>, window_params = [{transform_indices = #map}, {transform_indices = #map}]} {
    %mul3A = arith.constant 16 : i32
    %mul3A_0 = arith.muli %arg0, %mul3A : i32
    %add3A = arith.addi %mul3A_0, %arg1 : i32
    %scan3A = arith.constant 0 : i32
    %scan3A_1 = arith.constant 0 : i32
    %scan3A_2 = arith.constant 8 : i32
    %scan3A_3 = arith.addi %scan3A_1, %scan3A_2 : i32
    %scan3A_4 = arith.constant 1 : i32
    scf.for %scan3A_34 = %scan3A_1 to %scan3A_3 step %scan3A_4  : i32 {
      %broadcast_in_dim3A = arith.constant 1.000000e+00 : f32
      %broadcast_in_dim3A_35 = vector.broadcast %broadcast_in_dim3A : f32 to vector<16xf32>
      %mul3A_36 = arith.constant 16 : i32
      %mul3A_37 = arith.muli %scan3A_34, %mul3A_36 : i32
      %swap3A = arith.index_cast %mul3A_37 : i32 to index
      %swap3A_38 = tpu.vector_load %arg6[%swap3A] {strides = array<i32>} : memref<128xf32, #tpu.memory_space<vmem>>, vector<16xf32>,
      tpu.vector_store %arg6[%swap3A], %broadcast_in_dim3A_35 {strides = array<i32>} : memref<128xf32, #tpu.memory_space<vmem>>, vector<16xf32>,
    }
    %scan3A_5 = arith.constant 8 : i32
    %scan3A_6 = arith.constant 0 : i32
    %scan3A_7 = arith.constant 0 : i32
    %scan3A_8 = arith.constant 256 : i32
    %scan3A_9 = arith.addi %scan3A_7, %scan3A_8 : i32
    %scan3A_10 = arith.constant 1 : i32
    scf.for %scan3A_34 = %scan3A_7 to %scan3A_9 step %scan3A_10  : i32 {
      %broadcast_in_dim3A = arith.constant 0.000000e+00 : f32
      %broadcast_in_dim3A_35 = vector.broadcast %broadcast_in_dim3A : f32 to vector<16xf32>
      %mul3A_36 = arith.constant 16 : i32
      %mul3A_37 = arith.muli %scan3A_34, %mul3A_36 : i32
      %swap3A = arith.index_cast %mul3A_37 : i32 to index
      %swap3A_38 = tpu.vector_load %arg7[%swap3A] {strides = array<i32>} : memref<4096xf32, #tpu.memory_space<vmem>>, vector<16xf32>,
      tpu.vector_store %arg7[%swap3A], %broadcast_in_dim3A_35 {strides = array<i32>} : memref<4096xf32, #tpu.memory_space<vmem>>, vector<16xf32>,
    }
    %scan3A_11 = arith.constant 256 : i32
    %eq3A = arith.constant 0 : i32
    %eq3A_12 = arith.cmpi eq, %arg1, %eq3A : i32
    %convert_element_type3A = arith.extui %eq3A_12 : i1 to i32
    %cond3A = arith.constant 0 : i32
    %cond3A_13 = arith.cmpi ne, %convert_element_type3A, %cond3A : i32
    scf.if %cond3A_13 {
      "tpu.region"() ({
        %run_scoped3A = tpu.sem_alloc : memref<!tpu.dma_semaphore, #tpu.memory_space<semaphore_mem>>
        tpu.enqueue_dma source(%arg7 : memref<4096xf32, #tpu.memory_space<vmem>>) target(%arg8 : memref<4096xf32, #tpu.memory_space<vmem_shared>>) target_semaphore(%run_scoped3A : memref<!tpu.dma_semaphore, #tpu.memory_space<semaphore_mem>>)
        tpu.wait_dma2 semaphore(%run_scoped3A : memref<!tpu.dma_semaphore, #tpu.memory_space<semaphore_mem>>) src(%arg7 : memref<4096xf32, #tpu.memory_space<vmem>>) dst(%arg8 : memref<4096xf32, #tpu.memory_space<vmem_shared>>)
        tpu.yield
      }) : () -> ()
    } else {
    }
    %barrier3A = arith.constant 0 : index
    tpu.barrier barrier_id(%barrier3A)
    %mul3A_14 = arith.constant 4224 : i32
    %mul3A_15 = arith.muli %add3A, %mul3A_14 : i32
    "tpu.region"() ({
      %run_scoped3A = tpu.sem_alloc : memref<!tpu.dma_semaphore, #tpu.memory_space<semaphore_mem>>
      %dma_start3A = tpu.memref_slice %arg2[%mul3A_15] : memref<135168xi32, #tpu.memory_space<hbm>> -> memref<4224xi32, #tpu.memory_space<hbm>>
      %dma_start3A_34 = tpu.memref_slice %arg2[%mul3A_15] : memref<135168xi32, #tpu.memory_space<hbm>> -> memref<4224xi32, #tpu.memory_space<hbm>>
      tpu.enqueue_dma source(%dma_start3A_34 : memref<4224xi32, #tpu.memory_space<hbm>>) target(%arg4 : memref<4224xi32, #tpu.memory_space<vmem>>) target_semaphore(%run_scoped3A : memref<!tpu.dma_semaphore, #tpu.memory_space<semaphore_mem>>)
      %dma_wait3A = tpu.memref_slice %arg2[%mul3A_15] : memref<135168xi32, #tpu.memory_space<hbm>> -> memref<4224xi32, #tpu.memory_space<hbm>>
      %dma_wait3A_35 = tpu.memref_slice %arg2[%mul3A_15] : memref<135168xi32, #tpu.memory_space<hbm>> -> memref<4224xi32, #tpu.memory_space<hbm>>
      tpu.wait_dma2 semaphore(%run_scoped3A : memref<!tpu.dma_semaphore, #tpu.memory_space<semaphore_mem>>) src(%dma_wait3A_35 : memref<4224xi32, #tpu.memory_space<hbm>>) dst(%arg4 : memref<4224xi32, #tpu.memory_space<vmem>>)
      tpu.yield
    }) : () -> ()
    %scan3A_16 = arith.constant 0 : i32
    %scan3A_17 = arith.constant 0 : i32
    %scan3A_18 = arith.constant 33 : i32
    %scan3A_19 = arith.addi %scan3A_17, %scan3A_18 : i32
    %scan3A_20 = arith.constant 1 : i32
    scf.for %scan3A_34 = %scan3A_17 to %scan3A_19 step %scan3A_20  : i32 {
      %mul3A_35 = arith.constant 128 : i32
      %mul3A_36 = arith.muli %scan3A_34, %mul3A_35 : i32
      %add3A_37 = arith.constant 0 : i32
      %add3A_38 = arith.addi %mul3A_36, %add3A_37 : i32
      %get3A = arith.index_cast %add3A_38 : i32 to index
      %get3A_39 = tpu.vector_load %arg4[%get3A] {strides = array<i32>} : memref<4224xi32, #tpu.memory_space<vmem>>, vector<16xi32>,
      %swap3A = arith.index_cast %scan3A_34 : i32 to index
      %swap3A_40 = arith.constant 0 : index
      %swap3A_41 = tpu.vector_load %arg5[%swap3A, %swap3A_40] {strides = array<i32>} : memref<33x128xi32, #tpu.memory_space<vmem>>, vector<16xi32>,
      tpu.vector_store %arg5[%swap3A, %swap3A_40], %get3A_39 {strides = array<i32>} : memref<33x128xi32, #tpu.memory_space<vmem>>, vector<16xi32>,
      %mul3A_42 = arith.constant 128 : i32
      %mul3A_43 = arith.muli %scan3A_34, %mul3A_42 : i32
      %add3A_44 = arith.constant 16 : i32
      %add3A_45 = arith.addi %mul3A_43, %add3A_44 : i32
      %get3A_46 = arith.index_cast %add3A_45 : i32 to index
      %get3A_47 = tpu.vector_load %arg4[%get3A_46] {strides = array<i32>} : memref<4224xi32, #tpu.memory_space<vmem>>, vector<16xi32>,
      %swap3A_48 = arith.index_cast %scan3A_34 : i32 to index
      %swap3A_49 = arith.constant 16 : index
      %swap3A_50 = tpu.vector_load %arg5[%swap3A_48, %swap3A_49] {strides = array<i32>} : memref<33x128xi32, #tpu.memory_space<vmem>>, vector<16xi32>,
      tpu.vector_store %arg5[%swap3A_48, %swap3A_49], %get3A_47 {strides = array<i32>} : memref<33x128xi32, #tpu.memory_space<vmem>>, vector<16xi32>,
      %mul3A_51 = arith.constant 128 : i32
      %mul3A_52 = arith.muli %scan3A_34, %mul3A_51 : i32
      %add3A_53 = arith.constant 32 : i32
      %add3A_54 = arith.addi %mul3A_52, %add3A_53 : i32
      %get3A_55 = arith.index_cast %add3A_54 : i32 to index
      %get3A_56 = tpu.vector_load %arg4[%get3A_55] {strides = array<i32>} : memref<4224xi32, #tpu.memory_space<vmem>>, vector<16xi32>,
      %swap3A_57 = arith.index_cast %scan3A_34 : i32 to index
      %swap3A_58 = arith.constant 32 : index
      %swap3A_59 = tpu.vector_load %arg5[%swap3A_57, %swap3A_58] {strides = array<i32>} : memref<33x128xi32, #tpu.memory_space<vmem>>, vector<16xi32>,
      tpu.vector_store %arg5[%swap3A_57, %swap3A_58], %get3A_56 {strides = array<i32>} : memref<33x128xi32, #tpu.memory_space<vmem>>, vector<16xi32>,
      %mul3A_60 = arith.constant 128 : i32
      %mul3A_61 = arith.muli %scan3A_34, %mul3A_60 : i32
      %add3A_62 = arith.constant 48 : i32
      %add3A_63 = arith.addi %mul3A_61, %add3A_62 : i32
      %get3A_64 = arith.index_cast %add3A_63 : i32 to index
      %get3A_65 = tpu.vector_load %arg4[%get3A_64] {strides = array<i32>} : memref<4224xi32, #tpu.memory_space<vmem>>, vector<16xi32>,
      %swap3A_66 = arith.index_cast %scan3A_34 : i32 to index
      %swap3A_67 = arith.constant 48 : index
      %swap3A_68 = tpu.vector_load %arg5[%swap3A_66, %swap3A_67] {strides = array<i32>} : memref<33x128xi32, #tpu.memory_space<vmem>>, vector<16xi32>,
      tpu.vector_store %arg5[%swap3A_66, %swap3A_67], %get3A_65 {strides = array<i32>} : memref<33x128xi32, #tpu.memory_space<vmem>>, vector<16xi32>,
      %mul3A_69 = arith.constant 128 : i32
      %mul3A_70 = arith.muli %scan3A_34, %mul3A_69 : i32
      %add3A_71 = arith.constant 64 : i32
      %add3A_72 = arith.addi %mul3A_70, %add3A_71 : i32
      %get3A_73 = arith.index_cast %add3A_72 : i32 to index
      %get3A_74 = tpu.vector_load %arg4[%get3A_73] {strides = array<i32>} : memref<4224xi32, #tpu.memory_space<vmem>>, vector<16xi32>,
      %swap3A_75 = arith.index_cast %scan3A_34 : i32 to index
      %swap3A_76 = arith.constant 64 : index
      %swap3A_77 = tpu.vector_load %arg5[%swap3A_75, %swap3A_76] {strides = array<i32>} : memref<33x128xi32, #tpu.memory_space<vmem>>, vector<16xi32>,
      tpu.vector_store %arg5[%swap3A_75, %swap3A_76], %get3A_74 {strides = array<i32>} : memref<33x128xi32, #tpu.memory_space<vmem>>, vector<16xi32>,
      %mul3A_78 = arith.constant 128 : i32
      %mul3A_79 = arith.muli %scan3A_34, %mul3A_78 : i32
      %add3A_80 = arith.constant 80 : i32
      %add3A_81 = arith.addi %mul3A_79, %add3A_80 : i32
      %get3A_82 = arith.index_cast %add3A_81 : i32 to index
      %get3A_83 = tpu.vector_load %arg4[%get3A_82] {strides = array<i32>} : memref<4224xi32, #tpu.memory_space<vmem>>, vector<16xi32>,
      %swap3A_84 = arith.index_cast %scan3A_34 : i32 to index
      %swap3A_85 = arith.constant 80 : index
      %swap3A_86 = tpu.vector_load %arg5[%swap3A_84, %swap3A_85] {strides = array<i32>} : memref<33x128xi32, #tpu.memory_space<vmem>>, vector<16xi32>,
      tpu.vector_store %arg5[%swap3A_84, %swap3A_85], %get3A_83 {strides = array<i32>} : memref<33x128xi32, #tpu.memory_space<vmem>>, vector<16xi32>,
      %mul3A_87 = arith.constant 128 : i32
      %mul3A_88 = arith.muli %scan3A_34, %mul3A_87 : i32
      %add3A_89 = arith.constant 96 : i32
      %add3A_90 = arith.addi %mul3A_88, %add3A_89 : i32
      %get3A_91 = arith.index_cast %add3A_90 : i32 to index
      %get3A_92 = tpu.vector_load %arg4[%get3A_91] {strides = array<i32>} : memref<4224xi32, #tpu.memory_space<vmem>>, vector<16xi32>,
      %swap3A_93 = arith.index_cast %scan3A_34 : i32 to index
      %swap3A_94 = arith.constant 96 : index
      %swap3A_95 = tpu.vector_load %arg5[%swap3A_93, %swap3A_94] {strides = array<i32>} : memref<33x128xi32, #tpu.memory_space<vmem>>, vector<16xi32>,
      tpu.vector_store %arg5[%swap3A_93, %swap3A_94], %get3A_92 {strides = array<i32>} : memref<33x128xi32, #tpu.memory_space<vmem>>, vector<16xi32>,
      %mul3A_96 = arith.constant 128 : i32
      %mul3A_97 = arith.muli %scan3A_34, %mul3A_96 : i32
      %add3A_98 = arith.constant 112 : i32
      %add3A_99 = arith.addi %mul3A_97, %add3A_98 : i32
      %get3A_100 = arith.index_cast %add3A_99 : i32 to index
      %get3A_101 = tpu.vector_load %arg4[%get3A_100] {strides = array<i32>} : memref<4224xi32, #tpu.memory_space<vmem>>, vector<16xi32>,
      %swap3A_102 = arith.index_cast %scan3A_34 : i32 to index
      %swap3A_103 = arith.constant 112 : index
      %swap3A_104 = tpu.vector_load %arg5[%swap3A_102, %swap3A_103] {strides = array<i32>} : memref<33x128xi32, #tpu.memory_space<vmem>>, vector<16xi32>,
      tpu.vector_store %arg5[%swap3A_102, %swap3A_103], %get3A_101 {strides = array<i32>} : memref<33x128xi32, #tpu.memory_space<vmem>>, vector<16xi32>,
    }
    %scan3A_21 = arith.constant 33 : i32
    %scan3A_22 = arith.constant 0 : i32
    %scan3A_23 = arith.constant 0 : i32
    %scan3A_24 = arith.constant 33 : i32
    %scan3A_25 = arith.addi %scan3A_23, %scan3A_24 : i32
    %scan3A_26 = arith.constant 1 : i32
    scf.for %scan3A_34 = %scan3A_23 to %scan3A_25 step %scan3A_26  : i32 {
      "tpu.region"() ({
        %run_scoped3A = tpu.sem_alloc : memref<!tpu.dma_semaphore, #tpu.memory_space<semaphore_mem>>
        %dma_start3A = arith.constant 0 : i32
        %dma_start3A_35 = tpu.memref_slice %arg5[%scan3A_34, %dma_start3A] : memref<33x128xi32, #tpu.memory_space<vmem>> -> memref<1x128xi32, #tpu.memory_space<vmem>>
        %dma_start3A_36 = tpu.memref_squeeze %dma_start3A_35 : memref<1x128xi32, #tpu.memory_space<vmem>> -> memref<128xi32, #tpu.memory_space<vmem>>
        %dma_start3A_37 = arith.constant 0 : i32
        %dma_start3A_38 = tpu.memref_slice %arg8[%dma_start3A_37] : memref<4096xf32, #tpu.memory_space<vmem_shared>> -> memref<4096xf32, #tpu.memory_space<vmem_shared>>
        tpu.enqueue_indirect_dma source(%arg6 : memref<128xf32, #tpu.memory_space<vmem>>) target(%dma_start3A_38 : memref<4096xf32, #tpu.memory_space<vmem_shared>>) offsets(%dma_start3A_36 : memref<128xi32, #tpu.memory_space<vmem>>) semaphore(%run_scoped3A : memref<!tpu.dma_semaphore, #tpu.memory_space<semaphore_mem>>) {add = true}
        %dma_wait3A = arith.constant 0 : i32
        %dma_wait3A_39 = tpu.memref_slice %arg5[%scan3A_34, %dma_wait3A] : memref<33x128xi32, #tpu.memory_space<vmem>> -> memref<1x128xi32, #tpu.memory_space<vmem>>
        %dma_wait3A_40 = tpu.memref_squeeze %dma_wait3A_39 : memref<1x128xi32, #tpu.memory_space<vmem>> -> memref<128xi32, #tpu.memory_space<vmem>>
        %dma_wait3A_41 = arith.constant 0 : i32
        %dma_wait3A_42 = tpu.memref_slice %arg8[%dma_wait3A_41] : memref<4096xf32, #tpu.memory_space<vmem_shared>> -> memref<4096xf32, #tpu.memory_space<vmem_shared>>
        tpu.wait_indirect_dma semaphore(%run_scoped3A : memref<!tpu.dma_semaphore, #tpu.memory_space<semaphore_mem>>) src(%arg6 : memref<128xf32, #tpu.memory_space<vmem>>) dst(%dma_wait3A_42 : memref<4096xf32, #tpu.memory_space<vmem_shared>>)
        tpu.yield
      }) : () -> ()
    }
    %scan3A_27 = arith.constant 33 : i32
    %barrier3A_28 = arith.constant 0 : index
    tpu.barrier barrier_id(%barrier3A_28)
    %eq3A_29 = arith.constant 0 : i32
    %eq3A_30 = arith.cmpi eq, %arg1, %eq3A_29 : i32
    %convert_element_type3A_31 = arith.extui %eq3A_30 : i1 to i32
    %cond3A_32 = arith.constant 0 : i32
    %cond3A_33 = arith.cmpi ne, %convert_element_type3A_31, %cond3A_32 : i32
    scf.if %cond3A_33 {
      %mul3A_34 = arith.constant 4096 : i32
      %mul3A_35 = arith.muli %arg0, %mul3A_34 : i32
      "tpu.region"() ({
        %run_scoped3A = tpu.sem_alloc : memref<!tpu.dma_semaphore, #tpu.memory_space<semaphore_mem>>
        %dma_start3A = tpu.memref_slice %arg3[%mul3A_35] : memref<8192xf32, #tpu.memory_space<hbm>> -> memref<4096xf32, #tpu.memory_space<hbm>>
        tpu.enqueue_dma source(%arg8 : memref<4096xf32, #tpu.memory_space<vmem_shared>>) target(%dma_start3A : memref<4096xf32, #tpu.memory_space<hbm>>) target_semaphore(%run_scoped3A : memref<!tpu.dma_semaphore, #tpu.memory_space<semaphore_mem>>)
        %dma_wait3A = tpu.memref_slice %arg3[%mul3A_35] : memref<8192xf32, #tpu.memory_space<hbm>> -> memref<4096xf32, #tpu.memory_space<hbm>>
        tpu.wait_dma2 semaphore(%run_scoped3A : memref<!tpu.dma_semaphore, #tpu.memory_space<semaphore_mem>>) src(%arg8 : memref<4096xf32, #tpu.memory_space<vmem_shared>>) dst(%dma_wait3A : memref<4096xf32, #tpu.memory_space<hbm>>)
        tpu.yield
      }) : () -> ()
    } else {
    }
    return
  }
}

module attributes {stable_mosaic.version = 14 : i64} {
  func.func @body(%arg0: memref<2x4096xf32, #tpu.memory_space<vmem>>, %arg1: memref<1x4096xf32, #tpu.memory_space<vmem>>) attributes {dimension_semantics = [], scalar_prefetch = 0 : i64, scratch_operands = 0 : i64, tpu.core_type = #tpu.core_type<tc>} {
    %get3A = arith.constant 0 : index
    %get3A_0 = arith.constant 0 : index
    %get3A_1 = vector.load %arg0[%get3A, %get3A_0] : memref<2x4096xf32, #tpu.memory_space<vmem>>, vector<2x4096xf32>
    %reduce_sum3A = arith.constant dense<0.000000e+00> : vector<4096xf32>
    %reduce_sum3A_2 = vector.multi_reduction <add>, %get3A_1, %reduce_sum3A [0] : vector<2x4096xf32> to vector<4096xf32>
    %broadcast_in_dim3A = vector.shape_cast %reduce_sum3A_2 : vector<4096xf32> to vector<1x4096xf32>
    %rsqrt3A = math.rsqrt %broadcast_in_dim3A : vector<1x4096xf32>
    %swap3A = arith.constant 0 : index
    %swap3A_3 = arith.constant 0 : index
    %swap3A_4 = vector.load %arg1[%swap3A, %swap3A_3] : memref<1x4096xf32, #tpu.memory_space<vmem>>, vector<1x4096xf32>
    tpu.vector_store %arg1[%swap3A, %swap3A_3], %rsqrt3A {strides = array<i32>} : memref<1x4096xf32, #tpu.memory_space<vmem>>, vector<1x4096xf32>,
    return
  }
}

module attributes {stable_mosaic.version = 14 : i64} {
  func.func @body(%arg0: i32, %arg1: memref<512x4096xf32, #tpu.memory_space<vmem>>, %arg2: memref<4096x512xf32, #tpu.memory_space<vmem>>, %arg3: memref<1x512xf32, #tpu.memory_space<vmem>>, %arg4: memref<512x512xf32, #tpu.memory_space<vmem>>, %arg5: memref<1x512xf32, #tpu.memory_space<vmem>>, %arg6: memref<512x128xf32, #tpu.memory_space<vmem>>, %arg7: memref<1x128xf32, #tpu.memory_space<vmem>>, %arg8: memref<128x512xf32, #tpu.memory_space<vmem>>, %arg9: memref<1x512xf32, #tpu.memory_space<vmem>>, %arg10: memref<512x512xf32, #tpu.memory_space<vmem>>, %arg11: memref<1x512xf32, #tpu.memory_space<vmem>>, %arg12: memref<512x4096xf32, #tpu.memory_space<vmem>>, %arg13: memref<1x4096xf32, #tpu.memory_space<vmem>>, %arg14: memref<512x512xf32, #tpu.memory_space<vmem>>, %arg15: memref<512x512xf32, #tpu.memory_space<vmem>>, %arg16: memref<512x128xf32, #tpu.memory_space<vmem>>, %arg17: memref<512x4096xf32, #tpu.memory_space<vmem>>) attributes {dimension_semantics = [#tpu.dimension_semantics<parallel>], iteration_bounds = array<i64: 8>, scalar_prefetch = 0 : i64, scratch_operands = 0 : i64, tpu.core_type = #tpu.core_type<tc>, window_params = [{transform_indices = @transform_0, window_bounds = array<i64: 512, 4096>}, {pipeline_mode = #tpu.pipeline_mode<synchronous>, transform_indices = @transform_1, window_bounds = array<i64: 4096, 512>}, {pipeline_mode = #tpu.pipeline_mode<synchronous>, transform_indices = @transform_2, window_bounds = array<i64: 1, 512>}, {pipeline_mode = #tpu.pipeline_mode<synchronous>, transform_indices = @transform_3, window_bounds = array<i64: 512, 512>}, {pipeline_mode = #tpu.pipeline_mode<synchronous>, transform_indices = @transform_4, window_bounds = array<i64: 1, 512>}, {pipeline_mode = #tpu.pipeline_mode<synchronous>, transform_indices = @transform_5, window_bounds = array<i64: 512, 128>}, {pipeline_mode = #tpu.pipeline_mode<synchronous>, transform_indices = @transform_6, window_bounds = array<i64: 1, 128>}, {pipeline_mode = #tpu.pipeline_mode<synchronous>, transform_indices = @transform_7, window_bounds = array<i64: 128, 512>}, {pipeline_mode = #tpu.pipeline_mode<synchronous>, transform_indices = @transform_8, window_bounds = array<i64: 1, 512>}, {pipeline_mode = #tpu.pipeline_mode<synchronous>, transform_indices = @transform_9, window_bounds = array<i64: 512, 512>}, {pipeline_mode = #tpu.pipeline_mode<synchronous>, transform_indices = @transform_10, window_bounds = array<i64: 1, 512>}, {pipeline_mode = #tpu.pipeline_mode<synchronous>, transform_indices = @transform_11, window_bounds = array<i64: 512, 4096>}, {pipeline_mode = #tpu.pipeline_mode<synchronous>, transform_indices = @transform_12, window_bounds = array<i64: 1, 4096>}, {transform_indices = @transform_13, window_bounds = array<i64: 512, 512>}, {transform_indices = @transform_14, window_bounds = array<i64: 512, 512>}, {transform_indices = @transform_15, window_bounds = array<i64: 512, 128>}, {transform_indices = @transform_16, window_bounds = array<i64: 512, 4096>}]} {
    %get3A = arith.constant 0 : index
    %get3A_0 = arith.constant 0 : index
    %get3A_1 = vector.load %arg1[%get3A, %get3A_0] : memref<512x4096xf32, #tpu.memory_space<vmem>>, vector<512x4096xf32>
    %get3A_2 = arith.constant 0 : index
    %get3A_3 = arith.constant 0 : index
    %get3A_4 = vector.load %arg2[%get3A_2, %get3A_3] : memref<4096x512xf32, #tpu.memory_space<vmem>>, vector<4096x512xf32>
    %dot_general3A = arith.constant dense<0.000000e+00> : vector<512x512xf32>
    %dot_general3A_5 = tpu.matmul %get3A_1, %get3A_4, %dot_general3A {dimension_numbers = #tpu.dot_dimension_numbers<[1], [0], [0], [1], [0, 0, 1, 1], [], []>, transpose_lhs_hint = false} : vector<512x4096xf32>, vector<4096x512xf32>, vector<512x512xf32> -> vector<512x512xf32>
    %get3A_6 = arith.constant 0 : index
    %get3A_7 = arith.constant 0 : index
    %get3A_8 = vector.load %arg3[%get3A_6, %get3A_7] : memref<1x512xf32, #tpu.memory_space<vmem>>, vector<1x512xf32>
    %add3A = vector.broadcast %get3A_8 : vector<1x512xf32> to vector<512x512xf32>
    %add3A_9 = arith.addf %dot_general3A_5, %add3A : vector<512x512xf32>
    %max3A = arith.constant 0.000000e+00 : f32
    %max3A_10 = vector.broadcast %max3A : f32 to vector<512x512xf32>
    %max3A_11 = arith.maximumf %add3A_9, %max3A_10 : vector<512x512xf32>
    %get3A_12 = arith.constant 0 : index
    %get3A_13 = arith.constant 0 : index
    %get3A_14 = vector.load %arg4[%get3A_12, %get3A_13] : memref<512x512xf32, #tpu.memory_space<vmem>>, vector<512x512xf32>
    %dot_general3A_15 = arith.constant dense<0.000000e+00> : vector<512x512xf32>
    %dot_general3A_16 = tpu.matmul %max3A_11, %get3A_14, %dot_general3A_15 {dimension_numbers = #tpu.dot_dimension_numbers<[1], [0], [0], [1], [0, 0, 1, 1], [], []>, transpose_lhs_hint = false} : vector<512x512xf32>, vector<512x512xf32>, vector<512x512xf32> -> vector<512x512xf32>
    %get3A_17 = arith.constant 0 : index
    %get3A_18 = arith.constant 0 : index
    %get3A_19 = vector.load %arg5[%get3A_17, %get3A_18] : memref<1x512xf32, #tpu.memory_space<vmem>>, vector<1x512xf32>
    %add3A_20 = vector.broadcast %get3A_19 : vector<1x512xf32> to vector<512x512xf32>
    %add3A_21 = arith.addf %dot_general3A_16, %add3A_20 : vector<512x512xf32>
    %max3A_22 = arith.constant 0.000000e+00 : f32
    %max3A_23 = vector.broadcast %max3A_22 : f32 to vector<512x512xf32>
    %max3A_24 = arith.maximumf %add3A_21, %max3A_23 : vector<512x512xf32>
    %get3A_25 = arith.constant 0 : index
    %get3A_26 = arith.constant 0 : index
    %get3A_27 = vector.load %arg6[%get3A_25, %get3A_26] : memref<512x128xf32, #tpu.memory_space<vmem>>, vector<512x128xf32>
    %dot_general3A_28 = arith.constant dense<0.000000e+00> : vector<512x128xf32>
    %dot_general3A_29 = tpu.matmul %max3A_24, %get3A_27, %dot_general3A_28 {dimension_numbers = #tpu.dot_dimension_numbers<[1], [0], [0], [1], [0, 0, 1, 1], [], []>, transpose_lhs_hint = false} : vector<512x512xf32>, vector<512x128xf32>, vector<512x128xf32> -> vector<512x128xf32>
    %get3A_30 = arith.constant 0 : index
    %get3A_31 = arith.constant 0 : index
    %get3A_32 = vector.load %arg7[%get3A_30, %get3A_31] : memref<1x128xf32, #tpu.memory_space<vmem>>, vector<1x128xf32>
    %add3A_33 = vector.broadcast %get3A_32 : vector<1x128xf32> to vector<512x128xf32>
    %add3A_34 = arith.addf %dot_general3A_29, %add3A_33 : vector<512x128xf32>
    %max3A_35 = arith.constant 0.000000e+00 : f32
    %max3A_36 = vector.broadcast %max3A_35 : f32 to vector<512x128xf32>
    %max3A_37 = arith.maximumf %add3A_34, %max3A_36 : vector<512x128xf32>
    %get3A_38 = arith.constant 0 : index
    %get3A_39 = arith.constant 0 : index
    %get3A_40 = vector.load %arg8[%get3A_38, %get3A_39] : memref<128x512xf32, #tpu.memory_space<vmem>>, vector<128x512xf32>
    %dot_general3A_41 = arith.constant dense<0.000000e+00> : vector<512x512xf32>
    %dot_general3A_42 = tpu.matmul %max3A_37, %get3A_40, %dot_general3A_41 {dimension_numbers = #tpu.dot_dimension_numbers<[1], [0], [0], [1], [0, 0, 1, 1], [], []>, transpose_lhs_hint = false} : vector<512x128xf32>, vector<128x512xf32>, vector<512x512xf32> -> vector<512x512xf32>
    %get3A_43 = arith.constant 0 : index
    %get3A_44 = arith.constant 0 : index
    %get3A_45 = vector.load %arg9[%get3A_43, %get3A_44] : memref<1x512xf32, #tpu.memory_space<vmem>>, vector<1x512xf32>
    %add3A_46 = vector.broadcast %get3A_45 : vector<1x512xf32> to vector<512x512xf32>
    %add3A_47 = arith.addf %dot_general3A_42, %add3A_46 : vector<512x512xf32>
    %max3A_48 = arith.constant 0.000000e+00 : f32
    %max3A_49 = vector.broadcast %max3A_48 : f32 to vector<512x512xf32>
    %max3A_50 = arith.maximumf %add3A_47, %max3A_49 : vector<512x512xf32>
    %get3A_51 = arith.constant 0 : index
    %get3A_52 = arith.constant 0 : index
    %get3A_53 = vector.load %arg10[%get3A_51, %get3A_52] : memref<512x512xf32, #tpu.memory_space<vmem>>, vector<512x512xf32>
    %dot_general3A_54 = arith.constant dense<0.000000e+00> : vector<512x512xf32>
    %dot_general3A_55 = tpu.matmul %max3A_50, %get3A_53, %dot_general3A_54 {dimension_numbers = #tpu.dot_dimension_numbers<[1], [0], [0], [1], [0, 0, 1, 1], [], []>, transpose_lhs_hint = false} : vector<512x512xf32>, vector<512x512xf32>, vector<512x512xf32> -> vector<512x512xf32>
    %get3A_56 = arith.constant 0 : index
    %get3A_57 = arith.constant 0 : index
    %get3A_58 = vector.load %arg11[%get3A_56, %get3A_57] : memref<1x512xf32, #tpu.memory_space<vmem>>, vector<1x512xf32>
    %add3A_59 = vector.broadcast %get3A_58 : vector<1x512xf32> to vector<512x512xf32>
    %add3A_60 = arith.addf %dot_general3A_55, %add3A_59 : vector<512x512xf32>
    %max3A_61 = arith.constant 0.000000e+00 : f32
    %max3A_62 = vector.broadcast %max3A_61 : f32 to vector<512x512xf32>
    %max3A_63 = arith.maximumf %add3A_60, %max3A_62 : vector<512x512xf32>
    %get3A_64 = arith.constant 0 : index
    %get3A_65 = arith.constant 0 : index
    %get3A_66 = vector.load %arg12[%get3A_64, %get3A_65] : memref<512x4096xf32, #tpu.memory_space<vmem>>, vector<512x4096xf32>
    %dot_general3A_67 = arith.constant dense<0.000000e+00> : vector<512x4096xf32>
    %dot_general3A_68 = tpu.matmul %max3A_63, %get3A_66, %dot_general3A_67 {dimension_numbers = #tpu.dot_dimension_numbers<[1], [0], [0], [1], [0, 0, 1, 1], [], []>, transpose_lhs_hint = false} : vector<512x512xf32>, vector<512x4096xf32>, vector<512x4096xf32> -> vector<512x4096xf32>
    %get3A_69 = arith.constant 0 : index
    %get3A_70 = arith.constant 0 : index
    %get3A_71 = vector.load %arg13[%get3A_69, %get3A_70] : memref<1x4096xf32, #tpu.memory_space<vmem>>, vector<1x4096xf32>
    %add3A_72 = vector.broadcast %get3A_71 : vector<1x4096xf32> to vector<512x4096xf32>
    %add3A_73 = arith.addf %dot_general3A_68, %add3A_72 : vector<512x4096xf32>
    %max3A_74 = arith.constant 0.000000e+00 : f32
    %max3A_75 = vector.broadcast %max3A_74 : f32 to vector<512x4096xf32>
    %max3A_76 = arith.maximumf %add3A_73, %max3A_75 : vector<512x4096xf32>
    %swap3A = arith.constant 0 : index
    %swap3A_77 = arith.constant 0 : index
    %swap3A_78 = vector.load %arg14[%swap3A, %swap3A_77] : memref<512x512xf32, #tpu.memory_space<vmem>>, vector<512x512xf32>
    tpu.vector_store %arg14[%swap3A, %swap3A_77], %max3A_11 {strides = array<i32>} : memref<512x512xf32, #tpu.memory_space<vmem>>, vector<512x512xf32>,
    %swap3A_79 = arith.constant 0 : index
    %swap3A_80 = arith.constant 0 : index
    %swap3A_81 = vector.load %arg15[%swap3A_79, %swap3A_80] : memref<512x512xf32, #tpu.memory_space<vmem>>, vector<512x512xf32>
    tpu.vector_store %arg15[%swap3A_79, %swap3A_80], %max3A_24 {strides = array<i32>} : memref<512x512xf32, #tpu.memory_space<vmem>>, vector<512x512xf32>,
    %swap3A_82 = arith.constant 0 : index
    %swap3A_83 = arith.constant 0 : index
    %swap3A_84 = vector.load %arg16[%swap3A_82, %swap3A_83] : memref<512x128xf32, #tpu.memory_space<vmem>>, vector<512x128xf32>
    tpu.vector_store %arg16[%swap3A_82, %swap3A_83], %max3A_37 {strides = array<i32>} : memref<512x128xf32, #tpu.memory_space<vmem>>, vector<512x128xf32>,
    %swap3A_85 = arith.constant 0 : index
    %swap3A_86 = arith.constant 0 : index
    %swap3A_87 = vector.load %arg17[%swap3A_85, %swap3A_86] : memref<512x4096xf32, #tpu.memory_space<vmem>>, vector<512x4096xf32>
    tpu.vector_store %arg17[%swap3A_85, %swap3A_86], %max3A_76 {strides = array<i32>} : memref<512x4096xf32, #tpu.memory_space<vmem>>, vector<512x4096xf32>,
    return
  }
  func.func @transform_0(%arg0: i32) -> (i32, i32) {
    %c0_i32 = arith.constant 0 : i32
    %c0_i32_0 = arith.constant 0 : i32
    return %arg0, %c0_i32 : i32, i32
  }
  func.func @transform_1(%arg0: i32) -> (i32, i32) {
    %c0_i32 = arith.constant 0 : i32
    %c0_i32_0 = arith.constant 0 : i32
    %c0_i32_1 = arith.constant 0 : i32
    return %c0_i32, %c0_i32_0 : i32, i32
  }
  func.func @transform_2(%arg0: i32) -> (i32, i32) {
    %c0_i32 = arith.constant 0 : i32
    %c0_i32_0 = arith.constant 0 : i32
    %c0_i32_1 = arith.constant 0 : i32
    return %c0_i32, %c0_i32_0 : i32, i32
  }
  func.func @transform_3(%arg0: i32) -> (i32, i32) {
    %c0_i32 = arith.constant 0 : i32
    %c0_i32_0 = arith.constant 0 : i32
    %c0_i32_1 = arith.constant 0 : i32
    return %c0_i32, %c0_i32_0 : i32, i32
  }
  func.func @transform_4(%arg0: i32) -> (i32, i32) {
    %c0_i32 = arith.constant 0 : i32
    %c0_i32_0 = arith.constant 0 : i32
    %c0_i32_1 = arith.constant 0 : i32
    return %c0_i32, %c0_i32_0 : i32, i32
  }
  func.func @transform_5(%arg0: i32) -> (i32, i32) {
    %c0_i32 = arith.constant 0 : i32
    %c0_i32_0 = arith.constant 0 : i32
    %c0_i32_1 = arith.constant 0 : i32
    return %c0_i32, %c0_i32_0 : i32, i32
  }
  func.func @transform_6(%arg0: i32) -> (i32, i32) {
    %c0_i32 = arith.constant 0 : i32
    %c0_i32_0 = arith.constant 0 : i32
    %c0_i32_1 = arith.constant 0 : i32
    return %c0_i32, %c0_i32_0 : i32, i32
  }
  func.func @transform_7(%arg0: i32) -> (i32, i32) {
    %c0_i32 = arith.constant 0 : i32
    %c0_i32_0 = arith.constant 0 : i32
    %c0_i32_1 = arith.constant 0 : i32
    return %c0_i32, %c0_i32_0 : i32, i32
  }
  func.func @transform_8(%arg0: i32) -> (i32, i32) {
    %c0_i32 = arith.constant 0 : i32
    %c0_i32_0 = arith.constant 0 : i32
    %c0_i32_1 = arith.constant 0 : i32
    return %c0_i32, %c0_i32_0 : i32, i32
  }
  func.func @transform_9(%arg0: i32) -> (i32, i32) {
    %c0_i32 = arith.constant 0 : i32
    %c0_i32_0 = arith.constant 0 : i32
    %c0_i32_1 = arith.constant 0 : i32
    return %c0_i32, %c0_i32_0 : i32, i32
  }
  func.func @transform_10(%arg0: i32) -> (i32, i32) {
    %c0_i32 = arith.constant 0 : i32
    %c0_i32_0 = arith.constant 0 : i32
    %c0_i32_1 = arith.constant 0 : i32
    return %c0_i32, %c0_i32_0 : i32, i32
  }
  func.func @transform_11(%arg0: i32) -> (i32, i32) {
    %c0_i32 = arith.constant 0 : i32
    %c0_i32_0 = arith.constant 0 : i32
    %c0_i32_1 = arith.constant 0 : i32
    return %c0_i32, %c0_i32_0 : i32, i32
  }
  func.func @transform_12(%arg0: i32) -> (i32, i32) {
    %c0_i32 = arith.constant 0 : i32
    %c0_i32_0 = arith.constant 0 : i32
    %c0_i32_1 = arith.constant 0 : i32
    return %c0_i32, %c0_i32_0 : i32, i32
  }
  func.func @transform_13(%arg0: i32) -> (i32, i32) {
    %c0_i32 = arith.constant 0 : i32
    %c0_i32_0 = arith.constant 0 : i32
    return %arg0, %c0_i32 : i32, i32
  }
  func.func @transform_14(%arg0: i32) -> (i32, i32) {
    %c0_i32 = arith.constant 0 : i32
    %c0_i32_0 = arith.constant 0 : i32
    return %arg0, %c0_i32 : i32, i32
  }
  func.func @transform_15(%arg0: i32) -> (i32, i32) {
    %c0_i32 = arith.constant 0 : i32
    %c0_i32_0 = arith.constant 0 : i32
    return %arg0, %c0_i32 : i32, i32
  }
  func.func @transform_16(%arg0: i32) -> (i32, i32) {
    %c0_i32 = arith.constant 0 : i32
    %c0_i32_0 = arith.constant 0 : i32
    return %arg0, %c0_i32 : i32, i32
  }
}

module attributes {stable_mosaic.version = 14 : i64} {
  func.func @body(%arg0: i32, %arg1: memref<16384x128xf32, #tpu.memory_space<vmem>>, %arg2: memref<4096x128xf32, #tpu.memory_space<vmem>>, %arg3: memref<128x512xf32, #tpu.memory_space<vmem>>, %arg4: memref<1x512xf32, #tpu.memory_space<vmem>>, %arg5: memref<512x512xf32, #tpu.memory_space<vmem>>, %arg6: memref<512x512xf32, #tpu.memory_space<vmem>>) attributes {dimension_semantics = [#tpu.dimension_semantics<parallel>], iteration_bounds = array<i64: 8>, scalar_prefetch = 0 : i64, scratch_operands = 0 : i64, tpu.core_type = #tpu.core_type<tc>, window_params = [{transform_indices = @transform_0, window_bounds = array<i64: 16384, 128>}, {pipeline_mode = #tpu.pipeline_mode<synchronous>, transform_indices = @transform_1, window_bounds = array<i64: 4096, 128>}, {pipeline_mode = #tpu.pipeline_mode<synchronous>, transform_indices = @transform_2, window_bounds = array<i64: 128, 512>}, {pipeline_mode = #tpu.pipeline_mode<synchronous>, transform_indices = @transform_3, window_bounds = array<i64: 1, 512>}, {transform_indices = @transform_4, window_bounds = array<i64: 512, 512>}, {transform_indices = @transform_5, window_bounds = array<i64: 512, 512>}]} {
    %get3A = tpu.memref_reshape %arg1 : memref<16384x128xf32, #tpu.memory_space<vmem>> -> memref<512x4096xf32, #tpu.memory_space<vmem>>
    %get3A_0 = arith.constant 0 : index
    %get3A_1 = arith.constant 0 : index
    %get3A_2 = vector.load %get3A[%get3A_0, %get3A_1] : memref<512x4096xf32, #tpu.memory_space<vmem>>, vector<512x4096xf32>
    %get3A_3 = arith.constant 0 : index
    %get3A_4 = arith.constant 0 : index
    %get3A_5 = vector.load %arg2[%get3A_3, %get3A_4] : memref<4096x128xf32, #tpu.memory_space<vmem>>, vector<4096x128xf32>
    %dot_general3A = arith.constant dense<0.000000e+00> : vector<512x128xf32>
    %dot_general3A_6 = tpu.matmul %get3A_2, %get3A_5, %dot_general3A {dimension_numbers = #tpu.dot_dimension_numbers<[1], [0], [0], [1], [0, 0, 1, 1], [], []>, transpose_lhs_hint = false} : vector<512x4096xf32>, vector<4096x128xf32>, vector<512x128xf32> -> vector<512x128xf32>
    %get3A_7 = arith.constant 0 : index
    %get3A_8 = arith.constant 0 : index
    %get3A_9 = vector.load %arg3[%get3A_7, %get3A_8] : memref<128x512xf32, #tpu.memory_space<vmem>>, vector<128x512xf32>
    %dot_general3A_10 = arith.constant dense<0.000000e+00> : vector<512x512xf32>
    %dot_general3A_11 = tpu.matmul %dot_general3A_6, %get3A_9, %dot_general3A_10 {dimension_numbers = #tpu.dot_dimension_numbers<[1], [0], [0], [1], [0, 0, 1, 1], [], []>, transpose_lhs_hint = false} : vector<512x128xf32>, vector<128x512xf32>, vector<512x512xf32> -> vector<512x512xf32>
    %get3A_12 = arith.constant 0 : index
    %get3A_13 = arith.constant 0 : index
    %get3A_14 = vector.load %arg4[%get3A_12, %get3A_13] : memref<1x512xf32, #tpu.memory_space<vmem>>, vector<1x512xf32>
    %add3A = vector.broadcast %get3A_14 : vector<1x512xf32> to vector<512x512xf32>
    %add3A_15 = arith.addf %dot_general3A_11, %add3A : vector<512x512xf32>
    %max3A = arith.constant 0.000000e+00 : f32
    %max3A_16 = vector.broadcast %max3A : f32 to vector<512x512xf32>
    %max3A_17 = arith.maximumf %add3A_15, %max3A_16 : vector<512x512xf32>
    %get3A_18 = arith.constant 0 : index
    %get3A_19 = arith.constant 0 : index
    %get3A_20 = vector.load %arg5[%get3A_18, %get3A_19] : memref<512x512xf32, #tpu.memory_space<vmem>>, vector<512x512xf32>
    %add3A_21 = arith.addf %max3A_17, %get3A_20 : vector<512x512xf32>
    %swap3A = arith.constant 0 : index
    %swap3A_22 = arith.constant 0 : index
    %swap3A_23 = vector.load %arg6[%swap3A, %swap3A_22] : memref<512x512xf32, #tpu.memory_space<vmem>>, vector<512x512xf32>
    tpu.vector_store %arg6[%swap3A, %swap3A_22], %add3A_21 {strides = array<i32>} : memref<512x512xf32, #tpu.memory_space<vmem>>, vector<512x512xf32>,
    return
  }
  func.func @transform_0(%arg0: i32) -> (i32, i32) {
    %c0_i32 = arith.constant 0 : i32
    %c0_i32_0 = arith.constant 0 : i32
    return %arg0, %c0_i32 : i32, i32
  }
  func.func @transform_1(%arg0: i32) -> (i32, i32) {
    %c0_i32 = arith.constant 0 : i32
    %c0_i32_0 = arith.constant 0 : i32
    %c0_i32_1 = arith.constant 0 : i32
    return %c0_i32, %c0_i32_0 : i32, i32
  }
  func.func @transform_2(%arg0: i32) -> (i32, i32) {
    %c0_i32 = arith.constant 0 : i32
    %c0_i32_0 = arith.constant 0 : i32
    %c0_i32_1 = arith.constant 0 : i32
    return %c0_i32, %c0_i32_0 : i32, i32
  }
  func.func @transform_3(%arg0: i32) -> (i32, i32) {
    %c0_i32 = arith.constant 0 : i32
    %c0_i32_0 = arith.constant 0 : i32
    %c0_i32_1 = arith.constant 0 : i32
    return %c0_i32, %c0_i32_0 : i32, i32
  }
  func.func @transform_4(%arg0: i32) -> (i32, i32) {
    %c0_i32 = arith.constant 0 : i32
    %c0_i32_0 = arith.constant 0 : i32
    return %arg0, %c0_i32 : i32, i32
  }
  func.func @transform_5(%arg0: i32) -> (i32, i32) {
    %c0_i32 = arith.constant 0 : i32
    %c0_i32_0 = arith.constant 0 : i32
    return %arg0, %c0_i32 : i32, i32
  }
}

module attributes {stable_mosaic.version = 14 : i64} {
  func.func @body(%arg0: i32, %arg1: memref<16384x128xf32, #tpu.memory_space<vmem>>, %arg2: memref<4096x512xf32, #tpu.memory_space<vmem>>, %arg3: memref<512x512xf32, #tpu.memory_space<vmem>>, %arg4: memref<1x512xf32, #tpu.memory_space<vmem>>, %arg5: memref<512x512xf32, #tpu.memory_space<vmem>>, %arg6: memref<512x128xf32, #tpu.memory_space<vmem>>, %arg7: memref<512x128xf32, #tpu.memory_space<vmem>>) attributes {dimension_semantics = [#tpu.dimension_semantics<parallel>], iteration_bounds = array<i64: 8>, scalar_prefetch = 0 : i64, scratch_operands = 0 : i64, tpu.core_type = #tpu.core_type<tc>, window_params = [{transform_indices = @transform_0, window_bounds = array<i64: 16384, 128>}, {pipeline_mode = #tpu.pipeline_mode<synchronous>, transform_indices = @transform_1, window_bounds = array<i64: 4096, 512>}, {pipeline_mode = #tpu.pipeline_mode<synchronous>, transform_indices = @transform_2, window_bounds = array<i64: 512, 512>}, {pipeline_mode = #tpu.pipeline_mode<synchronous>, transform_indices = @transform_3, window_bounds = array<i64: 1, 512>}, {transform_indices = @transform_4, window_bounds = array<i64: 512, 512>}, {pipeline_mode = #tpu.pipeline_mode<synchronous>, transform_indices = @transform_5, window_bounds = array<i64: 512, 128>}, {transform_indices = @transform_6, window_bounds = array<i64: 512, 128>}]} {
    %get3A = tpu.memref_reshape %arg1 : memref<16384x128xf32, #tpu.memory_space<vmem>> -> memref<512x4096xf32, #tpu.memory_space<vmem>>
    %get3A_0 = arith.constant 0 : index
    %get3A_1 = arith.constant 0 : index
    %get3A_2 = vector.load %get3A[%get3A_0, %get3A_1] : memref<512x4096xf32, #tpu.memory_space<vmem>>, vector<512x4096xf32>
    %get3A_3 = arith.constant 0 : index
    %get3A_4 = arith.constant 0 : index
    %get3A_5 = vector.load %arg2[%get3A_3, %get3A_4] : memref<4096x512xf32, #tpu.memory_space<vmem>>, vector<4096x512xf32>
    %dot_general3A = arith.constant dense<0.000000e+00> : vector<512x512xf32>
    %dot_general3A_6 = tpu.matmul %get3A_2, %get3A_5, %dot_general3A {dimension_numbers = #tpu.dot_dimension_numbers<[1], [0], [0], [1], [0, 0, 1, 1], [], []>, transpose_lhs_hint = false} : vector<512x4096xf32>, vector<4096x512xf32>, vector<512x512xf32> -> vector<512x512xf32>
    %get3A_7 = arith.constant 0 : index
    %get3A_8 = arith.constant 0 : index
    %get3A_9 = vector.load %arg3[%get3A_7, %get3A_8] : memref<512x512xf32, #tpu.memory_space<vmem>>, vector<512x512xf32>
    %dot_general3A_10 = arith.constant dense<0.000000e+00> : vector<512x512xf32>
    %dot_general3A_11 = tpu.matmul %dot_general3A_6, %get3A_9, %dot_general3A_10 {dimension_numbers = #tpu.dot_dimension_numbers<[1], [0], [0], [1], [0, 0, 1, 1], [], []>, transpose_lhs_hint = false} : vector<512x512xf32>, vector<512x512xf32>, vector<512x512xf32> -> vector<512x512xf32>
    %get3A_12 = arith.constant 0 : index
    %get3A_13 = arith.constant 0 : index
    %get3A_14 = vector.load %arg4[%get3A_12, %get3A_13] : memref<1x512xf32, #tpu.memory_space<vmem>>, vector<1x512xf32>
    %add3A = vector.broadcast %get3A_14 : vector<1x512xf32> to vector<512x512xf32>
    %add3A_15 = arith.addf %dot_general3A_11, %add3A : vector<512x512xf32>
    %max3A = arith.constant 0.000000e+00 : f32
    %max3A_16 = vector.broadcast %max3A : f32 to vector<512x512xf32>
    %max3A_17 = arith.maximumf %add3A_15, %max3A_16 : vector<512x512xf32>
    %get3A_18 = arith.constant 0 : index
    %get3A_19 = arith.constant 0 : index
    %get3A_20 = vector.load %arg5[%get3A_18, %get3A_19] : memref<512x512xf32, #tpu.memory_space<vmem>>, vector<512x512xf32>
    %add3A_21 = arith.addf %max3A_17, %get3A_20 : vector<512x512xf32>
    %get3A_22 = arith.constant 0 : index
    %get3A_23 = arith.constant 0 : index
    %get3A_24 = vector.load %arg6[%get3A_22, %get3A_23] : memref<512x128xf32, #tpu.memory_space<vmem>>, vector<512x128xf32>
    %dot_general3A_25 = arith.constant dense<0.000000e+00> : vector<512x128xf32>
    %dot_general3A_26 = tpu.matmul %add3A_21, %get3A_24, %dot_general3A_25 {dimension_numbers = #tpu.dot_dimension_numbers<[1], [0], [0], [1], [0, 0, 1, 1], [], []>, transpose_lhs_hint = false} : vector<512x512xf32>, vector<512x128xf32>, vector<512x128xf32> -> vector<512x128xf32>
    %swap3A = arith.constant 0 : index
    %swap3A_27 = arith.constant 0 : index
    %swap3A_28 = vector.load %arg7[%swap3A, %swap3A_27] : memref<512x128xf32, #tpu.memory_space<vmem>>, vector<512x128xf32>
    tpu.vector_store %arg7[%swap3A, %swap3A_27], %dot_general3A_26 {strides = array<i32>} : memref<512x128xf32, #tpu.memory_space<vmem>>, vector<512x128xf32>,
    return
  }
  func.func @transform_0(%arg0: i32) -> (i32, i32) {
    %c0_i32 = arith.constant 0 : i32
    %c0_i32_0 = arith.constant 0 : i32
    return %arg0, %c0_i32 : i32, i32
  }
  func.func @transform_1(%arg0: i32) -> (i32, i32) {
    %c0_i32 = arith.constant 0 : i32
    %c0_i32_0 = arith.constant 0 : i32
    %c0_i32_1 = arith.constant 0 : i32
    return %c0_i32, %c0_i32_0 : i32, i32
  }
  func.func @transform_2(%arg0: i32) -> (i32, i32) {
    %c0_i32 = arith.constant 0 : i32
    %c0_i32_0 = arith.constant 0 : i32
    %c0_i32_1 = arith.constant 0 : i32
    return %c0_i32, %c0_i32_0 : i32, i32
  }
  func.func @transform_3(%arg0: i32) -> (i32, i32) {
    %c0_i32 = arith.constant 0 : i32
    %c0_i32_0 = arith.constant 0 : i32
    %c0_i32_1 = arith.constant 0 : i32
    return %c0_i32, %c0_i32_0 : i32, i32
  }
  func.func @transform_4(%arg0: i32) -> (i32, i32) {
    %c0_i32 = arith.constant 0 : i32
    %c0_i32_0 = arith.constant 0 : i32
    return %arg0, %c0_i32 : i32, i32
  }
  func.func @transform_5(%arg0: i32) -> (i32, i32) {
    %c0_i32 = arith.constant 0 : i32
    %c0_i32_0 = arith.constant 0 : i32
    %c0_i32_1 = arith.constant 0 : i32
    return %c0_i32, %c0_i32_0 : i32, i32
  }
  func.func @transform_6(%arg0: i32) -> (i32, i32) {
    %c0_i32 = arith.constant 0 : i32
    %c0_i32_0 = arith.constant 0 : i32
    return %arg0, %c0_i32 : i32, i32
  }
}

module attributes {stable_mosaic.version = 14 : i64} {
  func.func @body(%arg0: i32, %arg1: memref<16384x128xf32, #tpu.memory_space<vmem>>, %arg2: memref<4096x128xf32, #tpu.memory_space<vmem>>, %arg3: memref<1x128xf32, #tpu.memory_space<vmem>>, %arg4: memref<512x128xf32, #tpu.memory_space<vmem>>, %arg5: memref<128x128xf32, #tpu.memory_space<vmem>>, %arg6: memref<512x128xf32, #tpu.memory_space<vmem>>) attributes {dimension_semantics = [#tpu.dimension_semantics<parallel>], iteration_bounds = array<i64: 8>, scalar_prefetch = 0 : i64, scratch_operands = 0 : i64, tpu.core_type = #tpu.core_type<tc>, window_params = [{transform_indices = @transform_0, window_bounds = array<i64: 16384, 128>}, {pipeline_mode = #tpu.pipeline_mode<synchronous>, transform_indices = @transform_1, window_bounds = array<i64: 4096, 128>}, {pipeline_mode = #tpu.pipeline_mode<synchronous>, transform_indices = @transform_2, window_bounds = array<i64: 1, 128>}, {transform_indices = @transform_3, window_bounds = array<i64: 512, 128>}, {pipeline_mode = #tpu.pipeline_mode<synchronous>, transform_indices = @transform_4, window_bounds = array<i64: 128, 128>}, {transform_indices = @transform_5, window_bounds = array<i64: 512, 128>}]} {
    %get3A = tpu.memref_reshape %arg1 : memref<16384x128xf32, #tpu.memory_space<vmem>> -> memref<512x4096xf32, #tpu.memory_space<vmem>>
    %get3A_0 = arith.constant 0 : index
    %get3A_1 = arith.constant 0 : index
    %get3A_2 = vector.load %get3A[%get3A_0, %get3A_1] : memref<512x4096xf32, #tpu.memory_space<vmem>>, vector<512x4096xf32>
    %get3A_3 = arith.constant 0 : index
    %get3A_4 = arith.constant 0 : index
    %get3A_5 = vector.load %arg2[%get3A_3, %get3A_4] : memref<4096x128xf32, #tpu.memory_space<vmem>>, vector<4096x128xf32>
    %dot_general3A = arith.constant dense<0.000000e+00> : vector<512x128xf32>
    %dot_general3A_6 = tpu.matmul %get3A_2, %get3A_5, %dot_general3A {dimension_numbers = #tpu.dot_dimension_numbers<[1], [0], [0], [1], [0, 0, 1, 1], [], []>, transpose_lhs_hint = false} : vector<512x4096xf32>, vector<4096x128xf32>, vector<512x128xf32> -> vector<512x128xf32>
    %get3A_7 = arith.constant 0 : index
    %get3A_8 = arith.constant 0 : index
    %get3A_9 = vector.load %arg3[%get3A_7, %get3A_8] : memref<1x128xf32, #tpu.memory_space<vmem>>, vector<1x128xf32>
    %add3A = vector.broadcast %get3A_9 : vector<1x128xf32> to vector<512x128xf32>
    %add3A_10 = arith.addf %dot_general3A_6, %add3A : vector<512x128xf32>
    %max3A = arith.constant 0.000000e+00 : f32
    %max3A_11 = vector.broadcast %max3A : f32 to vector<512x128xf32>
    %max3A_12 = arith.maximumf %add3A_10, %max3A_11 : vector<512x128xf32>
    %get3A_13 = arith.constant 0 : index
    %get3A_14 = arith.constant 0 : index
    %get3A_15 = vector.load %arg4[%get3A_13, %get3A_14] : memref<512x128xf32, #tpu.memory_space<vmem>>, vector<512x128xf32>
    %add3A_16 = arith.addf %max3A_12, %get3A_15 : vector<512x128xf32>
    %get3A_17 = arith.constant 0 : index
    %get3A_18 = arith.constant 0 : index
    %get3A_19 = vector.load %arg5[%get3A_17, %get3A_18] : memref<128x128xf32, #tpu.memory_space<vmem>>, vector<128x128xf32>
    %dot_general3A_20 = arith.constant dense<0.000000e+00> : vector<512x128xf32>
    %dot_general3A_21 = tpu.matmul %add3A_16, %get3A_19, %dot_general3A_20 {dimension_numbers = #tpu.dot_dimension_numbers<[1], [0], [0], [1], [0, 0, 1, 1], [], []>, transpose_lhs_hint = false} : vector<512x128xf32>, vector<128x128xf32>, vector<512x128xf32> -> vector<512x128xf32>
    %swap3A = arith.constant 0 : index
    %swap3A_22 = arith.constant 0 : index
    %swap3A_23 = vector.load %arg6[%swap3A, %swap3A_22] : memref<512x128xf32, #tpu.memory_space<vmem>>, vector<512x128xf32>
    tpu.vector_store %arg6[%swap3A, %swap3A_22], %dot_general3A_21 {strides = array<i32>} : memref<512x128xf32, #tpu.memory_space<vmem>>, vector<512x128xf32>,
    return
  }
  func.func @transform_0(%arg0: i32) -> (i32, i32) {
    %c0_i32 = arith.constant 0 : i32
    %c0_i32_0 = arith.constant 0 : i32
    return %arg0, %c0_i32 : i32, i32
  }
  func.func @transform_1(%arg0: i32) -> (i32, i32) {
    %c0_i32 = arith.constant 0 : i32
    %c0_i32_0 = arith.constant 0 : i32
    %c0_i32_1 = arith.constant 0 : i32
    return %c0_i32, %c0_i32_0 : i32, i32
  }
  func.func @transform_2(%arg0: i32) -> (i32, i32) {
    %c0_i32 = arith.constant 0 : i32
    %c0_i32_0 = arith.constant 0 : i32
    %c0_i32_1 = arith.constant 0 : i32
    return %c0_i32, %c0_i32_0 : i32, i32
  }
  func.func @transform_3(%arg0: i32) -> (i32, i32) {
    %c0_i32 = arith.constant 0 : i32
    %c0_i32_0 = arith.constant 0 : i32
    return %arg0, %c0_i32 : i32, i32
  }
  func.func @transform_4(%arg0: i32) -> (i32, i32) {
    %c0_i32 = arith.constant 0 : i32
    %c0_i32_0 = arith.constant 0 : i32
    %c0_i32_1 = arith.constant 0 : i32
    return %c0_i32, %c0_i32_0 : i32, i32
  }
  func.func @transform_5(%arg0: i32) -> (i32, i32) {
    %c0_i32 = arith.constant 0 : i32
    %c0_i32_0 = arith.constant 0 : i32
    return %arg0, %c0_i32 : i32, i32
  }
}

module attributes {stable_mosaic.version = 14 : i64} {
  func.func @body(%arg0: i32, %arg1: memref<16384x128xf32, #tpu.memory_space<vmem>>, %arg2: memref<4096x128xf32, #tpu.memory_space<vmem>>, %arg3: memref<1x128xf32, #tpu.memory_space<vmem>>, %arg4: memref<128x128xf32, #tpu.memory_space<vmem>>, %arg5: memref<512x128xf32, #tpu.memory_space<vmem>>, %arg6: memref<512x128xf32, #tpu.memory_space<vmem>>) attributes {dimension_semantics = [#tpu.dimension_semantics<parallel>], iteration_bounds = array<i64: 8>, scalar_prefetch = 0 : i64, scratch_operands = 0 : i64, tpu.core_type = #tpu.core_type<tc>, window_params = [{transform_indices = @transform_0, window_bounds = array<i64: 16384, 128>}, {pipeline_mode = #tpu.pipeline_mode<synchronous>, transform_indices = @transform_1, window_bounds = array<i64: 4096, 128>}, {pipeline_mode = #tpu.pipeline_mode<synchronous>, transform_indices = @transform_2, window_bounds = array<i64: 1, 128>}, {pipeline_mode = #tpu.pipeline_mode<synchronous>, transform_indices = @transform_3, window_bounds = array<i64: 128, 128>}, {transform_indices = @transform_4, window_bounds = array<i64: 512, 128>}, {transform_indices = @transform_5, window_bounds = array<i64: 512, 128>}]} {
    %get3A = tpu.memref_reshape %arg1 : memref<16384x128xf32, #tpu.memory_space<vmem>> -> memref<512x4096xf32, #tpu.memory_space<vmem>>
    %get3A_0 = arith.constant 0 : index
    %get3A_1 = arith.constant 0 : index
    %get3A_2 = vector.load %get3A[%get3A_0, %get3A_1] : memref<512x4096xf32, #tpu.memory_space<vmem>>, vector<512x4096xf32>
    %get3A_3 = arith.constant 0 : index
    %get3A_4 = arith.constant 0 : index
    %get3A_5 = vector.load %arg2[%get3A_3, %get3A_4] : memref<4096x128xf32, #tpu.memory_space<vmem>>, vector<4096x128xf32>
    %dot_general3A = arith.constant dense<0.000000e+00> : vector<512x128xf32>
    %dot_general3A_6 = tpu.matmul %get3A_2, %get3A_5, %dot_general3A {dimension_numbers = #tpu.dot_dimension_numbers<[1], [0], [0], [1], [0, 0, 1, 1], [], []>, transpose_lhs_hint = false} : vector<512x4096xf32>, vector<4096x128xf32>, vector<512x128xf32> -> vector<512x128xf32>
    %get3A_7 = arith.constant 0 : index
    %get3A_8 = arith.constant 0 : index
    %get3A_9 = vector.load %arg3[%get3A_7, %get3A_8] : memref<1x128xf32, #tpu.memory_space<vmem>>, vector<1x128xf32>
    %add3A = vector.broadcast %get3A_9 : vector<1x128xf32> to vector<512x128xf32>
    %add3A_10 = arith.addf %dot_general3A_6, %add3A : vector<512x128xf32>
    %max3A = arith.constant 0.000000e+00 : f32
    %max3A_11 = vector.broadcast %max3A : f32 to vector<512x128xf32>
    %max3A_12 = arith.maximumf %add3A_10, %max3A_11 : vector<512x128xf32>
    %get3A_13 = arith.constant 0 : index
    %get3A_14 = arith.constant 0 : index
    %get3A_15 = vector.load %arg4[%get3A_13, %get3A_14] : memref<128x128xf32, #tpu.memory_space<vmem>>, vector<128x128xf32>
    %dot_general3A_16 = arith.constant dense<0.000000e+00> : vector<512x128xf32>
    %dot_general3A_17 = tpu.matmul %max3A_12, %get3A_15, %dot_general3A_16 {dimension_numbers = #tpu.dot_dimension_numbers<[1], [0], [0], [1], [0, 0, 1, 1], [], []>, transpose_lhs_hint = false} : vector<512x128xf32>, vector<128x128xf32>, vector<512x128xf32> -> vector<512x128xf32>
    %swap3A = arith.constant 0 : index
    %swap3A_18 = arith.constant 0 : index
    %swap3A_19 = vector.load %arg6[%swap3A, %swap3A_18] : memref<512x128xf32, #tpu.memory_space<vmem>>, vector<512x128xf32>
    tpu.vector_store %arg6[%swap3A, %swap3A_18], %dot_general3A_17 {strides = array<i32>} : memref<512x128xf32, #tpu.memory_space<vmem>>, vector<512x128xf32>,
    %swap3A_20 = arith.constant 0 : index
    %swap3A_21 = arith.constant 0 : index
    %swap3A_22 = vector.load %arg5[%swap3A_20, %swap3A_21] : memref<512x128xf32, #tpu.memory_space<vmem>>, vector<512x128xf32>
    tpu.vector_store %arg5[%swap3A_20, %swap3A_21], %max3A_12 {strides = array<i32>} : memref<512x128xf32, #tpu.memory_space<vmem>>, vector<512x128xf32>,
    return
  }
  func.func @transform_0(%arg0: i32) -> (i32, i32) {
    %c0_i32 = arith.constant 0 : i32
    %c0_i32_0 = arith.constant 0 : i32
    return %arg0, %c0_i32 : i32, i32
  }
  func.func @transform_1(%arg0: i32) -> (i32, i32) {
    %c0_i32 = arith.constant 0 : i32
    %c0_i32_0 = arith.constant 0 : i32
    %c0_i32_1 = arith.constant 0 : i32
    return %c0_i32, %c0_i32_0 : i32, i32
  }
  func.func @transform_2(%arg0: i32) -> (i32, i32) {
    %c0_i32 = arith.constant 0 : i32
    %c0_i32_0 = arith.constant 0 : i32
    %c0_i32_1 = arith.constant 0 : i32
    return %c0_i32, %c0_i32_0 : i32, i32
  }
  func.func @transform_3(%arg0: i32) -> (i32, i32) {
    %c0_i32 = arith.constant 0 : i32
    %c0_i32_0 = arith.constant 0 : i32
    %c0_i32_1 = arith.constant 0 : i32
    return %c0_i32, %c0_i32_0 : i32, i32
  }
  func.func @transform_4(%arg0: i32) -> (i32, i32) {
    %c0_i32 = arith.constant 0 : i32
    %c0_i32_0 = arith.constant 0 : i32
    return %arg0, %c0_i32 : i32, i32
  }
  func.func @transform_5(%arg0: i32) -> (i32, i32) {
    %c0_i32 = arith.constant 0 : i32
    %c0_i32_0 = arith.constant 0 : i32
    return %arg0, %c0_i32 : i32, i32
  }
}

module attributes {stable_mosaic.version = 14 : i64} {
  func.func @body(%arg0: i32, %arg1: i32, %arg2: i32, %arg3: memref<1024x128xf32, #tpu.memory_space<vmem>>, %arg4: memref<1024x128xf32, #tpu.memory_space<vmem>>, %arg5: memref<1024x1024xf32, #tpu.memory_space<vmem>>) attributes {dimension_semantics = [#tpu.dimension_semantics<parallel>, #tpu.dimension_semantics<parallel>, #tpu.dimension_semantics<arbitrary>], iteration_bounds = array<i64: 4, 4, 1>, scalar_prefetch = 0 : i64, scratch_operands = 0 : i64, tpu.core_type = #tpu.core_type<tc>, window_params = [{transform_indices = @transform_0, window_bounds = array<i64: 1024, 128>}, {transform_indices = @transform_1, window_bounds = array<i64: 1024, 128>}, {transform_indices = @transform_2, window_bounds = array<i64: 1024, 1024>}]} {
    %get3A = arith.constant 0 : index
    %get3A_0 = arith.constant 0 : index
    %get3A_1 = vector.load %arg3[%get3A, %get3A_0] : memref<1024x128xf32, #tpu.memory_space<vmem>>, vector<1024x128xf32>
    %get3A_2 = arith.constant 0 : index
    %get3A_3 = arith.constant 0 : index
    %get3A_4 = vector.load %arg4[%get3A_2, %get3A_3] : memref<1024x128xf32, #tpu.memory_space<vmem>>, vector<1024x128xf32>
    %dot_general3A = arith.constant dense<0.000000e+00> : vector<1024x1024xf32>
    %dot_general3A_5 = tpu.matmul %get3A_1, %get3A_4, %dot_general3A {dimension_numbers = #tpu.dot_dimension_numbers<[1], [1], [0], [0], [0, 0, 1, 0], [], []>, transpose_lhs_hint = false} : vector<1024x128xf32>, vector<1024x128xf32>, vector<1024x1024xf32> -> vector<1024x1024xf32>
    %swap3A = arith.constant 0 : index
    %swap3A_6 = arith.constant 0 : index
    %swap3A_7 = vector.load %arg5[%swap3A, %swap3A_6] : memref<1024x1024xf32, #tpu.memory_space<vmem>>, vector<1024x1024xf32>
    tpu.vector_store %arg5[%swap3A, %swap3A_6], %dot_general3A_5 {strides = array<i32>} : memref<1024x1024xf32, #tpu.memory_space<vmem>>, vector<1024x1024xf32>,
    return
  }
  func.func @transform_0(%arg0: i32, %arg1: i32, %arg2: i32) -> (i32, i32) {
    %c0_i32 = arith.constant 0 : i32
    return %arg0, %arg2 : i32, i32
  }
  func.func @transform_1(%arg0: i32, %arg1: i32, %arg2: i32) -> (i32, i32) {
    %c0_i32 = arith.constant 0 : i32
    return %arg1, %arg2 : i32, i32
  }
  func.func @transform_2(%arg0: i32, %arg1: i32, %arg2: i32) -> (i32, i32) {
    %c0_i32 = arith.constant 0 : i32
    return %arg0, %arg1 : i32, i32
  }
}

module attributes {stable_mosaic.version = 14 : i64} {
  func.func @body(%arg0: i32, %arg1: memref<16384x128xf32, #tpu.memory_space<vmem>>, %arg2: memref<4096x128xf32, #tpu.memory_space<vmem>>, %arg3: memref<1x128xf32, #tpu.memory_space<vmem>>, %arg4: memref<512x128xf32, #tpu.memory_space<vmem>>) attributes {dimension_semantics = [#tpu.dimension_semantics<parallel>], iteration_bounds = array<i64: 8>, scalar_prefetch = 0 : i64, scratch_operands = 0 : i64, tpu.core_type = #tpu.core_type<tc>, window_params = [{transform_indices = @transform_0, window_bounds = array<i64: 16384, 128>}, {pipeline_mode = #tpu.pipeline_mode<synchronous>, transform_indices = @transform_1, window_bounds = array<i64: 4096, 128>}, {pipeline_mode = #tpu.pipeline_mode<synchronous>, transform_indices = @transform_2, window_bounds = array<i64: 1, 128>}, {transform_indices = @transform_3, window_bounds = array<i64: 512, 128>}]} {
    %get3A = tpu.memref_reshape %arg1 : memref<16384x128xf32, #tpu.memory_space<vmem>> -> memref<512x4096xf32, #tpu.memory_space<vmem>>
    %get3A_0 = arith.constant 0 : index
    %get3A_1 = arith.constant 0 : index
    %get3A_2 = vector.load %get3A[%get3A_0, %get3A_1] : memref<512x4096xf32, #tpu.memory_space<vmem>>, vector<512x4096xf32>
    %get3A_3 = arith.constant 0 : index
    %get3A_4 = arith.constant 0 : index
    %get3A_5 = vector.load %arg2[%get3A_3, %get3A_4] : memref<4096x128xf32, #tpu.memory_space<vmem>>, vector<4096x128xf32>
    %dot_general3A = arith.constant dense<0.000000e+00> : vector<512x128xf32>
    %dot_general3A_6 = tpu.matmul %get3A_2, %get3A_5, %dot_general3A {dimension_numbers = #tpu.dot_dimension_numbers<[1], [0], [0], [1], [0, 0, 1, 1], [], []>, transpose_lhs_hint = false} : vector<512x4096xf32>, vector<4096x128xf32>, vector<512x128xf32> -> vector<512x128xf32>
    %get3A_7 = arith.constant 0 : index
    %get3A_8 = arith.constant 0 : index
    %get3A_9 = vector.load %arg3[%get3A_7, %get3A_8] : memref<1x128xf32, #tpu.memory_space<vmem>>, vector<1x128xf32>
    %add3A = vector.broadcast %get3A_9 : vector<1x128xf32> to vector<512x128xf32>
    %add3A_10 = arith.addf %dot_general3A_6, %add3A : vector<512x128xf32>
    %swap3A = arith.constant 0 : index
    %swap3A_11 = arith.constant 0 : index
    %swap3A_12 = vector.load %arg4[%swap3A, %swap3A_11] : memref<512x128xf32, #tpu.memory_space<vmem>>, vector<512x128xf32>
    tpu.vector_store %arg4[%swap3A, %swap3A_11], %add3A_10 {strides = array<i32>} : memref<512x128xf32, #tpu.memory_space<vmem>>, vector<512x128xf32>,
    return
  }
  func.func @transform_0(%arg0: i32) -> (i32, i32) {
    %c0_i32 = arith.constant 0 : i32
    %c0_i32_0 = arith.constant 0 : i32
    return %arg0, %c0_i32 : i32, i32
  }
  func.func @transform_1(%arg0: i32) -> (i32, i32) {
    %c0_i32 = arith.constant 0 : i32
    %c0_i32_0 = arith.constant 0 : i32
    %c0_i32_1 = arith.constant 0 : i32
    return %c0_i32, %c0_i32_0 : i32, i32
  }
  func.func @transform_2(%arg0: i32) -> (i32, i32) {
    %c0_i32 = arith.constant 0 : i32
    %c0_i32_0 = arith.constant 0 : i32
    %c0_i32_1 = arith.constant 0 : i32
    return %c0_i32, %c0_i32_0 : i32, i32
  }
  func.func @transform_3(%arg0: i32) -> (i32, i32) {
    %c0_i32 = arith.constant 0 : i32
    %c0_i32_0 = arith.constant 0 : i32
    return %arg0, %c0_i32 : i32, i32
  }
}

</mosaic_0001>

<sc_bundles>
// kernel: kernel.12.cloned.1.call-start
scs
__scs_entry_jumppad:
0x0: {  	(pc) =	sbr.rel $0x88, $3  }
0x1: {  	(tag) =	ssettag $0x0;
	lr =	simm.s32 $0x1  }
0x2: {  	[smem:$0x3F88] =	sst lr;
	_ =	strace $0xD0000000  }
0x3: {  	_ = 	snop  }
0x4: {  	_ = 	snop  }
0x5: {  	_ = 	snop  }
0x6: {  	_ = 	snop  }
0x7: {  	_ = 	snop  }
__scs_overlays_trampoline_lowered:
0x8: {  	[smem:$0x3F97] =	sst s0  }
0x9: {  	[smem:$0x3F98] =	sst s1  }
0xa: {  	[smem:$0x3F99] =	sst s2  }
0xb: {  	[smem:$0x3F9A] =	sst s3  }
0xc: {  	[smem:$0x3F9B] =	sst s4  }
0xd: {  	[smem:$0x3F9C] =	sst s5  }
0xe: {  	[smem:$0x3F9D] =	sst s6  }
0xf: {  	[smem:$0x3F9E] =	sst s7  }
0x10: {  	[smem:$0x3F9F] =	sst s8  }
0x11: {  	[smem:$0x3FA0] =	sst s9;
	s0 =	simm.s32 @!p0 $0x0  }
0x12: {  	s1 =	sld [smem:$0x3F86];
	s0 =	simm.s32 @p0 $0x1  }
0x13: {  	[smem:$0x3FA1] =	sst s0;
	s0 =	simm.s32 @!p1 $0x0  }
0x14: {  	s2 =	sld [smem:$0x3F85];
	s0 =	simm.s32 @p1 $0x1  }
0x15: {  	[smem:$0x3FA2] =	sst s0;
	s0 =	simm.s32 @!p2 $0x0  }
0x16: {  	s3 =	sld [smem:$0x3FDB];
	s0 =	simm.s32 @p2 $0x1  }
0x17: {  	s4 =	simm.s32 $0x1BF5;
	[smem:$0x3FA4] =	sst s0  }
0x18: {  	s0 =	sld [smem:$0x3F87];
	_ =	swait.ge [sflag:s4], $0x0  }
0x19: {  	s7 =	sld [smem:$0x3F88]  }
0x1a: {  	s8 =	sadd.s32 $0xFFFFE003, lr  }
0x1b: {  	s9 =	sadd.s32 $0xFFFFFEF7, lr;
	s5 =	simm.s32 $0xFFFFFFFF;
	p2 =	slt.u32 s8, $0xFFFFF086  }
0x1c: {  	p1 =	slt.u32 s9, $0xF7A;
	s5 =	simm.s32 @!p2 $0x0  }
0x1d: {  	s5 =	simm.s32 @p1 $0x1;
	p0 =	seq.s32 s7, s2  }
0x1e: {  	s7 =	smul.u32 @!p0 $0xF7A, s2;
	p2 =	seq.s32 @!p0 s5, $0x0  }
0x1f: {  	s9 =	smul.u32 $0xF7A, s1;
	s8 =	simm.s32 @!p0 $0x1BF5;
	p2 =	por !p2, p0  }
0x20: {  	[sflag:s8] =	ssyncset.s32 @!p0 $0xFFFFF086;
	s6 =	sadd.s32 @!p0 s3, s7;
	s7 =	simm.s32 @!p0 $0x108  }
0x21: {  	s3 =	sadd.s32 s3, s9;
	s6 =	sadd.s32 @!p0 $0x88, s6;
	s7 =	simm.s32 @p2 $0x1082  }
0x22: {  	[simem:s7], [sflag:s8] =	dma.local @!p0 [hbm:s6], $0xF7A  }
0x23: {  	s9 =	sor.u32 $0xD0000000, s2;
	s6 =	simm.s32 $0x108;
	_ =	swait.ge @!p0 [sflag:s8], $0x0  }
0x24: {  	s3 =	sadd.s32 $0x88, s3;
	s6 =	simm.s32 @!p1 $0x1082;
	[sflag:s4] =	ssyncset.s32 $0xFFFFF086  }
0x25: {  	[simem:s6], [sflag:s4] =	dma.local [hbm:s3], $0xF7A  }
0x26: {  	[smem:$0x3F88] =	sst s1;
	(tag) =	ssettag s2;
	_ =	strace s9  }
0x27: {  	s1 =	sld [smem:$0x3F98]  }
0x28: {  	s2 =	sld [smem:$0x3F99]  }
0x29: {  	s4 =	sld [smem:$0x3F9B]  }
0x2a: {  	p0 =	seq.s32 s5, $0x0;
	s5 =	sld [smem:$0x3F9C]  }
0x2b: {  	s6 =	sld [smem:$0x3F9D]  }
0x2c: {  	s7 =	sld [smem:$0x3F9E]  }
0x2d: {  	s3 =	simm.s32 $0x108;
	s8 =	sld [smem:$0x3F9F]  }
0x2e: {  	s3 =	simm.s32 @!p0 $0x1082;
	s9 =	sld [smem:$0x3FA0]  }
0x2f: {  	lr =	sadd.s32 s0, s3;
	s0 =	sld [smem:$0x3F97]  }
0x30: {  	s3 =	sld [smem:$0x3F9A]  }
0x31: {  	[smem:$0x3FA3] =	sst s10  }
0x32: {  	s10 =	sld [smem:$0x3FA1];
	_ =	sdelay $0x3  }
0x33: {  	p0 =	seq.s32 s10, $0x1;
	s10 =	sld [smem:$0x3FA3];
	_ =	sdelay $0x3  }
0x34: {  	[smem:$0x3FA3] =	sst s10  }
0x35: {  	s10 =	sld [smem:$0x3FA2];
	_ =	sdelay $0x3  }
0x36: {  	p1 =	seq.s32 s10, $0x1;
	s10 =	sld [smem:$0x3FA3];
	_ =	sdelay $0x3  }
0x37: {  	[smem:$0x3FA3] =	sst s10  }
0x38: {  	s10 =	sld [smem:$0x3FA4]  }
0x39: {  	_ = 	snop;
	(pc) =	sbr.ind lr, $3  }
0x3a: {  	_ = 	snop  }
0x3b: {  	_ = 	snop  }
0x3c: {  	p2 =	seq.s32 s10, $0x1;
	s10 =	sld [smem:$0x3FA3]  }
0x3d: {  	_ =	shalt  }
0x3e: {  	_ =	shalt  }
0x3f: {  	_ =	shalt  }
0x40: {  	_ =	shalt  }
0x41: {  	_ =	shalt  }
0x42: {  	_ =	shalt  }
0x43: {  	_ =	shalt  }
0x44: {  	_ =	shalt  }
0x45: {  	_ =	shalt  }
0x46: {  	_ =	shalt  }
0x47: {  	_ =	shalt  }
0x48: {  	_ =	shalt  }
0x49: {  	_ =	shalt  }
0x4a: {  	_ =	shalt  }
0x4b: {  	_ =	shalt  }
0x4c: {  	_ =	shalt  }
0x4d: {  	_ =	shalt  }
0x4e: {  	_ =	shalt  }
0x4f: {  	_ =	shalt  }
0x50: {  	_ =	shalt  }
0x51: {  	_ =	shalt  }
0x52: {  	_ =	shalt  }
0x53: {  	_ =	shalt  }
0x54: {  	_ =	shalt  }
0x55: {  	_ =	shalt  }
0x56: {  	_ =	shalt  }
0x57: {  	_ =	shalt  }
0x58: {  	_ =	shalt  }
0x59: {  	_ =	shalt  }
0x5a: {  	_ =	shalt  }
0x5b: {  	_ =	shalt  }
0x5c: {  	_ =	shalt  }
0x5d: {  	_ =	shalt  }
0x5e: {  	_ =	shalt  }
0x5f: {  	_ =	shalt  }
0x60: {  	_ =	shalt  }
0x61: {  	_ =	shalt  }
0x62: {  	_ =	shalt  }
0x63: {  	_ =	shalt  }
0x64: {  	_ =	shalt  }
0x65: {  	_ =	shalt  }
0x66: {  	_ =	shalt  }
0x67: {  	_ =	shalt  }
0x68: {  	_ =	shalt  }
0x69: {  	_ =	shalt  }
0x6a: {  	_ =	shalt  }
0x6b: {  	_ =	shalt  }
0x6c: {  	_ =	shalt  }
0x6d: {  	_ =	shalt  }
0x6e: {  	_ =	shalt  }
0x6f: {  	_ =	shalt  }
0x70: {  	_ =	shalt  }
0x71: {  	_ =	shalt  }
0x72: {  	_ =	shalt  }
0x73: {  	_ =	shalt  }
0x74: {  	_ =	shalt  }
0x75: {  	_ =	shalt  }
0x76: {  	_ =	shalt  }
0x77: {  	_ =	shalt  }
0x78: {  	_ =	shalt  }
0x79: {  	_ =	shalt  }
0x7a: {  	_ =	shalt  }
0x7b: {  	_ =	shalt  }
0x7c: {  	_ =	shalt  }
0x7d: {  	_ =	shalt  }
0x7e: {  	_ =	shalt  }
0x7f: {  	_ =	shalt  }
0x80: {  	_ =	shalt  }
0x81: {  	_ =	shalt  }
0x82: {  	_ =	shalt  }
0x83: {  	_ =	shalt  }
0x84: {  	_ =	shalt  }
0x85: {  	_ =	shalt  }
0x86: {  	_ =	shalt  }
0x87: {  	_ =	shalt  }
.Lfunc_end0:
.L_simem_size_0:
called_computation_lowered:
.L_overlay_start_0:
0x88: {  	s2 =	sld [smem:$0x3FD9]  }
0x89: {  	s3 =	sld [smem:$0x3FFE];
	_ =	sdelay $0x1  }
0x8a: {  	s1 =	srdreg.scid  }
0x8b: {  	s0 =	sand.u32 $0x1, s1  }
0x8c: {  	s15 =	sshll.u32 s0, $0xA;
	s2 =	sadd.s32 s3, s2  }
0x8d: {  	s2 =	sadd.s32 s2, s15  }
0x8e: {  	[smem:$0x3FAF] =	sst s2  }
0x8f: {  	_ = 	snop  }
0x90: {  	s2 =	sld [smem:$0x3FD0];
	_ =	sdelay $0x2  }
0x91: {  	s16 =	simm.s32 $0xA;
	s4 =	simm.s32 $0x10  }
0x92: {  	[smem:s4], [sflag:s16] =	dma.local [hbm:s2], $0x1  }
0x93: {  	_ =	swait.eq [sflag:s16], $0x1  }
0x94: {  	[sflag:s16] =	ssyncset.done $0x0  }
0x95: {  	s17 =	sld [smem:$0x12];
	[sflag:s16] =	ssyncadd.s32 $0xFFFFFFFF  }
0x96: {  	s18 =	sld [smem:$0x13];
	(tm) =	ssettm $0x1  }
0x97: {  	s19 =	sld [smem:$0x3FFB];
	_ =	sdelay $0x3  }
0x98: {  	_ =	strace s19  }
0x99: {  	s4 =	sld [smem:$0x3FFC];
	_ =	sdelay $0x3  }
0x9a: {  	_ =	strace s4  }
0x9b: {  	s4 =	sld [smem:$0x3FFD];
	_ =	sdelay $0x3  }
0x9c: {  	_ =	strace s4  }
0x9d: {  	_ =	strace $0x8FFFFFFF  }
0x9e: {  	s20 =	sld [smem:$0x3FDB];
	_ =	sdelay $0x1  }
0x9f: {  	s5 =	simm.s32 $_scs_section_size  }
0xa0: {  	s6 =	simm.s32 $_size__tile_overlayer_lowered;
	s7 =	simm.s32 $_tile_overlayer_lowered  }
0xa1: {  	s23 =	simm.s32 $0x1BFF;
	s22 =	sshll.u32 s7, $0x1;
	s4 =	sadd.s32 s5, s20  }
0xa2: {  	s8 =	simm.s32 $0x0;
	s21 =	sshll.u32 s6, $0x1;
	s6 =	sadd.s32 s22, s4  }
0xa3: {  	[timem:s8], [sflag:s23] =	dma.local [hbm:s6], s21  }
0xa4: {  	_ =	swait.ge [sflag:s23], s21  }
0xa5: {  	s5 =	ssub.s32 $0x0, s21;
	[sflag:s23] =	ssyncset.done $0x0  }
0xa6: {  	[sflag:s23] =	ssyncadd.s32 s5;
	_ =	sdelay $0x1  }
0xa7: {  	s24 =	simm.s32 $0x1B8B  }
0xa8: {  	_ =	swait.ge [sflag:s24], $0x1  }
0xa9: {  	[sflag:s24] =	ssyncset.done $0x0  }
0xaa: {  	s25 =	simm.s32 $0x1B8E;
	[sflag:s24] =	ssyncadd.s32 $0xFFFFFFFF  }
0xab: {  	s26 =	simm.s32 $execute0_lowered;
	[smem:$0x3FD2] =	sst s25  }
0xac: {  	s5 =	sshll.u32 s26, $0x1;
	_ =	strace $0x80000046;
	[dreg:$0x1] =	wrdreg $0xFFFFFFFF  }
0xad: {  	s28 =	simm.s32 $_size_execute0_lowered;
	s4 =	sadd.s32 s4, s5;
	[dreg:$0x0] =	wrdreg $0x0  }
0xae: {  	s5 =	sshll.u32 s28, $0x1;
	[dreg:$0x2] =	wrdreg s4  }
0xaf: {  	[dreg:$0x3] =	wrdreg s5  }
0xb0: {  	[dreg:$0x4] =	wrdreg $0xC0  }
0xb1: {  	_ =	task [dreg:s8], $0x5FFFF  }
0xb2: {  	[dreg:$0x1] =	wrdreg $0xFFFFFFFF  }
0xb3: {  	[dreg:$0x0] =	wrdreg $0x60  }
0xb4: {  	[dreg:$0x2] =	wrdreg s17  }
0xb5: {  	[dreg:$0x3] =	wrdreg s18  }
0xb6: {  	[dreg:$0x4] =	wrdreg $0x35000  }
0xb7: {  	[dreg:$0x5] =	wrdreg $0x9  }
0xb8: {  	_ =	task.clear_ibuf [dreg:s8], $0x6FFFF;
	_ =	strace $0x90000046  }
0xb9: {  	s29 =	simm.s32 $0x9;
	_ =	strace $0x80000048  }
0xba: {  	_ =	swait.ge [sflag:s29], $0x1  }
0xbb: {  	[sflag:s29] =	ssyncadd.s32 $0xFFFFFFFF  }
0xbc: {  	_ =	strace $0x90000048  }
0xbd: {  	_ =	sfence  }
0xbe: {  	s30 =	sld [smem:$0x0];
	_ =	sdelay $0x2  }
0xbf: {  	s31 =	sshll.u32 s1, $0xD;
	s1 =	sshrl.u32 s1, $0x2  }
0xc0: {  	s3 =	sand.u32 $0x4000, s31;
	s1 =	sadd.s32 s1, s30  }
0xc1: {  	s0 =	sor.u32 s3, s0;
	s1 =	sshll.u32 s1, $0x11  }
0xc2: {  	s0 =	sor.u32 s1, s0  }
0xc3: {  	s0 =	sadd.s32 $0x8F2B, s0  }
0xc4: {  	[sflag:s0] =	ssyncadd.remote.s32 $0x1  }
0xc5: {  	_ =	sfence.sel $0xFFFF  }
0xc6: {  	[dreg:$0x0] =	wrdreg $0xFFFFFFFF;
	(pc) =	sbr.abs _section_cstart, $3  }
0xc7: {  	[dreg:$0x1] =	wrdreg $0xFFFFFFFF  }
0xc8: {  	_ =	task.clear_ibuf [dreg:s8], $0x2FFFF;
	_ =	strace $0x9FFFFFFF  }
0xc9: {  	(tm) =	ssettm $0x7FFFFFFF  }
tec
execute0_lowered:
.L_overlay_start_1:
0x0: {  	(tag) =	ssettag $0x1  }
0x1: {  	s3 =	rddreg [dreg:$0x0]  }
0x2: {  	s0 =	srdreg.scid;
	s4 =	rddreg [dreg:$0x1]  }
0x3: {  	s1 =	rddreg [dreg:$0x2];
	s6 =	stileid.u32  }
0x4: {  	s2 =	simm.s32 $0x0;
	s5 =	sand.u32 $0x1, s0;
	s0 =	rddreg [dreg:$0x3]  }
0x5: {  	[smem:$0x7FF] =	sst s2;
	p0 =	sne.s32 s6, $0x0  }
0x6: {  	s7 =	sshll.u32 s5, $0x4;
	s8 =	ssub.s32 $0x2, s5;
	_ =	strace $0x80000047  }
0x7: {  	s5 =	sshll.u32 s5, $0x9;
	s7 =	sor.u32 s6, s7;
	s9 =	sshrl.u32 s8, $0x1  }
0x8: {  	s4 =	sadd.s32 s4, s5;
	s7 =	smul.u32 $0x210, s7;
	s8 =	ssub.s32 s8, s9  }
0x9: {  	s6 =	simm.s32 $0x1;
	s9 =	sshrl.u32 @!p0 s1, $0x3;
	s5 =	smax.u32 s8, $0x1  }
0xa: {  	v0 =	vimm.f32 $1.000000000e+00;
	v1 =	vimm.f32 $0.0e+00;
	s8 =	simm.s32 $0x2480;
	s3 =	sadd.s32 s3, s7;
	s7 =	simm.s32 $0x80  }
.LBB2_1:
0xb: {  	[tilespmem:$0x2480] =	vst v0  }
0xc: {  	[tilespmem:$0x2490] =	vst v0  }
0xd: {  	[tilespmem:$0x24A0] =	vst v0  }
0xe: {  	[tilespmem:$0x24B0] =	vst v0  }
0xf: {  	[tilespmem:$0x24C0] =	vst v0  }
0x10: {  	[tilespmem:$0x24D0] =	vst v0  }
0x11: {  	[tilespmem:$0x24E0] =	vst v0  }
0x12: {  	[tilespmem:$0x24F0] =	vst v0;
	s10 =	simm.s32 $0x40;
	s11 =	simm.s32 $0x0  }
.LBB2_2:
0x13: {  	p1 =	sne.s32 s10, $0x3FC0;
	[tilespmem:s11+$0x2500] =	vst v1;
	s11 =	smov.u32 s10;
	s10 =	sadd.s32 $0x40, s10  }
.Ltmp0:
0x14: {  	(pc) =	sbr.rel @p1 .LBB2_2-.Ltmp0, $2  }
0x15: {  	_ =	sdelay $0x2  }
0x16: {  	s11 =	sshra.s32 s11, $0x2  }
0x17: {  	[tilespmem:s11+$0x2500] =	vst v1;
	s10 =	simm.s32 @!p0 $0x2500  }
0x18: {  	[spmem:s1] =	stream.linear.scatter @!p0 [tilespmem:s10], [sflag:$0x1], $0x1000, $0x38;
	[tilespmem:$0x3600] =	vst v63  }
0x19: {  	s10 =	simm.s32 @!p0 $0x1  }
0x1a: {  	_ =	swait.ge @!p0 [sflag:s10], $0x1000  }
0x1b: {  	[sflag:s10] =	ssyncset.done @!p0 $0x0  }
0x1c: {  	[sflag:s10] =	ssyncadd.s32 @!p0 $0xFFFFF000  }
0x1d: {  	s31 =	simm.s32 $0x0;
	[bflag:$0x0] =	sbarrier.arrive $0xFFFF  }
0x1e: {  	[tilespmem:s31], [sflag:$0x1] =	stream.linear.gather [hbm4b:s3+s31], $0x1080, $0x38;
	[tilespmem:$0x3600] =	vst v63  }
0x1f: {  	_ =	swait.ge [sflag:s6], $0x1080  }
0x20: {  	[sflag:s6] =	ssyncset.done $0x0  }
0x21: {  	s11 =	simm.s32 $0x0;
	[sflag:s6] =	ssyncadd.s32 $0xFFFFEF80  }
0x22: {  	v5 =	vld [tilespmem:s11+$0x70]  }
0x23: {  	v6 =	vld [tilespmem:s11+$0x0]  }
0x24: {  	v7 =	vld [tilespmem:s11+$0x10]  }
0x25: {  	v4 =	vld [tilespmem:s11+$0x20]  }
0x26: {  	v2 =	vld [tilespmem:s11+$0x30]  }
0x27: {  	v3 =	vld [tilespmem:s11+$0x40];
	[tilespmem:s11+$0x10F0] =	vst v5  }
0x28: {  	[tilespmem:s11+$0x1080] =	vst v6;
	v5 =	vld [tilespmem:s11+$0x50]  }
0x29: {  	s12 =	simm.s32 $0x80;
	s13 =	simm.s32 $0x400;
	s10 =	simm.s32 $0x200;
	[tilespmem:s11+$0x1090] =	vst v7;
	v6 =	vld [tilespmem:s11+$0x60]  }
.LBB2_4:
0x2a: {  	p1 =	sne.s32 s13, $0x4000;
	v7 =	vld [tilespmem:s12+$0x70];
	[tilespmem:s11+$0x10A0] =	vst v4  }
0x2b: {  	v8 =	vld [tilespmem:s12+$0x0];
	[tilespmem:s11+$0x10B0] =	vst v2  }
0x2c: {  	v9 =	vld [tilespmem:s12+$0x10];
	[tilespmem:s11+$0x10C0] =	vst v3  }
.Ltmp1:
0x2d: {  	v4 =	vld [tilespmem:s12+$0x20];
	[tilespmem:s11+$0x10D0] =	vst v5;
	(pc) =	sbr.rel @p1 .LBB2_4-.Ltmp1, $4  }
0x2e: {  	v2 =	vld [tilespmem:s12+$0x30];
	[tilespmem:s11+$0x10E0] =	vst v6;
	s11 =	smov.u32 s12  }
0x2f: {  	v3 =	vld [tilespmem:s11+$0x40];
	[tilespmem:s11+$0x10F0] =	vst v7  }
0x30: {  	[tilespmem:s11+$0x1080] =	vst v8;
	v5 =	vld [tilespmem:s11+$0x50]  }
0x31: {  	s12 =	sshra.s32 s13, $0x2;
	s13 =	sadd.s32 $0x200, s13;
	[tilespmem:s11+$0x1090] =	vst v9;
	v6 =	vld [tilespmem:s11+$0x60]  }
0x32: {  	v7 =	vld [tilespmem:s12+$0x70];
	[tilespmem:s11+$0x10A0] =	vst v4  }
0x33: {  	v4 =	vld [tilespmem:s12+$0x0];
	[tilespmem:s11+$0x10B0] =	vst v2  }
0x34: {  	v2 =	vld [tilespmem:s12+$0x10];
	[tilespmem:s11+$0x10C0] =	vst v3  }
0x35: {  	v3 =	vld [tilespmem:s12+$0x20];
	[tilespmem:s11+$0x10D0] =	vst v5  }
0x36: {  	v5 =	vld [tilespmem:s12+$0x30];
	[tilespmem:s11+$0x10E0] =	vst v6  }
0x37: {  	v6 =	vld [tilespmem:s12+$0x40];
	[tilespmem:s12+$0x10F0] =	vst v7  }
0x38: {  	v63 =	vld [tilespmem:s12+$0x50];
	[tilespmem:s12+$0x1080] =	vst v4  }
0x39: {  	[tilespmem:s12+$0x1090] =	vst v2;
	v2 =	vld [tilespmem:s12+$0x60]  }
0x3a: {  	[tilespmem:s12+$0x10A0] =	vst v3  }
0x3b: {  	[tilespmem:s12+$0x10B0] =	vst v5  }
0x3c: {  	[tilespmem:s12+$0x10C0] =	vst v6  }
0x3d: {  	[tilespmem:s12+$0x10D0] =	vst v63  }
0x3e: {  	s31 =	simm.s32 $0x1080;
	[tilespmem:s12+$0x10E0] =	vst v2  }
0x3f: {  	[spmem:s1] =	stream.indirect.scatter.add.f32 [tilespmem:s8], [sflag:$0x1], $0x1, s31, s7, $0xb8;
	[tilespmem:$0x3600] =	vst v63  }
0x40: {  	_ =	swait.ge [sflag:s6], $0x80  }
.LBB2_6:
0x41: {  	s11 =	sshra.s32 s10, $0x2;
	[sflag:s6] =	ssyncset.done $0x0;
	p1 =	sne.s32 s10, $0x4000  }
.Ltmp2:
0x42: {  	s11 =	sadd.s32 $0x1080, s11;
	[sflag:s6] =	ssyncadd.s32 $0xFFFFFF80;
	(pc) =	sbr.rel @p1 .LBB2_6-.Ltmp2, $3  }
0x43: {  	[spmem:s1] =	stream.indirect.scatter.add.f32 [tilespmem:s8], [sflag:$0x1], $0x1, s11, s7, $0xb8;
	[tilespmem:$0x3600] =	vst v63  }
0x44: {  	s10 =	sadd.s32 $0x200, s10;
	_ =	sdelay $0x1  }
0x45: {  	_ =	swait.ge [sflag:s6], $0x80  }
0x46: {  	[sflag:s6] =	ssyncset.done $0x0  }
0x47: {  	s2 =	sadd.s32 $0x1, s2;
	[sflag:s6] =	ssyncadd.s32 $0xFFFFFF80  }
0x48: {  	s10 =	simm.s32 @!p0 $0x1C01;
	p1 =	sne.s32 s2, s5;
	[bflag:$0x0] =	sbarrier.arrive $0xFFFF  }
0x49: {  	[hbm:s4], [sflag:s10] =	dma.local @!p0 [spmem:s9], $0x200  }
.Ltmp3:
0x4a: {  	_ = 	snop;
	(pc) =	sbr.rel @p1 .LBB2_1-.Ltmp3, $4  }
0x4b: {  	s10 =	simm.s32 @!p0 $0x1  }
0x4c: {  	_ =	swait.ge @!p0 [sflag:s10], $0x200  }
0x4d: {  	[sflag:s10] =	ssyncset.done @!p0 $0x0  }
0x4e: {  	[sflag:s10] =	ssyncadd.s32 @!p0 $0xFFFFFE00  }
0x4f: {  	_ =	sfence.sel $0x180000  }
0x50: {  	[bflag:$0x0] =	sbarrier.arrive $0xFFFF  }
0x51: {  	_ =	strace $0x90000047  }
0x52: {  	s0 =	sadd.s32 @!p0 $0x100000, s0;
	[bflag:$0x2] =	sbarrier.arrive $0xFFFF  }
0x53: {  	[sflag:s0] =	ssyncadd.tile.s32 @!p0 $0x1;
	_ =	shalt  }
.Lfunc_end2:
_tile_overlayer_lowered:
.L_overlay_start_2:
0x54: {  	(tag) =	ssettag $0x2  }
0x55: {  	s0 =	rddreg [dreg:$0x0];
	s2 =	stileid.u32  }
0x56: {  	s1 =	rddreg [dreg:$0x1];
	p0 =	sne.s32 s2, $0x0  }
0x57: {  	s3 =	rddreg [dreg:$0x2];
	[bflag:$0x3] =	sbarrier.arrive $0xFFFF;
	s2 =	simm.s32 @!p0 $0x1C01  }
0x58: {  	[timem:s3], [sflag:s2] =	dma.local @!p0 [hbm:s0], s1  }
0x59: {  	s0 =	simm.s32 @!p0 $0x1  }
0x5a: {  	_ =	swait.ge @!p0 [sflag:s0], s1  }
0x5b: {  	s1 =	ssub.s32 @!p0 $0x0, s1;
	[sflag:s0] =	ssyncset.done @!p0 $0x0  }
0x5c: {  	[sflag:s0] =	ssyncadd.s32 @!p0 s1  }
0x5d: {  	[bflag:$0x3] =	sbarrier.arrive $0xFFFF  }
0x5e: {  	_ =	shalt  }

// kernel: kernel.15.cloned.1.call-start
scs
__scs_entry_jumppad:
0x0: {  	(pc) =	sbr.rel $0x88, $3  }
0x1: {  	(tag) =	ssettag $0x0;
	lr =	simm.s32 $0x1  }
0x2: {  	[smem:$0x3F88] =	sst lr;
	_ =	strace $0xD0000000  }
0x3: {  	_ = 	snop  }
0x4: {  	_ = 	snop  }
0x5: {  	_ = 	snop  }
0x6: {  	_ = 	snop  }
0x7: {  	_ = 	snop  }
__scs_overlays_trampoline_lowered:
0x8: {  	[smem:$0x3F97] =	sst s0  }
0x9: {  	[smem:$0x3F98] =	sst s1  }
0xa: {  	[smem:$0x3F99] =	sst s2  }
0xb: {  	[smem:$0x3F9A] =	sst s3  }
0xc: {  	[smem:$0x3F9B] =	sst s4  }
0xd: {  	[smem:$0x3F9C] =	sst s5  }
0xe: {  	[smem:$0x3F9D] =	sst s6  }
0xf: {  	[smem:$0x3F9E] =	sst s7  }
0x10: {  	[smem:$0x3F9F] =	sst s8  }
0x11: {  	[smem:$0x3FA0] =	sst s9;
	s0 =	simm.s32 @!p0 $0x0  }
0x12: {  	s1 =	sld [smem:$0x3F86];
	s0 =	simm.s32 @p0 $0x1  }
0x13: {  	[smem:$0x3FA1] =	sst s0;
	s0 =	simm.s32 @!p1 $0x0  }
0x14: {  	s2 =	sld [smem:$0x3F85];
	s0 =	simm.s32 @p1 $0x1  }
0x15: {  	[smem:$0x3FA2] =	sst s0;
	s0 =	simm.s32 @!p2 $0x0  }
0x16: {  	s3 =	sld [smem:$0x3FDB];
	s0 =	simm.s32 @p2 $0x1  }
0x17: {  	s4 =	simm.s32 $0x1BF5;
	[smem:$0x3FA4] =	sst s0  }
0x18: {  	s0 =	sld [smem:$0x3F87];
	_ =	swait.ge [sflag:s4], $0x0  }
0x19: {  	s7 =	sld [smem:$0x3F88]  }
0x1a: {  	s8 =	sadd.s32 $0xFFFFE003, lr  }
0x1b: {  	s9 =	sadd.s32 $0xFFFFFEF7, lr;
	s5 =	simm.s32 $0xFFFFFFFF;
	p2 =	slt.u32 s8, $0xFFFFF086  }
0x1c: {  	p1 =	slt.u32 s9, $0xF7A;
	s5 =	simm.s32 @!p2 $0x0  }
0x1d: {  	s5 =	simm.s32 @p1 $0x1;
	p0 =	seq.s32 s7, s2  }
0x1e: {  	s7 =	smul.u32 @!p0 $0xF7A, s2;
	p2 =	seq.s32 @!p0 s5, $0x0  }
0x1f: {  	s9 =	smul.u32 $0xF7A, s1;
	s8 =	simm.s32 @!p0 $0x1BF5;
	p2 =	por !p2, p0  }
0x20: {  	[sflag:s8] =	ssyncset.s32 @!p0 $0xFFFFF086;
	s6 =	sadd.s32 @!p0 s3, s7;
	s7 =	simm.s32 @!p0 $0x108  }
0x21: {  	s3 =	sadd.s32 s3, s9;
	s6 =	sadd.s32 @!p0 $0x88, s6;
	s7 =	simm.s32 @p2 $0x1082  }
0x22: {  	[simem:s7], [sflag:s8] =	dma.local @!p0 [hbm:s6], $0xF7A  }
0x23: {  	s9 =	sor.u32 $0xD0000000, s2;
	s6 =	simm.s32 $0x108;
	_ =	swait.ge @!p0 [sflag:s8], $0x0  }
0x24: {  	s3 =	sadd.s32 $0x88, s3;
	s6 =	simm.s32 @!p1 $0x1082;
	[sflag:s4] =	ssyncset.s32 $0xFFFFF086  }
0x25: {  	[simem:s6], [sflag:s4] =	dma.local [hbm:s3], $0xF7A  }
0x26: {  	[smem:$0x3F88] =	sst s1;
	(tag) =	ssettag s2;
	_ =	strace s9  }
0x27: {  	s1 =	sld [smem:$0x3F98]  }
0x28: {  	s2 =	sld [smem:$0x3F99]  }
0x29: {  	s4 =	sld [smem:$0x3F9B]  }
0x2a: {  	p0 =	seq.s32 s5, $0x0;
	s5 =	sld [smem:$0x3F9C]  }
0x2b: {  	s6 =	sld [smem:$0x3F9D]  }
0x2c: {  	s7 =	sld [smem:$0x3F9E]  }
0x2d: {  	s3 =	simm.s32 $0x108;
	s8 =	sld [smem:$0x3F9F]  }
0x2e: {  	s3 =	simm.s32 @!p0 $0x1082;
	s9 =	sld [smem:$0x3FA0]  }
0x2f: {  	lr =	sadd.s32 s0, s3;
	s0 =	sld [smem:$0x3F97]  }
0x30: {  	s3 =	sld [smem:$0x3F9A]  }
0x31: {  	[smem:$0x3FA3] =	sst s10  }
0x32: {  	s10 =	sld [smem:$0x3FA1];
	_ =	sdelay $0x3  }
0x33: {  	p0 =	seq.s32 s10, $0x1;
	s10 =	sld [smem:$0x3FA3];
	_ =	sdelay $0x3  }
0x34: {  	[smem:$0x3FA3] =	sst s10  }
0x35: {  	s10 =	sld [smem:$0x3FA2];
	_ =	sdelay $0x3  }
0x36: {  	p1 =	seq.s32 s10, $0x1;
	s10 =	sld [smem:$0x3FA3];
	_ =	sdelay $0x3  }
0x37: {  	[smem:$0x3FA3] =	sst s10  }
0x38: {  	s10 =	sld [smem:$0x3FA4]  }
0x39: {  	_ = 	snop;
	(pc) =	sbr.ind lr, $3  }
0x3a: {  	_ = 	snop  }
0x3b: {  	_ = 	snop  }
0x3c: {  	p2 =	seq.s32 s10, $0x1;
	s10 =	sld [smem:$0x3FA3]  }
0x3d: {  	_ =	shalt  }
0x3e: {  	_ =	shalt  }
0x3f: {  	_ =	shalt  }
0x40: {  	_ =	shalt  }
0x41: {  	_ =	shalt  }
0x42: {  	_ =	shalt  }
0x43: {  	_ =	shalt  }
0x44: {  	_ =	shalt  }
0x45: {  	_ =	shalt  }
0x46: {  	_ =	shalt  }
0x47: {  	_ =	shalt  }
0x48: {  	_ =	shalt  }
0x49: {  	_ =	shalt  }
0x4a: {  	_ =	shalt  }
0x4b: {  	_ =	shalt  }
0x4c: {  	_ =	shalt  }
0x4d: {  	_ =	shalt  }
0x4e: {  	_ =	shalt  }
0x4f: {  	_ =	shalt  }
0x50: {  	_ =	shalt  }
0x51: {  	_ =	shalt  }
0x52: {  	_ =	shalt  }
0x53: {  	_ =	shalt  }
0x54: {  	_ =	shalt  }
0x55: {  	_ =	shalt  }
0x56: {  	_ =	shalt  }
0x57: {  	_ =	shalt  }
0x58: {  	_ =	shalt  }
0x59: {  	_ =	shalt  }
0x5a: {  	_ =	shalt  }
0x5b: {  	_ =	shalt  }
0x5c: {  	_ =	shalt  }
0x5d: {  	_ =	shalt  }
0x5e: {  	_ =	shalt  }
0x5f: {  	_ =	shalt  }
0x60: {  	_ =	shalt  }
0x61: {  	_ =	shalt  }
0x62: {  	_ =	shalt  }
0x63: {  	_ =	shalt  }
0x64: {  	_ =	shalt  }
0x65: {  	_ =	shalt  }
0x66: {  	_ =	shalt  }
0x67: {  	_ =	shalt  }
0x68: {  	_ =	shalt  }
0x69: {  	_ =	shalt  }
0x6a: {  	_ =	shalt  }
0x6b: {  	_ =	shalt  }
0x6c: {  	_ =	shalt  }
0x6d: {  	_ =	shalt  }
0x6e: {  	_ =	shalt  }
0x6f: {  	_ =	shalt  }
0x70: {  	_ =	shalt  }
0x71: {  	_ =	shalt  }
0x72: {  	_ =	shalt  }
0x73: {  	_ =	shalt  }
0x74: {  	_ =	shalt  }
0x75: {  	_ =	shalt  }
0x76: {  	_ =	shalt  }
0x77: {  	_ =	shalt  }
0x78: {  	_ =	shalt  }
0x79: {  	_ =	shalt  }
0x7a: {  	_ =	shalt  }
0x7b: {  	_ =	shalt  }
0x7c: {  	_ =	shalt  }
0x7d: {  	_ =	shalt  }
0x7e: {  	_ =	shalt  }
0x7f: {  	_ =	shalt  }
0x80: {  	_ =	shalt  }
0x81: {  	_ =	shalt  }
0x82: {  	_ =	shalt  }
0x83: {  	_ =	shalt  }
0x84: {  	_ =	shalt  }
0x85: {  	_ =	shalt  }
0x86: {  	_ =	shalt  }
0x87: {  	_ =	shalt  }
.Lfunc_end0:
.L_simem_size_0:
called_computation.1_lowered:
.L_overlay_start_0:
0x88: {  	s2 =	sld [smem:$0x3FD9]  }
0x89: {  	s3 =	sld [smem:$0x3FFE];
	_ =	sdelay $0x1  }
0x8a: {  	s1 =	srdreg.scid  }
0x8b: {  	s0 =	sand.u32 $0x1, s1  }
0x8c: {  	s14 =	sshll.u32 s0, $0xA;
	s2 =	sadd.s32 s3, s2  }
0x8d: {  	s2 =	sadd.s32 s2, s14  }
0x8e: {  	[smem:$0x3FAF] =	sst s2  }
0x8f: {  	_ = 	snop  }
0x90: {  	s2 =	sld [smem:$0x3FD0];
	_ =	sdelay $0x2  }
0x91: {  	s15 =	simm.s32 $0xA;
	s4 =	simm.s32 $0x10  }
0x92: {  	[smem:s4], [sflag:s15] =	dma.local [hbm:s2], $0x1  }
0x93: {  	_ =	swait.eq [sflag:s15], $0x1  }
0x94: {  	[sflag:s15] =	ssyncset.done $0x0  }
0x95: {  	s16 =	sld [smem:$0x12];
	[sflag:s15] =	ssyncadd.s32 $0xFFFFFFFF  }
0x96: {  	s17 =	sld [smem:$0x14];
	(tm) =	ssettm $0x1  }
0x97: {  	s18 =	sld [smem:$0x3FFB];
	_ =	sdelay $0x3  }
0x98: {  	_ =	strace s18  }
0x99: {  	s4 =	sld [smem:$0x3FFC];
	_ =	sdelay $0x3  }
0x9a: {  	_ =	strace s4  }
0x9b: {  	s4 =	sld [smem:$0x3FFD];
	_ =	sdelay $0x3  }
0x9c: {  	_ =	strace s4  }
0x9d: {  	_ =	strace $0x8FFFFFFF  }
0x9e: {  	s19 =	sld [smem:$0x3FDB];
	_ =	sdelay $0x1  }
0x9f: {  	s5 =	simm.s32 $_scs_section_size  }
0xa0: {  	s6 =	simm.s32 $_size__tile_overlayer_lowered;
	s7 =	simm.s32 $_tile_overlayer_lowered  }
0xa1: {  	s22 =	simm.s32 $0x1BFF;
	s21 =	sshll.u32 s7, $0x1;
	s4 =	sadd.s32 s5, s19  }
0xa2: {  	s8 =	simm.s32 $0x0;
	s20 =	sshll.u32 s6, $0x1;
	s6 =	sadd.s32 s21, s4  }
0xa3: {  	[timem:s8], [sflag:s22] =	dma.local [hbm:s6], s20  }
0xa4: {  	_ =	swait.ge [sflag:s22], s20  }
0xa5: {  	s5 =	ssub.s32 $0x0, s20;
	[sflag:s22] =	ssyncset.done $0x0  }
0xa6: {  	[sflag:s22] =	ssyncadd.s32 s5;
	_ =	sdelay $0x1  }
0xa7: {  	s23 =	simm.s32 $0x1B8B  }
0xa8: {  	_ =	swait.ge [sflag:s23], $0x1  }
0xa9: {  	[sflag:s23] =	ssyncset.done $0x0  }
0xaa: {  	s25 =	simm.s32 $0x1B8E;
	s24 =	sld [smem:$0x3FFE];
	[sflag:s23] =	ssyncadd.s32 $0xFFFFFFFF  }
0xab: {  	s26 =	simm.s32 $execute0_lowered;
	[smem:$0x3FD2] =	sst s25  }
0xac: {  	s6 =	sshll.u32 s26, $0x1;
	_ =	strace $0x80000049;
	[dreg:$0x1] =	wrdreg $0xFFFFFFFF  }
0xad: {  	s28 =	simm.s32 $_size_execute0_lowered;
	s4 =	sadd.s32 s4, s6;
	[dreg:$0x0] =	wrdreg $0x0  }
0xae: {  	s6 =	sshll.u32 s28, $0x1;
	[dreg:$0x2] =	wrdreg s4  }
0xaf: {  	[dreg:$0x3] =	wrdreg s6  }
0xb0: {  	[dreg:$0x4] =	wrdreg $0xC0  }
0xb1: {  	_ =	task [dreg:s8], $0x5FFFF  }
0xb2: {  	[dreg:$0x1] =	wrdreg $0xFFFFFFFF  }
0xb3: {  	[dreg:$0x0] =	wrdreg $0x60  }
0xb4: {  	[dreg:$0x2] =	wrdreg s17  }
0xb5: {  	[dreg:$0x3] =	wrdreg s16  }
0xb6: {  	[dreg:$0x4] =	wrdreg s24  }
0xb7: {  	[dreg:$0x5] =	wrdreg $0xF9000  }
0xb8: {  	[dreg:$0x6] =	wrdreg $0x9  }
0xb9: {  	_ =	task.clear_ibuf [dreg:s8], $0x7FFFF;
	_ =	strace $0x90000049  }
0xba: {  	s29 =	simm.s32 $0x9;
	_ =	strace $0x8000004B  }
0xbb: {  	_ =	swait.ge [sflag:s29], $0x1  }
0xbc: {  	[sflag:s29] =	ssyncadd.s32 $0xFFFFFFFF  }
0xbd: {  	_ =	strace $0x9000004B  }
0xbe: {  	_ =	sfence  }
0xbf: {  	s30 =	sld [smem:$0x0];
	_ =	sdelay $0x2  }
0xc0: {  	s31 =	sshll.u32 s1, $0xD;
	s1 =	sshrl.u32 s1, $0x2  }
0xc1: {  	s3 =	sand.u32 $0x4000, s31;
	s1 =	sadd.s32 s1, s30  }
0xc2: {  	s0 =	sor.u32 s3, s0;
	s1 =	sshll.u32 s1, $0x11  }
0xc3: {  	s0 =	sor.u32 s1, s0  }
0xc4: {  	s0 =	sadd.s32 $0x8F2B, s0  }
0xc5: {  	[sflag:s0] =	ssyncadd.remote.s32 $0x1  }
0xc6: {  	_ =	sfence.sel $0xFFFF  }
0xc7: {  	[dreg:$0x0] =	wrdreg $0xFFFFFFFF;
	(pc) =	sbr.abs _section_cstart, $3  }
0xc8: {  	[dreg:$0x1] =	wrdreg $0xFFFFFFFF  }
0xc9: {  	_ =	task.clear_ibuf [dreg:s8], $0x2FFFF;
	_ =	strace $0x9FFFFFFF  }
0xca: {  	(tm) =	ssettm $0x7FFFFFFF  }
0xcb: {  	_ =	shalt  }
tec
execute0_lowered:
.L_overlay_start_1:
0x0: {  	(tag) =	ssettag $0x1  }
0x1: {  	s0 =	rddreg [dreg:$0x0]  }
0x2: {  	s2 =	rddreg [dreg:$0x1]  }
0x3: {  	s3 =	rddreg [dreg:$0x2]  }
0x4: {  	s1 =	rddreg [dreg:$0x3];
	s5 =	simm.s32 $0x0;
	s4 =	srdreg.scid  }
0x5: {  	s7 =	stileid.u32;
	s19 =	simm.s32 $0x2;
	s22 =	simm.s32 $0xD900  }
0x6: {  	s28 =	simm.s32 $0xB280;
	s29 =	simm.s32 $0xD680;
	s30 =	simm.s32 $0xB300  }
0x7: {  	s31 =	simm.s32 $0xD700;
	s20 =	simm.s32 $0xB400;
	s21 =	simm.s32 $0xD800  }
0x8: {  	[smem:$0x7FF] =	sst s5;
	s4 =	sand.u32 $0x1, s4;
	s8 =	smul.u32 $0x420, s7  }
0x9: {  	s23 =	sadd.s32 $0x1200, s3;
	s5 =	sadd.s32 $0x1400, s3;
	s7 =	sshll.u32 s7, $0x10  }
0xa: {  	_ =	strace $0x8000004A;
	s6 =	ssub.s32 $0x2, s4;
	[dreg:$0x5] =	wrdreg s23  }
0xb: {  	s9 =	sshll.u32 s4, $0x17;
	s10 =	sadd.s32 s7, s1;
	s23 =	simm.s32 $0x1  }
0xc: {  	s4 =	simm.s32 $0xB480;
	s24 =	sshrl.u32 s6, $0x1;
	s0 =	sadd.s32 s0, s8  }
0xd: {  	s25 =	sadd.s32 s2, s8;
	s11 =	sadd.s32 $0x2000, s10;
	s12 =	sadd.s32 $0x4000, s10  }
0xe: {  	s13 =	sadd.s32 $0x6000, s10;
	s14 =	sadd.s32 $0x8000, s10;
	s15 =	sadd.s32 $0xA000, s10  }
0xf: {  	s16 =	sadd.s32 $0xC000, s10;
	s17 =	sadd.s32 $0xE000, s10;
	[dreg:$0x6] =	wrdreg s0  }
0x10: {  	s8 =	simm.s32 $0x0;
	s3 =	ssub.s32 s6, s24;
	[dreg:$0x7] =	wrdreg s25  }
0x11: {  	s24 =	simm.s32 $0x80;
	s0 =	simm.s32 $0xB380;
	s26 =	smax.u32 s3, $0x1  }
0x12: {  	v0 =	vimm.f32 $0.0e+00;
	s6 =	simm.s32 $0xD880;
	s3 =	simm.s32 $0xD780;
	[dreg:$0x8] =	wrdreg s26  }
.LBB2_1:
0x13: {  	[dreg:$0x9] =	wrdreg s8  }
0x14: {  	s2 =	simm.s32 $0x0;
	s26 =	rddreg [dreg:$0x5]  }
0x15: {  	[tilespmem:s2], [sflag:$0x2] =	stream.linear.gather [hbm4b:s26+s2], $0x1000, $0x38;
	[tilespmem:$0x1F900] =	vst v63  }
0x16: {  	_ =	swait.ge [sflag:s19], $0x1000  }
0x17: {  	[sflag:s19] =	ssyncset.done $0x0  }
0x18: {  	s8 =	simm.s32 $0x0;
	s2 =	simm.s32 $0x40;
	[sflag:s19] =	ssyncadd.s32 $0xFFFFF000  }
.LBB2_2:
0x19: {  	p0 =	sne.s32 s2, $0x7FC0;
	[tilespmem:s8+$0xD900] =	vst v0;
	s8 =	smov.u32 s2;
	s2 =	sadd.s32 $0x40, s2  }
.Ltmp0:
0x1a: {  	(pc) =	sbr.rel @p0 .LBB2_2-.Ltmp0, $2  }
0x1b: {  	_ =	sdelay $0x2  }
0x1c: {  	s8 =	sshra.s32 s8, $0x2  }
0x1d: {  	[tilespmem:s8+$0xD900] =	vst v0;
	s8 =	simm.s32 $0x0;
	s2 =	rddreg [dreg:$0x6];
	s18 =	simm.s32 $0x1000  }
0x1e: {  	[tilespmem:s18], [sflag:$0x2] =	stream.linear.gather [hbm4b:s2+s8], $0x2100, $0x38;
	[tilespmem:$0x1F900] =	vst v63  }
0x1f: {  	_ =	swait.ge [sflag:s19], $0x2100  }
0x20: {  	[sflag:s19] =	ssyncset.done $0x0  }
0x21: {  	s26 =	simm.s32 $0x3100;
	s25 =	rddreg [dreg:$0x7];
	[sflag:s19] =	ssyncadd.s32 $0xFFFFDF00  }
0x22: {  	[tilespmem:s26], [sflag:$0x2] =	stream.linear.gather [hbm4b:s25+s8], $0x2100, $0x38;
	[tilespmem:$0x1F900] =	vst v63  }
0x23: {  	_ =	swait.ge [sflag:s19], $0x2100  }
0x24: {  	[sflag:s19] =	ssyncset.done $0x0  }
0x25: {  	s2 =	simm.s32 $0x0;
	[sflag:s19] =	ssyncadd.s32 $0xFFFFDF00  }
0x26: {  	v1 =	vld [tilespmem:s2+$0x1000]  }
0x27: {  	v3 =	vld [tilespmem:s2+$0x3100];
	_ =	sdelay $0x5  }
0x28: {  	v4 =	vshll.u32 v3, $0xC  }
0x29: {  	v2 =	vld.idx.msk [tilespmem:v1+s8+$0x0], $0xffff;
	v1 =	vadd.s32 v1, v4  }
0x2a: {  	s18 =	simm.s32 $0x10;
	v3 =	vld.idx.msk [tilespmem:v3+s8+$0x0], $0xffff;
	[tilespmem:s2+$0x5200] =	vst v1  }
0x2b: {  	s25 =	simm.s32 $0x80;
	v1 =	vld [tilespmem:s18+$0x1000]  }
.LBB2_4:
0x2c: {  	p0 =	sne.s32 s25, $0x83C0;
	v4 =	vld [tilespmem:s18+$0x3100];
	_ =	sdelay $0x3  }
0x2d: {  	v2 =	vmul.f32 v3, v2  }
.Ltmp1:
0x2e: {  	(pc) =	sbr.rel @p0 .LBB2_4-.Ltmp1, $4  }
0x2f: {  	v3 =	vshll.u32 v4, $0xC;
	[tilespmem:s2+$0x7300] =	vst v2;
	s2 =	smov.u32 s18  }
0x30: {  	v2 =	vld.idx.msk [tilespmem:v1+s8+$0x0], $0xffff;
	v1 =	vadd.s32 v1, v3  }
0x31: {  	s18 =	sshra.s32 s25, $0x2;
	v3 =	vld.idx.msk [tilespmem:v4+s8+$0x0], $0xffff;
	[tilespmem:s2+$0x5200] =	vst v1  }
0x32: {  	s25 =	sadd.s32 $0x40, s25;
	v1 =	vld [tilespmem:s18+$0x1000]  }
0x33: {  	_ = 	snop  }
0x34: {  	v4 =	vld [tilespmem:s18+$0x3100];
	_ =	sdelay $0x3  }
0x35: {  	v2 =	vmul.f32 v3, v2;
	_ =	sdelay $0x1  }
0x36: {  	[tilespmem:s2+$0x7300] =	vst v2  }
0x37: {  	v2 =	vld.idx.msk [tilespmem:v1+s8+$0x0], $0xffff  }
0x38: {  	v3 =	vld.idx.msk [tilespmem:v4+s8+$0x0], $0xffff;
	_ =	sdelay $0x3  }
0x39: {  	v4 =	vshll.u32 v4, $0xC  }
0x3a: {  	v1 =	vadd.s32 v1, v4;
	v2 =	vmul.f32 v3, v2  }
0x3b: {  	[tilespmem:s18+$0x5200] =	vst v1  }
0x3c: {  	[tilespmem:s18+$0x7300] =	vst v2  }
.LBB2_6:
0x3d: {  	[spmem:s10] =	stream.linear.scatter [tilespmem:s22], [sflag:$0x1], $0x2000, $0x38;
	[tilespmem:$0x1F900] =	vst v63  }
0x3e: {  	_ = 	snop  }
0x3f: {  	[spmem:s11] =	stream.linear.scatter [tilespmem:s22], [sflag:$0x1], $0x2000, $0x38;
	[tilespmem:$0x1F900] =	vst v63  }
0x40: {  	_ = 	snop  }
0x41: {  	[spmem:s12] =	stream.linear.scatter [tilespmem:s22], [sflag:$0x1], $0x2000, $0x38;
	[tilespmem:$0x1F900] =	vst v63  }
0x42: {  	_ = 	snop  }
0x43: {  	[spmem:s13] =	stream.linear.scatter [tilespmem:s22], [sflag:$0x1], $0x2000, $0x38;
	[tilespmem:$0x1F900] =	vst v63  }
0x44: {  	_ = 	snop  }
0x45: {  	[spmem:s14] =	stream.linear.scatter [tilespmem:s22], [sflag:$0x1], $0x2000, $0x38;
	[tilespmem:$0x1F900] =	vst v63  }
0x46: {  	_ = 	snop  }
0x47: {  	[spmem:s15] =	stream.linear.scatter [tilespmem:s22], [sflag:$0x1], $0x2000, $0x38;
	[tilespmem:$0x1F900] =	vst v63  }
0x48: {  	_ = 	snop  }
0x49: {  	[spmem:s16] =	stream.linear.scatter [tilespmem:s22], [sflag:$0x1], $0x2000, $0x38;
	[tilespmem:$0x1F900] =	vst v63  }
0x4a: {  	s2 =	simm.s32 $0x0  }
0x4b: {  	[spmem:s17] =	stream.linear.scatter [tilespmem:s22], [sflag:$0x1], $0x2000, $0x38;
	[tilespmem:$0x1F900] =	vst v63  }
0x4c: {  	v2 =	vld [tilespmem:s2+$0x5270]  }
0x4d: {  	v3 =	vld [tilespmem:s2+$0x5200]  }
0x4e: {  	v5 =	vld [tilespmem:s2+$0x5210]  }
0x4f: {  	v6 =	vld [tilespmem:s2+$0x5220]  }
0x50: {  	s18 =	sshll.u32 s8, $0x14;
	v7 =	vld [tilespmem:s2+$0x5230]  }
0x51: {  	s18 =	sadd.s32 s9, s18;
	v12 =	vld [tilespmem:s2+$0x5250]  }
0x52: {  	v1 =	vmov s18;
	v13 =	vld [tilespmem:s2+$0x5260]  }
0x53: {  	v4 =	vld [tilespmem:s2+$0x7370];
	v8 =	vsub.s32 v2, v1;
	v9 =	vsub.s32 v3, v1  }
0x54: {  	v11 =	vld [tilespmem:s2+$0x5240];
	v3 =	vand.u32 $0x3FF, v3;
	v2 =	vand.u32 $0x3FF, v2;
	v15 =	vsub.s32 v5, v1  }
0x55: {  	v14 =	vld [tilespmem:s2+$0x7300];
	v16 =	vand.u32 $0x3FF, v5;
	v18 =	vsub.s32 v6, v1;
	v19 =	vand.u32 $0x3FF, v6  }
0x56: {  	v17 =	vld [tilespmem:s2+$0x7310];
	v20 =	vsub.s32 v7, v1;
	v21 =	vand.u32 $0x3FF, v7;
	v5 =	vand.u32 $0x3FF, v12  }
0x57: {  	v6 =	vand.u32 $0x3FF, v13;
	vm0 =	vlt.u32 v8, $0x100000;
	vm1 =	vlt.u32 v9, $0x100000  }
0x58: {  	vm5 =	vlt.u32 v15, $0x100000;
	vm4 =	vlt.u32 v18, $0x100000;
	v4 =	vnsel vm0, $0x0, v4  }
0x59: {  	v10 =	vld [tilespmem:s2+$0x7320];
	vm3 =	vlt.u32 v20, $0x100000;
	v3 =	vsel vm1, v9, v3;
	[tilespmem:s2+$0xB870] =	vst v4;
	v4 =	vsel vm0, v8, v2  }
0x5a: {  	v9 =	vld [tilespmem:s2+$0x7330];
	[tilespmem:s2+$0x9400] =	vst v3;
	v8 =	vsub.s32 v11, v1;
	v11 =	vand.u32 $0x3FF, v11;
	v3 =	vsub.s32 v12, v1  }
0x5b: {  	v7 =	vld [tilespmem:s2+$0x7340];
	v12 =	vnsel vm1, $0x0, v14;
	v14 =	vsel vm5, v15, v16;
	v16 =	vnsel vm5, $0x0, v17  }
0x5c: {  	v2 =	vld [tilespmem:s2+$0x7350];
	v15 =	vsel vm4, v18, v19;
	vm2 =	vlt.u32 v8, $0x100000;
	[tilespmem:s2+$0x9470] =	vst v4;
	v4 =	vsub.s32 v13, v1  }
0x5d: {  	s25 =	simm.s32 $0x80;
	s26 =	simm.s32 $0x400;
	vm0 =	vlt.u32 v3, $0x100000;
	[tilespmem:s2+$0xB800] =	vst v12;
	v13 =	vsel vm3, v20, v21;
	v12 =	vld [tilespmem:s2+$0x7360];
	vm1 =	vlt.u32 v4, $0x100000  }
.LBB2_7:
0x5e: {  	p0 =	sne.s32 s26, $0x8200;
	v17 =	vld [tilespmem:s25+$0x5270];
	[tilespmem:s2+$0x9410] =	vst v14;
	v10 =	vnsel vm4, $0x0, v10;
	v8 =	vsel vm2, v8, v11;
	v3 =	vsel vm0, v3, v5  }
0x5f: {  	v4 =	vsel vm1, v4, v6;
	v5 =	vld [tilespmem:s25+$0x5200];
	[tilespmem:s2+$0xB810] =	vst v16;
	v9 =	vnsel vm3, $0x0, v9  }
0x60: {  	v6 =	vld [tilespmem:s25+$0x7370];
	[tilespmem:s2+$0x9420] =	vst v15;
	v7 =	vnsel vm2, $0x0, v7  }
0x61: {  	v11 =	vld [tilespmem:s25+$0x5210];
	[tilespmem:s2+$0xB820] =	vst v10;
	v2 =	vnsel vm0, $0x0, v2  }
0x62: {  	v10 =	vld [tilespmem:s25+$0x5220];
	[tilespmem:s2+$0x9430] =	vst v13;
	v12 =	vnsel vm1, $0x0, v12  }
0x63: {  	v13 =	vld [tilespmem:s25+$0x5230];
	v14 =	vsub.s32 v17, v1;
	v15 =	vand.u32 $0x3FF, v17;
	[tilespmem:s2+$0xB830] =	vst v9  }
0x64: {  	v9 =	vsub.s32 v5, v1;
	v5 =	vand.u32 $0x3FF, v5;
	v16 =	vld [tilespmem:s25+$0x5240];
	vm0 =	vlt.u32 v14, $0x100000;
	[tilespmem:s2+$0x9440] =	vst v8  }
0x65: {  	vm1 =	vlt.u32 v9, $0x100000;
	v17 =	vld [tilespmem:s25+$0x5250];
	v15 =	vsel vm0, v14, v15;
	v6 =	vnsel vm0, $0x0, v6;
	[tilespmem:s2+$0xB840] =	vst v7  }
0x66: {  	v5 =	vsel vm1, v9, v5;
	v14 =	vsub.s32 v11, v1;
	v18 =	vand.u32 $0x3FF, v11;
	v19 =	vld [tilespmem:s25+$0x5260];
	[tilespmem:s25+$0xB870] =	vst v6  }
0x67: {  	v20 =	vld [tilespmem:s25+$0x7300];
	[tilespmem:s25+$0x9400] =	vst v5;
	vm5 =	vlt.u32 v14, $0x100000;
	v21 =	vsub.s32 v10, v1;
	v22 =	vand.u32 $0x3FF, v10  }
0x68: {  	v23 =	vld [tilespmem:s25+$0x7310];
	vm4 =	vlt.u32 v21, $0x100000;
	v24 =	vsub.s32 v13, v1;
	v13 =	vand.u32 $0x3FF, v13;
	[tilespmem:s2+$0x9450] =	vst v3  }
.Ltmp2:
0x69: {  	v10 =	vld [tilespmem:s25+$0x7320];
	vm3 =	vlt.u32 v24, $0x100000;
	v8 =	vsub.s32 v16, v1;
	v11 =	vand.u32 $0x3FF, v16;
	[tilespmem:s2+$0xB850] =	vst v2;
	(pc) =	sbr.rel @p0 .LBB2_7-.Ltmp2, $4  }
0x6a: {  	v9 =	vld [tilespmem:s25+$0x7330];
	vm2 =	vlt.u32 v8, $0x100000;
	v3 =	vsub.s32 v17, v1;
	v5 =	vand.u32 $0x3FF, v17;
	[tilespmem:s2+$0x9460] =	vst v4  }
0x6b: {  	v7 =	vld [tilespmem:s25+$0x7340];
	vm0 =	vlt.u32 v3, $0x100000;
	v4 =	vsub.s32 v19, v1;
	v6 =	vand.u32 $0x3FF, v19;
	[tilespmem:s2+$0xB860] =	vst v12;
	s2 =	smov.u32 s25  }
0x6c: {  	v14 =	vsel vm5, v14, v18;
	v12 =	vnsel vm1, $0x0, v20;
	v2 =	vld [tilespmem:s2+$0x7350];
	vm1 =	vlt.u32 v4, $0x100000;
	[tilespmem:s2+$0x9470] =	vst v15  }
0x6d: {  	v13 =	vsel vm3, v24, v13;
	s25 =	sshra.s32 s26, $0x2;
	s26 =	sadd.s32 $0x200, s26;
	v15 =	vsel vm4, v21, v22;
	[tilespmem:s2+$0xB800] =	vst v12;
	v16 =	vnsel vm5, $0x0, v23;
	v12 =	vld [tilespmem:s2+$0x7360]  }
0x6e: {  	v17 =	vld [tilespmem:s25+$0x5270];
	[tilespmem:s2+$0x9410] =	vst v14  }
0x6f: {  	v14 =	vld [tilespmem:s25+$0x5200];
	[tilespmem:s2+$0xB810] =	vst v16  }
0x70: {  	v10 =	vnsel vm4, $0x0, v10;
	v16 =	vld [tilespmem:s25+$0x7370];
	[tilespmem:s2+$0x9420] =	vst v15  }
0x71: {  	v15 =	vld [tilespmem:s25+$0x5210];
	[tilespmem:s2+$0xB820] =	vst v10  }
0x72: {  	v9 =	vnsel vm3, $0x0, v9;
	v10 =	vld [tilespmem:s25+$0x5220];
	[tilespmem:s2+$0x9430] =	vst v13  }
0x73: {  	v8 =	vsel vm2, v8, v11;
	v13 =	vld [tilespmem:s25+$0x5230];
	[tilespmem:s2+$0xB830] =	vst v9;
	v46 =	vsub.s32 v17, v1  }
0x74: {  	v7 =	vnsel vm2, $0x0, v7;
	v9 =	vld [tilespmem:s25+$0x5240];
	[tilespmem:s2+$0x9440] =	vst v8;
	vm8 =	vlt.u32 v46, $0x100000;
	v48 =	vsub.s32 v14, v1  }
0x75: {  	v14 =	vand.u32 $0x3FF, v14;
	v47 =	vld [tilespmem:s25+$0x5250];
	[tilespmem:s2+$0xB840] =	vst v7;
	v16 =	vnsel vm8, $0x0, v16;
	vm9 =	vlt.u32 v48, $0x100000  }
0x76: {  	v18 =	vld [tilespmem:s25+$0x5260];
	[tilespmem:s25+$0xB870] =	vst v16;
	v7 =	vsel vm9, v48, v14  }
0x77: {  	v3 =	vsel vm0, v3, v5;
	v49 =	vld [tilespmem:s25+$0x7300];
	[tilespmem:s25+$0x9400] =	vst v7  }
0x78: {  	v2 =	vnsel vm0, $0x0, v2;
	v50 =	vld [tilespmem:s25+$0x7310];
	[tilespmem:s2+$0x9450] =	vst v3  }
0x79: {  	v3 =	vld [tilespmem:s25+$0x7320];
	[tilespmem:s2+$0xB850] =	vst v2;
	v2 =	vsel vm1, v4, v6  }
0x7a: {  	v53 =	vand.u32 $0x3FF, v17;
	v51 =	vld [tilespmem:s25+$0x7330];
	[tilespmem:s2+$0x9460] =	vst v2;
	v2 =	vnsel vm1, $0x0, v12  }
0x7b: {  	v55 =	vsub.s32 v15, v1;
	v52 =	vld [tilespmem:s25+$0x7340];
	[tilespmem:s2+$0xB860] =	vst v2;
	v2 =	vsel vm8, v46, v53  }
0x7c: {  	vm10 =	vlt.u32 v55, $0x100000;
	v56 =	vnsel vm9, $0x0, v49;
	[tilespmem:s25+$0x9470] =	vst v2  }
0x7d: {  	v57 =	vsub.s32 v10, v1;
	v5 =	vnsel vm10, $0x0, v50;
	v2 =	vand.u32 $0x3FF, v15;
	[tilespmem:s25+$0xB800] =	vst v56  }
0x7e: {  	v10 =	vand.u32 $0x3FF, v10;
	vm11 =	vlt.u32 v57, $0x100000;
	[tilespmem:s25+$0xB810] =	vst v5;
	v2 =	vsel vm10, v55, v2  }
0x7f: {  	v10 =	vsel vm11, v57, v10;
	[tilespmem:s25+$0x9410] =	vst v2;
	v2 =	vsub.s32 v13, v1  }
0x80: {  	v59 =	vand.u32 $0x3FF, v13;
	[tilespmem:s25+$0x9420] =	vst v10;
	v3 =	vnsel vm11, $0x0, v3;
	vm12 =	vlt.u32 v2, $0x100000  }
0x81: {  	v60 =	vsub.s32 v9, v1;
	v54 =	vld [tilespmem:s25+$0x7350];
	[tilespmem:s25+$0xB820] =	vst v3;
	v2 =	vsel vm12, v2, v59  }
0x82: {  	vm13 =	vlt.u32 v60, $0x100000;
	v3 =	vand.u32 $0x3FF, v9;
	v4 =	vnsel vm12, $0x0, v51;
	[tilespmem:s25+$0x9430] =	vst v2  }
0x83: {  	v58 =	vld [tilespmem:s25+$0x7360];
	v3 =	vsel vm13, v60, v3;
	v2 =	vsub.s32 v47, v1;
	[tilespmem:s25+$0xB830] =	vst v4  }
0x84: {  	v61 =	vand.u32 $0x3FF, v47;
	v62 =	vnsel vm13, $0x0, v52;
	[tilespmem:s25+$0x9440] =	vst v3;
	vm14 =	vlt.u32 v2, $0x100000  }
0x85: {  	v1 =	vsub.s32 v18, v1;
	[tilespmem:s25+$0xB840] =	vst v62;
	v2 =	vsel vm14, v2, v61  }
0x86: {  	v3 =	vand.u32 $0x3FF, v18;
	vm15 =	vlt.u32 v1, $0x100000;
	v63 =	vnsel vm14, $0x0, v54;
	[tilespmem:s25+$0x9450] =	vst v2  }
0x87: {  	v1 =	vsel vm15, v1, v3;
	[tilespmem:s25+$0xB850] =	vst v63  }
0x88: {  	v2 =	vnsel vm15, $0x0, v58;
	[tilespmem:s25+$0x9460] =	vst v1  }
0x89: {  	[tilespmem:s25+$0xB860] =	vst v2  }
0x8a: {  	_ =	swait.ge [sflag:s23], $0x2000  }
0x8b: {  	[sflag:s23] =	ssyncset.done $0x0  }
0x8c: {  	[sflag:s23] =	ssyncadd.s32 $0xFFFFE000  }
0x8d: {  	_ =	swait.ge [sflag:s23], $0x2000  }
0x8e: {  	[sflag:s23] =	ssyncset.done $0x0  }
0x8f: {  	[sflag:s23] =	ssyncadd.s32 $0xFFFFE000  }
0x90: {  	_ =	swait.ge [sflag:s23], $0x2000  }
0x91: {  	[sflag:s23] =	ssyncset.done $0x0  }
0x92: {  	[sflag:s23] =	ssyncadd.s32 $0xFFFFE000  }
0x93: {  	_ =	swait.ge [sflag:s23], $0x2000  }
0x94: {  	[sflag:s23] =	ssyncset.done $0x0  }
0x95: {  	[sflag:s23] =	ssyncadd.s32 $0xFFFFE000  }
0x96: {  	_ =	swait.ge [sflag:s23], $0x2000  }
0x97: {  	[sflag:s23] =	ssyncset.done $0x0  }
0x98: {  	[sflag:s23] =	ssyncadd.s32 $0xFFFFE000  }
0x99: {  	_ =	swait.ge [sflag:s23], $0x2000  }
0x9a: {  	[sflag:s23] =	ssyncset.done $0x0  }
0x9b: {  	[sflag:s23] =	ssyncadd.s32 $0xFFFFE000  }
0x9c: {  	_ =	swait.ge [sflag:s23], $0x2000  }
0x9d: {  	[sflag:s23] =	ssyncset.done $0x0  }
0x9e: {  	[sflag:s23] =	ssyncadd.s32 $0xFFFFE000  }
0x9f: {  	_ =	swait.ge [sflag:s23], $0x2000  }
0xa0: {  	[sflag:s23] =	ssyncset.done $0x0  }
0xa1: {  	[sflag:s23] =	ssyncadd.s32 $0xFFFFE000  }
0xa2: {  	s26 =	simm.s32 $0xB800;
	s25 =	simm.s32 $0x9400;
	[bflag:$0x0] =	sbarrier.arrive $0xFFFF  }
0xa3: {  	[spmem:s1] =	stream.indirect.scatter.add.f32 [tilespmem:s26], [sflag:$0x1], $0x1, s25, s24, $0xb8;
	[tilespmem:$0x1F900] =	vst v63  }
0xa4: {  	s25 =	simm.s32 $0x9480;
	s26 =	simm.s32 $0xB880  }
0xa5: {  	[spmem:s1] =	stream.indirect.scatter.add.f32 [tilespmem:s26], [sflag:$0x1], $0x1, s25, s24, $0xb8;
	[tilespmem:$0x1F900] =	vst v63  }
0xa6: {  	s25 =	simm.s32 $0x9500;
	s26 =	simm.s32 $0xB900  }
0xa7: {  	[spmem:s1] =	stream.indirect.scatter.add.f32 [tilespmem:s26], [sflag:$0x1], $0x1, s25, s24, $0xb8;
	[tilespmem:$0x1F900] =	vst v63  }
0xa8: {  	s25 =	simm.s32 $0x9580;
	s26 =	simm.s32 $0xB980  }
0xa9: {  	[spmem:s1] =	stream.indirect.scatter.add.f32 [tilespmem:s26], [sflag:$0x1], $0x1, s25, s24, $0xb8;
	[tilespmem:$0x1F900] =	vst v63  }
0xaa: {  	s25 =	simm.s32 $0x9600;
	s26 =	simm.s32 $0xBA00  }
0xab: {  	[spmem:s1] =	stream.indirect.scatter.add.f32 [tilespmem:s26], [sflag:$0x1], $0x1, s25, s24, $0xb8;
	[tilespmem:$0x1F900] =	vst v63  }
0xac: {  	_ =	swait.ge [sflag:s23], $0x80  }
0xad: {  	[sflag:s23] =	ssyncset.done $0x0  }
0xae: {  	s25 =	simm.s32 $0x9680;
	s26 =	simm.s32 $0xBA80;
	[sflag:s23] =	ssyncadd.s32 $0xFFFFFF80  }
0xaf: {  	[spmem:s1] =	stream.indirect.scatter.add.f32 [tilespmem:s26], [sflag:$0x1], $0x1, s25, s24, $0xb8;
	[tilespmem:$0x1F900] =	vst v63  }
0xb0: {  	_ =	swait.ge [sflag:s23], $0x80  }
0xb1: {  	[sflag:s23] =	ssyncset.done $0x0  }
0xb2: {  	s25 =	simm.s32 $0x9700;
	s26 =	simm.s32 $0xBB00;
	[sflag:s23] =	ssyncadd.s32 $0xFFFFFF80  }
0xb3: {  	[spmem:s1] =	stream.indirect.scatter.add.f32 [tilespmem:s26], [sflag:$0x1], $0x1, s25, s24, $0xb8;
	[tilespmem:$0x1F900] =	vst v63  }
0xb4: {  	_ =	swait.ge [sflag:s23], $0x80  }
0xb5: {  	[sflag:s23] =	ssyncset.done $0x0  }
0xb6: {  	s25 =	simm.s32 $0x9780;
	s26 =	simm.s32 $0xBB80;
	[sflag:s23] =	ssyncadd.s32 $0xFFFFFF80  }
0xb7: {  	[spmem:s1] =	stream.indirect.scatter.add.f32 [tilespmem:s26], [sflag:$0x1], $0x1, s25, s24, $0xb8;
	[tilespmem:$0x1F900] =	vst v63  }
0xb8: {  	_ =	swait.ge [sflag:s23], $0x80  }
0xb9: {  	[sflag:s23] =	ssyncset.done $0x0  }
0xba: {  	s25 =	simm.s32 $0x9800;
	s26 =	simm.s32 $0xBC00;
	[sflag:s23] =	ssyncadd.s32 $0xFFFFFF80  }
0xbb: {  	[spmem:s1] =	stream.indirect.scatter.add.f32 [tilespmem:s26], [sflag:$0x1], $0x1, s25, s24, $0xb8;
	[tilespmem:$0x1F900] =	vst v63  }
0xbc: {  	_ =	swait.ge [sflag:s23], $0x80  }
0xbd: {  	[sflag:s23] =	ssyncset.done $0x0  }
0xbe: {  	s25 =	simm.s32 $0x9880;
	s26 =	simm.s32 $0xBC80;
	[sflag:s23] =	ssyncadd.s32 $0xFFFFFF80  }
0xbf: {  	[spmem:s1] =	stream.indirect.scatter.add.f32 [tilespmem:s26], [sflag:$0x1], $0x1, s25, s24, $0xb8;
	[tilespmem:$0x1F900] =	vst v63  }
0xc0: {  	_ =	swait.ge [sflag:s23], $0x80  }
0xc1: {  	[sflag:s23] =	ssyncset.done $0x0  }
0xc2: {  	s25 =	simm.s32 $0x9900;
	s26 =	simm.s32 $0xBD00;
	[sflag:s23] =	ssyncadd.s32 $0xFFFFFF80  }
0xc3: {  	[spmem:s1] =	stream.indirect.scatter.add.f32 [tilespmem:s26], [sflag:$0x1], $0x1, s25, s24, $0xb8;
	[tilespmem:$0x1F900] =	vst v63  }
0xc4: {  	_ =	swait.ge [sflag:s23], $0x80  }
0xc5: {  	[sflag:s23] =	ssyncset.done $0x0  }
0xc6: {  	s25 =	simm.s32 $0x9980;
	s26 =	simm.s32 $0xBD80;
	[sflag:s23] =	ssyncadd.s32 $0xFFFFFF80  }
0xc7: {  	[spmem:s1] =	stream.indirect.scatter.add.f32 [tilespmem:s26], [sflag:$0x1], $0x1, s25, s24, $0xb8;
	[tilespmem:$0x1F900] =	vst v63  }
0xc8: {  	_ =	swait.ge [sflag:s23], $0x80  }
0xc9: {  	[sflag:s23] =	ssyncset.done $0x0  }
0xca: {  	s25 =	simm.s32 $0x9A00;
	s26 =	simm.s32 $0xBE00;
	[sflag:s23] =	ssyncadd.s32 $0xFFFFFF80  }
0xcb: {  	[spmem:s1] =	stream.indirect.scatter.add.f32 [tilespmem:s26], [sflag:$0x1], $0x1, s25, s24, $0xb8;
	[tilespmem:$0x1F900] =	vst v63  }
0xcc: {  	_ =	swait.ge [sflag:s23], $0x80  }
0xcd: {  	[sflag:s23] =	ssyncset.done $0x0  }
0xce: {  	s25 =	simm.s32 $0x9A80;
	s26 =	simm.s32 $0xBE80;
	[sflag:s23] =	ssyncadd.s32 $0xFFFFFF80  }
0xcf: {  	[spmem:s1] =	stream.indirect.scatter.add.f32 [tilespmem:s26], [sflag:$0x1], $0x1, s25, s24, $0xb8;
	[tilespmem:$0x1F900] =	vst v63  }
0xd0: {  	_ =	swait.ge [sflag:s23], $0x80  }
0xd1: {  	[sflag:s23] =	ssyncset.done $0x0  }
0xd2: {  	s25 =	simm.s32 $0x9B00;
	s26 =	simm.s32 $0xBF00;
	[sflag:s23] =	ssyncadd.s32 $0xFFFFFF80  }
0xd3: {  	[spmem:s1] =	stream.indirect.scatter.add.f32 [tilespmem:s26], [sflag:$0x1], $0x1, s25, s24, $0xb8;
	[tilespmem:$0x1F900] =	vst v63  }
0xd4: {  	_ =	swait.ge [sflag:s23], $0x80  }
0xd5: {  	[sflag:s23] =	ssyncset.done $0x0  }
0xd6: {  	s25 =	simm.s32 $0x9B80;
	s26 =	simm.s32 $0xBF80;
	[sflag:s23] =	ssyncadd.s32 $0xFFFFFF80  }
0xd7: {  	[spmem:s1] =	stream.indirect.scatter.add.f32 [tilespmem:s26], [sflag:$0x1], $0x1, s25, s24, $0xb8;
	[tilespmem:$0x1F900] =	vst v63  }
0xd8: {  	_ =	swait.ge [sflag:s23], $0x80  }
0xd9: {  	[sflag:s23] =	ssyncset.done $0x0  }
0xda: {  	s25 =	simm.s32 $0x9C00;
	s26 =	simm.s32 $0xC000;
	[sflag:s23] =	ssyncadd.s32 $0xFFFFFF80  }
0xdb: {  	[spmem:s1] =	stream.indirect.scatter.add.f32 [tilespmem:s26], [sflag:$0x1], $0x1, s25, s24, $0xb8;
	[tilespmem:$0x1F900] =	vst v63  }
0xdc: {  	_ =	swait.ge [sflag:s23], $0x80  }
0xdd: {  	[sflag:s23] =	ssyncset.done $0x0  }
0xde: {  	s25 =	simm.s32 $0x9C80;
	s26 =	simm.s32 $0xC080;
	[sflag:s23] =	ssyncadd.s32 $0xFFFFFF80  }
0xdf: {  	[spmem:s1] =	stream.indirect.scatter.add.f32 [tilespmem:s26], [sflag:$0x1], $0x1, s25, s24, $0xb8;
	[tilespmem:$0x1F900] =	vst v63  }
0xe0: {  	_ =	swait.ge [sflag:s23], $0x80  }
0xe1: {  	[sflag:s23] =	ssyncset.done $0x0  }
0xe2: {  	s25 =	simm.s32 $0x9D00;
	s26 =	simm.s32 $0xC100;
	[sflag:s23] =	ssyncadd.s32 $0xFFFFFF80  }
0xe3: {  	[spmem:s1] =	stream.indirect.scatter.add.f32 [tilespmem:s26], [sflag:$0x1], $0x1, s25, s24, $0xb8;
	[tilespmem:$0x1F900] =	vst v63  }
0xe4: {  	_ =	swait.ge [sflag:s23], $0x80  }
0xe5: {  	[sflag:s23] =	ssyncset.done $0x0  }
0xe6: {  	s25 =	simm.s32 $0x9D80;
	s26 =	simm.s32 $0xC180;
	[sflag:s23] =	ssyncadd.s32 $0xFFFFFF80  }
0xe7: {  	[spmem:s1] =	stream.indirect.scatter.add.f32 [tilespmem:s26], [sflag:$0x1], $0x1, s25, s24, $0xb8;
	[tilespmem:$0x1F900] =	vst v63  }
0xe8: {  	_ =	swait.ge [sflag:s23], $0x80  }
0xe9: {  	[sflag:s23] =	ssyncset.done $0x0  }
0xea: {  	s25 =	simm.s32 $0x9E00;
	s26 =	simm.s32 $0xC200;
	[sflag:s23] =	ssyncadd.s32 $0xFFFFFF80  }
0xeb: {  	[spmem:s1] =	stream.indirect.scatter.add.f32 [tilespmem:s26], [sflag:$0x1], $0x1, s25, s24, $0xb8;
	[tilespmem:$0x1F900] =	vst v63  }
0xec: {  	_ =	swait.ge [sflag:s23], $0x80  }
0xed: {  	[sflag:s23] =	ssyncset.done $0x0  }
0xee: {  	s25 =	simm.s32 $0x9E80;
	s26 =	simm.s32 $0xC280;
	[sflag:s23] =	ssyncadd.s32 $0xFFFFFF80  }
0xef: {  	[spmem:s1] =	stream.indirect.scatter.add.f32 [tilespmem:s26], [sflag:$0x1], $0x1, s25, s24, $0xb8;
	[tilespmem:$0x1F900] =	vst v63  }
0xf0: {  	_ =	swait.ge [sflag:s23], $0x80  }
0xf1: {  	[sflag:s23] =	ssyncset.done $0x0  }
0xf2: {  	s25 =	simm.s32 $0x9F00;
	s26 =	simm.s32 $0xC300;
	[sflag:s23] =	ssyncadd.s32 $0xFFFFFF80  }
0xf3: {  	[spmem:s1] =	stream.indirect.scatter.add.f32 [tilespmem:s26], [sflag:$0x1], $0x1, s25, s24, $0xb8;
	[tilespmem:$0x1F900] =	vst v63  }
0xf4: {  	_ =	swait.ge [sflag:s23], $0x80  }
0xf5: {  	[sflag:s23] =	ssyncset.done $0x0  }
0xf6: {  	s25 =	simm.s32 $0x9F80;
	s26 =	simm.s32 $0xC380;
	[sflag:s23] =	ssyncadd.s32 $0xFFFFFF80  }
0xf7: {  	[spmem:s1] =	stream.indirect.scatter.add.f32 [tilespmem:s26], [sflag:$0x1], $0x1, s25, s24, $0xb8;
	[tilespmem:$0x1F900] =	vst v63  }
0xf8: {  	_ =	swait.ge [sflag:s23], $0x80  }
0xf9: {  	[sflag:s23] =	ssyncset.done $0x0  }
0xfa: {  	s25 =	simm.s32 $0xA000;
	s26 =	simm.s32 $0xC400;
	[sflag:s23] =	ssyncadd.s32 $0xFFFFFF80  }
0xfb: {  	[spmem:s1] =	stream.indirect.scatter.add.f32 [tilespmem:s26], [sflag:$0x1], $0x1, s25, s24, $0xb8;
	[tilespmem:$0x1F900] =	vst v63  }
0xfc: {  	_ =	swait.ge [sflag:s23], $0x80  }
0xfd: {  	[sflag:s23] =	ssyncset.done $0x0  }
0xfe: {  	s25 =	simm.s32 $0xA080;
	s26 =	simm.s32 $0xC480;
	[sflag:s23] =	ssyncadd.s32 $0xFFFFFF80  }
0xff: {  	[spmem:s1] =	stream.indirect.scatter.add.f32 [tilespmem:s26], [sflag:$0x1], $0x1, s25, s24, $0xb8;
	[tilespmem:$0x1F900] =	vst v63  }
0x100: {  	_ =	swait.ge [sflag:s23], $0x80  }
0x101: {  	[sflag:s23] =	ssyncset.done $0x0  }
0x102: {  	s25 =	simm.s32 $0xA100;
	s26 =	simm.s32 $0xC500;
	[sflag:s23] =	ssyncadd.s32 $0xFFFFFF80  }
0x103: {  	[spmem:s1] =	stream.indirect.scatter.add.f32 [tilespmem:s26], [sflag:$0x1], $0x1, s25, s24, $0xb8;
	[tilespmem:$0x1F900] =	vst v63  }
0x104: {  	_ =	swait.ge [sflag:s23], $0x80  }
0x105: {  	[sflag:s23] =	ssyncset.done $0x0  }
0x106: {  	s25 =	simm.s32 $0xA180;
	s26 =	simm.s32 $0xC580;
	[sflag:s23] =	ssyncadd.s32 $0xFFFFFF80  }
0x107: {  	[spmem:s1] =	stream.indirect.scatter.add.f32 [tilespmem:s26], [sflag:$0x1], $0x1, s25, s24, $0xb8;
	[tilespmem:$0x1F900] =	vst v63  }
0x108: {  	_ =	swait.ge [sflag:s23], $0x80  }
0x109: {  	[sflag:s23] =	ssyncset.done $0x0  }
0x10a: {  	s25 =	simm.s32 $0xA200;
	s26 =	simm.s32 $0xC600;
	[sflag:s23] =	ssyncadd.s32 $0xFFFFFF80  }
0x10b: {  	[spmem:s1] =	stream.indirect.scatter.add.f32 [tilespmem:s26], [sflag:$0x1], $0x1, s25, s24, $0xb8;
	[tilespmem:$0x1F900] =	vst v63  }
0x10c: {  	_ =	swait.ge [sflag:s23], $0x80  }
0x10d: {  	[sflag:s23] =	ssyncset.done $0x0  }
0x10e: {  	s25 =	simm.s32 $0xA280;
	s26 =	simm.s32 $0xC680;
	[sflag:s23] =	ssyncadd.s32 $0xFFFFFF80  }
0x10f: {  	[spmem:s1] =	stream.indirect.scatter.add.f32 [tilespmem:s26], [sflag:$0x1], $0x1, s25, s24, $0xb8;
	[tilespmem:$0x1F900] =	vst v63  }
0x110: {  	_ =	swait.ge [sflag:s23], $0x80  }
0x111: {  	[sflag:s23] =	ssyncset.done $0x0  }
0x112: {  	s25 =	simm.s32 $0xA300;
	s26 =	simm.s32 $0xC700;
	[sflag:s23] =	ssyncadd.s32 $0xFFFFFF80  }
0x113: {  	[spmem:s1] =	stream.indirect.scatter.add.f32 [tilespmem:s26], [sflag:$0x1], $0x1, s25, s24, $0xb8;
	[tilespmem:$0x1F900] =	vst v63  }
0x114: {  	_ =	swait.ge [sflag:s23], $0x80  }
0x115: {  	[sflag:s23] =	ssyncset.done $0x0  }
0x116: {  	s25 =	simm.s32 $0xA380;
	s26 =	simm.s32 $0xC780;
	[sflag:s23] =	ssyncadd.s32 $0xFFFFFF80  }
0x117: {  	[spmem:s1] =	stream.indirect.scatter.add.f32 [tilespmem:s26], [sflag:$0x1], $0x1, s25, s24, $0xb8;
	[tilespmem:$0x1F900] =	vst v63  }
0x118: {  	_ =	swait.ge [sflag:s23], $0x80  }
0x119: {  	[sflag:s23] =	ssyncset.done $0x0  }
0x11a: {  	s25 =	simm.s32 $0xA400;
	s26 =	simm.s32 $0xC800;
	[sflag:s23] =	ssyncadd.s32 $0xFFFFFF80  }
0x11b: {  	[spmem:s1] =	stream.indirect.scatter.add.f32 [tilespmem:s26], [sflag:$0x1], $0x1, s25, s24, $0xb8;
	[tilespmem:$0x1F900] =	vst v63  }
0x11c: {  	_ =	swait.ge [sflag:s23], $0x80  }
0x11d: {  	[sflag:s23] =	ssyncset.done $0x0  }
0x11e: {  	s25 =	simm.s32 $0xA480;
	s26 =	simm.s32 $0xC880;
	[sflag:s23] =	ssyncadd.s32 $0xFFFFFF80  }
0x11f: {  	[spmem:s1] =	stream.indirect.scatter.add.f32 [tilespmem:s26], [sflag:$0x1], $0x1, s25, s24, $0xb8;
	[tilespmem:$0x1F900] =	vst v63  }
0x120: {  	_ =	swait.ge [sflag:s23], $0x80  }
0x121: {  	[sflag:s23] =	ssyncset.done $0x0  }
0x122: {  	s25 =	simm.s32 $0xA500;
	s26 =	simm.s32 $0xC900;
	[sflag:s23] =	ssyncadd.s32 $0xFFFFFF80  }
0x123: {  	[spmem:s1] =	stream.indirect.scatter.add.f32 [tilespmem:s26], [sflag:$0x1], $0x1, s25, s24, $0xb8;
	[tilespmem:$0x1F900] =	vst v63  }
0x124: {  	_ =	swait.ge [sflag:s23], $0x80  }
0x125: {  	[sflag:s23] =	ssyncset.done $0x0  }
0x126: {  	s25 =	simm.s32 $0xA580;
	s26 =	simm.s32 $0xC980;
	[sflag:s23] =	ssyncadd.s32 $0xFFFFFF80  }
0x127: {  	[spmem:s1] =	stream.indirect.scatter.add.f32 [tilespmem:s26], [sflag:$0x1], $0x1, s25, s24, $0xb8;
	[tilespmem:$0x1F900] =	vst v63  }
0x128: {  	_ =	swait.ge [sflag:s23], $0x80  }
0x129: {  	[sflag:s23] =	ssyncset.done $0x0  }
0x12a: {  	s25 =	simm.s32 $0xA600;
	s26 =	simm.s32 $0xCA00;
	[sflag:s23] =	ssyncadd.s32 $0xFFFFFF80  }
0x12b: {  	[spmem:s1] =	stream.indirect.scatter.add.f32 [tilespmem:s26], [sflag:$0x1], $0x1, s25, s24, $0xb8;
	[tilespmem:$0x1F900] =	vst v63  }
0x12c: {  	_ =	swait.ge [sflag:s23], $0x80  }
0x12d: {  	[sflag:s23] =	ssyncset.done $0x0  }
0x12e: {  	s25 =	simm.s32 $0xA680;
	s26 =	simm.s32 $0xCA80;
	[sflag:s23] =	ssyncadd.s32 $0xFFFFFF80  }
0x12f: {  	[spmem:s1] =	stream.indirect.scatter.add.f32 [tilespmem:s26], [sflag:$0x1], $0x1, s25, s24, $0xb8;
	[tilespmem:$0x1F900] =	vst v63  }
0x130: {  	_ =	swait.ge [sflag:s23], $0x80  }
0x131: {  	[sflag:s23] =	ssyncset.done $0x0  }
0x132: {  	s25 =	simm.s32 $0xA700;
	s26 =	simm.s32 $0xCB00;
	[sflag:s23] =	ssyncadd.s32 $0xFFFFFF80  }
0x133: {  	[spmem:s1] =	stream.indirect.scatter.add.f32 [tilespmem:s26], [sflag:$0x1], $0x1, s25, s24, $0xb8;
	[tilespmem:$0x1F900] =	vst v63  }
0x134: {  	_ =	swait.ge [sflag:s23], $0x80  }
0x135: {  	[sflag:s23] =	ssyncset.done $0x0  }
0x136: {  	s25 =	simm.s32 $0xA780;
	s26 =	simm.s32 $0xCB80;
	[sflag:s23] =	ssyncadd.s32 $0xFFFFFF80  }
0x137: {  	[spmem:s1] =	stream.indirect.scatter.add.f32 [tilespmem:s26], [sflag:$0x1], $0x1, s25, s24, $0xb8;
	[tilespmem:$0x1F900] =	vst v63  }
0x138: {  	_ =	swait.ge [sflag:s23], $0x80  }
0x139: {  	[sflag:s23] =	ssyncset.done $0x0  }
0x13a: {  	s25 =	simm.s32 $0xA800;
	s26 =	simm.s32 $0xCC00;
	[sflag:s23] =	ssyncadd.s32 $0xFFFFFF80  }
0x13b: {  	[spmem:s1] =	stream.indirect.scatter.add.f32 [tilespmem:s26], [sflag:$0x1], $0x1, s25, s24, $0xb8;
	[tilespmem:$0x1F900] =	vst v63  }
0x13c: {  	_ =	swait.ge [sflag:s23], $0x80  }
0x13d: {  	[sflag:s23] =	ssyncset.done $0x0  }
0x13e: {  	s25 =	simm.s32 $0xA880;
	s26 =	simm.s32 $0xCC80;
	[sflag:s23] =	ssyncadd.s32 $0xFFFFFF80  }
0x13f: {  	[spmem:s1] =	stream.indirect.scatter.add.f32 [tilespmem:s26], [sflag:$0x1], $0x1, s25, s24, $0xb8;
	[tilespmem:$0x1F900] =	vst v63  }
0x140: {  	_ =	swait.ge [sflag:s23], $0x80  }
0x141: {  	[sflag:s23] =	ssyncset.done $0x0  }
0x142: {  	s25 =	simm.s32 $0xA900;
	s26 =	simm.s32 $0xCD00;
	[sflag:s23] =	ssyncadd.s32 $0xFFFFFF80  }
0x143: {  	[spmem:s1] =	stream.indirect.scatter.add.f32 [tilespmem:s26], [sflag:$0x1], $0x1, s25, s24, $0xb8;
	[tilespmem:$0x1F900] =	vst v63  }
0x144: {  	_ =	swait.ge [sflag:s23], $0x80  }
0x145: {  	[sflag:s23] =	ssyncset.done $0x0  }
0x146: {  	s25 =	simm.s32 $0xA980;
	s26 =	simm.s32 $0xCD80;
	[sflag:s23] =	ssyncadd.s32 $0xFFFFFF80  }
0x147: {  	[spmem:s1] =	stream.indirect.scatter.add.f32 [tilespmem:s26], [sflag:$0x1], $0x1, s25, s24, $0xb8;
	[tilespmem:$0x1F900] =	vst v63  }
0x148: {  	_ =	swait.ge [sflag:s23], $0x80  }
0x149: {  	[sflag:s23] =	ssyncset.done $0x0  }
0x14a: {  	s25 =	simm.s32 $0xAA00;
	s26 =	simm.s32 $0xCE00;
	[sflag:s23] =	ssyncadd.s32 $0xFFFFFF80  }
0x14b: {  	[spmem:s1] =	stream.indirect.scatter.add.f32 [tilespmem:s26], [sflag:$0x1], $0x1, s25, s24, $0xb8;
	[tilespmem:$0x1F900] =	vst v63  }
0x14c: {  	_ =	swait.ge [sflag:s23], $0x80  }
0x14d: {  	[sflag:s23] =	ssyncset.done $0x0  }
0x14e: {  	s25 =	simm.s32 $0xAA80;
	s26 =	simm.s32 $0xCE80;
	[sflag:s23] =	ssyncadd.s32 $0xFFFFFF80  }
0x14f: {  	[spmem:s1] =	stream.indirect.scatter.add.f32 [tilespmem:s26], [sflag:$0x1], $0x1, s25, s24, $0xb8;
	[tilespmem:$0x1F900] =	vst v63  }
0x150: {  	_ =	swait.ge [sflag:s23], $0x80  }
0x151: {  	[sflag:s23] =	ssyncset.done $0x0  }
0x152: {  	s25 =	simm.s32 $0xAB00;
	s26 =	simm.s32 $0xCF00;
	[sflag:s23] =	ssyncadd.s32 $0xFFFFFF80  }
0x153: {  	[spmem:s1] =	stream.indirect.scatter.add.f32 [tilespmem:s26], [sflag:$0x1], $0x1, s25, s24, $0xb8;
	[tilespmem:$0x1F900] =	vst v63  }
0x154: {  	_ =	swait.ge [sflag:s23], $0x80  }
0x155: {  	[sflag:s23] =	ssyncset.done $0x0  }
0x156: {  	s25 =	simm.s32 $0xAB80;
	s26 =	simm.s32 $0xCF80;
	[sflag:s23] =	ssyncadd.s32 $0xFFFFFF80  }
0x157: {  	[spmem:s1] =	stream.indirect.scatter.add.f32 [tilespmem:s26], [sflag:$0x1], $0x1, s25, s24, $0xb8;
	[tilespmem:$0x1F900] =	vst v63  }
0x158: {  	_ =	swait.ge [sflag:s23], $0x80  }
0x159: {  	[sflag:s23] =	ssyncset.done $0x0  }
0x15a: {  	s25 =	simm.s32 $0xAC00;
	s26 =	simm.s32 $0xD000;
	[sflag:s23] =	ssyncadd.s32 $0xFFFFFF80  }
0x15b: {  	[spmem:s1] =	stream.indirect.scatter.add.f32 [tilespmem:s26], [sflag:$0x1], $0x1, s25, s24, $0xb8;
	[tilespmem:$0x1F900] =	vst v63  }
0x15c: {  	_ =	swait.ge [sflag:s23], $0x80  }
0x15d: {  	[sflag:s23] =	ssyncset.done $0x0  }
0x15e: {  	s25 =	simm.s32 $0xAC80;
	s26 =	simm.s32 $0xD080;
	[sflag:s23] =	ssyncadd.s32 $0xFFFFFF80  }
0x15f: {  	[spmem:s1] =	stream.indirect.scatter.add.f32 [tilespmem:s26], [sflag:$0x1], $0x1, s25, s24, $0xb8;
	[tilespmem:$0x1F900] =	vst v63  }
0x160: {  	_ =	swait.ge [sflag:s23], $0x80  }
0x161: {  	[sflag:s23] =	ssyncset.done $0x0  }
0x162: {  	s25 =	simm.s32 $0xAD00;
	s26 =	simm.s32 $0xD100;
	[sflag:s23] =	ssyncadd.s32 $0xFFFFFF80  }
0x163: {  	[spmem:s1] =	stream.indirect.scatter.add.f32 [tilespmem:s26], [sflag:$0x1], $0x1, s25, s24, $0xb8;
	[tilespmem:$0x1F900] =	vst v63  }
0x164: {  	_ =	swait.ge [sflag:s23], $0x80  }
0x165: {  	[sflag:s23] =	ssyncset.done $0x0  }
0x166: {  	s25 =	simm.s32 $0xAD80;
	s26 =	simm.s32 $0xD180;
	[sflag:s23] =	ssyncadd.s32 $0xFFFFFF80  }
0x167: {  	[spmem:s1] =	stream.indirect.scatter.add.f32 [tilespmem:s26], [sflag:$0x1], $0x1, s25, s24, $0xb8;
	[tilespmem:$0x1F900] =	vst v63  }
0x168: {  	_ =	swait.ge [sflag:s23], $0x80  }
0x169: {  	[sflag:s23] =	ssyncset.done $0x0  }
0x16a: {  	s25 =	simm.s32 $0xAE00;
	s26 =	simm.s32 $0xD200;
	[sflag:s23] =	ssyncadd.s32 $0xFFFFFF80  }
0x16b: {  	[spmem:s1] =	stream.indirect.scatter.add.f32 [tilespmem:s26], [sflag:$0x1], $0x1, s25, s24, $0xb8;
	[tilespmem:$0x1F900] =	vst v63  }
0x16c: {  	_ =	swait.ge [sflag:s23], $0x80  }
0x16d: {  	[sflag:s23] =	ssyncset.done $0x0  }
0x16e: {  	s25 =	simm.s32 $0xAE80;
	s26 =	simm.s32 $0xD280;
	[sflag:s23] =	ssyncadd.s32 $0xFFFFFF80  }
0x16f: {  	[spmem:s1] =	stream.indirect.scatter.add.f32 [tilespmem:s26], [sflag:$0x1], $0x1, s25, s24, $0xb8;
	[tilespmem:$0x1F900] =	vst v63  }
0x170: {  	_ =	swait.ge [sflag:s23], $0x80  }
0x171: {  	[sflag:s23] =	ssyncset.done $0x0  }
0x172: {  	s25 =	simm.s32 $0xAF00;
	s26 =	simm.s32 $0xD300;
	[sflag:s23] =	ssyncadd.s32 $0xFFFFFF80  }
0x173: {  	[spmem:s1] =	stream.indirect.scatter.add.f32 [tilespmem:s26], [sflag:$0x1], $0x1, s25, s24, $0xb8;
	[tilespmem:$0x1F900] =	vst v63  }
0x174: {  	_ =	swait.ge [sflag:s23], $0x80  }
0x175: {  	[sflag:s23] =	ssyncset.done $0x0  }
0x176: {  	s25 =	simm.s32 $0xAF80;
	s26 =	simm.s32 $0xD380;
	[sflag:s23] =	ssyncadd.s32 $0xFFFFFF80  }
0x177: {  	[spmem:s1] =	stream.indirect.scatter.add.f32 [tilespmem:s26], [sflag:$0x1], $0x1, s25, s24, $0xb8;
	[tilespmem:$0x1F900] =	vst v63  }
0x178: {  	_ =	swait.ge [sflag:s23], $0x80  }
0x179: {  	[sflag:s23] =	ssyncset.done $0x0  }
0x17a: {  	s25 =	simm.s32 $0xB000;
	s26 =	simm.s32 $0xD400;
	[sflag:s23] =	ssyncadd.s32 $0xFFFFFF80  }
0x17b: {  	[spmem:s1] =	stream.indirect.scatter.add.f32 [tilespmem:s26], [sflag:$0x1], $0x1, s25, s24, $0xb8;
	[tilespmem:$0x1F900] =	vst v63  }
0x17c: {  	_ =	swait.ge [sflag:s23], $0x80  }
0x17d: {  	[sflag:s23] =	ssyncset.done $0x0  }
0x17e: {  	s25 =	simm.s32 $0xB080;
	s26 =	simm.s32 $0xD480;
	[sflag:s23] =	ssyncadd.s32 $0xFFFFFF80  }
0x17f: {  	[spmem:s1] =	stream.indirect.scatter.add.f32 [tilespmem:s26], [sflag:$0x1], $0x1, s25, s24, $0xb8;
	[tilespmem:$0x1F900] =	vst v63  }
0x180: {  	_ =	swait.ge [sflag:s23], $0x80  }
0x181: {  	[sflag:s23] =	ssyncset.done $0x0  }
0x182: {  	s25 =	simm.s32 $0xB100;
	s26 =	simm.s32 $0xD500;
	[sflag:s23] =	ssyncadd.s32 $0xFFFFFF80  }
0x183: {  	[spmem:s1] =	stream.indirect.scatter.add.f32 [tilespmem:s26], [sflag:$0x1], $0x1, s25, s24, $0xb8;
	[tilespmem:$0x1F900] =	vst v63  }
0x184: {  	_ =	swait.ge [sflag:s23], $0x80  }
0x185: {  	[sflag:s23] =	ssyncset.done $0x0  }
0x186: {  	s25 =	simm.s32 $0xB180;
	s26 =	simm.s32 $0xD580;
	[sflag:s23] =	ssyncadd.s32 $0xFFFFFF80  }
0x187: {  	[spmem:s1] =	stream.indirect.scatter.add.f32 [tilespmem:s26], [sflag:$0x1], $0x1, s25, s24, $0xb8;
	[tilespmem:$0x1F900] =	vst v63  }
0x188: {  	_ =	swait.ge [sflag:s23], $0x80  }
0x189: {  	[sflag:s23] =	ssyncset.done $0x0  }
0x18a: {  	s25 =	simm.s32 $0xB200;
	s26 =	simm.s32 $0xD600;
	[sflag:s23] =	ssyncadd.s32 $0xFFFFFF80  }
0x18b: {  	[spmem:s1] =	stream.indirect.scatter.add.f32 [tilespmem:s26], [sflag:$0x1], $0x1, s25, s24, $0xb8;
	[tilespmem:$0x1F900] =	vst v63  }
0x18c: {  	_ =	swait.ge [sflag:s23], $0x80  }
0x18d: {  	[sflag:s23] =	ssyncset.done $0x0  }
0x18e: {  	[sflag:s23] =	ssyncadd.s32 $0xFFFFFF80  }
0x18f: {  	[spmem:s1] =	stream.indirect.scatter.add.f32 [tilespmem:s29], [sflag:$0x1], $0x1, s28, s24, $0xb8;
	[tilespmem:$0x1F900] =	vst v63  }
0x190: {  	_ =	swait.ge [sflag:s23], $0x80  }
0x191: {  	[sflag:s23] =	ssyncset.done $0x0  }
0x192: {  	[sflag:s23] =	ssyncadd.s32 $0xFFFFFF80  }
0x193: {  	[spmem:s1] =	stream.indirect.scatter.add.f32 [tilespmem:s31], [sflag:$0x1], $0x1, s30, s24, $0xb8;
	[tilespmem:$0x1F900] =	vst v63  }
0x194: {  	_ =	swait.ge [sflag:s23], $0x80  }
0x195: {  	[sflag:s23] =	ssyncset.done $0x0  }
0x196: {  	[sflag:s23] =	ssyncadd.s32 $0xFFFFFF80  }
0x197: {  	[spmem:s1] =	stream.indirect.scatter.add.f32 [tilespmem:s3], [sflag:$0x1], $0x1, s0, s24, $0xb8;
	[tilespmem:$0x1F900] =	vst v63  }
0x198: {  	_ =	swait.ge [sflag:s23], $0x80  }
0x199: {  	[sflag:s23] =	ssyncset.done $0x0  }
0x19a: {  	[sflag:s23] =	ssyncadd.s32 $0xFFFFFF80  }
0x19b: {  	[spmem:s1] =	stream.indirect.scatter.add.f32 [tilespmem:s21], [sflag:$0x1], $0x1, s20, s24, $0xb8;
	[tilespmem:$0x1F900] =	vst v63  }
0x19c: {  	_ =	swait.ge [sflag:s23], $0x80  }
0x19d: {  	[sflag:s23] =	ssyncset.done $0x0  }
0x19e: {  	[sflag:s23] =	ssyncadd.s32 $0xFFFFFF80  }
0x19f: {  	[spmem:s1] =	stream.indirect.scatter.add.f32 [tilespmem:s6], [sflag:$0x1], $0x1, s4, s24, $0xb8;
	[tilespmem:$0x1F900] =	vst v63  }
0x1a0: {  	_ =	swait.ge [sflag:s23], $0x80  }
0x1a1: {  	[sflag:s23] =	ssyncset.done $0x0  }
0x1a2: {  	[sflag:s23] =	ssyncadd.s32 $0xFFFFFF80  }
0x1a3: {  	_ =	swait.ge [sflag:s23], $0x80  }
0x1a4: {  	[sflag:s23] =	ssyncset.done $0x0  }
0x1a5: {  	[sflag:s23] =	ssyncadd.s32 $0xFFFFFF80  }
0x1a6: {  	_ =	swait.ge [sflag:s23], $0x80  }
0x1a7: {  	[sflag:s23] =	ssyncset.done $0x0  }
0x1a8: {  	[sflag:s23] =	ssyncadd.s32 $0xFFFFFF80  }
0x1a9: {  	_ =	swait.ge [sflag:s23], $0x80  }
0x1aa: {  	[sflag:s23] =	ssyncset.done $0x0  }
0x1ab: {  	s8 =	sadd.s32 $0x1, s8;
	[sflag:s23] =	ssyncadd.s32 $0xFFFFFF80  }
0x1ac: {  	s18 =	sor.u32 s7, s18;
	p0 =	sne.s32 s8, $0x8;
	_ =	swait.ge [sflag:s23], $0x80  }
0x1ad: {  	s2 =	sshrl.u32 s18, $0x3;
	s25 =	stileid.u32;
	[sflag:s23] =	ssyncset.done $0x0  }
0x1ae: {  	s2 =	sadd.s32 s5, s2;
	s18 =	sshll.u32 s25, $0x6;
	[sflag:s23] =	ssyncadd.s32 $0xFFFFFF80  }
0x1af: {  	s26 =	sshrl.u32 s10, $0x3;
	s18 =	sor.u32 $0x1C02, s18;
	[bflag:$0x0] =	sbarrier.arrive $0xFFFF  }
0x1b0: {  	[hbm:s2], [sflag:s18] =	dma.local [spmem:s26], $0x2000  }
.Ltmp3:
0x1b1: {  	_ =	swait.ge [sflag:s19], $0x2000;
	(pc) =	sbr.rel @p0 .LBB2_6-.Ltmp3, $3  }
0x1b2: {  	[sflag:s19] =	ssyncset.done $0x0  }
0x1b3: {  	[sflag:s19] =	ssyncadd.s32 $0xFFFFE000  }
0x1b4: {  	[bflag:$0x0] =	sbarrier.arrive $0xFFFF;
	_ =	sdelay $0x1  }
0x1b5: {  	s8 =	rddreg [dreg:$0x9]  }
0x1b6: {  	s2 =	rddreg [dreg:$0x8];
	s8 =	sadd.s32 $0x1, s8  }
0x1b7: {  	p0 =	sne.s32 s8, s2  }
.Ltmp4:
0x1b8: {  	_ = 	snop;
	(pc) =	sbr.rel @p0 .LBB2_1-.Ltmp4, $1  }
0x1b9: {  	_ =	sdelay $0x3  }
0x1ba: {  	_ =	sfence.sel $0x180000  }
0x1bb: {  	[bflag:$0x0] =	sbarrier.arrive $0xFFFF  }
0x1bc: {  	_ =	strace $0x9000004A  }
0x1bd: {  	s0 =	stileid.u32;
	[bflag:$0x2] =	sbarrier.arrive $0xFFFF  }
0x1be: {  	p0 =	sne.s32 s0, $0x0;
	s0 =	rddreg [dreg:$0x4]  }
0x1bf: {  	s0 =	sadd.s32 @!p0 $0x100000, s0  }
0x1c0: {  	[sflag:s0] =	ssyncadd.tile.s32 @!p0 $0x1;
	_ =	shalt  }
.Lfunc_end2:
_tile_overlayer_lowered:
.L_overlay_start_2:
0x1c1: {  	(tag) =	ssettag $0x2  }
0x1c2: {  	s0 =	rddreg [dreg:$0x0];
	s2 =	stileid.u32  }
0x1c3: {  	s1 =	rddreg [dreg:$0x1];
	p0 =	sne.s32 s2, $0x0  }
0x1c4: {  	s3 =	rddreg [dreg:$0x2];
	[bflag:$0x3] =	sbarrier.arrive $0xFFFF;
	s2 =	simm.s32 @!p0 $0x1C02  }
0x1c5: {  	[timem:s3], [sflag:s2] =	dma.local @!p0 [hbm:s0], s1  }
0x1c6: {  	s0 =	simm.s32 @!p0 $0x2  }
0x1c7: {  	_ =	swait.ge @!p0 [sflag:s0], s1  }
0x1c8: {  	s1 =	ssub.s32 @!p0 $0x0, s1;
	[sflag:s0] =	ssyncset.done @!p0 $0x0  }
0x1c9: {  	[sflag:s0] =	ssyncadd.s32 @!p0 s1  }
0x1ca: {  	[bflag:$0x3] =	sbarrier.arrive $0xFFFF  }
0x1cb: {  	_ =	shalt  }

</sc_bundles>
